<compile_context>
chip_gen: v7x
topology: tpu7x:2x2x1
jax: 0.10.2.dev20260603
libtpu: 0.0.44.dev20260713+nightly
codegen_flags: <defaults>
</compile_context>

<pallas_src>
import dataclasses
import functools

import jax
import jax.numpy as jnp
from jax import lax
from jax.experimental import pallas as pl
from jax.experimental.pallas import tpu as pltpu
from jax.experimental.pallas import tpu_sc as plsc

N = 10000
N_PAD = 10240
IN_CH = 128
HID = 512
OUT_CH = 256
CH2 = 128
E = 320000
E_ROWS = 2560
E_PAD = E_ROWS * 128
N_SUB = 16
ROWS_PER_SUB = N_PAD // N_SUB
ESUB = E_ROWS // N_SUB
ESUB1 = E_ROWS // 32
DSUB = E_ROWS // 32
IDXC = 16
R_BLK = 1280
GRID = N_PAD // R_BLK

_MESH = plsc.VectorSubcoreMesh(core_axis_name="c", subcore_axis_name="s")

_SC_PARAMS = pltpu.CompilerParams()
if "needs_layout_passes" in pltpu.CompilerParams.__dataclass_fields__:
    _SC_PARAMS = dataclasses.replace(_SC_PARAMS, needs_layout_passes=False)



@functools.partial(
    pl.kernel,
    out_type=jax.ShapeDtypeStruct((32, 1, N_PAD), jnp.float32),
    mesh=_MESH,
    compiler_params=_SC_PARAMS,
    scratch_types=[
        pltpu.VMEM((1, N_PAD), jnp.float32),
        pltpu.VMEM((DSUB, 1, 128), jnp.int32),
    ],
)
def _sc_degree(zeros_hbm, dst_hbm, cnt_hbm, cnt_v, idx_v):
    c = lax.axis_index("c")
    s = lax.axis_index("s")
    w = c * N_SUB + s
    pltpu.sync_copy(zeros_hbm, cnt_v)
    pltpu.sync_copy(dst_hbm.at[pl.ds(w * DSUB, DSUB)], idx_v)
    ones = jnp.full((16,), 1.0, jnp.float32)
    zero16 = jnp.zeros((16,), jnp.int32)

    @pl.loop(0, DSUB)
    def _(r):
        @pl.loop(0, 128, step=16)
        def _(k):
            plsc.addupdate_scatter(cnt_v, [zero16, idx_v[r, 0, pl.ds(k, 16)]],
                                   ones)

    pltpu.sync_copy(cnt_v, cnt_hbm.at[w])


@functools.partial(
    pl.kernel,
    out_type=jax.ShapeDtypeStruct((2 * N_PAD, CH2), jnp.float32),
    mesh=_MESH,
    scratch_types=[
        pltpu.VMEM_SHARED((N_PAD, CH2), jnp.float32),
        [pltpu.VMEM((IDXC, 1, 128), jnp.int32)] * 2,
        [pltpu.VMEM((IDXC, 1, 128), jnp.int32)] * 2,
        pltpu.VMEM((128, CH2), jnp.float32),
        pltpu.VMEM((128, CH2), jnp.float32),
        pltpu.SemaphoreType.DMA,
        pltpu.SemaphoreType.DMA,
        pltpu.SemaphoreType.DMA,
        pltpu.SemaphoreType.DMA,
    ],
)
def _sc_agg2(table_hbm, src_hbm, dst_hbm, out_hbm, acc_sh, sidx, didx,
             buf_a, buf_b, sem_a, sem_b, isem_a, isem_b):
    c = lax.axis_index("c")
    s = lax.axis_index("s")
    pltpu.sync_copy(
        table_hbm.at[pl.ds(c * N_PAD + s * ROWS_PER_SUB, ROWS_PER_SUB)],
        acc_sh.at[pl.ds(s * ROWS_PER_SUB, ROWS_PER_SUB)],
    )
    base = s * ESUB
    bufs = (buf_a, buf_b)
    sems = (sem_a, sem_b)
    isems = (isem_a, isem_b)

    def issue_idx(jc, hb):
        pltpu.async_copy(src_hbm.at[pl.ds(c * E_ROWS + base + jc, IDXC)],
                         sidx[hb], isems[0])
        pltpu.async_copy(dst_hbm.at[pl.ds(base + jc, IDXC)], didx[hb],
                         isems[1])

    def wait_idx(hb):
        pltpu.make_async_copy(src_hbm.at[pl.ds(0, IDXC)], sidx[hb],
                              isems[0]).wait()
        pltpu.make_async_copy(dst_hbm.at[pl.ds(0, IDXC)], didx[hb],
                              isems[1]).wait()

    def chunk(sx, dx):
        pltpu.async_copy(table_hbm.at[sx.at[0, 0]], bufs[0], sems[0])
        for j in range(IDXC):
            pltpu.make_async_copy(table_hbm.at[sx.at[j, 0]],
                                  bufs[j % 2], sems[j % 2]).wait()
            if j + 1 < IDXC:
                pltpu.async_copy(table_hbm.at[sx.at[j + 1, 0]],
                                 bufs[(j + 1) % 2], sems[(j + 1) % 2])
            pltpu.sync_copy(bufs[j % 2], acc_sh.at[dx.at[j, 0]], add=True)

    issue_idx(0, 0)
    plsc.subcore_barrier()

    @pl.loop(0, ESUB, step=2 * IDXC)
    def _(jc):
        wait_idx(0)
        issue_idx(jc + IDXC, 1)
        chunk(sidx[0], didx[0])
        wait_idx(1)

        @pl.when(jc + 2 * IDXC < ESUB)
        def _():
            issue_idx(jc + 2 * IDXC, 0)

        chunk(sidx[1], didx[1])

    plsc.subcore_barrier()
    pltpu.sync_copy(
        acc_sh.at[pl.ds(s * ROWS_PER_SUB, ROWS_PER_SUB)],
        out_hbm.at[pl.ds(c * N_PAD + s * ROWS_PER_SUB, ROWS_PER_SUB)],
    )


@functools.partial(
    pl.kernel,
    out_type=jax.ShapeDtypeStruct((2 * N_PAD, IN_CH), jnp.float32),
    mesh=_MESH,
    scratch_types=[
        pltpu.VMEM_SHARED((N_PAD, IN_CH), jnp.float32),
        pltpu.VMEM((IDXC, 1, 128), jnp.int32),
        pltpu.VMEM((IDXC, 1, 128), jnp.int32),
        pltpu.VMEM((128, IN_CH), jnp.float32),
        pltpu.VMEM((128, IN_CH), jnp.float32),
        pltpu.SemaphoreType.DMA,
        pltpu.SemaphoreType.DMA,
    ],
)
def _sc_agg1(table_hbm, src_hbm, dst_hbm, out_hbm, acc_sh, sidx, didx,
             buf_a, buf_b, sem_a, sem_b):
    c = lax.axis_index("c")
    s = lax.axis_index("s")
    pltpu.sync_copy(
        table_hbm.at[pl.ds(s * ROWS_PER_SUB, ROWS_PER_SUB)],
        acc_sh.at[pl.ds(s * ROWS_PER_SUB, ROWS_PER_SUB)],
    )
    base = ((1 - c) * N_SUB + s) * ESUB1
    bufs = (buf_a, buf_b)
    sems = (sem_a, sem_b)
    plsc.subcore_barrier()

    @pl.loop(0, ESUB1, step=IDXC)
    def _(jc):
        da = pltpu.async_copy(src_hbm.at[pl.ds(base + jc, IDXC)], sidx,
                              sems[0])
        db = pltpu.async_copy(dst_hbm.at[pl.ds(base + jc, IDXC)], didx,
                              sems[1])
        da.wait()
        db.wait()
        pltpu.async_copy(table_hbm.at[sidx.at[0, 0]], bufs[0], sems[0])
        for j in range(IDXC):
            pltpu.make_async_copy(table_hbm.at[sidx.at[j, 0]],
                                  bufs[j % 2], sems[j % 2]).wait()
            if j + 1 < IDXC:
                pltpu.async_copy(table_hbm.at[sidx.at[j + 1, 0]],
                                 bufs[(j + 1) % 2], sems[(j + 1) % 2])
            pltpu.sync_copy(bufs[j % 2], acc_sh.at[didx.at[j, 0]], add=True)

    plsc.subcore_barrier()
    pltpu.sync_copy(
        acc_sh.at[pl.ds(s * ROWS_PER_SUB, ROWS_PER_SUB)],
        out_hbm.at[pl.ds(c * N_PAD + s * ROWS_PER_SUB, ROWS_PER_SUB)],
    )



def _dinv(cnt):
    return lax.rsqrt(jnp.sum(cnt, axis=0) + 1.0)


def _tc_prep(xp, counts):
    def body(x_ref, cnt_ref, out_ref):
        out_ref[...] = x_ref[...] * _dinv(cnt_ref[...])[:, None]

    return pl.pallas_call(
        body,
        grid=(GRID,),
        in_specs=[
            pl.BlockSpec((R_BLK, IN_CH), lambda i: (i, 0)),
            pl.BlockSpec((32, R_BLK), lambda i: (0, i)),
        ],
        out_specs=pl.BlockSpec((R_BLK, IN_CH), lambda i: (i, 0)),
        out_shape=jax.ShapeDtypeStruct((N_PAD, IN_CH), jnp.float32),
    )(xp, counts)


def _tc_mid(agg1, xs, counts, W1, b1, W2):
    def body(a_ref, xs_ref, cnt_ref, w1_ref, b1_ref, w2_ref, out_ref):
        dinv = _dinv(cnt_ref[...])
        a = (a_ref[0] + a_ref[1] - xs_ref[...]) * dinv[:, None]
        h = jnp.dot(a, w1_ref[...], preferred_element_type=jnp.float32)
        h = jnp.maximum(h + b1_ref[...], 0.0)
        hw = jnp.dot(h, w2_ref[...], preferred_element_type=jnp.float32)
        hw = hw * dinv[:, None]
        out_ref[0] = hw[:, :CH2]
        out_ref[1] = hw[:, CH2:]

    return pl.pallas_call(
        body,
        grid=(GRID,),
        in_specs=[
            pl.BlockSpec((2, R_BLK, IN_CH), lambda i: (0, i, 0)),
            pl.BlockSpec((R_BLK, IN_CH), lambda i: (i, 0)),
            pl.BlockSpec((32, R_BLK), lambda i: (0, i)),
            pl.BlockSpec((IN_CH, HID), lambda i: (0, 0)),
            pl.BlockSpec((1, HID), lambda i: (0, 0)),
            pl.BlockSpec((HID, OUT_CH), lambda i: (0, 0)),
        ],
        out_specs=pl.BlockSpec((2, R_BLK, CH2), lambda i: (0, i, 0)),
        out_shape=jax.ShapeDtypeStruct((2, N_PAD, CH2), jnp.float32),
    )(agg1, xs, counts, W1, b1.reshape(1, HID), W2)


def _tc_final(agg2, counts, b2):
    def body(a_ref, cnt_ref, b2_ref, out_ref):
        dinv = _dinv(cnt_ref[...])
        a = jnp.concatenate([a_ref[0], a_ref[1]], axis=1) * dinv[:, None]
        out_ref[...] = jnp.maximum(a + b2_ref[...], 0.0)

    return pl.pallas_call(
        body,
        grid=(GRID,),
        in_specs=[
            pl.BlockSpec((2, R_BLK, CH2), lambda i: (0, i, 0)),
            pl.BlockSpec((32, R_BLK), lambda i: (0, i)),
            pl.BlockSpec((1, OUT_CH), lambda i: (0, 0)),
        ],
        out_specs=pl.BlockSpec((R_BLK, OUT_CH), lambda i: (i, 0)),
        out_shape=jax.ShapeDtypeStruct((N_PAD, OUT_CH), jnp.float32),
    )(agg2, counts, b2.reshape(1, OUT_CH))



def kernel(x, edge_index, W1, b1, W2, b2):
    src = edge_index[0].astype(jnp.int32)
    dst = edge_index[1].astype(jnp.int32)
    padv = jnp.full((E_PAD - E,), N, jnp.int32)
    srcp = jnp.concatenate([src, padv]).reshape(E_ROWS, 1, 128)
    dstp = jnp.concatenate([dst, padv]).reshape(E_ROWS, 1, 128)
    src2 = jnp.concatenate([srcp, srcp + N_PAD], axis=0)
    xp = jnp.pad(x, ((0, N_PAD - N), (0, 0)))

    counts = _sc_degree(jnp.zeros((1, N_PAD), jnp.float32), dstp)
    counts = counts.reshape(32, N_PAD)
    xs = _tc_prep(xp, counts)
    agg1 = _sc_agg1(xs, srcp, dstp).reshape(2, N_PAD, IN_CH)
    hws = _tc_mid(agg1, xs, counts, W1, b1, W2).reshape(2 * N_PAD, CH2)
    agg2 = _sc_agg2(hws, src2, dstp).reshape(2, N_PAD, CH2)
    out = _tc_final(agg2, counts, b2)
    return out[:N]

# --- scband reference (transcript-rebuilt; emitter-appended) ---
"""Pipeline reference for scband-hngcl-15461882265792 (READ-ONLY COPY).

The authoritative reference and input builder live on the scoring server;
editing this copy changes nothing except your own understanding.
"""

import jax, jax.numpy as jnp
import numpy as np

N_NODES = 10000
N_EDGES = 320000
IN_CH = 128
OUT_CH = 256
HID = 2 * OUT_CH  # 512


def gcn_conv(x, src, dst, W, b):
    # PyG GCNConv: add self-loops, symmetric normalization D^-1/2 (A+I) D^-1/2 X W + b
    N = x.shape[0]
    loop = jnp.arange(N, dtype=src.dtype)
    s = jnp.concatenate([src, loop])
    d = jnp.concatenate([dst, loop])
    deg = jnp.zeros((N,), dtype=x.dtype).at[d].add(1.0)
    dinv = jnp.where(deg > 0, 1.0 / jnp.sqrt(deg), 0.0)
    norm = dinv[s] * dinv[d]
    h = x @ W
    msg = h[s] * norm[:, None]
    out = jnp.zeros((N, W.shape[1]), dtype=x.dtype).at[d].add(msg)
    return out + b


def setup_inputs(seed: int = 0) -> dict:
    key = jax.random.key(seed)
    k1, k2, k3, k4, k5, k6 = jax.random.split(key, 6)
    x = jax.random.normal(k1, (N_NODES, IN_CH), dtype=jnp.float32)
    edge_index = jax.random.randint(k2, (2, N_EDGES), 0, N_NODES, dtype=jnp.int64)
    W1 = jax.random.normal(k3, (IN_CH, HID), dtype=jnp.float32) * (1.0 / np.sqrt(IN_CH))
    b1 = jnp.zeros((HID,), dtype=jnp.float32)
    W2 = jax.random.normal(k4, (HID, OUT_CH), dtype=jnp.float32) * (1.0 / np.sqrt(HID))
    b2 = jnp.zeros((OUT_CH,), dtype=jnp.float32)
    return {"x": x, "edge_index": edge_index, "W1": W1, "b1": b1, "W2": W2, "b2": b2}


def reference(x, edge_index, W1, b1, W2, b2):
    # HNGCL.forward(x, edge_index) = Encoder.forward (non-skip, k=2):
    #   x = relu(conv0(x, ei)); x = relu(conv1(x, ei))
    src = edge_index[0]
    dst = edge_index[1]
    h = jax.nn.relu(gcn_conv(x, src, dst, W1, b1))
    out = jax.nn.relu(gcn_conv(h, src, dst, W2, b2))
    return out

if __name__ == "__main__":
    import jax
    _d = setup_inputs()
    print(jax.jit(kernel)(*tuple(_d.values())))

</pallas_src>

<mosaic_0001>
#map = affine_map<(d0, d1) -> (0, 0)>
#map1 = affine_map<(d0, d1) -> (0, 0, 0)>
module attributes {stable_mosaic.version = 14 : i64} {
  func.func @_sc_degree(%arg0: i32, %arg1: i32, %arg2: memref<1x10240xf32, #tpu.memory_space<hbm>>, %arg3: memref<2560x1x128xi32, #tpu.memory_space<hbm>>, %arg4: memref<32x1x10240xf32, #tpu.memory_space<hbm>>, %arg5: memref<1x10240xf32, #tpu.memory_space<vmem>>, %arg6: memref<80x1x128xi32, #tpu.memory_space<vmem>>) attributes {dimension_semantics = [#tpu.dimension_semantics<core_parallel>, #tpu.dimension_semantics<subcore_parallel>], iteration_bounds = array<i64: 2, 16>, scalar_prefetch = 0 : i64, scratch_operands = 2 : i64, tpu.core_type = #tpu.core_type<sc_vector_subcore>, window_params = [{transform_indices = #map}, {transform_indices = #map1}, {transform_indices = #map1}]} {
    %mul3A = arith.constant 16 : i32
    %mul3A_0 = arith.muli %arg0, %mul3A : i32
    %add3A = arith.addi %mul3A_0, %arg1 : i32
    "tpu.region"() ({
      %run_scoped3A = tpu.sem_alloc : memref<!tpu.dma_semaphore, #tpu.memory_space<semaphore_mem>>
      tpu.enqueue_dma source(%arg2 : memref<1x10240xf32, #tpu.memory_space<hbm>>) target(%arg5 : memref<1x10240xf32, #tpu.memory_space<vmem>>) target_semaphore(%run_scoped3A : memref<!tpu.dma_semaphore, #tpu.memory_space<semaphore_mem>>)
      tpu.wait_dma2 semaphore(%run_scoped3A : memref<!tpu.dma_semaphore, #tpu.memory_space<semaphore_mem>>) src(%arg2 : memref<1x10240xf32, #tpu.memory_space<hbm>>) dst(%arg5 : memref<1x10240xf32, #tpu.memory_space<vmem>>)
      tpu.yield
    }) : () -> ()
    %mul3A_1 = arith.constant 80 : i32
    %mul3A_2 = arith.muli %add3A, %mul3A_1 : i32
    "tpu.region"() ({
      %run_scoped3A = tpu.sem_alloc : memref<!tpu.dma_semaphore, #tpu.memory_space<semaphore_mem>>
      %dma_start3A = arith.constant 0 : i32
      %dma_start3A_10 = arith.constant 0 : i32
      %dma_start3A_11 = tpu.memref_slice %arg3[%mul3A_2, %dma_start3A, %dma_start3A_10] : memref<2560x1x128xi32, #tpu.memory_space<hbm>> -> memref<80x1x128xi32, #tpu.memory_space<hbm>>
      %dma_start3A_12 = arith.constant 0 : i32
      %dma_start3A_13 = arith.constant 0 : i32
      %dma_start3A_14 = tpu.memref_slice %arg3[%mul3A_2, %dma_start3A_12, %dma_start3A_13] : memref<2560x1x128xi32, #tpu.memory_space<hbm>> -> memref<80x1x128xi32, #tpu.memory_space<hbm>>
      tpu.enqueue_dma source(%dma_start3A_14 : memref<80x1x128xi32, #tpu.memory_space<hbm>>) target(%arg6 : memref<80x1x128xi32, #tpu.memory_space<vmem>>) target_semaphore(%run_scoped3A : memref<!tpu.dma_semaphore, #tpu.memory_space<semaphore_mem>>)
      %dma_wait3A = arith.constant 0 : i32
      %dma_wait3A_15 = arith.constant 0 : i32
      %dma_wait3A_16 = tpu.memref_slice %arg3[%mul3A_2, %dma_wait3A, %dma_wait3A_15] : memref<2560x1x128xi32, #tpu.memory_space<hbm>> -> memref<80x1x128xi32, #tpu.memory_space<hbm>>
      %dma_wait3A_17 = arith.constant 0 : i32
      %dma_wait3A_18 = arith.constant 0 : i32
      %dma_wait3A_19 = tpu.memref_slice %arg3[%mul3A_2, %dma_wait3A_17, %dma_wait3A_18] : memref<2560x1x128xi32, #tpu.memory_space<hbm>> -> memref<80x1x128xi32, #tpu.memory_space<hbm>>
      tpu.wait_dma2 semaphore(%run_scoped3A : memref<!tpu.dma_semaphore, #tpu.memory_space<semaphore_mem>>) src(%dma_wait3A_19 : memref<80x1x128xi32, #tpu.memory_space<hbm>>) dst(%arg6 : memref<80x1x128xi32, #tpu.memory_space<vmem>>)
      tpu.yield
    }) : () -> ()
    %broadcast_in_dim3A = arith.constant 1.000000e+00 : f32
    %broadcast_in_dim3A_3 = vector.broadcast %broadcast_in_dim3A : f32 to vector<16xf32>
    %broadcast_in_dim3A_4 = arith.constant 0 : i32
    %broadcast_in_dim3A_5 = vector.broadcast %broadcast_in_dim3A_4 : i32 to vector<16xi32>
    %scan3A = arith.constant 0 : i32
    %scan3A_6 = arith.constant 80 : i32
    %scan3A_7 = arith.addi %scan3A, %scan3A_6 : i32
    %scan3A_8 = arith.constant 1 : i32
    scf.for %scan3A_10 = %scan3A to %scan3A_7 step %scan3A_8  : i32 {
      %mul3A_11 = arith.constant 1 : i32
      %mul3A_12 = arith.muli %scan3A_10, %mul3A_11 : i32
      %add3A_13 = arith.constant 0 : i32
      %add3A_14 = arith.addi %add3A_13, %mul3A_12 : i32
      %scan3A_15 = arith.constant 0 : i32
      %scan3A_16 = arith.constant 8 : i32
      %scan3A_17 = arith.addi %scan3A_15, %scan3A_16 : i32
      %scan3A_18 = arith.constant 1 : i32
      scf.for %scan3A_20 = %scan3A_15 to %scan3A_17 step %scan3A_18  : i32 {
        %mul3A_21 = arith.constant 16 : i32
        %mul3A_22 = arith.muli %scan3A_20, %mul3A_21 : i32
        %add3A_23 = arith.constant 0 : i32
        %add3A_24 = arith.addi %add3A_23, %mul3A_22 : i32
        %get3A = arith.constant 0 : i32
        %get3A_25 = arith.index_cast %add3A_14 : i32 to index
        %get3A_26 = arith.index_cast %get3A : i32 to index
        %get3A_27 = arith.index_cast %add3A_24 : i32 to index
        %get3A_28 = tpu.vector_load %arg6[%get3A_25, %get3A_26, %get3A_27] {strides = array<i32>} : memref<80x1x128xi32, #tpu.memory_space<vmem>>, vector<16xi32>,
        tpu.vector_store_idx %arg5[%broadcast_in_dim3A_5, %get3A_28], %broadcast_in_dim3A_3 {add = true} : memref<1x10240xf32, #tpu.memory_space<vmem>>[vector<16xi32>, vector<16xi32>], vector<16xf32>,
      }
      %scan3A_19 = arith.constant 8 : i32
    }
    %scan3A_9 = arith.constant 80 : i32
    "tpu.region"() ({
      %run_scoped3A = tpu.sem_alloc : memref<!tpu.dma_semaphore, #tpu.memory_space<semaphore_mem>>
      %dma_start3A = arith.constant 0 : i32
      %dma_start3A_10 = arith.constant 0 : i32
      %dma_start3A_11 = tpu.memref_slice %arg4[%add3A, %dma_start3A, %dma_start3A_10] : memref<32x1x10240xf32, #tpu.memory_space<hbm>> -> memref<1x1x10240xf32, #tpu.memory_space<hbm>>
      %dma_start3A_12 = tpu.memref_squeeze %dma_start3A_11 : memref<1x1x10240xf32, #tpu.memory_space<hbm>> -> memref<1x10240xf32, #tpu.memory_space<hbm>>
      %dma_start3A_13 = arith.constant 0 : i32
      %dma_start3A_14 = arith.constant 0 : i32
      %dma_start3A_15 = tpu.memref_slice %arg4[%add3A, %dma_start3A_13, %dma_start3A_14] : memref<32x1x10240xf32, #tpu.memory_space<hbm>> -> memref<1x1x10240xf32, #tpu.memory_space<hbm>>
      %dma_start3A_16 = tpu.memref_squeeze %dma_start3A_15 : memref<1x1x10240xf32, #tpu.memory_space<hbm>> -> memref<1x10240xf32, #tpu.memory_space<hbm>>
      tpu.enqueue_dma source(%arg5 : memref<1x10240xf32, #tpu.memory_space<vmem>>) target(%dma_start3A_16 : memref<1x10240xf32, #tpu.memory_space<hbm>>) target_semaphore(%run_scoped3A : memref<!tpu.dma_semaphore, #tpu.memory_space<semaphore_mem>>)
      %dma_wait3A = arith.constant 0 : i32
      %dma_wait3A_17 = arith.constant 0 : i32
      %dma_wait3A_18 = tpu.memref_slice %arg4[%add3A, %dma_wait3A, %dma_wait3A_17] : memref<32x1x10240xf32, #tpu.memory_space<hbm>> -> memref<1x1x10240xf32, #tpu.memory_space<hbm>>
      %dma_wait3A_19 = tpu.memref_squeeze %dma_wait3A_18 : memref<1x1x10240xf32, #tpu.memory_space<hbm>> -> memref<1x10240xf32, #tpu.memory_space<hbm>>
      %dma_wait3A_20 = arith.constant 0 : i32
      %dma_wait3A_21 = arith.constant 0 : i32
      %dma_wait3A_22 = tpu.memref_slice %arg4[%add3A, %dma_wait3A_20, %dma_wait3A_21] : memref<32x1x10240xf32, #tpu.memory_space<hbm>> -> memref<1x1x10240xf32, #tpu.memory_space<hbm>>
      %dma_wait3A_23 = tpu.memref_squeeze %dma_wait3A_22 : memref<1x1x10240xf32, #tpu.memory_space<hbm>> -> memref<1x10240xf32, #tpu.memory_space<hbm>>
      tpu.wait_dma2 semaphore(%run_scoped3A : memref<!tpu.dma_semaphore, #tpu.memory_space<semaphore_mem>>) src(%arg5 : memref<1x10240xf32, #tpu.memory_space<vmem>>) dst(%dma_wait3A_23 : memref<1x10240xf32, #tpu.memory_space<hbm>>)
      tpu.yield
    }) : () -> ()
    return
  }
}

#map = affine_map<(d0, d1) -> (0, 0)>
#map1 = affine_map<(d0, d1) -> (0, 0, 0)>
module attributes {stable_mosaic.version = 14 : i64} {
  func.func @_sc_agg2(%arg0: i32, %arg1: i32, %arg2: memref<20480x128xf32, #tpu.memory_space<hbm>>, %arg3: memref<5120x1x128xi32, #tpu.memory_space<hbm>>, %arg4: memref<2560x1x128xi32, #tpu.memory_space<hbm>>, %arg5: memref<20480x128xf32, #tpu.memory_space<hbm>>, %arg6: memref<10240x128xf32, #tpu.memory_space<vmem_shared>>, %arg7: memref<16x1x128xi32, #tpu.memory_space<vmem>>, %arg8: memref<16x1x128xi32, #tpu.memory_space<vmem>>, %arg9: memref<16x1x128xi32, #tpu.memory_space<vmem>>, %arg10: memref<16x1x128xi32, #tpu.memory_space<vmem>>, %arg11: memref<128x128xf32, #tpu.memory_space<vmem>>, %arg12: memref<128x128xf32, #tpu.memory_space<vmem>>, %arg13: memref<!tpu.dma_semaphore, #tpu.memory_space<semaphore_mem>>, %arg14: memref<!tpu.dma_semaphore, #tpu.memory_space<semaphore_mem>>, %arg15: memref<!tpu.dma_semaphore, #tpu.memory_space<semaphore_mem>>, %arg16: memref<!tpu.dma_semaphore, #tpu.memory_space<semaphore_mem>>) attributes {dimension_semantics = [#tpu.dimension_semantics<core_parallel>, #tpu.dimension_semantics<subcore_parallel>], iteration_bounds = array<i64: 2, 16>, scalar_prefetch = 0 : i64, scratch_operands = 11 : i64, tpu.core_type = #tpu.core_type<sc_vector_subcore>, window_params = [{transform_indices = #map}, {transform_indices = #map1}, {transform_indices = #map1}, {transform_indices = #map}]} {
    %mul3A = arith.constant 10240 : i32
    %mul3A_0 = arith.muli %arg0, %mul3A : i32
    %mul3A_1 = arith.constant 640 : i32
    %mul3A_2 = arith.muli %arg1, %mul3A_1 : i32
    %add3A = arith.addi %mul3A_0, %mul3A_2 : i32
    %mul3A_3 = arith.constant 640 : i32
    %mul3A_4 = arith.muli %arg1, %mul3A_3 : i32
    "tpu.region"() ({
      %run_scoped3A = tpu.sem_alloc : memref<!tpu.dma_semaphore, #tpu.memory_space<semaphore_mem>>
      %dma_start3A_37 = arith.constant 0 : i32
      %dma_start3A_38 = tpu.memref_slice %arg6[%mul3A_4, %dma_start3A_37] : memref<10240x128xf32, #tpu.memory_space<vmem_shared>> -> memref<640x128xf32, #tpu.memory_space<vmem_shared>>
      %dma_start3A_39 = arith.constant 0 : i32
      %dma_start3A_40 = tpu.memref_slice %arg2[%add3A, %dma_start3A_39] : memref<20480x128xf32, #tpu.memory_space<hbm>> -> memref<640x128xf32, #tpu.memory_space<hbm>>
      tpu.enqueue_dma source(%dma_start3A_40 : memref<640x128xf32, #tpu.memory_space<hbm>>) target(%dma_start3A_38 : memref<640x128xf32, #tpu.memory_space<vmem_shared>>) target_semaphore(%run_scoped3A : memref<!tpu.dma_semaphore, #tpu.memory_space<semaphore_mem>>)
      %dma_wait3A = arith.constant 0 : i32
      %dma_wait3A_41 = tpu.memref_slice %arg6[%mul3A_4, %dma_wait3A] : memref<10240x128xf32, #tpu.memory_space<vmem_shared>> -> memref<640x128xf32, #tpu.memory_space<vmem_shared>>
      %dma_wait3A_42 = arith.constant 0 : i32
      %dma_wait3A_43 = tpu.memref_slice %arg2[%add3A, %dma_wait3A_42] : memref<20480x128xf32, #tpu.memory_space<hbm>> -> memref<640x128xf32, #tpu.memory_space<hbm>>
      tpu.wait_dma2 semaphore(%run_scoped3A : memref<!tpu.dma_semaphore, #tpu.memory_space<semaphore_mem>>) src(%dma_wait3A_43 : memref<640x128xf32, #tpu.memory_space<hbm>>) dst(%dma_wait3A_41 : memref<640x128xf32, #tpu.memory_space<vmem_shared>>)
      tpu.yield
    }) : () -> ()
    %mul3A_5 = arith.constant 160 : i32
    %mul3A_6 = arith.muli %arg1, %mul3A_5 : i32
    %mul3A_7 = arith.constant 2560 : i32
    %mul3A_8 = arith.muli %arg0, %mul3A_7 : i32
    %add3A_9 = arith.addi %mul3A_8, %mul3A_6 : i32
    %add3A_10 = arith.constant 0 : i32
    %add3A_11 = arith.addi %add3A_9, %add3A_10 : i32
    %dma_start3A = arith.constant 0 : i32
    %dma_start3A_12 = arith.constant 0 : i32
    %dma_start3A_13 = tpu.memref_slice %arg3[%add3A_11, %dma_start3A, %dma_start3A_12] : memref<5120x1x128xi32, #tpu.memory_space<hbm>> -> memref<16x1x128xi32, #tpu.memory_space<hbm>>
    %dma_start3A_14 = arith.constant 0 : i32
    %dma_start3A_15 = arith.constant 0 : i32
    %dma_start3A_16 = tpu.memref_slice %arg3[%add3A_11, %dma_start3A_14, %dma_start3A_15] : memref<5120x1x128xi32, #tpu.memory_space<hbm>> -> memref<16x1x128xi32, #tpu.memory_space<hbm>>
    tpu.enqueue_dma source(%dma_start3A_16 : memref<16x1x128xi32, #tpu.memory_space<hbm>>) target(%arg7 : memref<16x1x128xi32, #tpu.memory_space<vmem>>) target_semaphore(%arg15 : memref<!tpu.dma_semaphore, #tpu.memory_space<semaphore_mem>>)
    %add3A_17 = arith.constant 0 : i32
    %add3A_18 = arith.addi %mul3A_6, %add3A_17 : i32
    %dma_start3A_19 = arith.constant 0 : i32
    %dma_start3A_20 = arith.constant 0 : i32
    %dma_start3A_21 = tpu.memref_slice %arg4[%add3A_18, %dma_start3A_19, %dma_start3A_20] : memref<2560x1x128xi32, #tpu.memory_space<hbm>> -> memref<16x1x128xi32, #tpu.memory_space<hbm>>
    %dma_start3A_22 = arith.constant 0 : i32
    %dma_start3A_23 = arith.constant 0 : i32
    %dma_start3A_24 = tpu.memref_slice %arg4[%add3A_18, %dma_start3A_22, %dma_start3A_23] : memref<2560x1x128xi32, #tpu.memory_space<hbm>> -> memref<16x1x128xi32, #tpu.memory_space<hbm>>
    tpu.enqueue_dma source(%dma_start3A_24 : memref<16x1x128xi32, #tpu.memory_space<hbm>>) target(%arg9 : memref<16x1x128xi32, #tpu.memory_space<vmem>>) target_semaphore(%arg16 : memref<!tpu.dma_semaphore, #tpu.memory_space<semaphore_mem>>)
    %barrier3A = arith.constant 0 : index
    tpu.barrier barrier_id(%barrier3A)
    %scan3A = arith.constant 0 : i32
    %scan3A_25 = arith.constant 5 : i32
    %scan3A_26 = arith.addi %scan3A, %scan3A_25 : i32
    %scan3A_27 = arith.constant 1 : i32
    scf.for %scan3A_37 = %scan3A to %scan3A_26 step %scan3A_27  : i32 {
      %mul3A_38 = arith.constant 32 : i32
      %mul3A_39 = arith.muli %scan3A_37, %mul3A_38 : i32
      %add3A_40 = arith.constant 0 : i32
      %add3A_41 = arith.addi %add3A_40, %mul3A_39 : i32
      %dma_wait3A = arith.constant 0 : i32
      %dma_wait3A_42 = arith.constant 0 : i32
      %dma_wait3A_43 = arith.constant 0 : i32
      %dma_wait3A_44 = tpu.memref_slice %arg3[%dma_wait3A, %dma_wait3A_42, %dma_wait3A_43] : memref<5120x1x128xi32, #tpu.memory_space<hbm>> -> memref<16x1x128xi32, #tpu.memory_space<hbm>>
      %dma_wait3A_45 = arith.constant 0 : i32
      %dma_wait3A_46 = arith.constant 0 : i32
      %dma_wait3A_47 = arith.constant 0 : i32
      %dma_wait3A_48 = tpu.memref_slice %arg3[%dma_wait3A_45, %dma_wait3A_46, %dma_wait3A_47] : memref<5120x1x128xi32, #tpu.memory_space<hbm>> -> memref<16x1x128xi32, #tpu.memory_space<hbm>>
      tpu.wait_dma2 semaphore(%arg15 : memref<!tpu.dma_semaphore, #tpu.memory_space<semaphore_mem>>) src(%dma_wait3A_48 : memref<16x1x128xi32, #tpu.memory_space<hbm>>) dst(%arg7 : memref<16x1x128xi32, #tpu.memory_space<vmem>>)
      %dma_wait3A_49 = arith.constant 0 : i32
      %dma_wait3A_50 = arith.constant 0 : i32
      %dma_wait3A_51 = arith.constant 0 : i32
      %dma_wait3A_52 = tpu.memref_slice %arg4[%dma_wait3A_49, %dma_wait3A_50, %dma_wait3A_51] : memref<2560x1x128xi32, #tpu.memory_space<hbm>> -> memref<16x1x128xi32, #tpu.memory_space<hbm>>
      %dma_wait3A_53 = arith.constant 0 : i32
      %dma_wait3A_54 = arith.constant 0 : i32
      %dma_wait3A_55 = arith.constant 0 : i32
      %dma_wait3A_56 = tpu.memref_slice %arg4[%dma_wait3A_53, %dma_wait3A_54, %dma_wait3A_55] : memref<2560x1x128xi32, #tpu.memory_space<hbm>> -> memref<16x1x128xi32, #tpu.memory_space<hbm>>
      tpu.wait_dma2 semaphore(%arg16 : memref<!tpu.dma_semaphore, #tpu.memory_space<semaphore_mem>>) src(%dma_wait3A_56 : memref<16x1x128xi32, #tpu.memory_space<hbm>>) dst(%arg9 : memref<16x1x128xi32, #tpu.memory_space<vmem>>)
      %add3A_57 = arith.constant 16 : i32
      %add3A_58 = arith.addi %add3A_41, %add3A_57 : i32
      %mul3A_59 = arith.constant 2560 : i32
      %mul3A_60 = arith.muli %arg0, %mul3A_59 : i32
      %add3A_61 = arith.addi %mul3A_60, %mul3A_6 : i32
      %add3A_62 = arith.addi %add3A_61, %add3A_58 : i32
      %dma_start3A_63 = arith.constant 0 : i32
      %dma_start3A_64 = arith.constant 0 : i32
      %dma_start3A_65 = tpu.memref_slice %arg3[%add3A_62, %dma_start3A_63, %dma_start3A_64] : memref<5120x1x128xi32, #tpu.memory_space<hbm>> -> memref<16x1x128xi32, #tpu.memory_space<hbm>>
      %dma_start3A_66 = arith.constant 0 : i32
      %dma_start3A_67 = arith.constant 0 : i32
      %dma_start3A_68 = tpu.memref_slice %arg3[%add3A_62, %dma_start3A_66, %dma_start3A_67] : memref<5120x1x128xi32, #tpu.memory_space<hbm>> -> memref<16x1x128xi32, #tpu.memory_space<hbm>>
      tpu.enqueue_dma source(%dma_start3A_68 : memref<16x1x128xi32, #tpu.memory_space<hbm>>) target(%arg8 : memref<16x1x128xi32, #tpu.memory_space<vmem>>) target_semaphore(%arg15 : memref<!tpu.dma_semaphore, #tpu.memory_space<semaphore_mem>>)
      %add3A_69 = arith.addi %mul3A_6, %add3A_58 : i32
      %dma_start3A_70 = arith.constant 0 : i32
      %dma_start3A_71 = arith.constant 0 : i32
      %dma_start3A_72 = tpu.memref_slice %arg4[%add3A_69, %dma_start3A_70, %dma_start3A_71] : memref<2560x1x128xi32, #tpu.memory_space<hbm>> -> memref<16x1x128xi32, #tpu.memory_space<hbm>>
      %dma_start3A_73 = arith.constant 0 : i32
      %dma_start3A_74 = arith.constant 0 : i32
      %dma_start3A_75 = tpu.memref_slice %arg4[%add3A_69, %dma_start3A_73, %dma_start3A_74] : memref<2560x1x128xi32, #tpu.memory_space<hbm>> -> memref<16x1x128xi32, #tpu.memory_space<hbm>>
      tpu.enqueue_dma source(%dma_start3A_75 : memref<16x1x128xi32, #tpu.memory_space<hbm>>) target(%arg10 : memref<16x1x128xi32, #tpu.memory_space<vmem>>) target_semaphore(%arg16 : memref<!tpu.dma_semaphore, #tpu.memory_space<semaphore_mem>>)
      %dma_start3A_76 = arith.constant 0 : i32
      %dma_start3A_77 = arith.constant 0 : i32
      %dma_start3A_78 = arith.constant 0 : i32
      %dma_start3A_79 = tpu.memref_slice %arg7[%dma_start3A_76, %dma_start3A_77, %dma_start3A_78] : memref<16x1x128xi32, #tpu.memory_space<vmem>> -> memref<1x1x128xi32, #tpu.memory_space<vmem>>
      %dma_start3A_80 = tpu.memref_squeeze %dma_start3A_79 : memref<1x1x128xi32, #tpu.memory_space<vmem>> -> memref<128xi32, #tpu.memory_space<vmem>>
      %dma_start3A_81 = arith.constant 0 : i32
      %dma_start3A_82 = arith.constant 0 : i32
      %dma_start3A_83 = tpu.memref_slice %arg2[%dma_start3A_81, %dma_start3A_82] : memref<20480x128xf32, #tpu.memory_space<hbm>> -> memref<20480x128xf32, #tpu.memory_space<hbm>>
      tpu.enqueue_indirect_dma source(%dma_start3A_83 : memref<20480x128xf32, #tpu.memory_space<hbm>>) target(%arg11 : memref<128x128xf32, #tpu.memory_space<vmem>>) offsets(%dma_start3A_80 : memref<128xi32, #tpu.memory_space<vmem>>) semaphore(%arg13 : memref<!tpu.dma_semaphore, #tpu.memory_space<semaphore_mem>>)
      %dma_wait3A_84 = arith.constant 0 : i32
      %dma_wait3A_85 = arith.constant 0 : i32
      %dma_wait3A_86 = arith.constant 0 : i32
      %dma_wait3A_87 = tpu.memref_slice %arg7[%dma_wait3A_84, %dma_wait3A_85, %dma_wait3A_86] : memref<16x1x128xi32, #tpu.memory_space<vmem>> -> memref<1x1x128xi32, #tpu.memory_space<vmem>>
      %dma_wait3A_88 = tpu.memref_squeeze %dma_wait3A_87 : memref<1x1x128xi32, #tpu.memory_space<vmem>> -> memref<128xi32, #tpu.memory_space<vmem>>
      %dma_wait3A_89 = arith.constant 0 : i32
      %dma_wait3A_90 = arith.constant 0 : i32
      %dma_wait3A_91 = tpu.memref_slice %arg2[%dma_wait3A_89, %dma_wait3A_90] : memref<20480x128xf32, #tpu.memory_space<hbm>> -> memref<20480x128xf32, #tpu.memory_space<hbm>>
      tpu.wait_indirect_dma semaphore(%arg13 : memref<!tpu.dma_semaphore, #tpu.memory_space<semaphore_mem>>) src(%dma_wait3A_91 : memref<20480x128xf32, #tpu.memory_space<hbm>>) dst(%arg11 : memref<128x128xf32, #tpu.memory_space<vmem>>)
      %dma_start3A_92 = arith.constant 1 : i32
      %dma_start3A_93 = arith.constant 0 : i32
      %dma_start3A_94 = arith.constant 0 : i32
      %dma_start3A_95 = tpu.memref_slice %arg7[%dma_start3A_92, %dma_start3A_93, %dma_start3A_94] : memref<16x1x128xi32, #tpu.memory_space<vmem>> -> memref<1x1x128xi32, #tpu.memory_space<vmem>>
      %dma_start3A_96 = tpu.memref_squeeze %dma_start3A_95 : memref<1x1x128xi32, #tpu.memory_space<vmem>> -> memref<128xi32, #tpu.memory_space<vmem>>
      %dma_start3A_97 = arith.constant 0 : i32
      %dma_start3A_98 = arith.constant 0 : i32
      %dma_start3A_99 = tpu.memref_slice %arg2[%dma_start3A_97, %dma_start3A_98] : memref<20480x128xf32, #tpu.memory_space<hbm>> -> memref<20480x128xf32, #tpu.memory_space<hbm>>
      tpu.enqueue_indirect_dma source(%dma_start3A_99 : memref<20480x128xf32, #tpu.memory_space<hbm>>) target(%arg12 : memref<128x128xf32, #tpu.memory_space<vmem>>) offsets(%dma_start3A_96 : memref<128xi32, #tpu.memory_space<vmem>>) semaphore(%arg14 : memref<!tpu.dma_semaphore, #tpu.memory_space<semaphore_mem>>)
      %run_scoped3A = arith.constant 0 : i32
      %run_scoped3A_100 = arith.constant 0 : i32
      "tpu.region"() ({
        %run_scoped3A_671 = tpu.sem_alloc : memref<!tpu.dma_semaphore, #tpu.memory_space<semaphore_mem>>
        %dma_start3A_672 = arith.constant 0 : i32
        %dma_start3A_673 = tpu.memref_slice %arg9[%run_scoped3A, %run_scoped3A_100, %dma_start3A_672] : memref<16x1x128xi32, #tpu.memory_space<vmem>> -> memref<1x1x128xi32, #tpu.memory_space<vmem>>
        %dma_start3A_674 = tpu.memref_squeeze %dma_start3A_673 : memref<1x1x128xi32, #tpu.memory_space<vmem>> -> memref<128xi32, #tpu.memory_space<vmem>>
        %dma_start3A_675 = arith.constant 0 : i32
        %dma_start3A_676 = arith.constant 0 : i32
        %dma_start3A_677 = tpu.memref_slice %arg6[%dma_start3A_675, %dma_start3A_676] : memref<10240x128xf32, #tpu.memory_space<vmem_shared>> -> memref<10240x128xf32, #tpu.memory_space<vmem_shared>>
        tpu.enqueue_indirect_dma source(%arg11 : memref<128x128xf32, #tpu.memory_space<vmem>>) target(%dma_start3A_677 : memref<10240x128xf32, #tpu.memory_space<vmem_shared>>) offsets(%dma_start3A_674 : memref<128xi32, #tpu.memory_space<vmem>>) semaphore(%run_scoped3A_671 : memref<!tpu.dma_semaphore, #tpu.memory_space<semaphore_mem>>) {add = true}
        %dma_wait3A_678 = arith.constant 0 : i32
        %dma_wait3A_679 = tpu.memref_slice %arg9[%run_scoped3A, %run_scoped3A_100, %dma_wait3A_678] : memref<16x1x128xi32, #tpu.memory_space<vmem>> -> memref<1x1x128xi32, #tpu.memory_space<vmem>>
        %dma_wait3A_680 = tpu.memref_squeeze %dma_wait3A_679 : memref<1x1x128xi32, #tpu.memory_space<vmem>> -> memref<128xi32, #tpu.memory_space<vmem>>
        %dma_wait3A_681 = arith.constant 0 : i32
        %dma_wait3A_682 = arith.constant 0 : i32
        %dma_wait3A_683 = tpu.memref_slice %arg6[%dma_wait3A_681, %dma_wait3A_682] : memref<10240x128xf32, #tpu.memory_space<vmem_shared>> -> memref<10240x128xf32, #tpu.memory_space<vmem_shared>>
        tpu.wait_indirect_dma semaphore(%run_scoped3A_671 : memref<!tpu.dma_semaphore, #tpu.memory_space<semaphore_mem>>) src(%arg11 : memref<128x128xf32, #tpu.memory_space<vmem>>) dst(%dma_wait3A_683 : memref<10240x128xf32, #tpu.memory_space<vmem_shared>>)
        tpu.yield
      }) : () -> ()
      %dma_wait3A_101 = arith.constant 1 : i32
      %dma_wait3A_102 = arith.constant 0 : i32
      %dma_wait3A_103 = arith.constant 0 : i32
      %dma_wait3A_104 = tpu.memref_slice %arg7[%dma_wait3A_101, %dma_wait3A_102, %dma_wait3A_103] : memref<16x1x128xi32, #tpu.memory_space<vmem>> -> memref<1x1x128xi32, #tpu.memory_space<vmem>>
      %dma_wait3A_105 = tpu.memref_squeeze %dma_wait3A_104 : memref<1x1x128xi32, #tpu.memory_space<vmem>> -> memref<128xi32, #tpu.memory_space<vmem>>
      %dma_wait3A_106 = arith.constant 0 : i32
      %dma_wait3A_107 = arith.constant 0 : i32
      %dma_wait3A_108 = tpu.memref_slice %arg2[%dma_wait3A_106, %dma_wait3A_107] : memref<20480x128xf32, #tpu.memory_space<hbm>> -> memref<20480x128xf32, #tpu.memory_space<hbm>>
      tpu.wait_indirect_dma semaphore(%arg14 : memref<!tpu.dma_semaphore, #tpu.memory_space<semaphore_mem>>) src(%dma_wait3A_108 : memref<20480x128xf32, #tpu.memory_space<hbm>>) dst(%arg12 : memref<128x128xf32, #tpu.memory_space<vmem>>)
      %dma_start3A_109 = arith.constant 2 : i32
      %dma_start3A_110 = arith.constant 0 : i32
      %dma_start3A_111 = arith.constant 0 : i32
      %dma_start3A_112 = tpu.memref_slice %arg7[%dma_start3A_109, %dma_start3A_110, %dma_start3A_111] : memref<16x1x128xi32, #tpu.memory_space<vmem>> -> memref<1x1x128xi32, #tpu.memory_space<vmem>>
      %dma_start3A_113 = tpu.memref_squeeze %dma_start3A_112 : memref<1x1x128xi32, #tpu.memory_space<vmem>> -> memref<128xi32, #tpu.memory_space<vmem>>
      %dma_start3A_114 = arith.constant 0 : i32
      %dma_start3A_115 = arith.constant 0 : i32
      %dma_start3A_116 = tpu.memref_slice %arg2[%dma_start3A_114, %dma_start3A_115] : memref<20480x128xf32, #tpu.memory_space<hbm>> -> memref<20480x128xf32, #tpu.memory_space<hbm>>
      tpu.enqueue_indirect_dma source(%dma_start3A_116 : memref<20480x128xf32, #tpu.memory_space<hbm>>) target(%arg11 : memref<128x128xf32, #tpu.memory_space<vmem>>) offsets(%dma_start3A_113 : memref<128xi32, #tpu.memory_space<vmem>>) semaphore(%arg13 : memref<!tpu.dma_semaphore, #tpu.memory_space<semaphore_mem>>)
      %run_scoped3A_117 = arith.constant 1 : i32
      %run_scoped3A_118 = arith.constant 0 : i32
      "tpu.region"() ({
        %run_scoped3A_671 = tpu.sem_alloc : memref<!tpu.dma_semaphore, #tpu.memory_space<semaphore_mem>>
        %dma_start3A_672 = arith.constant 0 : i32
        %dma_start3A_673 = tpu.memref_slice %arg9[%run_scoped3A_117, %run_scoped3A_118, %dma_start3A_672] : memref<16x1x128xi32, #tpu.memory_space<vmem>> -> memref<1x1x128xi32, #tpu.memory_space<vmem>>
        %dma_start3A_674 = tpu.memref_squeeze %dma_start3A_673 : memref<1x1x128xi32, #tpu.memory_space<vmem>> -> memref<128xi32, #tpu.memory_space<vmem>>
        %dma_start3A_675 = arith.constant 0 : i32
        %dma_start3A_676 = arith.constant 0 : i32
        %dma_start3A_677 = tpu.memref_slice %arg6[%dma_start3A_675, %dma_start3A_676] : memref<10240x128xf32, #tpu.memory_space<vmem_shared>> -> memref<10240x128xf32, #tpu.memory_space<vmem_shared>>
        tpu.enqueue_indirect_dma source(%arg12 : memref<128x128xf32, #tpu.memory_space<vmem>>) target(%dma_start3A_677 : memref<10240x128xf32, #tpu.memory_space<vmem_shared>>) offsets(%dma_start3A_674 : memref<128xi32, #tpu.memory_space<vmem>>) semaphore(%run_scoped3A_671 : memref<!tpu.dma_semaphore, #tpu.memory_space<semaphore_mem>>) {add = true}
        %dma_wait3A_678 = arith.constant 0 : i32
        %dma_wait3A_679 = tpu.memref_slice %arg9[%run_scoped3A_117, %run_scoped3A_118, %dma_wait3A_678] : memref<16x1x128xi32, #tpu.memory_space<vmem>> -> memref<1x1x128xi32, #tpu.memory_space<vmem>>
        %dma_wait3A_680 = tpu.memref_squeeze %dma_wait3A_679 : memref<1x1x128xi32, #tpu.memory_space<vmem>> -> memref<128xi32, #tpu.memory_space<vmem>>
        %dma_wait3A_681 = arith.constant 0 : i32
        %dma_wait3A_682 = arith.constant 0 : i32
        %dma_wait3A_683 = tpu.memref_slice %arg6[%dma_wait3A_681, %dma_wait3A_682] : memref<10240x128xf32, #tpu.memory_space<vmem_shared>> -> memref<10240x128xf32, #tpu.memory_space<vmem_shared>>
        tpu.wait_indirect_dma semaphore(%run_scoped3A_671 : memref<!tpu.dma_semaphore, #tpu.memory_space<semaphore_mem>>) src(%arg12 : memref<128x128xf32, #tpu.memory_space<vmem>>) dst(%dma_wait3A_683 : memref<10240x128xf32, #tpu.memory_space<vmem_shared>>)
        tpu.yield
      }) : () -> ()
      %dma_wait3A_119 = arith.constant 2 : i32
      %dma_wait3A_120 = arith.constant 0 : i32
      %dma_wait3A_121 = arith.constant 0 : i32
      %dma_wait3A_122 = tpu.memref_slice %arg7[%dma_wait3A_119, %dma_wait3A_120, %dma_wait3A_121] : memref<16x1x128xi32, #tpu.memory_space<vmem>> -> memref<1x1x128xi32, #tpu.memory_space<vmem>>
      %dma_wait3A_123 = tpu.memref_squeeze %dma_wait3A_122 : memref<1x1x128xi32, #tpu.memory_space<vmem>> -> memref<128xi32, #tpu.memory_space<vmem>>
      %dma_wait3A_124 = arith.constant 0 : i32
      %dma_wait3A_125 = arith.constant 0 : i32
      %dma_wait3A_126 = tpu.memref_slice %arg2[%dma_wait3A_124, %dma_wait3A_125] : memref<20480x128xf32, #tpu.memory_space<hbm>> -> memref<20480x128xf32, #tpu.memory_space<hbm>>
      tpu.wait_indirect_dma semaphore(%arg13 : memref<!tpu.dma_semaphore, #tpu.memory_space<semaphore_mem>>) src(%dma_wait3A_126 : memref<20480x128xf32, #tpu.memory_space<hbm>>) dst(%arg11 : memref<128x128xf32, #tpu.memory_space<vmem>>)
      %dma_start3A_127 = arith.constant 3 : i32
      %dma_start3A_128 = arith.constant 0 : i32
      %dma_start3A_129 = arith.constant 0 : i32
      %dma_start3A_130 = tpu.memref_slice %arg7[%dma_start3A_127, %dma_start3A_128, %dma_start3A_129] : memref<16x1x128xi32, #tpu.memory_space<vmem>> -> memref<1x1x128xi32, #tpu.memory_space<vmem>>
      %dma_start3A_131 = tpu.memref_squeeze %dma_start3A_130 : memref<1x1x128xi32, #tpu.memory_space<vmem>> -> memref<128xi32, #tpu.memory_space<vmem>>
      %dma_start3A_132 = arith.constant 0 : i32
      %dma_start3A_133 = arith.constant 0 : i32
      %dma_start3A_134 = tpu.memref_slice %arg2[%dma_start3A_132, %dma_start3A_133] : memref<20480x128xf32, #tpu.memory_space<hbm>> -> memref<20480x128xf32, #tpu.memory_space<hbm>>
      tpu.enqueue_indirect_dma source(%dma_start3A_134 : memref<20480x128xf32, #tpu.memory_space<hbm>>) target(%arg12 : memref<128x128xf32, #tpu.memory_space<vmem>>) offsets(%dma_start3A_131 : memref<128xi32, #tpu.memory_space<vmem>>) semaphore(%arg14 : memref<!tpu.dma_semaphore, #tpu.memory_space<semaphore_mem>>)
      %run_scoped3A_135 = arith.constant 2 : i32
      %run_scoped3A_136 = arith.constant 0 : i32
      "tpu.region"() ({
        %run_scoped3A_671 = tpu.sem_alloc : memref<!tpu.dma_semaphore, #tpu.memory_space<semaphore_mem>>
        %dma_start3A_672 = arith.constant 0 : i32
        %dma_start3A_673 = tpu.memref_slice %arg9[%run_scoped3A_135, %run_scoped3A_136, %dma_start3A_672] : memref<16x1x128xi32, #tpu.memory_space<vmem>> -> memref<1x1x128xi32, #tpu.memory_space<vmem>>
        %dma_start3A_674 = tpu.memref_squeeze %dma_start3A_673 : memref<1x1x128xi32, #tpu.memory_space<vmem>> -> memref<128xi32, #tpu.memory_space<vmem>>
        %dma_start3A_675 = arith.constant 0 : i32
        %dma_start3A_676 = arith.constant 0 : i32
        %dma_start3A_677 = tpu.memref_slice %arg6[%dma_start3A_675, %dma_start3A_676] : memref<10240x128xf32, #tpu.memory_space<vmem_shared>> -> memref<10240x128xf32, #tpu.memory_space<vmem_shared>>
        tpu.enqueue_indirect_dma source(%arg11 : memref<128x128xf32, #tpu.memory_space<vmem>>) target(%dma_start3A_677 : memref<10240x128xf32, #tpu.memory_space<vmem_shared>>) offsets(%dma_start3A_674 : memref<128xi32, #tpu.memory_space<vmem>>) semaphore(%run_scoped3A_671 : memref<!tpu.dma_semaphore, #tpu.memory_space<semaphore_mem>>) {add = true}
        %dma_wait3A_678 = arith.constant 0 : i32
        %dma_wait3A_679 = tpu.memref_slice %arg9[%run_scoped3A_135, %run_scoped3A_136, %dma_wait3A_678] : memref<16x1x128xi32, #tpu.memory_space<vmem>> -> memref<1x1x128xi32, #tpu.memory_space<vmem>>
        %dma_wait3A_680 = tpu.memref_squeeze %dma_wait3A_679 : memref<1x1x128xi32, #tpu.memory_space<vmem>> -> memref<128xi32, #tpu.memory_space<vmem>>
        %dma_wait3A_681 = arith.constant 0 : i32
        %dma_wait3A_682 = arith.constant 0 : i32
        %dma_wait3A_683 = tpu.memref_slice %arg6[%dma_wait3A_681, %dma_wait3A_682] : memref<10240x128xf32, #tpu.memory_space<vmem_shared>> -> memref<10240x128xf32, #tpu.memory_space<vmem_shared>>
        tpu.wait_indirect_dma semaphore(%run_scoped3A_671 : memref<!tpu.dma_semaphore, #tpu.memory_space<semaphore_mem>>) src(%arg11 : memref<128x128xf32, #tpu.memory_space<vmem>>) dst(%dma_wait3A_683 : memref<10240x128xf32, #tpu.memory_space<vmem_shared>>)
        tpu.yield
      }) : () -> ()
      %dma_wait3A_137 = arith.constant 3 : i32
      %dma_wait3A_138 = arith.constant 0 : i32
      %dma_wait3A_139 = arith.constant 0 : i32
      %dma_wait3A_140 = tpu.memref_slice %arg7[%dma_wait3A_137, %dma_wait3A_138, %dma_wait3A_139] : memref<16x1x128xi32, #tpu.memory_space<vmem>> -> memref<1x1x128xi32, #tpu.memory_space<vmem>>
      %dma_wait3A_141 = tpu.memref_squeeze %dma_wait3A_140 : memref<1x1x128xi32, #tpu.memory_space<vmem>> -> memref<128xi32, #tpu.memory_space<vmem>>
      %dma_wait3A_142 = arith.constant 0 : i32
      %dma_wait3A_143 = arith.constant 0 : i32
      %dma_wait3A_144 = tpu.memref_slice %arg2[%dma_wait3A_142, %dma_wait3A_143] : memref<20480x128xf32, #tpu.memory_space<hbm>> -> memref<20480x128xf32, #tpu.memory_space<hbm>>
      tpu.wait_indirect_dma semaphore(%arg14 : memref<!tpu.dma_semaphore, #tpu.memory_space<semaphore_mem>>) src(%dma_wait3A_144 : memref<20480x128xf32, #tpu.memory_space<hbm>>) dst(%arg12 : memref<128x128xf32, #tpu.memory_space<vmem>>)
      %dma_start3A_145 = arith.constant 4 : i32
      %dma_start3A_146 = arith.constant 0 : i32
      %dma_start3A_147 = arith.constant 0 : i32
      %dma_start3A_148 = tpu.memref_slice %arg7[%dma_start3A_145, %dma_start3A_146, %dma_start3A_147] : memref<16x1x128xi32, #tpu.memory_space<vmem>> -> memref<1x1x128xi32, #tpu.memory_space<vmem>>
      %dma_start3A_149 = tpu.memref_squeeze %dma_start3A_148 : memref<1x1x128xi32, #tpu.memory_space<vmem>> -> memref<128xi32, #tpu.memory_space<vmem>>
      %dma_start3A_150 = arith.constant 0 : i32
      %dma_start3A_151 = arith.constant 0 : i32
      %dma_start3A_152 = tpu.memref_slice %arg2[%dma_start3A_150, %dma_start3A_151] : memref<20480x128xf32, #tpu.memory_space<hbm>> -> memref<20480x128xf32, #tpu.memory_space<hbm>>
      tpu.enqueue_indirect_dma source(%dma_start3A_152 : memref<20480x128xf32, #tpu.memory_space<hbm>>) target(%arg11 : memref<128x128xf32, #tpu.memory_space<vmem>>) offsets(%dma_start3A_149 : memref<128xi32, #tpu.memory_space<vmem>>) semaphore(%arg13 : memref<!tpu.dma_semaphore, #tpu.memory_space<semaphore_mem>>)
      %run_scoped3A_153 = arith.constant 3 : i32
      %run_scoped3A_154 = arith.constant 0 : i32
      "tpu.region"() ({
        %run_scoped3A_671 = tpu.sem_alloc : memref<!tpu.dma_semaphore, #tpu.memory_space<semaphore_mem>>
        %dma_start3A_672 = arith.constant 0 : i32
        %dma_start3A_673 = tpu.memref_slice %arg9[%run_scoped3A_153, %run_scoped3A_154, %dma_start3A_672] : memref<16x1x128xi32, #tpu.memory_space<vmem>> -> memref<1x1x128xi32, #tpu.memory_space<vmem>>
        %dma_start3A_674 = tpu.memref_squeeze %dma_start3A_673 : memref<1x1x128xi32, #tpu.memory_space<vmem>> -> memref<128xi32, #tpu.memory_space<vmem>>
        %dma_start3A_675 = arith.constant 0 : i32
        %dma_start3A_676 = arith.constant 0 : i32
        %dma_start3A_677 = tpu.memref_slice %arg6[%dma_start3A_675, %dma_start3A_676] : memref<10240x128xf32, #tpu.memory_space<vmem_shared>> -> memref<10240x128xf32, #tpu.memory_space<vmem_shared>>
        tpu.enqueue_indirect_dma source(%arg12 : memref<128x128xf32, #tpu.memory_space<vmem>>) target(%dma_start3A_677 : memref<10240x128xf32, #tpu.memory_space<vmem_shared>>) offsets(%dma_start3A_674 : memref<128xi32, #tpu.memory_space<vmem>>) semaphore(%run_scoped3A_671 : memref<!tpu.dma_semaphore, #tpu.memory_space<semaphore_mem>>) {add = true}
        %dma_wait3A_678 = arith.constant 0 : i32
        %dma_wait3A_679 = tpu.memref_slice %arg9[%run_scoped3A_153, %run_scoped3A_154, %dma_wait3A_678] : memref<16x1x128xi32, #tpu.memory_space<vmem>> -> memref<1x1x128xi32, #tpu.memory_space<vmem>>
        %dma_wait3A_680 = tpu.memref_squeeze %dma_wait3A_679 : memref<1x1x128xi32, #tpu.memory_space<vmem>> -> memref<128xi32, #tpu.memory_space<vmem>>
        %dma_wait3A_681 = arith.constant 0 : i32
        %dma_wait3A_682 = arith.constant 0 : i32
        %dma_wait3A_683 = tpu.memref_slice %arg6[%dma_wait3A_681, %dma_wait3A_682] : memref<10240x128xf32, #tpu.memory_space<vmem_shared>> -> memref<10240x128xf32, #tpu.memory_space<vmem_shared>>
        tpu.wait_indirect_dma semaphore(%run_scoped3A_671 : memref<!tpu.dma_semaphore, #tpu.memory_space<semaphore_mem>>) src(%arg12 : memref<128x128xf32, #tpu.memory_space<vmem>>) dst(%dma_wait3A_683 : memref<10240x128xf32, #tpu.memory_space<vmem_shared>>)
        tpu.yield
      }) : () -> ()
      %dma_wait3A_155 = arith.constant 4 : i32
      %dma_wait3A_156 = arith.constant 0 : i32
      %dma_wait3A_157 = arith.constant 0 : i32
      %dma_wait3A_158 = tpu.memref_slice %arg7[%dma_wait3A_155, %dma_wait3A_156, %dma_wait3A_157] : memref<16x1x128xi32, #tpu.memory_space<vmem>> -> memref<1x1x128xi32, #tpu.memory_space<vmem>>
      %dma_wait3A_159 = tpu.memref_squeeze %dma_wait3A_158 : memref<1x1x128xi32, #tpu.memory_space<vmem>> -> memref<128xi32, #tpu.memory_space<vmem>>
      %dma_wait3A_160 = arith.constant 0 : i32
      %dma_wait3A_161 = arith.constant 0 : i32
      %dma_wait3A_162 = tpu.memref_slice %arg2[%dma_wait3A_160, %dma_wait3A_161] : memref<20480x128xf32, #tpu.memory_space<hbm>> -> memref<20480x128xf32, #tpu.memory_space<hbm>>
      tpu.wait_indirect_dma semaphore(%arg13 : memref<!tpu.dma_semaphore, #tpu.memory_space<semaphore_mem>>) src(%dma_wait3A_162 : memref<20480x128xf32, #tpu.memory_space<hbm>>) dst(%arg11 : memref<128x128xf32, #tpu.memory_space<vmem>>)
      %dma_start3A_163 = arith.constant 5 : i32
      %dma_start3A_164 = arith.constant 0 : i32
      %dma_start3A_165 = arith.constant 0 : i32
      %dma_start3A_166 = tpu.memref_slice %arg7[%dma_start3A_163, %dma_start3A_164, %dma_start3A_165] : memref<16x1x128xi32, #tpu.memory_space<vmem>> -> memref<1x1x128xi32, #tpu.memory_space<vmem>>
      %dma_start3A_167 = tpu.memref_squeeze %dma_start3A_166 : memref<1x1x128xi32, #tpu.memory_space<vmem>> -> memref<128xi32, #tpu.memory_space<vmem>>
      %dma_start3A_168 = arith.constant 0 : i32
      %dma_start3A_169 = arith.constant 0 : i32
      %dma_start3A_170 = tpu.memref_slice %arg2[%dma_start3A_168, %dma_start3A_169] : memref<20480x128xf32, #tpu.memory_space<hbm>> -> memref<20480x128xf32, #tpu.memory_space<hbm>>
      tpu.enqueue_indirect_dma source(%dma_start3A_170 : memref<20480x128xf32, #tpu.memory_space<hbm>>) target(%arg12 : memref<128x128xf32, #tpu.memory_space<vmem>>) offsets(%dma_start3A_167 : memref<128xi32, #tpu.memory_space<vmem>>) semaphore(%arg14 : memref<!tpu.dma_semaphore, #tpu.memory_space<semaphore_mem>>)
      %run_scoped3A_171 = arith.constant 4 : i32
      %run_scoped3A_172 = arith.constant 0 : i32
      "tpu.region"() ({
        %run_scoped3A_671 = tpu.sem_alloc : memref<!tpu.dma_semaphore, #tpu.memory_space<semaphore_mem>>
        %dma_start3A_672 = arith.constant 0 : i32
        %dma_start3A_673 = tpu.memref_slice %arg9[%run_scoped3A_171, %run_scoped3A_172, %dma_start3A_672] : memref<16x1x128xi32, #tpu.memory_space<vmem>> -> memref<1x1x128xi32, #tpu.memory_space<vmem>>
        %dma_start3A_674 = tpu.memref_squeeze %dma_start3A_673 : memref<1x1x128xi32, #tpu.memory_space<vmem>> -> memref<128xi32, #tpu.memory_space<vmem>>
        %dma_start3A_675 = arith.constant 0 : i32
        %dma_start3A_676 = arith.constant 0 : i32
        %dma_start3A_677 = tpu.memref_slice %arg6[%dma_start3A_675, %dma_start3A_676] : memref<10240x128xf32, #tpu.memory_space<vmem_shared>> -> memref<10240x128xf32, #tpu.memory_space<vmem_shared>>
        tpu.enqueue_indirect_dma source(%arg11 : memref<128x128xf32, #tpu.memory_space<vmem>>) target(%dma_start3A_677 : memref<10240x128xf32, #tpu.memory_space<vmem_shared>>) offsets(%dma_start3A_674 : memref<128xi32, #tpu.memory_space<vmem>>) semaphore(%run_scoped3A_671 : memref<!tpu.dma_semaphore, #tpu.memory_space<semaphore_mem>>) {add = true}
        %dma_wait3A_678 = arith.constant 0 : i32
        %dma_wait3A_679 = tpu.memref_slice %arg9[%run_scoped3A_171, %run_scoped3A_172, %dma_wait3A_678] : memref<16x1x128xi32, #tpu.memory_space<vmem>> -> memref<1x1x128xi32, #tpu.memory_space<vmem>>
        %dma_wait3A_680 = tpu.memref_squeeze %dma_wait3A_679 : memref<1x1x128xi32, #tpu.memory_space<vmem>> -> memref<128xi32, #tpu.memory_space<vmem>>
        %dma_wait3A_681 = arith.constant 0 : i32
        %dma_wait3A_682 = arith.constant 0 : i32
        %dma_wait3A_683 = tpu.memref_slice %arg6[%dma_wait3A_681, %dma_wait3A_682] : memref<10240x128xf32, #tpu.memory_space<vmem_shared>> -> memref<10240x128xf32, #tpu.memory_space<vmem_shared>>
        tpu.wait_indirect_dma semaphore(%run_scoped3A_671 : memref<!tpu.dma_semaphore, #tpu.memory_space<semaphore_mem>>) src(%arg11 : memref<128x128xf32, #tpu.memory_space<vmem>>) dst(%dma_wait3A_683 : memref<10240x128xf32, #tpu.memory_space<vmem_shared>>)
        tpu.yield
      }) : () -> ()
      %dma_wait3A_173 = arith.constant 5 : i32
      %dma_wait3A_174 = arith.constant 0 : i32
      %dma_wait3A_175 = arith.constant 0 : i32
      %dma_wait3A_176 = tpu.memref_slice %arg7[%dma_wait3A_173, %dma_wait3A_174, %dma_wait3A_175] : memref<16x1x128xi32, #tpu.memory_space<vmem>> -> memref<1x1x128xi32, #tpu.memory_space<vmem>>
      %dma_wait3A_177 = tpu.memref_squeeze %dma_wait3A_176 : memref<1x1x128xi32, #tpu.memory_space<vmem>> -> memref<128xi32, #tpu.memory_space<vmem>>
      %dma_wait3A_178 = arith.constant 0 : i32
      %dma_wait3A_179 = arith.constant 0 : i32
      %dma_wait3A_180 = tpu.memref_slice %arg2[%dma_wait3A_178, %dma_wait3A_179] : memref<20480x128xf32, #tpu.memory_space<hbm>> -> memref<20480x128xf32, #tpu.memory_space<hbm>>
      tpu.wait_indirect_dma semaphore(%arg14 : memref<!tpu.dma_semaphore, #tpu.memory_space<semaphore_mem>>) src(%dma_wait3A_180 : memref<20480x128xf32, #tpu.memory_space<hbm>>) dst(%arg12 : memref<128x128xf32, #tpu.memory_space<vmem>>)
      %dma_start3A_181 = arith.constant 6 : i32
      %dma_start3A_182 = arith.constant 0 : i32
      %dma_start3A_183 = arith.constant 0 : i32
      %dma_start3A_184 = tpu.memref_slice %arg7[%dma_start3A_181, %dma_start3A_182, %dma_start3A_183] : memref<16x1x128xi32, #tpu.memory_space<vmem>> -> memref<1x1x128xi32, #tpu.memory_space<vmem>>
      %dma_start3A_185 = tpu.memref_squeeze %dma_start3A_184 : memref<1x1x128xi32, #tpu.memory_space<vmem>> -> memref<128xi32, #tpu.memory_space<vmem>>
      %dma_start3A_186 = arith.constant 0 : i32
      %dma_start3A_187 = arith.constant 0 : i32
      %dma_start3A_188 = tpu.memref_slice %arg2[%dma_start3A_186, %dma_start3A_187] : memref<20480x128xf32, #tpu.memory_space<hbm>> -> memref<20480x128xf32, #tpu.memory_space<hbm>>
      tpu.enqueue_indirect_dma source(%dma_start3A_188 : memref<20480x128xf32, #tpu.memory_space<hbm>>) target(%arg11 : memref<128x128xf32, #tpu.memory_space<vmem>>) offsets(%dma_start3A_185 : memref<128xi32, #tpu.memory_space<vmem>>) semaphore(%arg13 : memref<!tpu.dma_semaphore, #tpu.memory_space<semaphore_mem>>)
      %run_scoped3A_189 = arith.constant 5 : i32
      %run_scoped3A_190 = arith.constant 0 : i32
      "tpu.region"() ({
        %run_scoped3A_671 = tpu.sem_alloc : memref<!tpu.dma_semaphore, #tpu.memory_space<semaphore_mem>>
        %dma_start3A_672 = arith.constant 0 : i32
        %dma_start3A_673 = tpu.memref_slice %arg9[%run_scoped3A_189, %run_scoped3A_190, %dma_start3A_672] : memref<16x1x128xi32, #tpu.memory_space<vmem>> -> memref<1x1x128xi32, #tpu.memory_space<vmem>>
        %dma_start3A_674 = tpu.memref_squeeze %dma_start3A_673 : memref<1x1x128xi32, #tpu.memory_space<vmem>> -> memref<128xi32, #tpu.memory_space<vmem>>
        %dma_start3A_675 = arith.constant 0 : i32
        %dma_start3A_676 = arith.constant 0 : i32
        %dma_start3A_677 = tpu.memref_slice %arg6[%dma_start3A_675, %dma_start3A_676] : memref<10240x128xf32, #tpu.memory_space<vmem_shared>> -> memref<10240x128xf32, #tpu.memory_space<vmem_shared>>
        tpu.enqueue_indirect_dma source(%arg12 : memref<128x128xf32, #tpu.memory_space<vmem>>) target(%dma_start3A_677 : memref<10240x128xf32, #tpu.memory_space<vmem_shared>>) offsets(%dma_start3A_674 : memref<128xi32, #tpu.memory_space<vmem>>) semaphore(%run_scoped3A_671 : memref<!tpu.dma_semaphore, #tpu.memory_space<semaphore_mem>>) {add = true}
        %dma_wait3A_678 = arith.constant 0 : i32
        %dma_wait3A_679 = tpu.memref_slice %arg9[%run_scoped3A_189, %run_scoped3A_190, %dma_wait3A_678] : memref<16x1x128xi32, #tpu.memory_space<vmem>> -> memref<1x1x128xi32, #tpu.memory_space<vmem>>
        %dma_wait3A_680 = tpu.memref_squeeze %dma_wait3A_679 : memref<1x1x128xi32, #tpu.memory_space<vmem>> -> memref<128xi32, #tpu.memory_space<vmem>>
        %dma_wait3A_681 = arith.constant 0 : i32
        %dma_wait3A_682 = arith.constant 0 : i32
        %dma_wait3A_683 = tpu.memref_slice %arg6[%dma_wait3A_681, %dma_wait3A_682] : memref<10240x128xf32, #tpu.memory_space<vmem_shared>> -> memref<10240x128xf32, #tpu.memory_space<vmem_shared>>
        tpu.wait_indirect_dma semaphore(%run_scoped3A_671 : memref<!tpu.dma_semaphore, #tpu.memory_space<semaphore_mem>>) src(%arg12 : memref<128x128xf32, #tpu.memory_space<vmem>>) dst(%dma_wait3A_683 : memref<10240x128xf32, #tpu.memory_space<vmem_shared>>)
        tpu.yield
      }) : () -> ()
      %dma_wait3A_191 = arith.constant 6 : i32
      %dma_wait3A_192 = arith.constant 0 : i32
      %dma_wait3A_193 = arith.constant 0 : i32
      %dma_wait3A_194 = tpu.memref_slice %arg7[%dma_wait3A_191, %dma_wait3A_192, %dma_wait3A_193] : memref<16x1x128xi32, #tpu.memory_space<vmem>> -> memref<1x1x128xi32, #tpu.memory_space<vmem>>
      %dma_wait3A_195 = tpu.memref_squeeze %dma_wait3A_194 : memref<1x1x128xi32, #tpu.memory_space<vmem>> -> memref<128xi32, #tpu.memory_space<vmem>>
      %dma_wait3A_196 = arith.constant 0 : i32
      %dma_wait3A_197 = arith.constant 0 : i32
      %dma_wait3A_198 = tpu.memref_slice %arg2[%dma_wait3A_196, %dma_wait3A_197] : memref<20480x128xf32, #tpu.memory_space<hbm>> -> memref<20480x128xf32, #tpu.memory_space<hbm>>
      tpu.wait_indirect_dma semaphore(%arg13 : memref<!tpu.dma_semaphore, #tpu.memory_space<semaphore_mem>>) src(%dma_wait3A_198 : memref<20480x128xf32, #tpu.memory_space<hbm>>) dst(%arg11 : memref<128x128xf32, #tpu.memory_space<vmem>>)
      %dma_start3A_199 = arith.constant 7 : i32
      %dma_start3A_200 = arith.constant 0 : i32
      %dma_start3A_201 = arith.constant 0 : i32
      %dma_start3A_202 = tpu.memref_slice %arg7[%dma_start3A_199, %dma_start3A_200, %dma_start3A_201] : memref<16x1x128xi32, #tpu.memory_space<vmem>> -> memref<1x1x128xi32, #tpu.memory_space<vmem>>
      %dma_start3A_203 = tpu.memref_squeeze %dma_start3A_202 : memref<1x1x128xi32, #tpu.memory_space<vmem>> -> memref<128xi32, #tpu.memory_space<vmem>>
      %dma_start3A_204 = arith.constant 0 : i32
      %dma_start3A_205 = arith.constant 0 : i32
      %dma_start3A_206 = tpu.memref_slice %arg2[%dma_start3A_204, %dma_start3A_205] : memref<20480x128xf32, #tpu.memory_space<hbm>> -> memref<20480x128xf32, #tpu.memory_space<hbm>>
      tpu.enqueue_indirect_dma source(%dma_start3A_206 : memref<20480x128xf32, #tpu.memory_space<hbm>>) target(%arg12 : memref<128x128xf32, #tpu.memory_space<vmem>>) offsets(%dma_start3A_203 : memref<128xi32, #tpu.memory_space<vmem>>) semaphore(%arg14 : memref<!tpu.dma_semaphore, #tpu.memory_space<semaphore_mem>>)
      %run_scoped3A_207 = arith.constant 6 : i32
      %run_scoped3A_208 = arith.constant 0 : i32
      "tpu.region"() ({
        %run_scoped3A_671 = tpu.sem_alloc : memref<!tpu.dma_semaphore, #tpu.memory_space<semaphore_mem>>
        %dma_start3A_672 = arith.constant 0 : i32
        %dma_start3A_673 = tpu.memref_slice %arg9[%run_scoped3A_207, %run_scoped3A_208, %dma_start3A_672] : memref<16x1x128xi32, #tpu.memory_space<vmem>> -> memref<1x1x128xi32, #tpu.memory_space<vmem>>
        %dma_start3A_674 = tpu.memref_squeeze %dma_start3A_673 : memref<1x1x128xi32, #tpu.memory_space<vmem>> -> memref<128xi32, #tpu.memory_space<vmem>>
        %dma_start3A_675 = arith.constant 0 : i32
        %dma_start3A_676 = arith.constant 0 : i32
        %dma_start3A_677 = tpu.memref_slice %arg6[%dma_start3A_675, %dma_start3A_676] : memref<10240x128xf32, #tpu.memory_space<vmem_shared>> -> memref<10240x128xf32, #tpu.memory_space<vmem_shared>>
        tpu.enqueue_indirect_dma source(%arg11 : memref<128x128xf32, #tpu.memory_space<vmem>>) target(%dma_start3A_677 : memref<10240x128xf32, #tpu.memory_space<vmem_shared>>) offsets(%dma_start3A_674 : memref<128xi32, #tpu.memory_space<vmem>>) semaphore(%run_scoped3A_671 : memref<!tpu.dma_semaphore, #tpu.memory_space<semaphore_mem>>) {add = true}
        %dma_wait3A_678 = arith.constant 0 : i32
        %dma_wait3A_679 = tpu.memref_slice %arg9[%run_scoped3A_207, %run_scoped3A_208, %dma_wait3A_678] : memref<16x1x128xi32, #tpu.memory_space<vmem>> -> memref<1x1x128xi32, #tpu.memory_space<vmem>>
        %dma_wait3A_680 = tpu.memref_squeeze %dma_wait3A_679 : memref<1x1x128xi32, #tpu.memory_space<vmem>> -> memref<128xi32, #tpu.memory_space<vmem>>
        %dma_wait3A_681 = arith.constant 0 : i32
        %dma_wait3A_682 = arith.constant 0 : i32
        %dma_wait3A_683 = tpu.memref_slice %arg6[%dma_wait3A_681, %dma_wait3A_682] : memref<10240x128xf32, #tpu.memory_space<vmem_shared>> -> memref<10240x128xf32, #tpu.memory_space<vmem_shared>>
        tpu.wait_indirect_dma semaphore(%run_scoped3A_671 : memref<!tpu.dma_semaphore, #tpu.memory_space<semaphore_mem>>) src(%arg11 : memref<128x128xf32, #tpu.memory_space<vmem>>) dst(%dma_wait3A_683 : memref<10240x128xf32, #tpu.memory_space<vmem_shared>>)
        tpu.yield
      }) : () -> ()
      %dma_wait3A_209 = arith.constant 7 : i32
      %dma_wait3A_210 = arith.constant 0 : i32
      %dma_wait3A_211 = arith.constant 0 : i32
      %dma_wait3A_212 = tpu.memref_slice %arg7[%dma_wait3A_209, %dma_wait3A_210, %dma_wait3A_211] : memref<16x1x128xi32, #tpu.memory_space<vmem>> -> memref<1x1x128xi32, #tpu.memory_space<vmem>>
      %dma_wait3A_213 = tpu.memref_squeeze %dma_wait3A_212 : memref<1x1x128xi32, #tpu.memory_space<vmem>> -> memref<128xi32, #tpu.memory_space<vmem>>
      %dma_wait3A_214 = arith.constant 0 : i32
      %dma_wait3A_215 = arith.constant 0 : i32
      %dma_wait3A_216 = tpu.memref_slice %arg2[%dma_wait3A_214, %dma_wait3A_215] : memref<20480x128xf32, #tpu.memory_space<hbm>> -> memref<20480x128xf32, #tpu.memory_space<hbm>>
      tpu.wait_indirect_dma semaphore(%arg14 : memref<!tpu.dma_semaphore, #tpu.memory_space<semaphore_mem>>) src(%dma_wait3A_216 : memref<20480x128xf32, #tpu.memory_space<hbm>>) dst(%arg12 : memref<128x128xf32, #tpu.memory_space<vmem>>)
      %dma_start3A_217 = arith.constant 8 : i32
      %dma_start3A_218 = arith.constant 0 : i32
      %dma_start3A_219 = arith.constant 0 : i32
      %dma_start3A_220 = tpu.memref_slice %arg7[%dma_start3A_217, %dma_start3A_218, %dma_start3A_219] : memref<16x1x128xi32, #tpu.memory_space<vmem>> -> memref<1x1x128xi32, #tpu.memory_space<vmem>>
      %dma_start3A_221 = tpu.memref_squeeze %dma_start3A_220 : memref<1x1x128xi32, #tpu.memory_space<vmem>> -> memref<128xi32, #tpu.memory_space<vmem>>
      %dma_start3A_222 = arith.constant 0 : i32
      %dma_start3A_223 = arith.constant 0 : i32
      %dma_start3A_224 = tpu.memref_slice %arg2[%dma_start3A_222, %dma_start3A_223] : memref<20480x128xf32, #tpu.memory_space<hbm>> -> memref<20480x128xf32, #tpu.memory_space<hbm>>
      tpu.enqueue_indirect_dma source(%dma_start3A_224 : memref<20480x128xf32, #tpu.memory_space<hbm>>) target(%arg11 : memref<128x128xf32, #tpu.memory_space<vmem>>) offsets(%dma_start3A_221 : memref<128xi32, #tpu.memory_space<vmem>>) semaphore(%arg13 : memref<!tpu.dma_semaphore, #tpu.memory_space<semaphore_mem>>)
      %run_scoped3A_225 = arith.constant 7 : i32
      %run_scoped3A_226 = arith.constant 0 : i32
      "tpu.region"() ({
        %run_scoped3A_671 = tpu.sem_alloc : memref<!tpu.dma_semaphore, #tpu.memory_space<semaphore_mem>>
        %dma_start3A_672 = arith.constant 0 : i32
        %dma_start3A_673 = tpu.memref_slice %arg9[%run_scoped3A_225, %run_scoped3A_226, %dma_start3A_672] : memref<16x1x128xi32, #tpu.memory_space<vmem>> -> memref<1x1x128xi32, #tpu.memory_space<vmem>>
        %dma_start3A_674 = tpu.memref_squeeze %dma_start3A_673 : memref<1x1x128xi32, #tpu.memory_space<vmem>> -> memref<128xi32, #tpu.memory_space<vmem>>
        %dma_start3A_675 = arith.constant 0 : i32
        %dma_start3A_676 = arith.constant 0 : i32
        %dma_start3A_677 = tpu.memref_slice %arg6[%dma_start3A_675, %dma_start3A_676] : memref<10240x128xf32, #tpu.memory_space<vmem_shared>> -> memref<10240x128xf32, #tpu.memory_space<vmem_shared>>
        tpu.enqueue_indirect_dma source(%arg12 : memref<128x128xf32, #tpu.memory_space<vmem>>) target(%dma_start3A_677 : memref<10240x128xf32, #tpu.memory_space<vmem_shared>>) offsets(%dma_start3A_674 : memref<128xi32, #tpu.memory_space<vmem>>) semaphore(%run_scoped3A_671 : memref<!tpu.dma_semaphore, #tpu.memory_space<semaphore_mem>>) {add = true}
        %dma_wait3A_678 = arith.constant 0 : i32
        %dma_wait3A_679 = tpu.memref_slice %arg9[%run_scoped3A_225, %run_scoped3A_226, %dma_wait3A_678] : memref<16x1x128xi32, #tpu.memory_space<vmem>> -> memref<1x1x128xi32, #tpu.memory_space<vmem>>
        %dma_wait3A_680 = tpu.memref_squeeze %dma_wait3A_679 : memref<1x1x128xi32, #tpu.memory_space<vmem>> -> memref<128xi32, #tpu.memory_space<vmem>>
        %dma_wait3A_681 = arith.constant 0 : i32
        %dma_wait3A_682 = arith.constant 0 : i32
        %dma_wait3A_683 = tpu.memref_slice %arg6[%dma_wait3A_681, %dma_wait3A_682] : memref<10240x128xf32, #tpu.memory_space<vmem_shared>> -> memref<10240x128xf32, #tpu.memory_space<vmem_shared>>
        tpu.wait_indirect_dma semaphore(%run_scoped3A_671 : memref<!tpu.dma_semaphore, #tpu.memory_space<semaphore_mem>>) src(%arg12 : memref<128x128xf32, #tpu.memory_space<vmem>>) dst(%dma_wait3A_683 : memref<10240x128xf32, #tpu.memory_space<vmem_shared>>)
        tpu.yield
      }) : () -> ()
      %dma_wait3A_227 = arith.constant 8 : i32
      %dma_wait3A_228 = arith.constant 0 : i32
      %dma_wait3A_229 = arith.constant 0 : i32
      %dma_wait3A_230 = tpu.memref_slice %arg7[%dma_wait3A_227, %dma_wait3A_228, %dma_wait3A_229] : memref<16x1x128xi32, #tpu.memory_space<vmem>> -> memref<1x1x128xi32, #tpu.memory_space<vmem>>
      %dma_wait3A_231 = tpu.memref_squeeze %dma_wait3A_230 : memref<1x1x128xi32, #tpu.memory_space<vmem>> -> memref<128xi32, #tpu.memory_space<vmem>>
      %dma_wait3A_232 = arith.constant 0 : i32
      %dma_wait3A_233 = arith.constant 0 : i32
      %dma_wait3A_234 = tpu.memref_slice %arg2[%dma_wait3A_232, %dma_wait3A_233] : memref<20480x128xf32, #tpu.memory_space<hbm>> -> memref<20480x128xf32, #tpu.memory_space<hbm>>
      tpu.wait_indirect_dma semaphore(%arg13 : memref<!tpu.dma_semaphore, #tpu.memory_space<semaphore_mem>>) src(%dma_wait3A_234 : memref<20480x128xf32, #tpu.memory_space<hbm>>) dst(%arg11 : memref<128x128xf32, #tpu.memory_space<vmem>>)
      %dma_start3A_235 = arith.constant 9 : i32
      %dma_start3A_236 = arith.constant 0 : i32
      %dma_start3A_237 = arith.constant 0 : i32
      %dma_start3A_238 = tpu.memref_slice %arg7[%dma_start3A_235, %dma_start3A_236, %dma_start3A_237] : memref<16x1x128xi32, #tpu.memory_space<vmem>> -> memref<1x1x128xi32, #tpu.memory_space<vmem>>
      %dma_start3A_239 = tpu.memref_squeeze %dma_start3A_238 : memref<1x1x128xi32, #tpu.memory_space<vmem>> -> memref<128xi32, #tpu.memory_space<vmem>>
      %dma_start3A_240 = arith.constant 0 : i32
      %dma_start3A_241 = arith.constant 0 : i32
      %dma_start3A_242 = tpu.memref_slice %arg2[%dma_start3A_240, %dma_start3A_241] : memref<20480x128xf32, #tpu.memory_space<hbm>> -> memref<20480x128xf32, #tpu.memory_space<hbm>>
      tpu.enqueue_indirect_dma source(%dma_start3A_242 : memref<20480x128xf32, #tpu.memory_space<hbm>>) target(%arg12 : memref<128x128xf32, #tpu.memory_space<vmem>>) offsets(%dma_start3A_239 : memref<128xi32, #tpu.memory_space<vmem>>) semaphore(%arg14 : memref<!tpu.dma_semaphore, #tpu.memory_space<semaphore_mem>>)
      %run_scoped3A_243 = arith.constant 8 : i32
      %run_scoped3A_244 = arith.constant 0 : i32
      "tpu.region"() ({
        %run_scoped3A_671 = tpu.sem_alloc : memref<!tpu.dma_semaphore, #tpu.memory_space<semaphore_mem>>
        %dma_start3A_672 = arith.constant 0 : i32
        %dma_start3A_673 = tpu.memref_slice %arg9[%run_scoped3A_243, %run_scoped3A_244, %dma_start3A_672] : memref<16x1x128xi32, #tpu.memory_space<vmem>> -> memref<1x1x128xi32, #tpu.memory_space<vmem>>
        %dma_start3A_674 = tpu.memref_squeeze %dma_start3A_673 : memref<1x1x128xi32, #tpu.memory_space<vmem>> -> memref<128xi32, #tpu.memory_space<vmem>>
        %dma_start3A_675 = arith.constant 0 : i32
        %dma_start3A_676 = arith.constant 0 : i32
        %dma_start3A_677 = tpu.memref_slice %arg6[%dma_start3A_675, %dma_start3A_676] : memref<10240x128xf32, #tpu.memory_space<vmem_shared>> -> memref<10240x128xf32, #tpu.memory_space<vmem_shared>>
        tpu.enqueue_indirect_dma source(%arg11 : memref<128x128xf32, #tpu.memory_space<vmem>>) target(%dma_start3A_677 : memref<10240x128xf32, #tpu.memory_space<vmem_shared>>) offsets(%dma_start3A_674 : memref<128xi32, #tpu.memory_space<vmem>>) semaphore(%run_scoped3A_671 : memref<!tpu.dma_semaphore, #tpu.memory_space<semaphore_mem>>) {add = true}
        %dma_wait3A_678 = arith.constant 0 : i32
        %dma_wait3A_679 = tpu.memref_slice %arg9[%run_scoped3A_243, %run_scoped3A_244, %dma_wait3A_678] : memref<16x1x128xi32, #tpu.memory_space<vmem>> -> memref<1x1x128xi32, #tpu.memory_space<vmem>>
        %dma_wait3A_680 = tpu.memref_squeeze %dma_wait3A_679 : memref<1x1x128xi32, #tpu.memory_space<vmem>> -> memref<128xi32, #tpu.memory_space<vmem>>
        %dma_wait3A_681 = arith.constant 0 : i32
        %dma_wait3A_682 = arith.constant 0 : i32
        %dma_wait3A_683 = tpu.memref_slice %arg6[%dma_wait3A_681, %dma_wait3A_682] : memref<10240x128xf32, #tpu.memory_space<vmem_shared>> -> memref<10240x128xf32, #tpu.memory_space<vmem_shared>>
        tpu.wait_indirect_dma semaphore(%run_scoped3A_671 : memref<!tpu.dma_semaphore, #tpu.memory_space<semaphore_mem>>) src(%arg11 : memref<128x128xf32, #tpu.memory_space<vmem>>) dst(%dma_wait3A_683 : memref<10240x128xf32, #tpu.memory_space<vmem_shared>>)
        tpu.yield
      }) : () -> ()
      %dma_wait3A_245 = arith.constant 9 : i32
      %dma_wait3A_246 = arith.constant 0 : i32
      %dma_wait3A_247 = arith.constant 0 : i32
      %dma_wait3A_248 = tpu.memref_slice %arg7[%dma_wait3A_245, %dma_wait3A_246, %dma_wait3A_247] : memref<16x1x128xi32, #tpu.memory_space<vmem>> -> memref<1x1x128xi32, #tpu.memory_space<vmem>>
      %dma_wait3A_249 = tpu.memref_squeeze %dma_wait3A_248 : memref<1x1x128xi32, #tpu.memory_space<vmem>> -> memref<128xi32, #tpu.memory_space<vmem>>
      %dma_wait3A_250 = arith.constant 0 : i32
      %dma_wait3A_251 = arith.constant 0 : i32
      %dma_wait3A_252 = tpu.memref_slice %arg2[%dma_wait3A_250, %dma_wait3A_251] : memref<20480x128xf32, #tpu.memory_space<hbm>> -> memref<20480x128xf32, #tpu.memory_space<hbm>>
      tpu.wait_indirect_dma semaphore(%arg14 : memref<!tpu.dma_semaphore, #tpu.memory_space<semaphore_mem>>) src(%dma_wait3A_252 : memref<20480x128xf32, #tpu.memory_space<hbm>>) dst(%arg12 : memref<128x128xf32, #tpu.memory_space<vmem>>)
      %dma_start3A_253 = arith.constant 10 : i32
      %dma_start3A_254 = arith.constant 0 : i32
      %dma_start3A_255 = arith.constant 0 : i32
      %dma_start3A_256 = tpu.memref_slice %arg7[%dma_start3A_253, %dma_start3A_254, %dma_start3A_255] : memref<16x1x128xi32, #tpu.memory_space<vmem>> -> memref<1x1x128xi32, #tpu.memory_space<vmem>>
      %dma_start3A_257 = tpu.memref_squeeze %dma_start3A_256 : memref<1x1x128xi32, #tpu.memory_space<vmem>> -> memref<128xi32, #tpu.memory_space<vmem>>
      %dma_start3A_258 = arith.constant 0 : i32
      %dma_start3A_259 = arith.constant 0 : i32
      %dma_start3A_260 = tpu.memref_slice %arg2[%dma_start3A_258, %dma_start3A_259] : memref<20480x128xf32, #tpu.memory_space<hbm>> -> memref<20480x128xf32, #tpu.memory_space<hbm>>
      tpu.enqueue_indirect_dma source(%dma_start3A_260 : memref<20480x128xf32, #tpu.memory_space<hbm>>) target(%arg11 : memref<128x128xf32, #tpu.memory_space<vmem>>) offsets(%dma_start3A_257 : memref<128xi32, #tpu.memory_space<vmem>>) semaphore(%arg13 : memref<!tpu.dma_semaphore, #tpu.memory_space<semaphore_mem>>)
      %run_scoped3A_261 = arith.constant 9 : i32
      %run_scoped3A_262 = arith.constant 0 : i32
      "tpu.region"() ({
        %run_scoped3A_671 = tpu.sem_alloc : memref<!tpu.dma_semaphore, #tpu.memory_space<semaphore_mem>>
        %dma_start3A_672 = arith.constant 0 : i32
        %dma_start3A_673 = tpu.memref_slice %arg9[%run_scoped3A_261, %run_scoped3A_262, %dma_start3A_672] : memref<16x1x128xi32, #tpu.memory_space<vmem>> -> memref<1x1x128xi32, #tpu.memory_space<vmem>>
        %dma_start3A_674 = tpu.memref_squeeze %dma_start3A_673 : memref<1x1x128xi32, #tpu.memory_space<vmem>> -> memref<128xi32, #tpu.memory_space<vmem>>
        %dma_start3A_675 = arith.constant 0 : i32
        %dma_start3A_676 = arith.constant 0 : i32
        %dma_start3A_677 = tpu.memref_slice %arg6[%dma_start3A_675, %dma_start3A_676] : memref<10240x128xf32, #tpu.memory_space<vmem_shared>> -> memref<10240x128xf32, #tpu.memory_space<vmem_shared>>
        tpu.enqueue_indirect_dma source(%arg12 : memref<128x128xf32, #tpu.memory_space<vmem>>) target(%dma_start3A_677 : memref<10240x128xf32, #tpu.memory_space<vmem_shared>>) offsets(%dma_start3A_674 : memref<128xi32, #tpu.memory_space<vmem>>) semaphore(%run_scoped3A_671 : memref<!tpu.dma_semaphore, #tpu.memory_space<semaphore_mem>>) {add = true}
        %dma_wait3A_678 = arith.constant 0 : i32
        %dma_wait3A_679 = tpu.memref_slice %arg9[%run_scoped3A_261, %run_scoped3A_262, %dma_wait3A_678] : memref<16x1x128xi32, #tpu.memory_space<vmem>> -> memref<1x1x128xi32, #tpu.memory_space<vmem>>
        %dma_wait3A_680 = tpu.memref_squeeze %dma_wait3A_679 : memref<1x1x128xi32, #tpu.memory_space<vmem>> -> memref<128xi32, #tpu.memory_space<vmem>>
        %dma_wait3A_681 = arith.constant 0 : i32
        %dma_wait3A_682 = arith.constant 0 : i32
        %dma_wait3A_683 = tpu.memref_slice %arg6[%dma_wait3A_681, %dma_wait3A_682] : memref<10240x128xf32, #tpu.memory_space<vmem_shared>> -> memref<10240x128xf32, #tpu.memory_space<vmem_shared>>
        tpu.wait_indirect_dma semaphore(%run_scoped3A_671 : memref<!tpu.dma_semaphore, #tpu.memory_space<semaphore_mem>>) src(%arg12 : memref<128x128xf32, #tpu.memory_space<vmem>>) dst(%dma_wait3A_683 : memref<10240x128xf32, #tpu.memory_space<vmem_shared>>)
        tpu.yield
      }) : () -> ()
      %dma_wait3A_263 = arith.constant 10 : i32
      %dma_wait3A_264 = arith.constant 0 : i32
      %dma_wait3A_265 = arith.constant 0 : i32
      %dma_wait3A_266 = tpu.memref_slice %arg7[%dma_wait3A_263, %dma_wait3A_264, %dma_wait3A_265] : memref<16x1x128xi32, #tpu.memory_space<vmem>> -> memref<1x1x128xi32, #tpu.memory_space<vmem>>
      %dma_wait3A_267 = tpu.memref_squeeze %dma_wait3A_266 : memref<1x1x128xi32, #tpu.memory_space<vmem>> -> memref<128xi32, #tpu.memory_space<vmem>>
      %dma_wait3A_268 = arith.constant 0 : i32
      %dma_wait3A_269 = arith.constant 0 : i32
      %dma_wait3A_270 = tpu.memref_slice %arg2[%dma_wait3A_268, %dma_wait3A_269] : memref<20480x128xf32, #tpu.memory_space<hbm>> -> memref<20480x128xf32, #tpu.memory_space<hbm>>
      tpu.wait_indirect_dma semaphore(%arg13 : memref<!tpu.dma_semaphore, #tpu.memory_space<semaphore_mem>>) src(%dma_wait3A_270 : memref<20480x128xf32, #tpu.memory_space<hbm>>) dst(%arg11 : memref<128x128xf32, #tpu.memory_space<vmem>>)
      %dma_start3A_271 = arith.constant 11 : i32
      %dma_start3A_272 = arith.constant 0 : i32
      %dma_start3A_273 = arith.constant 0 : i32
      %dma_start3A_274 = tpu.memref_slice %arg7[%dma_start3A_271, %dma_start3A_272, %dma_start3A_273] : memref<16x1x128xi32, #tpu.memory_space<vmem>> -> memref<1x1x128xi32, #tpu.memory_space<vmem>>
      %dma_start3A_275 = tpu.memref_squeeze %dma_start3A_274 : memref<1x1x128xi32, #tpu.memory_space<vmem>> -> memref<128xi32, #tpu.memory_space<vmem>>
      %dma_start3A_276 = arith.constant 0 : i32
      %dma_start3A_277 = arith.constant 0 : i32
      %dma_start3A_278 = tpu.memref_slice %arg2[%dma_start3A_276, %dma_start3A_277] : memref<20480x128xf32, #tpu.memory_space<hbm>> -> memref<20480x128xf32, #tpu.memory_space<hbm>>
      tpu.enqueue_indirect_dma source(%dma_start3A_278 : memref<20480x128xf32, #tpu.memory_space<hbm>>) target(%arg12 : memref<128x128xf32, #tpu.memory_space<vmem>>) offsets(%dma_start3A_275 : memref<128xi32, #tpu.memory_space<vmem>>) semaphore(%arg14 : memref<!tpu.dma_semaphore, #tpu.memory_space<semaphore_mem>>)
      %run_scoped3A_279 = arith.constant 10 : i32
      %run_scoped3A_280 = arith.constant 0 : i32
      "tpu.region"() ({
        %run_scoped3A_671 = tpu.sem_alloc : memref<!tpu.dma_semaphore, #tpu.memory_space<semaphore_mem>>
        %dma_start3A_672 = arith.constant 0 : i32
        %dma_start3A_673 = tpu.memref_slice %arg9[%run_scoped3A_279, %run_scoped3A_280, %dma_start3A_672] : memref<16x1x128xi32, #tpu.memory_space<vmem>> -> memref<1x1x128xi32, #tpu.memory_space<vmem>>
        %dma_start3A_674 = tpu.memref_squeeze %dma_start3A_673 : memref<1x1x128xi32, #tpu.memory_space<vmem>> -> memref<128xi32, #tpu.memory_space<vmem>>
        %dma_start3A_675 = arith.constant 0 : i32
        %dma_start3A_676 = arith.constant 0 : i32
        %dma_start3A_677 = tpu.memref_slice %arg6[%dma_start3A_675, %dma_start3A_676] : memref<10240x128xf32, #tpu.memory_space<vmem_shared>> -> memref<10240x128xf32, #tpu.memory_space<vmem_shared>>
        tpu.enqueue_indirect_dma source(%arg11 : memref<128x128xf32, #tpu.memory_space<vmem>>) target(%dma_start3A_677 : memref<10240x128xf32, #tpu.memory_space<vmem_shared>>) offsets(%dma_start3A_674 : memref<128xi32, #tpu.memory_space<vmem>>) semaphore(%run_scoped3A_671 : memref<!tpu.dma_semaphore, #tpu.memory_space<semaphore_mem>>) {add = true}
        %dma_wait3A_678 = arith.constant 0 : i32
        %dma_wait3A_679 = tpu.memref_slice %arg9[%run_scoped3A_279, %run_scoped3A_280, %dma_wait3A_678] : memref<16x1x128xi32, #tpu.memory_space<vmem>> -> memref<1x1x128xi32, #tpu.memory_space<vmem>>
        %dma_wait3A_680 = tpu.memref_squeeze %dma_wait3A_679 : memref<1x1x128xi32, #tpu.memory_space<vmem>> -> memref<128xi32, #tpu.memory_space<vmem>>
        %dma_wait3A_681 = arith.constant 0 : i32
        %dma_wait3A_682 = arith.constant 0 : i32
        %dma_wait3A_683 = tpu.memref_slice %arg6[%dma_wait3A_681, %dma_wait3A_682] : memref<10240x128xf32, #tpu.memory_space<vmem_shared>> -> memref<10240x128xf32, #tpu.memory_space<vmem_shared>>
        tpu.wait_indirect_dma semaphore(%run_scoped3A_671 : memref<!tpu.dma_semaphore, #tpu.memory_space<semaphore_mem>>) src(%arg11 : memref<128x128xf32, #tpu.memory_space<vmem>>) dst(%dma_wait3A_683 : memref<10240x128xf32, #tpu.memory_space<vmem_shared>>)
        tpu.yield
      }) : () -> ()
      %dma_wait3A_281 = arith.constant 11 : i32
      %dma_wait3A_282 = arith.constant 0 : i32
      %dma_wait3A_283 = arith.constant 0 : i32
      %dma_wait3A_284 = tpu.memref_slice %arg7[%dma_wait3A_281, %dma_wait3A_282, %dma_wait3A_283] : memref<16x1x128xi32, #tpu.memory_space<vmem>> -> memref<1x1x128xi32, #tpu.memory_space<vmem>>
      %dma_wait3A_285 = tpu.memref_squeeze %dma_wait3A_284 : memref<1x1x128xi32, #tpu.memory_space<vmem>> -> memref<128xi32, #tpu.memory_space<vmem>>
      %dma_wait3A_286 = arith.constant 0 : i32
      %dma_wait3A_287 = arith.constant 0 : i32
      %dma_wait3A_288 = tpu.memref_slice %arg2[%dma_wait3A_286, %dma_wait3A_287] : memref<20480x128xf32, #tpu.memory_space<hbm>> -> memref<20480x128xf32, #tpu.memory_space<hbm>>
      tpu.wait_indirect_dma semaphore(%arg14 : memref<!tpu.dma_semaphore, #tpu.memory_space<semaphore_mem>>) src(%dma_wait3A_288 : memref<20480x128xf32, #tpu.memory_space<hbm>>) dst(%arg12 : memref<128x128xf32, #tpu.memory_space<vmem>>)
      %dma_start3A_289 = arith.constant 12 : i32
      %dma_start3A_290 = arith.constant 0 : i32
      %dma_start3A_291 = arith.constant 0 : i32
      %dma_start3A_292 = tpu.memref_slice %arg7[%dma_start3A_289, %dma_start3A_290, %dma_start3A_291] : memref<16x1x128xi32, #tpu.memory_space<vmem>> -> memref<1x1x128xi32, #tpu.memory_space<vmem>>
      %dma_start3A_293 = tpu.memref_squeeze %dma_start3A_292 : memref<1x1x128xi32, #tpu.memory_space<vmem>> -> memref<128xi32, #tpu.memory_space<vmem>>
      %dma_start3A_294 = arith.constant 0 : i32
      %dma_start3A_295 = arith.constant 0 : i32
      %dma_start3A_296 = tpu.memref_slice %arg2[%dma_start3A_294, %dma_start3A_295] : memref<20480x128xf32, #tpu.memory_space<hbm>> -> memref<20480x128xf32, #tpu.memory_space<hbm>>
      tpu.enqueue_indirect_dma source(%dma_start3A_296 : memref<20480x128xf32, #tpu.memory_space<hbm>>) target(%arg11 : memref<128x128xf32, #tpu.memory_space<vmem>>) offsets(%dma_start3A_293 : memref<128xi32, #tpu.memory_space<vmem>>) semaphore(%arg13 : memref<!tpu.dma_semaphore, #tpu.memory_space<semaphore_mem>>)
      %run_scoped3A_297 = arith.constant 11 : i32
      %run_scoped3A_298 = arith.constant 0 : i32
      "tpu.region"() ({
        %run_scoped3A_671 = tpu.sem_alloc : memref<!tpu.dma_semaphore, #tpu.memory_space<semaphore_mem>>
        %dma_start3A_672 = arith.constant 0 : i32
        %dma_start3A_673 = tpu.memref_slice %arg9[%run_scoped3A_297, %run_scoped3A_298, %dma_start3A_672] : memref<16x1x128xi32, #tpu.memory_space<vmem>> -> memref<1x1x128xi32, #tpu.memory_space<vmem>>
        %dma_start3A_674 = tpu.memref_squeeze %dma_start3A_673 : memref<1x1x128xi32, #tpu.memory_space<vmem>> -> memref<128xi32, #tpu.memory_space<vmem>>
        %dma_start3A_675 = arith.constant 0 : i32
        %dma_start3A_676 = arith.constant 0 : i32
        %dma_start3A_677 = tpu.memref_slice %arg6[%dma_start3A_675, %dma_start3A_676] : memref<10240x128xf32, #tpu.memory_space<vmem_shared>> -> memref<10240x128xf32, #tpu.memory_space<vmem_shared>>
        tpu.enqueue_indirect_dma source(%arg12 : memref<128x128xf32, #tpu.memory_space<vmem>>) target(%dma_start3A_677 : memref<10240x128xf32, #tpu.memory_space<vmem_shared>>) offsets(%dma_start3A_674 : memref<128xi32, #tpu.memory_space<vmem>>) semaphore(%run_scoped3A_671 : memref<!tpu.dma_semaphore, #tpu.memory_space<semaphore_mem>>) {add = true}
        %dma_wait3A_678 = arith.constant 0 : i32
        %dma_wait3A_679 = tpu.memref_slice %arg9[%run_scoped3A_297, %run_scoped3A_298, %dma_wait3A_678] : memref<16x1x128xi32, #tpu.memory_space<vmem>> -> memref<1x1x128xi32, #tpu.memory_space<vmem>>
        %dma_wait3A_680 = tpu.memref_squeeze %dma_wait3A_679 : memref<1x1x128xi32, #tpu.memory_space<vmem>> -> memref<128xi32, #tpu.memory_space<vmem>>
        %dma_wait3A_681 = arith.constant 0 : i32
        %dma_wait3A_682 = arith.constant 0 : i32
        %dma_wait3A_683 = tpu.memref_slice %arg6[%dma_wait3A_681, %dma_wait3A_682] : memref<10240x128xf32, #tpu.memory_space<vmem_shared>> -> memref<10240x128xf32, #tpu.memory_space<vmem_shared>>
        tpu.wait_indirect_dma semaphore(%run_scoped3A_671 : memref<!tpu.dma_semaphore, #tpu.memory_space<semaphore_mem>>) src(%arg12 : memref<128x128xf32, #tpu.memory_space<vmem>>) dst(%dma_wait3A_683 : memref<10240x128xf32, #tpu.memory_space<vmem_shared>>)
        tpu.yield
      }) : () -> ()
      %dma_wait3A_299 = arith.constant 12 : i32
      %dma_wait3A_300 = arith.constant 0 : i32
      %dma_wait3A_301 = arith.constant 0 : i32
      %dma_wait3A_302 = tpu.memref_slice %arg7[%dma_wait3A_299, %dma_wait3A_300, %dma_wait3A_301] : memref<16x1x128xi32, #tpu.memory_space<vmem>> -> memref<1x1x128xi32, #tpu.memory_space<vmem>>
      %dma_wait3A_303 = tpu.memref_squeeze %dma_wait3A_302 : memref<1x1x128xi32, #tpu.memory_space<vmem>> -> memref<128xi32, #tpu.memory_space<vmem>>
      %dma_wait3A_304 = arith.constant 0 : i32
      %dma_wait3A_305 = arith.constant 0 : i32
      %dma_wait3A_306 = tpu.memref_slice %arg2[%dma_wait3A_304, %dma_wait3A_305] : memref<20480x128xf32, #tpu.memory_space<hbm>> -> memref<20480x128xf32, #tpu.memory_space<hbm>>
      tpu.wait_indirect_dma semaphore(%arg13 : memref<!tpu.dma_semaphore, #tpu.memory_space<semaphore_mem>>) src(%dma_wait3A_306 : memref<20480x128xf32, #tpu.memory_space<hbm>>) dst(%arg11 : memref<128x128xf32, #tpu.memory_space<vmem>>)
      %dma_start3A_307 = arith.constant 13 : i32
      %dma_start3A_308 = arith.constant 0 : i32
      %dma_start3A_309 = arith.constant 0 : i32
      %dma_start3A_310 = tpu.memref_slice %arg7[%dma_start3A_307, %dma_start3A_308, %dma_start3A_309] : memref<16x1x128xi32, #tpu.memory_space<vmem>> -> memref<1x1x128xi32, #tpu.memory_space<vmem>>
      %dma_start3A_311 = tpu.memref_squeeze %dma_start3A_310 : memref<1x1x128xi32, #tpu.memory_space<vmem>> -> memref<128xi32, #tpu.memory_space<vmem>>
      %dma_start3A_312 = arith.constant 0 : i32
      %dma_start3A_313 = arith.constant 0 : i32
      %dma_start3A_314 = tpu.memref_slice %arg2[%dma_start3A_312, %dma_start3A_313] : memref<20480x128xf32, #tpu.memory_space<hbm>> -> memref<20480x128xf32, #tpu.memory_space<hbm>>
      tpu.enqueue_indirect_dma source(%dma_start3A_314 : memref<20480x128xf32, #tpu.memory_space<hbm>>) target(%arg12 : memref<128x128xf32, #tpu.memory_space<vmem>>) offsets(%dma_start3A_311 : memref<128xi32, #tpu.memory_space<vmem>>) semaphore(%arg14 : memref<!tpu.dma_semaphore, #tpu.memory_space<semaphore_mem>>)
      %run_scoped3A_315 = arith.constant 12 : i32
      %run_scoped3A_316 = arith.constant 0 : i32
      "tpu.region"() ({
        %run_scoped3A_671 = tpu.sem_alloc : memref<!tpu.dma_semaphore, #tpu.memory_space<semaphore_mem>>
        %dma_start3A_672 = arith.constant 0 : i32
        %dma_start3A_673 = tpu.memref_slice %arg9[%run_scoped3A_315, %run_scoped3A_316, %dma_start3A_672] : memref<16x1x128xi32, #tpu.memory_space<vmem>> -> memref<1x1x128xi32, #tpu.memory_space<vmem>>
        %dma_start3A_674 = tpu.memref_squeeze %dma_start3A_673 : memref<1x1x128xi32, #tpu.memory_space<vmem>> -> memref<128xi32, #tpu.memory_space<vmem>>
        %dma_start3A_675 = arith.constant 0 : i32
        %dma_start3A_676 = arith.constant 0 : i32
        %dma_start3A_677 = tpu.memref_slice %arg6[%dma_start3A_675, %dma_start3A_676] : memref<10240x128xf32, #tpu.memory_space<vmem_shared>> -> memref<10240x128xf32, #tpu.memory_space<vmem_shared>>
        tpu.enqueue_indirect_dma source(%arg11 : memref<128x128xf32, #tpu.memory_space<vmem>>) target(%dma_start3A_677 : memref<10240x128xf32, #tpu.memory_space<vmem_shared>>) offsets(%dma_start3A_674 : memref<128xi32, #tpu.memory_space<vmem>>) semaphore(%run_scoped3A_671 : memref<!tpu.dma_semaphore, #tpu.memory_space<semaphore_mem>>) {add = true}
        %dma_wait3A_678 = arith.constant 0 : i32
        %dma_wait3A_679 = tpu.memref_slice %arg9[%run_scoped3A_315, %run_scoped3A_316, %dma_wait3A_678] : memref<16x1x128xi32, #tpu.memory_space<vmem>> -> memref<1x1x128xi32, #tpu.memory_space<vmem>>
        %dma_wait3A_680 = tpu.memref_squeeze %dma_wait3A_679 : memref<1x1x128xi32, #tpu.memory_space<vmem>> -> memref<128xi32, #tpu.memory_space<vmem>>
        %dma_wait3A_681 = arith.constant 0 : i32
        %dma_wait3A_682 = arith.constant 0 : i32
        %dma_wait3A_683 = tpu.memref_slice %arg6[%dma_wait3A_681, %dma_wait3A_682] : memref<10240x128xf32, #tpu.memory_space<vmem_shared>> -> memref<10240x128xf32, #tpu.memory_space<vmem_shared>>
        tpu.wait_indirect_dma semaphore(%run_scoped3A_671 : memref<!tpu.dma_semaphore, #tpu.memory_space<semaphore_mem>>) src(%arg11 : memref<128x128xf32, #tpu.memory_space<vmem>>) dst(%dma_wait3A_683 : memref<10240x128xf32, #tpu.memory_space<vmem_shared>>)
        tpu.yield
      }) : () -> ()
      %dma_wait3A_317 = arith.constant 13 : i32
      %dma_wait3A_318 = arith.constant 0 : i32
      %dma_wait3A_319 = arith.constant 0 : i32
      %dma_wait3A_320 = tpu.memref_slice %arg7[%dma_wait3A_317, %dma_wait3A_318, %dma_wait3A_319] : memref<16x1x128xi32, #tpu.memory_space<vmem>> -> memref<1x1x128xi32, #tpu.memory_space<vmem>>
      %dma_wait3A_321 = tpu.memref_squeeze %dma_wait3A_320 : memref<1x1x128xi32, #tpu.memory_space<vmem>> -> memref<128xi32, #tpu.memory_space<vmem>>
      %dma_wait3A_322 = arith.constant 0 : i32
      %dma_wait3A_323 = arith.constant 0 : i32
      %dma_wait3A_324 = tpu.memref_slice %arg2[%dma_wait3A_322, %dma_wait3A_323] : memref<20480x128xf32, #tpu.memory_space<hbm>> -> memref<20480x128xf32, #tpu.memory_space<hbm>>
      tpu.wait_indirect_dma semaphore(%arg14 : memref<!tpu.dma_semaphore, #tpu.memory_space<semaphore_mem>>) src(%dma_wait3A_324 : memref<20480x128xf32, #tpu.memory_space<hbm>>) dst(%arg12 : memref<128x128xf32, #tpu.memory_space<vmem>>)
      %dma_start3A_325 = arith.constant 14 : i32
      %dma_start3A_326 = arith.constant 0 : i32
      %dma_start3A_327 = arith.constant 0 : i32
      %dma_start3A_328 = tpu.memref_slice %arg7[%dma_start3A_325, %dma_start3A_326, %dma_start3A_327] : memref<16x1x128xi32, #tpu.memory_space<vmem>> -> memref<1x1x128xi32, #tpu.memory_space<vmem>>
      %dma_start3A_329 = tpu.memref_squeeze %dma_start3A_328 : memref<1x1x128xi32, #tpu.memory_space<vmem>> -> memref<128xi32, #tpu.memory_space<vmem>>
      %dma_start3A_330 = arith.constant 0 : i32
      %dma_start3A_331 = arith.constant 0 : i32
      %dma_start3A_332 = tpu.memref_slice %arg2[%dma_start3A_330, %dma_start3A_331] : memref<20480x128xf32, #tpu.memory_space<hbm>> -> memref<20480x128xf32, #tpu.memory_space<hbm>>
      tpu.enqueue_indirect_dma source(%dma_start3A_332 : memref<20480x128xf32, #tpu.memory_space<hbm>>) target(%arg11 : memref<128x128xf32, #tpu.memory_space<vmem>>) offsets(%dma_start3A_329 : memref<128xi32, #tpu.memory_space<vmem>>) semaphore(%arg13 : memref<!tpu.dma_semaphore, #tpu.memory_space<semaphore_mem>>)
      %run_scoped3A_333 = arith.constant 13 : i32
      %run_scoped3A_334 = arith.constant 0 : i32
      "tpu.region"() ({
        %run_scoped3A_671 = tpu.sem_alloc : memref<!tpu.dma_semaphore, #tpu.memory_space<semaphore_mem>>
        %dma_start3A_672 = arith.constant 0 : i32
        %dma_start3A_673 = tpu.memref_slice %arg9[%run_scoped3A_333, %run_scoped3A_334, %dma_start3A_672] : memref<16x1x128xi32, #tpu.memory_space<vmem>> -> memref<1x1x128xi32, #tpu.memory_space<vmem>>
        %dma_start3A_674 = tpu.memref_squeeze %dma_start3A_673 : memref<1x1x128xi32, #tpu.memory_space<vmem>> -> memref<128xi32, #tpu.memory_space<vmem>>
        %dma_start3A_675 = arith.constant 0 : i32
        %dma_start3A_676 = arith.constant 0 : i32
        %dma_start3A_677 = tpu.memref_slice %arg6[%dma_start3A_675, %dma_start3A_676] : memref<10240x128xf32, #tpu.memory_space<vmem_shared>> -> memref<10240x128xf32, #tpu.memory_space<vmem_shared>>
        tpu.enqueue_indirect_dma source(%arg12 : memref<128x128xf32, #tpu.memory_space<vmem>>) target(%dma_start3A_677 : memref<10240x128xf32, #tpu.memory_space<vmem_shared>>) offsets(%dma_start3A_674 : memref<128xi32, #tpu.memory_space<vmem>>) semaphore(%run_scoped3A_671 : memref<!tpu.dma_semaphore, #tpu.memory_space<semaphore_mem>>) {add = true}
        %dma_wait3A_678 = arith.constant 0 : i32
        %dma_wait3A_679 = tpu.memref_slice %arg9[%run_scoped3A_333, %run_scoped3A_334, %dma_wait3A_678] : memref<16x1x128xi32, #tpu.memory_space<vmem>> -> memref<1x1x128xi32, #tpu.memory_space<vmem>>
        %dma_wait3A_680 = tpu.memref_squeeze %dma_wait3A_679 : memref<1x1x128xi32, #tpu.memory_space<vmem>> -> memref<128xi32, #tpu.memory_space<vmem>>
        %dma_wait3A_681 = arith.constant 0 : i32
        %dma_wait3A_682 = arith.constant 0 : i32
        %dma_wait3A_683 = tpu.memref_slice %arg6[%dma_wait3A_681, %dma_wait3A_682] : memref<10240x128xf32, #tpu.memory_space<vmem_shared>> -> memref<10240x128xf32, #tpu.memory_space<vmem_shared>>
        tpu.wait_indirect_dma semaphore(%run_scoped3A_671 : memref<!tpu.dma_semaphore, #tpu.memory_space<semaphore_mem>>) src(%arg12 : memref<128x128xf32, #tpu.memory_space<vmem>>) dst(%dma_wait3A_683 : memref<10240x128xf32, #tpu.memory_space<vmem_shared>>)
        tpu.yield
      }) : () -> ()
      %dma_wait3A_335 = arith.constant 14 : i32
      %dma_wait3A_336 = arith.constant 0 : i32
      %dma_wait3A_337 = arith.constant 0 : i32
      %dma_wait3A_338 = tpu.memref_slice %arg7[%dma_wait3A_335, %dma_wait3A_336, %dma_wait3A_337] : memref<16x1x128xi32, #tpu.memory_space<vmem>> -> memref<1x1x128xi32, #tpu.memory_space<vmem>>
      %dma_wait3A_339 = tpu.memref_squeeze %dma_wait3A_338 : memref<1x1x128xi32, #tpu.memory_space<vmem>> -> memref<128xi32, #tpu.memory_space<vmem>>
      %dma_wait3A_340 = arith.constant 0 : i32
      %dma_wait3A_341 = arith.constant 0 : i32
      %dma_wait3A_342 = tpu.memref_slice %arg2[%dma_wait3A_340, %dma_wait3A_341] : memref<20480x128xf32, #tpu.memory_space<hbm>> -> memref<20480x128xf32, #tpu.memory_space<hbm>>
      tpu.wait_indirect_dma semaphore(%arg13 : memref<!tpu.dma_semaphore, #tpu.memory_space<semaphore_mem>>) src(%dma_wait3A_342 : memref<20480x128xf32, #tpu.memory_space<hbm>>) dst(%arg11 : memref<128x128xf32, #tpu.memory_space<vmem>>)
      %dma_start3A_343 = arith.constant 15 : i32
      %dma_start3A_344 = arith.constant 0 : i32
      %dma_start3A_345 = arith.constant 0 : i32
      %dma_start3A_346 = tpu.memref_slice %arg7[%dma_start3A_343, %dma_start3A_344, %dma_start3A_345] : memref<16x1x128xi32, #tpu.memory_space<vmem>> -> memref<1x1x128xi32, #tpu.memory_space<vmem>>
      %dma_start3A_347 = tpu.memref_squeeze %dma_start3A_346 : memref<1x1x128xi32, #tpu.memory_space<vmem>> -> memref<128xi32, #tpu.memory_space<vmem>>
      %dma_start3A_348 = arith.constant 0 : i32
      %dma_start3A_349 = arith.constant 0 : i32
      %dma_start3A_350 = tpu.memref_slice %arg2[%dma_start3A_348, %dma_start3A_349] : memref<20480x128xf32, #tpu.memory_space<hbm>> -> memref<20480x128xf32, #tpu.memory_space<hbm>>
      tpu.enqueue_indirect_dma source(%dma_start3A_350 : memref<20480x128xf32, #tpu.memory_space<hbm>>) target(%arg12 : memref<128x128xf32, #tpu.memory_space<vmem>>) offsets(%dma_start3A_347 : memref<128xi32, #tpu.memory_space<vmem>>) semaphore(%arg14 : memref<!tpu.dma_semaphore, #tpu.memory_space<semaphore_mem>>)
      %run_scoped3A_351 = arith.constant 14 : i32
      %run_scoped3A_352 = arith.constant 0 : i32
      "tpu.region"() ({
        %run_scoped3A_671 = tpu.sem_alloc : memref<!tpu.dma_semaphore, #tpu.memory_space<semaphore_mem>>
        %dma_start3A_672 = arith.constant 0 : i32
        %dma_start3A_673 = tpu.memref_slice %arg9[%run_scoped3A_351, %run_scoped3A_352, %dma_start3A_672] : memref<16x1x128xi32, #tpu.memory_space<vmem>> -> memref<1x1x128xi32, #tpu.memory_space<vmem>>
        %dma_start3A_674 = tpu.memref_squeeze %dma_start3A_673 : memref<1x1x128xi32, #tpu.memory_space<vmem>> -> memref<128xi32, #tpu.memory_space<vmem>>
        %dma_start3A_675 = arith.constant 0 : i32
        %dma_start3A_676 = arith.constant 0 : i32
        %dma_start3A_677 = tpu.memref_slice %arg6[%dma_start3A_675, %dma_start3A_676] : memref<10240x128xf32, #tpu.memory_space<vmem_shared>> -> memref<10240x128xf32, #tpu.memory_space<vmem_shared>>
        tpu.enqueue_indirect_dma source(%arg11 : memref<128x128xf32, #tpu.memory_space<vmem>>) target(%dma_start3A_677 : memref<10240x128xf32, #tpu.memory_space<vmem_shared>>) offsets(%dma_start3A_674 : memref<128xi32, #tpu.memory_space<vmem>>) semaphore(%run_scoped3A_671 : memref<!tpu.dma_semaphore, #tpu.memory_space<semaphore_mem>>) {add = true}
        %dma_wait3A_678 = arith.constant 0 : i32
        %dma_wait3A_679 = tpu.memref_slice %arg9[%run_scoped3A_351, %run_scoped3A_352, %dma_wait3A_678] : memref<16x1x128xi32, #tpu.memory_space<vmem>> -> memref<1x1x128xi32, #tpu.memory_space<vmem>>
        %dma_wait3A_680 = tpu.memref_squeeze %dma_wait3A_679 : memref<1x1x128xi32, #tpu.memory_space<vmem>> -> memref<128xi32, #tpu.memory_space<vmem>>
        %dma_wait3A_681 = arith.constant 0 : i32
        %dma_wait3A_682 = arith.constant 0 : i32
        %dma_wait3A_683 = tpu.memref_slice %arg6[%dma_wait3A_681, %dma_wait3A_682] : memref<10240x128xf32, #tpu.memory_space<vmem_shared>> -> memref<10240x128xf32, #tpu.memory_space<vmem_shared>>
        tpu.wait_indirect_dma semaphore(%run_scoped3A_671 : memref<!tpu.dma_semaphore, #tpu.memory_space<semaphore_mem>>) src(%arg11 : memref<128x128xf32, #tpu.memory_space<vmem>>) dst(%dma_wait3A_683 : memref<10240x128xf32, #tpu.memory_space<vmem_shared>>)
        tpu.yield
      }) : () -> ()
      %dma_wait3A_353 = arith.constant 15 : i32
      %dma_wait3A_354 = arith.constant 0 : i32
      %dma_wait3A_355 = arith.constant 0 : i32
      %dma_wait3A_356 = tpu.memref_slice %arg7[%dma_wait3A_353, %dma_wait3A_354, %dma_wait3A_355] : memref<16x1x128xi32, #tpu.memory_space<vmem>> -> memref<1x1x128xi32, #tpu.memory_space<vmem>>
      %dma_wait3A_357 = tpu.memref_squeeze %dma_wait3A_356 : memref<1x1x128xi32, #tpu.memory_space<vmem>> -> memref<128xi32, #tpu.memory_space<vmem>>
      %dma_wait3A_358 = arith.constant 0 : i32
      %dma_wait3A_359 = arith.constant 0 : i32
      %dma_wait3A_360 = tpu.memref_slice %arg2[%dma_wait3A_358, %dma_wait3A_359] : memref<20480x128xf32, #tpu.memory_space<hbm>> -> memref<20480x128xf32, #tpu.memory_space<hbm>>
      tpu.wait_indirect_dma semaphore(%arg14 : memref<!tpu.dma_semaphore, #tpu.memory_space<semaphore_mem>>) src(%dma_wait3A_360 : memref<20480x128xf32, #tpu.memory_space<hbm>>) dst(%arg12 : memref<128x128xf32, #tpu.memory_space<vmem>>)
      %run_scoped3A_361 = arith.constant 15 : i32
      %run_scoped3A_362 = arith.constant 0 : i32
      "tpu.region"() ({
        %run_scoped3A_671 = tpu.sem_alloc : memref<!tpu.dma_semaphore, #tpu.memory_space<semaphore_mem>>
        %dma_start3A_672 = arith.constant 0 : i32
        %dma_start3A_673 = tpu.memref_slice %arg9[%run_scoped3A_361, %run_scoped3A_362, %dma_start3A_672] : memref<16x1x128xi32, #tpu.memory_space<vmem>> -> memref<1x1x128xi32, #tpu.memory_space<vmem>>
        %dma_start3A_674 = tpu.memref_squeeze %dma_start3A_673 : memref<1x1x128xi32, #tpu.memory_space<vmem>> -> memref<128xi32, #tpu.memory_space<vmem>>
        %dma_start3A_675 = arith.constant 0 : i32
        %dma_start3A_676 = arith.constant 0 : i32
        %dma_start3A_677 = tpu.memref_slice %arg6[%dma_start3A_675, %dma_start3A_676] : memref<10240x128xf32, #tpu.memory_space<vmem_shared>> -> memref<10240x128xf32, #tpu.memory_space<vmem_shared>>
        tpu.enqueue_indirect_dma source(%arg12 : memref<128x128xf32, #tpu.memory_space<vmem>>) target(%dma_start3A_677 : memref<10240x128xf32, #tpu.memory_space<vmem_shared>>) offsets(%dma_start3A_674 : memref<128xi32, #tpu.memory_space<vmem>>) semaphore(%run_scoped3A_671 : memref<!tpu.dma_semaphore, #tpu.memory_space<semaphore_mem>>) {add = true}
        %dma_wait3A_678 = arith.constant 0 : i32
        %dma_wait3A_679 = tpu.memref_slice %arg9[%run_scoped3A_361, %run_scoped3A_362, %dma_wait3A_678] : memref<16x1x128xi32, #tpu.memory_space<vmem>> -> memref<1x1x128xi32, #tpu.memory_space<vmem>>
        %dma_wait3A_680 = tpu.memref_squeeze %dma_wait3A_679 : memref<1x1x128xi32, #tpu.memory_space<vmem>> -> memref<128xi32, #tpu.memory_space<vmem>>
        %dma_wait3A_681 = arith.constant 0 : i32
        %dma_wait3A_682 = arith.constant 0 : i32
        %dma_wait3A_683 = tpu.memref_slice %arg6[%dma_wait3A_681, %dma_wait3A_682] : memref<10240x128xf32, #tpu.memory_space<vmem_shared>> -> memref<10240x128xf32, #tpu.memory_space<vmem_shared>>
        tpu.wait_indirect_dma semaphore(%run_scoped3A_671 : memref<!tpu.dma_semaphore, #tpu.memory_space<semaphore_mem>>) src(%arg12 : memref<128x128xf32, #tpu.memory_space<vmem>>) dst(%dma_wait3A_683 : memref<10240x128xf32, #tpu.memory_space<vmem_shared>>)
        tpu.yield
      }) : () -> ()
      %dma_wait3A_363 = arith.constant 0 : i32
      %dma_wait3A_364 = arith.constant 0 : i32
      %dma_wait3A_365 = arith.constant 0 : i32
      %dma_wait3A_366 = tpu.memref_slice %arg3[%dma_wait3A_363, %dma_wait3A_364, %dma_wait3A_365] : memref<5120x1x128xi32, #tpu.memory_space<hbm>> -> memref<16x1x128xi32, #tpu.memory_space<hbm>>
      %dma_wait3A_367 = arith.constant 0 : i32
      %dma_wait3A_368 = arith.constant 0 : i32
      %dma_wait3A_369 = arith.constant 0 : i32
      %dma_wait3A_370 = tpu.memref_slice %arg3[%dma_wait3A_367, %dma_wait3A_368, %dma_wait3A_369] : memref<5120x1x128xi32, #tpu.memory_space<hbm>> -> memref<16x1x128xi32, #tpu.memory_space<hbm>>
      tpu.wait_dma2 semaphore(%arg15 : memref<!tpu.dma_semaphore, #tpu.memory_space<semaphore_mem>>) src(%dma_wait3A_370 : memref<16x1x128xi32, #tpu.memory_space<hbm>>) dst(%arg8 : memref<16x1x128xi32, #tpu.memory_space<vmem>>)
      %dma_wait3A_371 = arith.constant 0 : i32
      %dma_wait3A_372 = arith.constant 0 : i32
      %dma_wait3A_373 = arith.constant 0 : i32
      %dma_wait3A_374 = tpu.memref_slice %arg4[%dma_wait3A_371, %dma_wait3A_372, %dma_wait3A_373] : memref<2560x1x128xi32, #tpu.memory_space<hbm>> -> memref<16x1x128xi32, #tpu.memory_space<hbm>>
      %dma_wait3A_375 = arith.constant 0 : i32
      %dma_wait3A_376 = arith.constant 0 : i32
      %dma_wait3A_377 = arith.constant 0 : i32
      %dma_wait3A_378 = tpu.memref_slice %arg4[%dma_wait3A_375, %dma_wait3A_376, %dma_wait3A_377] : memref<2560x1x128xi32, #tpu.memory_space<hbm>> -> memref<16x1x128xi32, #tpu.memory_space<hbm>>
      tpu.wait_dma2 semaphore(%arg16 : memref<!tpu.dma_semaphore, #tpu.memory_space<semaphore_mem>>) src(%dma_wait3A_378 : memref<16x1x128xi32, #tpu.memory_space<hbm>>) dst(%arg10 : memref<16x1x128xi32, #tpu.memory_space<vmem>>)
      %add3A_379 = arith.constant 32 : i32
      %add3A_380 = arith.addi %add3A_41, %add3A_379 : i32
      %lt3A = arith.constant 160 : i32
      %lt3A_381 = arith.cmpi slt, %add3A_380, %lt3A : i32
      %convert_element_type3A = arith.extui %lt3A_381 : i1 to i32
      %cond3A = arith.constant 0 : i32
      %cond3A_382 = arith.cmpi ne, %convert_element_type3A, %cond3A : i32
      scf.if %cond3A_382 {
        %add3A_671 = arith.constant 32 : i32
        %add3A_672 = arith.addi %add3A_41, %add3A_671 : i32
        %mul3A_673 = arith.constant 2560 : i32
        %mul3A_674 = arith.muli %arg0, %mul3A_673 : i32
        %add3A_675 = arith.addi %mul3A_674, %mul3A_6 : i32
        %add3A_676 = arith.addi %add3A_675, %add3A_672 : i32
        %dma_start3A_677 = arith.constant 0 : i32
        %dma_start3A_678 = arith.constant 0 : i32
        %dma_start3A_679 = tpu.memref_slice %arg3[%add3A_676, %dma_start3A_677, %dma_start3A_678] : memref<5120x1x128xi32, #tpu.memory_space<hbm>> -> memref<16x1x128xi32, #tpu.memory_space<hbm>>
        %dma_start3A_680 = arith.constant 0 : i32
        %dma_start3A_681 = arith.constant 0 : i32
        %dma_start3A_682 = tpu.memref_slice %arg3[%add3A_676, %dma_start3A_680, %dma_start3A_681] : memref<5120x1x128xi32, #tpu.memory_space<hbm>> -> memref<16x1x128xi32, #tpu.memory_space<hbm>>
        tpu.enqueue_dma source(%dma_start3A_682 : memref<16x1x128xi32, #tpu.memory_space<hbm>>) target(%arg7 : memref<16x1x128xi32, #tpu.memory_space<vmem>>) target_semaphore(%arg15 : memref<!tpu.dma_semaphore, #tpu.memory_space<semaphore_mem>>)
        %add3A_683 = arith.addi %mul3A_6, %add3A_672 : i32
        %dma_start3A_684 = arith.constant 0 : i32
        %dma_start3A_685 = arith.constant 0 : i32
        %dma_start3A_686 = tpu.memref_slice %arg4[%add3A_683, %dma_start3A_684, %dma_start3A_685] : memref<2560x1x128xi32, #tpu.memory_space<hbm>> -> memref<16x1x128xi32, #tpu.memory_space<hbm>>
        %dma_start3A_687 = arith.constant 0 : i32
        %dma_start3A_688 = arith.constant 0 : i32
        %dma_start3A_689 = tpu.memref_slice %arg4[%add3A_683, %dma_start3A_687, %dma_start3A_688] : memref<2560x1x128xi32, #tpu.memory_space<hbm>> -> memref<16x1x128xi32, #tpu.memory_space<hbm>>
        tpu.enqueue_dma source(%dma_start3A_689 : memref<16x1x128xi32, #tpu.memory_space<hbm>>) target(%arg9 : memref<16x1x128xi32, #tpu.memory_space<vmem>>) target_semaphore(%arg16 : memref<!tpu.dma_semaphore, #tpu.memory_space<semaphore_mem>>)
      } else {
      }
      %dma_start3A_383 = arith.constant 0 : i32
      %dma_start3A_384 = arith.constant 0 : i32
      %dma_start3A_385 = arith.constant 0 : i32
      %dma_start3A_386 = tpu.memref_slice %arg8[%dma_start3A_383, %dma_start3A_384, %dma_start3A_385] : memref<16x1x128xi32, #tpu.memory_space<vmem>> -> memref<1x1x128xi32, #tpu.memory_space<vmem>>
      %dma_start3A_387 = tpu.memref_squeeze %dma_start3A_386 : memref<1x1x128xi32, #tpu.memory_space<vmem>> -> memref<128xi32, #tpu.memory_space<vmem>>
      %dma_start3A_388 = arith.constant 0 : i32
      %dma_start3A_389 = arith.constant 0 : i32
      %dma_start3A_390 = tpu.memref_slice %arg2[%dma_start3A_388, %dma_start3A_389] : memref<20480x128xf32, #tpu.memory_space<hbm>> -> memref<20480x128xf32, #tpu.memory_space<hbm>>
      tpu.enqueue_indirect_dma source(%dma_start3A_390 : memref<20480x128xf32, #tpu.memory_space<hbm>>) target(%arg11 : memref<128x128xf32, #tpu.memory_space<vmem>>) offsets(%dma_start3A_387 : memref<128xi32, #tpu.memory_space<vmem>>) semaphore(%arg13 : memref<!tpu.dma_semaphore, #tpu.memory_space<semaphore_mem>>)
      %dma_wait3A_391 = arith.constant 0 : i32
      %dma_wait3A_392 = arith.constant 0 : i32
      %dma_wait3A_393 = arith.constant 0 : i32
      %dma_wait3A_394 = tpu.memref_slice %arg8[%dma_wait3A_391, %dma_wait3A_392, %dma_wait3A_393] : memref<16x1x128xi32, #tpu.memory_space<vmem>> -> memref<1x1x128xi32, #tpu.memory_space<vmem>>
      %dma_wait3A_395 = tpu.memref_squeeze %dma_wait3A_394 : memref<1x1x128xi32, #tpu.memory_space<vmem>> -> memref<128xi32, #tpu.memory_space<vmem>>
      %dma_wait3A_396 = arith.constant 0 : i32
      %dma_wait3A_397 = arith.constant 0 : i32
      %dma_wait3A_398 = tpu.memref_slice %arg2[%dma_wait3A_396, %dma_wait3A_397] : memref<20480x128xf32, #tpu.memory_space<hbm>> -> memref<20480x128xf32, #tpu.memory_space<hbm>>
      tpu.wait_indirect_dma semaphore(%arg13 : memref<!tpu.dma_semaphore, #tpu.memory_space<semaphore_mem>>) src(%dma_wait3A_398 : memref<20480x128xf32, #tpu.memory_space<hbm>>) dst(%arg11 : memref<128x128xf32, #tpu.memory_space<vmem>>)
      %dma_start3A_399 = arith.constant 1 : i32
      %dma_start3A_400 = arith.constant 0 : i32
      %dma_start3A_401 = arith.constant 0 : i32
      %dma_start3A_402 = tpu.memref_slice %arg8[%dma_start3A_399, %dma_start3A_400, %dma_start3A_401] : memref<16x1x128xi32, #tpu.memory_space<vmem>> -> memref<1x1x128xi32, #tpu.memory_space<vmem>>
      %dma_start3A_403 = tpu.memref_squeeze %dma_start3A_402 : memref<1x1x128xi32, #tpu.memory_space<vmem>> -> memref<128xi32, #tpu.memory_space<vmem>>
      %dma_start3A_404 = arith.constant 0 : i32
      %dma_start3A_405 = arith.constant 0 : i32
      %dma_start3A_406 = tpu.memref_slice %arg2[%dma_start3A_404, %dma_start3A_405] : memref<20480x128xf32, #tpu.memory_space<hbm>> -> memref<20480x128xf32, #tpu.memory_space<hbm>>
      tpu.enqueue_indirect_dma source(%dma_start3A_406 : memref<20480x128xf32, #tpu.memory_space<hbm>>) target(%arg12 : memref<128x128xf32, #tpu.memory_space<vmem>>) offsets(%dma_start3A_403 : memref<128xi32, #tpu.memory_space<vmem>>) semaphore(%arg14 : memref<!tpu.dma_semaphore, #tpu.memory_space<semaphore_mem>>)
      %run_scoped3A_407 = arith.constant 0 : i32
      %run_scoped3A_408 = arith.constant 0 : i32
      "tpu.region"() ({
        %run_scoped3A_671 = tpu.sem_alloc : memref<!tpu.dma_semaphore, #tpu.memory_space<semaphore_mem>>
        %dma_start3A_672 = arith.constant 0 : i32
        %dma_start3A_673 = tpu.memref_slice %arg10[%run_scoped3A_407, %run_scoped3A_408, %dma_start3A_672] : memref<16x1x128xi32, #tpu.memory_space<vmem>> -> memref<1x1x128xi32, #tpu.memory_space<vmem>>
        %dma_start3A_674 = tpu.memref_squeeze %dma_start3A_673 : memref<1x1x128xi32, #tpu.memory_space<vmem>> -> memref<128xi32, #tpu.memory_space<vmem>>
        %dma_start3A_675 = arith.constant 0 : i32
        %dma_start3A_676 = arith.constant 0 : i32
        %dma_start3A_677 = tpu.memref_slice %arg6[%dma_start3A_675, %dma_start3A_676] : memref<10240x128xf32, #tpu.memory_space<vmem_shared>> -> memref<10240x128xf32, #tpu.memory_space<vmem_shared>>
        tpu.enqueue_indirect_dma source(%arg11 : memref<128x128xf32, #tpu.memory_space<vmem>>) target(%dma_start3A_677 : memref<10240x128xf32, #tpu.memory_space<vmem_shared>>) offsets(%dma_start3A_674 : memref<128xi32, #tpu.memory_space<vmem>>) semaphore(%run_scoped3A_671 : memref<!tpu.dma_semaphore, #tpu.memory_space<semaphore_mem>>) {add = true}
        %dma_wait3A_678 = arith.constant 0 : i32
        %dma_wait3A_679 = tpu.memref_slice %arg10[%run_scoped3A_407, %run_scoped3A_408, %dma_wait3A_678] : memref<16x1x128xi32, #tpu.memory_space<vmem>> -> memref<1x1x128xi32, #tpu.memory_space<vmem>>
        %dma_wait3A_680 = tpu.memref_squeeze %dma_wait3A_679 : memref<1x1x128xi32, #tpu.memory_space<vmem>> -> memref<128xi32, #tpu.memory_space<vmem>>
        %dma_wait3A_681 = arith.constant 0 : i32
        %dma_wait3A_682 = arith.constant 0 : i32
        %dma_wait3A_683 = tpu.memref_slice %arg6[%dma_wait3A_681, %dma_wait3A_682] : memref<10240x128xf32, #tpu.memory_space<vmem_shared>> -> memref<10240x128xf32, #tpu.memory_space<vmem_shared>>
        tpu.wait_indirect_dma semaphore(%run_scoped3A_671 : memref<!tpu.dma_semaphore, #tpu.memory_space<semaphore_mem>>) src(%arg11 : memref<128x128xf32, #tpu.memory_space<vmem>>) dst(%dma_wait3A_683 : memref<10240x128xf32, #tpu.memory_space<vmem_shared>>)
        tpu.yield
      }) : () -> ()
      %dma_wait3A_409 = arith.constant 1 : i32
      %dma_wait3A_410 = arith.constant 0 : i32
      %dma_wait3A_411 = arith.constant 0 : i32
      %dma_wait3A_412 = tpu.memref_slice %arg8[%dma_wait3A_409, %dma_wait3A_410, %dma_wait3A_411] : memref<16x1x128xi32, #tpu.memory_space<vmem>> -> memref<1x1x128xi32, #tpu.memory_space<vmem>>
      %dma_wait3A_413 = tpu.memref_squeeze %dma_wait3A_412 : memref<1x1x128xi32, #tpu.memory_space<vmem>> -> memref<128xi32, #tpu.memory_space<vmem>>
      %dma_wait3A_414 = arith.constant 0 : i32
      %dma_wait3A_415 = arith.constant 0 : i32
      %dma_wait3A_416 = tpu.memref_slice %arg2[%dma_wait3A_414, %dma_wait3A_415] : memref<20480x128xf32, #tpu.memory_space<hbm>> -> memref<20480x128xf32, #tpu.memory_space<hbm>>
      tpu.wait_indirect_dma semaphore(%arg14 : memref<!tpu.dma_semaphore, #tpu.memory_space<semaphore_mem>>) src(%dma_wait3A_416 : memref<20480x128xf32, #tpu.memory_space<hbm>>) dst(%arg12 : memref<128x128xf32, #tpu.memory_space<vmem>>)
      %dma_start3A_417 = arith.constant 2 : i32
      %dma_start3A_418 = arith.constant 0 : i32
      %dma_start3A_419 = arith.constant 0 : i32
      %dma_start3A_420 = tpu.memref_slice %arg8[%dma_start3A_417, %dma_start3A_418, %dma_start3A_419] : memref<16x1x128xi32, #tpu.memory_space<vmem>> -> memref<1x1x128xi32, #tpu.memory_space<vmem>>
      %dma_start3A_421 = tpu.memref_squeeze %dma_start3A_420 : memref<1x1x128xi32, #tpu.memory_space<vmem>> -> memref<128xi32, #tpu.memory_space<vmem>>
      %dma_start3A_422 = arith.constant 0 : i32
      %dma_start3A_423 = arith.constant 0 : i32
      %dma_start3A_424 = tpu.memref_slice %arg2[%dma_start3A_422, %dma_start3A_423] : memref<20480x128xf32, #tpu.memory_space<hbm>> -> memref<20480x128xf32, #tpu.memory_space<hbm>>
      tpu.enqueue_indirect_dma source(%dma_start3A_424 : memref<20480x128xf32, #tpu.memory_space<hbm>>) target(%arg11 : memref<128x128xf32, #tpu.memory_space<vmem>>) offsets(%dma_start3A_421 : memref<128xi32, #tpu.memory_space<vmem>>) semaphore(%arg13 : memref<!tpu.dma_semaphore, #tpu.memory_space<semaphore_mem>>)
      %run_scoped3A_425 = arith.constant 1 : i32
      %run_scoped3A_426 = arith.constant 0 : i32
      "tpu.region"() ({
        %run_scoped3A_671 = tpu.sem_alloc : memref<!tpu.dma_semaphore, #tpu.memory_space<semaphore_mem>>
        %dma_start3A_672 = arith.constant 0 : i32
        %dma_start3A_673 = tpu.memref_slice %arg10[%run_scoped3A_425, %run_scoped3A_426, %dma_start3A_672] : memref<16x1x128xi32, #tpu.memory_space<vmem>> -> memref<1x1x128xi32, #tpu.memory_space<vmem>>
        %dma_start3A_674 = tpu.memref_squeeze %dma_start3A_673 : memref<1x1x128xi32, #tpu.memory_space<vmem>> -> memref<128xi32, #tpu.memory_space<vmem>>
        %dma_start3A_675 = arith.constant 0 : i32
        %dma_start3A_676 = arith.constant 0 : i32
        %dma_start3A_677 = tpu.memref_slice %arg6[%dma_start3A_675, %dma_start3A_676] : memref<10240x128xf32, #tpu.memory_space<vmem_shared>> -> memref<10240x128xf32, #tpu.memory_space<vmem_shared>>
        tpu.enqueue_indirect_dma source(%arg12 : memref<128x128xf32, #tpu.memory_space<vmem>>) target(%dma_start3A_677 : memref<10240x128xf32, #tpu.memory_space<vmem_shared>>) offsets(%dma_start3A_674 : memref<128xi32, #tpu.memory_space<vmem>>) semaphore(%run_scoped3A_671 : memref<!tpu.dma_semaphore, #tpu.memory_space<semaphore_mem>>) {add = true}
        %dma_wait3A_678 = arith.constant 0 : i32
        %dma_wait3A_679 = tpu.memref_slice %arg10[%run_scoped3A_425, %run_scoped3A_426, %dma_wait3A_678] : memref<16x1x128xi32, #tpu.memory_space<vmem>> -> memref<1x1x128xi32, #tpu.memory_space<vmem>>
        %dma_wait3A_680 = tpu.memref_squeeze %dma_wait3A_679 : memref<1x1x128xi32, #tpu.memory_space<vmem>> -> memref<128xi32, #tpu.memory_space<vmem>>
        %dma_wait3A_681 = arith.constant 0 : i32
        %dma_wait3A_682 = arith.constant 0 : i32
        %dma_wait3A_683 = tpu.memref_slice %arg6[%dma_wait3A_681, %dma_wait3A_682] : memref<10240x128xf32, #tpu.memory_space<vmem_shared>> -> memref<10240x128xf32, #tpu.memory_space<vmem_shared>>
        tpu.wait_indirect_dma semaphore(%run_scoped3A_671 : memref<!tpu.dma_semaphore, #tpu.memory_space<semaphore_mem>>) src(%arg12 : memref<128x128xf32, #tpu.memory_space<vmem>>) dst(%dma_wait3A_683 : memref<10240x128xf32, #tpu.memory_space<vmem_shared>>)
        tpu.yield
      }) : () -> ()
      %dma_wait3A_427 = arith.constant 2 : i32
      %dma_wait3A_428 = arith.constant 0 : i32
      %dma_wait3A_429 = arith.constant 0 : i32
      %dma_wait3A_430 = tpu.memref_slice %arg8[%dma_wait3A_427, %dma_wait3A_428, %dma_wait3A_429] : memref<16x1x128xi32, #tpu.memory_space<vmem>> -> memref<1x1x128xi32, #tpu.memory_space<vmem>>
      %dma_wait3A_431 = tpu.memref_squeeze %dma_wait3A_430 : memref<1x1x128xi32, #tpu.memory_space<vmem>> -> memref<128xi32, #tpu.memory_space<vmem>>
      %dma_wait3A_432 = arith.constant 0 : i32
      %dma_wait3A_433 = arith.constant 0 : i32
      %dma_wait3A_434 = tpu.memref_slice %arg2[%dma_wait3A_432, %dma_wait3A_433] : memref<20480x128xf32, #tpu.memory_space<hbm>> -> memref<20480x128xf32, #tpu.memory_space<hbm>>
      tpu.wait_indirect_dma semaphore(%arg13 : memref<!tpu.dma_semaphore, #tpu.memory_space<semaphore_mem>>) src(%dma_wait3A_434 : memref<20480x128xf32, #tpu.memory_space<hbm>>) dst(%arg11 : memref<128x128xf32, #tpu.memory_space<vmem>>)
      %dma_start3A_435 = arith.constant 3 : i32
      %dma_start3A_436 = arith.constant 0 : i32
      %dma_start3A_437 = arith.constant 0 : i32
      %dma_start3A_438 = tpu.memref_slice %arg8[%dma_start3A_435, %dma_start3A_436, %dma_start3A_437] : memref<16x1x128xi32, #tpu.memory_space<vmem>> -> memref<1x1x128xi32, #tpu.memory_space<vmem>>
      %dma_start3A_439 = tpu.memref_squeeze %dma_start3A_438 : memref<1x1x128xi32, #tpu.memory_space<vmem>> -> memref<128xi32, #tpu.memory_space<vmem>>
      %dma_start3A_440 = arith.constant 0 : i32
      %dma_start3A_441 = arith.constant 0 : i32
      %dma_start3A_442 = tpu.memref_slice %arg2[%dma_start3A_440, %dma_start3A_441] : memref<20480x128xf32, #tpu.memory_space<hbm>> -> memref<20480x128xf32, #tpu.memory_space<hbm>>
      tpu.enqueue_indirect_dma source(%dma_start3A_442 : memref<20480x128xf32, #tpu.memory_space<hbm>>) target(%arg12 : memref<128x128xf32, #tpu.memory_space<vmem>>) offsets(%dma_start3A_439 : memref<128xi32, #tpu.memory_space<vmem>>) semaphore(%arg14 : memref<!tpu.dma_semaphore, #tpu.memory_space<semaphore_mem>>)
      %run_scoped3A_443 = arith.constant 2 : i32
      %run_scoped3A_444 = arith.constant 0 : i32
      "tpu.region"() ({
        %run_scoped3A_671 = tpu.sem_alloc : memref<!tpu.dma_semaphore, #tpu.memory_space<semaphore_mem>>
        %dma_start3A_672 = arith.constant 0 : i32
        %dma_start3A_673 = tpu.memref_slice %arg10[%run_scoped3A_443, %run_scoped3A_444, %dma_start3A_672] : memref<16x1x128xi32, #tpu.memory_space<vmem>> -> memref<1x1x128xi32, #tpu.memory_space<vmem>>
        %dma_start3A_674 = tpu.memref_squeeze %dma_start3A_673 : memref<1x1x128xi32, #tpu.memory_space<vmem>> -> memref<128xi32, #tpu.memory_space<vmem>>
        %dma_start3A_675 = arith.constant 0 : i32
        %dma_start3A_676 = arith.constant 0 : i32
        %dma_start3A_677 = tpu.memref_slice %arg6[%dma_start3A_675, %dma_start3A_676] : memref<10240x128xf32, #tpu.memory_space<vmem_shared>> -> memref<10240x128xf32, #tpu.memory_space<vmem_shared>>
        tpu.enqueue_indirect_dma source(%arg11 : memref<128x128xf32, #tpu.memory_space<vmem>>) target(%dma_start3A_677 : memref<10240x128xf32, #tpu.memory_space<vmem_shared>>) offsets(%dma_start3A_674 : memref<128xi32, #tpu.memory_space<vmem>>) semaphore(%run_scoped3A_671 : memref<!tpu.dma_semaphore, #tpu.memory_space<semaphore_mem>>) {add = true}
        %dma_wait3A_678 = arith.constant 0 : i32
        %dma_wait3A_679 = tpu.memref_slice %arg10[%run_scoped3A_443, %run_scoped3A_444, %dma_wait3A_678] : memref<16x1x128xi32, #tpu.memory_space<vmem>> -> memref<1x1x128xi32, #tpu.memory_space<vmem>>
        %dma_wait3A_680 = tpu.memref_squeeze %dma_wait3A_679 : memref<1x1x128xi32, #tpu.memory_space<vmem>> -> memref<128xi32, #tpu.memory_space<vmem>>
        %dma_wait3A_681 = arith.constant 0 : i32
        %dma_wait3A_682 = arith.constant 0 : i32
        %dma_wait3A_683 = tpu.memref_slice %arg6[%dma_wait3A_681, %dma_wait3A_682] : memref<10240x128xf32, #tpu.memory_space<vmem_shared>> -> memref<10240x128xf32, #tpu.memory_space<vmem_shared>>
        tpu.wait_indirect_dma semaphore(%run_scoped3A_671 : memref<!tpu.dma_semaphore, #tpu.memory_space<semaphore_mem>>) src(%arg11 : memref<128x128xf32, #tpu.memory_space<vmem>>) dst(%dma_wait3A_683 : memref<10240x128xf32, #tpu.memory_space<vmem_shared>>)
        tpu.yield
      }) : () -> ()
      %dma_wait3A_445 = arith.constant 3 : i32
      %dma_wait3A_446 = arith.constant 0 : i32
      %dma_wait3A_447 = arith.constant 0 : i32
      %dma_wait3A_448 = tpu.memref_slice %arg8[%dma_wait3A_445, %dma_wait3A_446, %dma_wait3A_447] : memref<16x1x128xi32, #tpu.memory_space<vmem>> -> memref<1x1x128xi32, #tpu.memory_space<vmem>>
      %dma_wait3A_449 = tpu.memref_squeeze %dma_wait3A_448 : memref<1x1x128xi32, #tpu.memory_space<vmem>> -> memref<128xi32, #tpu.memory_space<vmem>>
      %dma_wait3A_450 = arith.constant 0 : i32
      %dma_wait3A_451 = arith.constant 0 : i32
      %dma_wait3A_452 = tpu.memref_slice %arg2[%dma_wait3A_450, %dma_wait3A_451] : memref<20480x128xf32, #tpu.memory_space<hbm>> -> memref<20480x128xf32, #tpu.memory_space<hbm>>
      tpu.wait_indirect_dma semaphore(%arg14 : memref<!tpu.dma_semaphore, #tpu.memory_space<semaphore_mem>>) src(%dma_wait3A_452 : memref<20480x128xf32, #tpu.memory_space<hbm>>) dst(%arg12 : memref<128x128xf32, #tpu.memory_space<vmem>>)
      %dma_start3A_453 = arith.constant 4 : i32
      %dma_start3A_454 = arith.constant 0 : i32
      %dma_start3A_455 = arith.constant 0 : i32
      %dma_start3A_456 = tpu.memref_slice %arg8[%dma_start3A_453, %dma_start3A_454, %dma_start3A_455] : memref<16x1x128xi32, #tpu.memory_space<vmem>> -> memref<1x1x128xi32, #tpu.memory_space<vmem>>
      %dma_start3A_457 = tpu.memref_squeeze %dma_start3A_456 : memref<1x1x128xi32, #tpu.memory_space<vmem>> -> memref<128xi32, #tpu.memory_space<vmem>>
      %dma_start3A_458 = arith.constant 0 : i32
      %dma_start3A_459 = arith.constant 0 : i32
      %dma_start3A_460 = tpu.memref_slice %arg2[%dma_start3A_458, %dma_start3A_459] : memref<20480x128xf32, #tpu.memory_space<hbm>> -> memref<20480x128xf32, #tpu.memory_space<hbm>>
      tpu.enqueue_indirect_dma source(%dma_start3A_460 : memref<20480x128xf32, #tpu.memory_space<hbm>>) target(%arg11 : memref<128x128xf32, #tpu.memory_space<vmem>>) offsets(%dma_start3A_457 : memref<128xi32, #tpu.memory_space<vmem>>) semaphore(%arg13 : memref<!tpu.dma_semaphore, #tpu.memory_space<semaphore_mem>>)
      %run_scoped3A_461 = arith.constant 3 : i32
      %run_scoped3A_462 = arith.constant 0 : i32
      "tpu.region"() ({
        %run_scoped3A_671 = tpu.sem_alloc : memref<!tpu.dma_semaphore, #tpu.memory_space<semaphore_mem>>
        %dma_start3A_672 = arith.constant 0 : i32
        %dma_start3A_673 = tpu.memref_slice %arg10[%run_scoped3A_461, %run_scoped3A_462, %dma_start3A_672] : memref<16x1x128xi32, #tpu.memory_space<vmem>> -> memref<1x1x128xi32, #tpu.memory_space<vmem>>
        %dma_start3A_674 = tpu.memref_squeeze %dma_start3A_673 : memref<1x1x128xi32, #tpu.memory_space<vmem>> -> memref<128xi32, #tpu.memory_space<vmem>>
        %dma_start3A_675 = arith.constant 0 : i32
        %dma_start3A_676 = arith.constant 0 : i32
        %dma_start3A_677 = tpu.memref_slice %arg6[%dma_start3A_675, %dma_start3A_676] : memref<10240x128xf32, #tpu.memory_space<vmem_shared>> -> memref<10240x128xf32, #tpu.memory_space<vmem_shared>>
        tpu.enqueue_indirect_dma source(%arg12 : memref<128x128xf32, #tpu.memory_space<vmem>>) target(%dma_start3A_677 : memref<10240x128xf32, #tpu.memory_space<vmem_shared>>) offsets(%dma_start3A_674 : memref<128xi32, #tpu.memory_space<vmem>>) semaphore(%run_scoped3A_671 : memref<!tpu.dma_semaphore, #tpu.memory_space<semaphore_mem>>) {add = true}
        %dma_wait3A_678 = arith.constant 0 : i32
        %dma_wait3A_679 = tpu.memref_slice %arg10[%run_scoped3A_461, %run_scoped3A_462, %dma_wait3A_678] : memref<16x1x128xi32, #tpu.memory_space<vmem>> -> memref<1x1x128xi32, #tpu.memory_space<vmem>>
        %dma_wait3A_680 = tpu.memref_squeeze %dma_wait3A_679 : memref<1x1x128xi32, #tpu.memory_space<vmem>> -> memref<128xi32, #tpu.memory_space<vmem>>
        %dma_wait3A_681 = arith.constant 0 : i32
        %dma_wait3A_682 = arith.constant 0 : i32
        %dma_wait3A_683 = tpu.memref_slice %arg6[%dma_wait3A_681, %dma_wait3A_682] : memref<10240x128xf32, #tpu.memory_space<vmem_shared>> -> memref<10240x128xf32, #tpu.memory_space<vmem_shared>>
        tpu.wait_indirect_dma semaphore(%run_scoped3A_671 : memref<!tpu.dma_semaphore, #tpu.memory_space<semaphore_mem>>) src(%arg12 : memref<128x128xf32, #tpu.memory_space<vmem>>) dst(%dma_wait3A_683 : memref<10240x128xf32, #tpu.memory_space<vmem_shared>>)
        tpu.yield
      }) : () -> ()
      %dma_wait3A_463 = arith.constant 4 : i32
      %dma_wait3A_464 = arith.constant 0 : i32
      %dma_wait3A_465 = arith.constant 0 : i32
      %dma_wait3A_466 = tpu.memref_slice %arg8[%dma_wait3A_463, %dma_wait3A_464, %dma_wait3A_465] : memref<16x1x128xi32, #tpu.memory_space<vmem>> -> memref<1x1x128xi32, #tpu.memory_space<vmem>>
      %dma_wait3A_467 = tpu.memref_squeeze %dma_wait3A_466 : memref<1x1x128xi32, #tpu.memory_space<vmem>> -> memref<128xi32, #tpu.memory_space<vmem>>
      %dma_wait3A_468 = arith.constant 0 : i32
      %dma_wait3A_469 = arith.constant 0 : i32
      %dma_wait3A_470 = tpu.memref_slice %arg2[%dma_wait3A_468, %dma_wait3A_469] : memref<20480x128xf32, #tpu.memory_space<hbm>> -> memref<20480x128xf32, #tpu.memory_space<hbm>>
      tpu.wait_indirect_dma semaphore(%arg13 : memref<!tpu.dma_semaphore, #tpu.memory_space<semaphore_mem>>) src(%dma_wait3A_470 : memref<20480x128xf32, #tpu.memory_space<hbm>>) dst(%arg11 : memref<128x128xf32, #tpu.memory_space<vmem>>)
      %dma_start3A_471 = arith.constant 5 : i32
      %dma_start3A_472 = arith.constant 0 : i32
      %dma_start3A_473 = arith.constant 0 : i32
      %dma_start3A_474 = tpu.memref_slice %arg8[%dma_start3A_471, %dma_start3A_472, %dma_start3A_473] : memref<16x1x128xi32, #tpu.memory_space<vmem>> -> memref<1x1x128xi32, #tpu.memory_space<vmem>>
      %dma_start3A_475 = tpu.memref_squeeze %dma_start3A_474 : memref<1x1x128xi32, #tpu.memory_space<vmem>> -> memref<128xi32, #tpu.memory_space<vmem>>
      %dma_start3A_476 = arith.constant 0 : i32
      %dma_start3A_477 = arith.constant 0 : i32
      %dma_start3A_478 = tpu.memref_slice %arg2[%dma_start3A_476, %dma_start3A_477] : memref<20480x128xf32, #tpu.memory_space<hbm>> -> memref<20480x128xf32, #tpu.memory_space<hbm>>
      tpu.enqueue_indirect_dma source(%dma_start3A_478 : memref<20480x128xf32, #tpu.memory_space<hbm>>) target(%arg12 : memref<128x128xf32, #tpu.memory_space<vmem>>) offsets(%dma_start3A_475 : memref<128xi32, #tpu.memory_space<vmem>>) semaphore(%arg14 : memref<!tpu.dma_semaphore, #tpu.memory_space<semaphore_mem>>)
      %run_scoped3A_479 = arith.constant 4 : i32
      %run_scoped3A_480 = arith.constant 0 : i32
      "tpu.region"() ({
        %run_scoped3A_671 = tpu.sem_alloc : memref<!tpu.dma_semaphore, #tpu.memory_space<semaphore_mem>>
        %dma_start3A_672 = arith.constant 0 : i32
        %dma_start3A_673 = tpu.memref_slice %arg10[%run_scoped3A_479, %run_scoped3A_480, %dma_start3A_672] : memref<16x1x128xi32, #tpu.memory_space<vmem>> -> memref<1x1x128xi32, #tpu.memory_space<vmem>>
        %dma_start3A_674 = tpu.memref_squeeze %dma_start3A_673 : memref<1x1x128xi32, #tpu.memory_space<vmem>> -> memref<128xi32, #tpu.memory_space<vmem>>
        %dma_start3A_675 = arith.constant 0 : i32
        %dma_start3A_676 = arith.constant 0 : i32
        %dma_start3A_677 = tpu.memref_slice %arg6[%dma_start3A_675, %dma_start3A_676] : memref<10240x128xf32, #tpu.memory_space<vmem_shared>> -> memref<10240x128xf32, #tpu.memory_space<vmem_shared>>
        tpu.enqueue_indirect_dma source(%arg11 : memref<128x128xf32, #tpu.memory_space<vmem>>) target(%dma_start3A_677 : memref<10240x128xf32, #tpu.memory_space<vmem_shared>>) offsets(%dma_start3A_674 : memref<128xi32, #tpu.memory_space<vmem>>) semaphore(%run_scoped3A_671 : memref<!tpu.dma_semaphore, #tpu.memory_space<semaphore_mem>>) {add = true}
        %dma_wait3A_678 = arith.constant 0 : i32
        %dma_wait3A_679 = tpu.memref_slice %arg10[%run_scoped3A_479, %run_scoped3A_480, %dma_wait3A_678] : memref<16x1x128xi32, #tpu.memory_space<vmem>> -> memref<1x1x128xi32, #tpu.memory_space<vmem>>
        %dma_wait3A_680 = tpu.memref_squeeze %dma_wait3A_679 : memref<1x1x128xi32, #tpu.memory_space<vmem>> -> memref<128xi32, #tpu.memory_space<vmem>>
        %dma_wait3A_681 = arith.constant 0 : i32
        %dma_wait3A_682 = arith.constant 0 : i32
        %dma_wait3A_683 = tpu.memref_slice %arg6[%dma_wait3A_681, %dma_wait3A_682] : memref<10240x128xf32, #tpu.memory_space<vmem_shared>> -> memref<10240x128xf32, #tpu.memory_space<vmem_shared>>
        tpu.wait_indirect_dma semaphore(%run_scoped3A_671 : memref<!tpu.dma_semaphore, #tpu.memory_space<semaphore_mem>>) src(%arg11 : memref<128x128xf32, #tpu.memory_space<vmem>>) dst(%dma_wait3A_683 : memref<10240x128xf32, #tpu.memory_space<vmem_shared>>)
        tpu.yield
      }) : () -> ()
      %dma_wait3A_481 = arith.constant 5 : i32
      %dma_wait3A_482 = arith.constant 0 : i32
      %dma_wait3A_483 = arith.constant 0 : i32
      %dma_wait3A_484 = tpu.memref_slice %arg8[%dma_wait3A_481, %dma_wait3A_482, %dma_wait3A_483] : memref<16x1x128xi32, #tpu.memory_space<vmem>> -> memref<1x1x128xi32, #tpu.memory_space<vmem>>
      %dma_wait3A_485 = tpu.memref_squeeze %dma_wait3A_484 : memref<1x1x128xi32, #tpu.memory_space<vmem>> -> memref<128xi32, #tpu.memory_space<vmem>>
      %dma_wait3A_486 = arith.constant 0 : i32
      %dma_wait3A_487 = arith.constant 0 : i32
      %dma_wait3A_488 = tpu.memref_slice %arg2[%dma_wait3A_486, %dma_wait3A_487] : memref<20480x128xf32, #tpu.memory_space<hbm>> -> memref<20480x128xf32, #tpu.memory_space<hbm>>
      tpu.wait_indirect_dma semaphore(%arg14 : memref<!tpu.dma_semaphore, #tpu.memory_space<semaphore_mem>>) src(%dma_wait3A_488 : memref<20480x128xf32, #tpu.memory_space<hbm>>) dst(%arg12 : memref<128x128xf32, #tpu.memory_space<vmem>>)
      %dma_start3A_489 = arith.constant 6 : i32
      %dma_start3A_490 = arith.constant 0 : i32
      %dma_start3A_491 = arith.constant 0 : i32
      %dma_start3A_492 = tpu.memref_slice %arg8[%dma_start3A_489, %dma_start3A_490, %dma_start3A_491] : memref<16x1x128xi32, #tpu.memory_space<vmem>> -> memref<1x1x128xi32, #tpu.memory_space<vmem>>
      %dma_start3A_493 = tpu.memref_squeeze %dma_start3A_492 : memref<1x1x128xi32, #tpu.memory_space<vmem>> -> memref<128xi32, #tpu.memory_space<vmem>>
      %dma_start3A_494 = arith.constant 0 : i32
      %dma_start3A_495 = arith.constant 0 : i32
      %dma_start3A_496 = tpu.memref_slice %arg2[%dma_start3A_494, %dma_start3A_495] : memref<20480x128xf32, #tpu.memory_space<hbm>> -> memref<20480x128xf32, #tpu.memory_space<hbm>>
      tpu.enqueue_indirect_dma source(%dma_start3A_496 : memref<20480x128xf32, #tpu.memory_space<hbm>>) target(%arg11 : memref<128x128xf32, #tpu.memory_space<vmem>>) offsets(%dma_start3A_493 : memref<128xi32, #tpu.memory_space<vmem>>) semaphore(%arg13 : memref<!tpu.dma_semaphore, #tpu.memory_space<semaphore_mem>>)
      %run_scoped3A_497 = arith.constant 5 : i32
      %run_scoped3A_498 = arith.constant 0 : i32
      "tpu.region"() ({
        %run_scoped3A_671 = tpu.sem_alloc : memref<!tpu.dma_semaphore, #tpu.memory_space<semaphore_mem>>
        %dma_start3A_672 = arith.constant 0 : i32
        %dma_start3A_673 = tpu.memref_slice %arg10[%run_scoped3A_497, %run_scoped3A_498, %dma_start3A_672] : memref<16x1x128xi32, #tpu.memory_space<vmem>> -> memref<1x1x128xi32, #tpu.memory_space<vmem>>
        %dma_start3A_674 = tpu.memref_squeeze %dma_start3A_673 : memref<1x1x128xi32, #tpu.memory_space<vmem>> -> memref<128xi32, #tpu.memory_space<vmem>>
        %dma_start3A_675 = arith.constant 0 : i32
        %dma_start3A_676 = arith.constant 0 : i32
        %dma_start3A_677 = tpu.memref_slice %arg6[%dma_start3A_675, %dma_start3A_676] : memref<10240x128xf32, #tpu.memory_space<vmem_shared>> -> memref<10240x128xf32, #tpu.memory_space<vmem_shared>>
        tpu.enqueue_indirect_dma source(%arg12 : memref<128x128xf32, #tpu.memory_space<vmem>>) target(%dma_start3A_677 : memref<10240x128xf32, #tpu.memory_space<vmem_shared>>) offsets(%dma_start3A_674 : memref<128xi32, #tpu.memory_space<vmem>>) semaphore(%run_scoped3A_671 : memref<!tpu.dma_semaphore, #tpu.memory_space<semaphore_mem>>) {add = true}
        %dma_wait3A_678 = arith.constant 0 : i32
        %dma_wait3A_679 = tpu.memref_slice %arg10[%run_scoped3A_497, %run_scoped3A_498, %dma_wait3A_678] : memref<16x1x128xi32, #tpu.memory_space<vmem>> -> memref<1x1x128xi32, #tpu.memory_space<vmem>>
        %dma_wait3A_680 = tpu.memref_squeeze %dma_wait3A_679 : memref<1x1x128xi32, #tpu.memory_space<vmem>> -> memref<128xi32, #tpu.memory_space<vmem>>
        %dma_wait3A_681 = arith.constant 0 : i32
        %dma_wait3A_682 = arith.constant 0 : i32
        %dma_wait3A_683 = tpu.memref_slice %arg6[%dma_wait3A_681, %dma_wait3A_682] : memref<10240x128xf32, #tpu.memory_space<vmem_shared>> -> memref<10240x128xf32, #tpu.memory_space<vmem_shared>>
        tpu.wait_indirect_dma semaphore(%run_scoped3A_671 : memref<!tpu.dma_semaphore, #tpu.memory_space<semaphore_mem>>) src(%arg12 : memref<128x128xf32, #tpu.memory_space<vmem>>) dst(%dma_wait3A_683 : memref<10240x128xf32, #tpu.memory_space<vmem_shared>>)
        tpu.yield
      }) : () -> ()
      %dma_wait3A_499 = arith.constant 6 : i32
      %dma_wait3A_500 = arith.constant 0 : i32
      %dma_wait3A_501 = arith.constant 0 : i32
      %dma_wait3A_502 = tpu.memref_slice %arg8[%dma_wait3A_499, %dma_wait3A_500, %dma_wait3A_501] : memref<16x1x128xi32, #tpu.memory_space<vmem>> -> memref<1x1x128xi32, #tpu.memory_space<vmem>>
      %dma_wait3A_503 = tpu.memref_squeeze %dma_wait3A_502 : memref<1x1x128xi32, #tpu.memory_space<vmem>> -> memref<128xi32, #tpu.memory_space<vmem>>
      %dma_wait3A_504 = arith.constant 0 : i32
      %dma_wait3A_505 = arith.constant 0 : i32
      %dma_wait3A_506 = tpu.memref_slice %arg2[%dma_wait3A_504, %dma_wait3A_505] : memref<20480x128xf32, #tpu.memory_space<hbm>> -> memref<20480x128xf32, #tpu.memory_space<hbm>>
      tpu.wait_indirect_dma semaphore(%arg13 : memref<!tpu.dma_semaphore, #tpu.memory_space<semaphore_mem>>) src(%dma_wait3A_506 : memref<20480x128xf32, #tpu.memory_space<hbm>>) dst(%arg11 : memref<128x128xf32, #tpu.memory_space<vmem>>)
      %dma_start3A_507 = arith.constant 7 : i32
      %dma_start3A_508 = arith.constant 0 : i32
      %dma_start3A_509 = arith.constant 0 : i32
      %dma_start3A_510 = tpu.memref_slice %arg8[%dma_start3A_507, %dma_start3A_508, %dma_start3A_509] : memref<16x1x128xi32, #tpu.memory_space<vmem>> -> memref<1x1x128xi32, #tpu.memory_space<vmem>>
      %dma_start3A_511 = tpu.memref_squeeze %dma_start3A_510 : memref<1x1x128xi32, #tpu.memory_space<vmem>> -> memref<128xi32, #tpu.memory_space<vmem>>
      %dma_start3A_512 = arith.constant 0 : i32
      %dma_start3A_513 = arith.constant 0 : i32
      %dma_start3A_514 = tpu.memref_slice %arg2[%dma_start3A_512, %dma_start3A_513] : memref<20480x128xf32, #tpu.memory_space<hbm>> -> memref<20480x128xf32, #tpu.memory_space<hbm>>
      tpu.enqueue_indirect_dma source(%dma_start3A_514 : memref<20480x128xf32, #tpu.memory_space<hbm>>) target(%arg12 : memref<128x128xf32, #tpu.memory_space<vmem>>) offsets(%dma_start3A_511 : memref<128xi32, #tpu.memory_space<vmem>>) semaphore(%arg14 : memref<!tpu.dma_semaphore, #tpu.memory_space<semaphore_mem>>)
      %run_scoped3A_515 = arith.constant 6 : i32
      %run_scoped3A_516 = arith.constant 0 : i32
      "tpu.region"() ({
        %run_scoped3A_671 = tpu.sem_alloc : memref<!tpu.dma_semaphore, #tpu.memory_space<semaphore_mem>>
        %dma_start3A_672 = arith.constant 0 : i32
        %dma_start3A_673 = tpu.memref_slice %arg10[%run_scoped3A_515, %run_scoped3A_516, %dma_start3A_672] : memref<16x1x128xi32, #tpu.memory_space<vmem>> -> memref<1x1x128xi32, #tpu.memory_space<vmem>>
        %dma_start3A_674 = tpu.memref_squeeze %dma_start3A_673 : memref<1x1x128xi32, #tpu.memory_space<vmem>> -> memref<128xi32, #tpu.memory_space<vmem>>
        %dma_start3A_675 = arith.constant 0 : i32
        %dma_start3A_676 = arith.constant 0 : i32
        %dma_start3A_677 = tpu.memref_slice %arg6[%dma_start3A_675, %dma_start3A_676] : memref<10240x128xf32, #tpu.memory_space<vmem_shared>> -> memref<10240x128xf32, #tpu.memory_space<vmem_shared>>
        tpu.enqueue_indirect_dma source(%arg11 : memref<128x128xf32, #tpu.memory_space<vmem>>) target(%dma_start3A_677 : memref<10240x128xf32, #tpu.memory_space<vmem_shared>>) offsets(%dma_start3A_674 : memref<128xi32, #tpu.memory_space<vmem>>) semaphore(%run_scoped3A_671 : memref<!tpu.dma_semaphore, #tpu.memory_space<semaphore_mem>>) {add = true}
        %dma_wait3A_678 = arith.constant 0 : i32
        %dma_wait3A_679 = tpu.memref_slice %arg10[%run_scoped3A_515, %run_scoped3A_516, %dma_wait3A_678] : memref<16x1x128xi32, #tpu.memory_space<vmem>> -> memref<1x1x128xi32, #tpu.memory_space<vmem>>
        %dma_wait3A_680 = tpu.memref_squeeze %dma_wait3A_679 : memref<1x1x128xi32, #tpu.memory_space<vmem>> -> memref<128xi32, #tpu.memory_space<vmem>>
        %dma_wait3A_681 = arith.constant 0 : i32
        %dma_wait3A_682 = arith.constant 0 : i32
        %dma_wait3A_683 = tpu.memref_slice %arg6[%dma_wait3A_681, %dma_wait3A_682] : memref<10240x128xf32, #tpu.memory_space<vmem_shared>> -> memref<10240x128xf32, #tpu.memory_space<vmem_shared>>
        tpu.wait_indirect_dma semaphore(%run_scoped3A_671 : memref<!tpu.dma_semaphore, #tpu.memory_space<semaphore_mem>>) src(%arg11 : memref<128x128xf32, #tpu.memory_space<vmem>>) dst(%dma_wait3A_683 : memref<10240x128xf32, #tpu.memory_space<vmem_shared>>)
        tpu.yield
      }) : () -> ()
      %dma_wait3A_517 = arith.constant 7 : i32
      %dma_wait3A_518 = arith.constant 0 : i32
      %dma_wait3A_519 = arith.constant 0 : i32
      %dma_wait3A_520 = tpu.memref_slice %arg8[%dma_wait3A_517, %dma_wait3A_518, %dma_wait3A_519] : memref<16x1x128xi32, #tpu.memory_space<vmem>> -> memref<1x1x128xi32, #tpu.memory_space<vmem>>
      %dma_wait3A_521 = tpu.memref_squeeze %dma_wait3A_520 : memref<1x1x128xi32, #tpu.memory_space<vmem>> -> memref<128xi32, #tpu.memory_space<vmem>>
      %dma_wait3A_522 = arith.constant 0 : i32
      %dma_wait3A_523 = arith.constant 0 : i32
      %dma_wait3A_524 = tpu.memref_slice %arg2[%dma_wait3A_522, %dma_wait3A_523] : memref<20480x128xf32, #tpu.memory_space<hbm>> -> memref<20480x128xf32, #tpu.memory_space<hbm>>
      tpu.wait_indirect_dma semaphore(%arg14 : memref<!tpu.dma_semaphore, #tpu.memory_space<semaphore_mem>>) src(%dma_wait3A_524 : memref<20480x128xf32, #tpu.memory_space<hbm>>) dst(%arg12 : memref<128x128xf32, #tpu.memory_space<vmem>>)
      %dma_start3A_525 = arith.constant 8 : i32
      %dma_start3A_526 = arith.constant 0 : i32
      %dma_start3A_527 = arith.constant 0 : i32
      %dma_start3A_528 = tpu.memref_slice %arg8[%dma_start3A_525, %dma_start3A_526, %dma_start3A_527] : memref<16x1x128xi32, #tpu.memory_space<vmem>> -> memref<1x1x128xi32, #tpu.memory_space<vmem>>
      %dma_start3A_529 = tpu.memref_squeeze %dma_start3A_528 : memref<1x1x128xi32, #tpu.memory_space<vmem>> -> memref<128xi32, #tpu.memory_space<vmem>>
      %dma_start3A_530 = arith.constant 0 : i32
      %dma_start3A_531 = arith.constant 0 : i32
      %dma_start3A_532 = tpu.memref_slice %arg2[%dma_start3A_530, %dma_start3A_531] : memref<20480x128xf32, #tpu.memory_space<hbm>> -> memref<20480x128xf32, #tpu.memory_space<hbm>>
      tpu.enqueue_indirect_dma source(%dma_start3A_532 : memref<20480x128xf32, #tpu.memory_space<hbm>>) target(%arg11 : memref<128x128xf32, #tpu.memory_space<vmem>>) offsets(%dma_start3A_529 : memref<128xi32, #tpu.memory_space<vmem>>) semaphore(%arg13 : memref<!tpu.dma_semaphore, #tpu.memory_space<semaphore_mem>>)
      %run_scoped3A_533 = arith.constant 7 : i32
      %run_scoped3A_534 = arith.constant 0 : i32
      "tpu.region"() ({
        %run_scoped3A_671 = tpu.sem_alloc : memref<!tpu.dma_semaphore, #tpu.memory_space<semaphore_mem>>
        %dma_start3A_672 = arith.constant 0 : i32
        %dma_start3A_673 = tpu.memref_slice %arg10[%run_scoped3A_533, %run_scoped3A_534, %dma_start3A_672] : memref<16x1x128xi32, #tpu.memory_space<vmem>> -> memref<1x1x128xi32, #tpu.memory_space<vmem>>
        %dma_start3A_674 = tpu.memref_squeeze %dma_start3A_673 : memref<1x1x128xi32, #tpu.memory_space<vmem>> -> memref<128xi32, #tpu.memory_space<vmem>>
        %dma_start3A_675 = arith.constant 0 : i32
        %dma_start3A_676 = arith.constant 0 : i32
        %dma_start3A_677 = tpu.memref_slice %arg6[%dma_start3A_675, %dma_start3A_676] : memref<10240x128xf32, #tpu.memory_space<vmem_shared>> -> memref<10240x128xf32, #tpu.memory_space<vmem_shared>>
        tpu.enqueue_indirect_dma source(%arg12 : memref<128x128xf32, #tpu.memory_space<vmem>>) target(%dma_start3A_677 : memref<10240x128xf32, #tpu.memory_space<vmem_shared>>) offsets(%dma_start3A_674 : memref<128xi32, #tpu.memory_space<vmem>>) semaphore(%run_scoped3A_671 : memref<!tpu.dma_semaphore, #tpu.memory_space<semaphore_mem>>) {add = true}
        %dma_wait3A_678 = arith.constant 0 : i32
        %dma_wait3A_679 = tpu.memref_slice %arg10[%run_scoped3A_533, %run_scoped3A_534, %dma_wait3A_678] : memref<16x1x128xi32, #tpu.memory_space<vmem>> -> memref<1x1x128xi32, #tpu.memory_space<vmem>>
        %dma_wait3A_680 = tpu.memref_squeeze %dma_wait3A_679 : memref<1x1x128xi32, #tpu.memory_space<vmem>> -> memref<128xi32, #tpu.memory_space<vmem>>
        %dma_wait3A_681 = arith.constant 0 : i32
        %dma_wait3A_682 = arith.constant 0 : i32
        %dma_wait3A_683 = tpu.memref_slice %arg6[%dma_wait3A_681, %dma_wait3A_682] : memref<10240x128xf32, #tpu.memory_space<vmem_shared>> -> memref<10240x128xf32, #tpu.memory_space<vmem_shared>>
        tpu.wait_indirect_dma semaphore(%run_scoped3A_671 : memref<!tpu.dma_semaphore, #tpu.memory_space<semaphore_mem>>) src(%arg12 : memref<128x128xf32, #tpu.memory_space<vmem>>) dst(%dma_wait3A_683 : memref<10240x128xf32, #tpu.memory_space<vmem_shared>>)
        tpu.yield
      }) : () -> ()
      %dma_wait3A_535 = arith.constant 8 : i32
      %dma_wait3A_536 = arith.constant 0 : i32
      %dma_wait3A_537 = arith.constant 0 : i32
      %dma_wait3A_538 = tpu.memref_slice %arg8[%dma_wait3A_535, %dma_wait3A_536, %dma_wait3A_537] : memref<16x1x128xi32, #tpu.memory_space<vmem>> -> memref<1x1x128xi32, #tpu.memory_space<vmem>>
      %dma_wait3A_539 = tpu.memref_squeeze %dma_wait3A_538 : memref<1x1x128xi32, #tpu.memory_space<vmem>> -> memref<128xi32, #tpu.memory_space<vmem>>
      %dma_wait3A_540 = arith.constant 0 : i32
      %dma_wait3A_541 = arith.constant 0 : i32
      %dma_wait3A_542 = tpu.memref_slice %arg2[%dma_wait3A_540, %dma_wait3A_541] : memref<20480x128xf32, #tpu.memory_space<hbm>> -> memref<20480x128xf32, #tpu.memory_space<hbm>>
      tpu.wait_indirect_dma semaphore(%arg13 : memref<!tpu.dma_semaphore, #tpu.memory_space<semaphore_mem>>) src(%dma_wait3A_542 : memref<20480x128xf32, #tpu.memory_space<hbm>>) dst(%arg11 : memref<128x128xf32, #tpu.memory_space<vmem>>)
      %dma_start3A_543 = arith.constant 9 : i32
      %dma_start3A_544 = arith.constant 0 : i32
      %dma_start3A_545 = arith.constant 0 : i32
      %dma_start3A_546 = tpu.memref_slice %arg8[%dma_start3A_543, %dma_start3A_544, %dma_start3A_545] : memref<16x1x128xi32, #tpu.memory_space<vmem>> -> memref<1x1x128xi32, #tpu.memory_space<vmem>>
      %dma_start3A_547 = tpu.memref_squeeze %dma_start3A_546 : memref<1x1x128xi32, #tpu.memory_space<vmem>> -> memref<128xi32, #tpu.memory_space<vmem>>
      %dma_start3A_548 = arith.constant 0 : i32
      %dma_start3A_549 = arith.constant 0 : i32
      %dma_start3A_550 = tpu.memref_slice %arg2[%dma_start3A_548, %dma_start3A_549] : memref<20480x128xf32, #tpu.memory_space<hbm>> -> memref<20480x128xf32, #tpu.memory_space<hbm>>
      tpu.enqueue_indirect_dma source(%dma_start3A_550 : memref<20480x128xf32, #tpu.memory_space<hbm>>) target(%arg12 : memref<128x128xf32, #tpu.memory_space<vmem>>) offsets(%dma_start3A_547 : memref<128xi32, #tpu.memory_space<vmem>>) semaphore(%arg14 : memref<!tpu.dma_semaphore, #tpu.memory_space<semaphore_mem>>)
      %run_scoped3A_551 = arith.constant 8 : i32
      %run_scoped3A_552 = arith.constant 0 : i32
      "tpu.region"() ({
        %run_scoped3A_671 = tpu.sem_alloc : memref<!tpu.dma_semaphore, #tpu.memory_space<semaphore_mem>>
        %dma_start3A_672 = arith.constant 0 : i32
        %dma_start3A_673 = tpu.memref_slice %arg10[%run_scoped3A_551, %run_scoped3A_552, %dma_start3A_672] : memref<16x1x128xi32, #tpu.memory_space<vmem>> -> memref<1x1x128xi32, #tpu.memory_space<vmem>>
        %dma_start3A_674 = tpu.memref_squeeze %dma_start3A_673 : memref<1x1x128xi32, #tpu.memory_space<vmem>> -> memref<128xi32, #tpu.memory_space<vmem>>
        %dma_start3A_675 = arith.constant 0 : i32
        %dma_start3A_676 = arith.constant 0 : i32
        %dma_start3A_677 = tpu.memref_slice %arg6[%dma_start3A_675, %dma_start3A_676] : memref<10240x128xf32, #tpu.memory_space<vmem_shared>> -> memref<10240x128xf32, #tpu.memory_space<vmem_shared>>
        tpu.enqueue_indirect_dma source(%arg11 : memref<128x128xf32, #tpu.memory_space<vmem>>) target(%dma_start3A_677 : memref<10240x128xf32, #tpu.memory_space<vmem_shared>>) offsets(%dma_start3A_674 : memref<128xi32, #tpu.memory_space<vmem>>) semaphore(%run_scoped3A_671 : memref<!tpu.dma_semaphore, #tpu.memory_space<semaphore_mem>>) {add = true}
        %dma_wait3A_678 = arith.constant 0 : i32
        %dma_wait3A_679 = tpu.memref_slice %arg10[%run_scoped3A_551, %run_scoped3A_552, %dma_wait3A_678] : memref<16x1x128xi32, #tpu.memory_space<vmem>> -> memref<1x1x128xi32, #tpu.memory_space<vmem>>
        %dma_wait3A_680 = tpu.memref_squeeze %dma_wait3A_679 : memref<1x1x128xi32, #tpu.memory_space<vmem>> -> memref<128xi32, #tpu.memory_space<vmem>>
        %dma_wait3A_681 = arith.constant 0 : i32
        %dma_wait3A_682 = arith.constant 0 : i32
        %dma_wait3A_683 = tpu.memref_slice %arg6[%dma_wait3A_681, %dma_wait3A_682] : memref<10240x128xf32, #tpu.memory_space<vmem_shared>> -> memref<10240x128xf32, #tpu.memory_space<vmem_shared>>
        tpu.wait_indirect_dma semaphore(%run_scoped3A_671 : memref<!tpu.dma_semaphore, #tpu.memory_space<semaphore_mem>>) src(%arg11 : memref<128x128xf32, #tpu.memory_space<vmem>>) dst(%dma_wait3A_683 : memref<10240x128xf32, #tpu.memory_space<vmem_shared>>)
        tpu.yield
      }) : () -> ()
      %dma_wait3A_553 = arith.constant 9 : i32
      %dma_wait3A_554 = arith.constant 0 : i32
      %dma_wait3A_555 = arith.constant 0 : i32
      %dma_wait3A_556 = tpu.memref_slice %arg8[%dma_wait3A_553, %dma_wait3A_554, %dma_wait3A_555] : memref<16x1x128xi32, #tpu.memory_space<vmem>> -> memref<1x1x128xi32, #tpu.memory_space<vmem>>
      %dma_wait3A_557 = tpu.memref_squeeze %dma_wait3A_556 : memref<1x1x128xi32, #tpu.memory_space<vmem>> -> memref<128xi32, #tpu.memory_space<vmem>>
      %dma_wait3A_558 = arith.constant 0 : i32
      %dma_wait3A_559 = arith.constant 0 : i32
      %dma_wait3A_560 = tpu.memref_slice %arg2[%dma_wait3A_558, %dma_wait3A_559] : memref<20480x128xf32, #tpu.memory_space<hbm>> -> memref<20480x128xf32, #tpu.memory_space<hbm>>
      tpu.wait_indirect_dma semaphore(%arg14 : memref<!tpu.dma_semaphore, #tpu.memory_space<semaphore_mem>>) src(%dma_wait3A_560 : memref<20480x128xf32, #tpu.memory_space<hbm>>) dst(%arg12 : memref<128x128xf32, #tpu.memory_space<vmem>>)
      %dma_start3A_561 = arith.constant 10 : i32
      %dma_start3A_562 = arith.constant 0 : i32
      %dma_start3A_563 = arith.constant 0 : i32
      %dma_start3A_564 = tpu.memref_slice %arg8[%dma_start3A_561, %dma_start3A_562, %dma_start3A_563] : memref<16x1x128xi32, #tpu.memory_space<vmem>> -> memref<1x1x128xi32, #tpu.memory_space<vmem>>
      %dma_start3A_565 = tpu.memref_squeeze %dma_start3A_564 : memref<1x1x128xi32, #tpu.memory_space<vmem>> -> memref<128xi32, #tpu.memory_space<vmem>>
      %dma_start3A_566 = arith.constant 0 : i32
      %dma_start3A_567 = arith.constant 0 : i32
      %dma_start3A_568 = tpu.memref_slice %arg2[%dma_start3A_566, %dma_start3A_567] : memref<20480x128xf32, #tpu.memory_space<hbm>> -> memref<20480x128xf32, #tpu.memory_space<hbm>>
      tpu.enqueue_indirect_dma source(%dma_start3A_568 : memref<20480x128xf32, #tpu.memory_space<hbm>>) target(%arg11 : memref<128x128xf32, #tpu.memory_space<vmem>>) offsets(%dma_start3A_565 : memref<128xi32, #tpu.memory_space<vmem>>) semaphore(%arg13 : memref<!tpu.dma_semaphore, #tpu.memory_space<semaphore_mem>>)
      %run_scoped3A_569 = arith.constant 9 : i32
      %run_scoped3A_570 = arith.constant 0 : i32
      "tpu.region"() ({
        %run_scoped3A_671 = tpu.sem_alloc : memref<!tpu.dma_semaphore, #tpu.memory_space<semaphore_mem>>
        %dma_start3A_672 = arith.constant 0 : i32
        %dma_start3A_673 = tpu.memref_slice %arg10[%run_scoped3A_569, %run_scoped3A_570, %dma_start3A_672] : memref<16x1x128xi32, #tpu.memory_space<vmem>> -> memref<1x1x128xi32, #tpu.memory_space<vmem>>
        %dma_start3A_674 = tpu.memref_squeeze %dma_start3A_673 : memref<1x1x128xi32, #tpu.memory_space<vmem>> -> memref<128xi32, #tpu.memory_space<vmem>>
        %dma_start3A_675 = arith.constant 0 : i32
        %dma_start3A_676 = arith.constant 0 : i32
        %dma_start3A_677 = tpu.memref_slice %arg6[%dma_start3A_675, %dma_start3A_676] : memref<10240x128xf32, #tpu.memory_space<vmem_shared>> -> memref<10240x128xf32, #tpu.memory_space<vmem_shared>>
        tpu.enqueue_indirect_dma source(%arg12 : memref<128x128xf32, #tpu.memory_space<vmem>>) target(%dma_start3A_677 : memref<10240x128xf32, #tpu.memory_space<vmem_shared>>) offsets(%dma_start3A_674 : memref<128xi32, #tpu.memory_space<vmem>>) semaphore(%run_scoped3A_671 : memref<!tpu.dma_semaphore, #tpu.memory_space<semaphore_mem>>) {add = true}
        %dma_wait3A_678 = arith.constant 0 : i32
        %dma_wait3A_679 = tpu.memref_slice %arg10[%run_scoped3A_569, %run_scoped3A_570, %dma_wait3A_678] : memref<16x1x128xi32, #tpu.memory_space<vmem>> -> memref<1x1x128xi32, #tpu.memory_space<vmem>>
        %dma_wait3A_680 = tpu.memref_squeeze %dma_wait3A_679 : memref<1x1x128xi32, #tpu.memory_space<vmem>> -> memref<128xi32, #tpu.memory_space<vmem>>
        %dma_wait3A_681 = arith.constant 0 : i32
        %dma_wait3A_682 = arith.constant 0 : i32
        %dma_wait3A_683 = tpu.memref_slice %arg6[%dma_wait3A_681, %dma_wait3A_682] : memref<10240x128xf32, #tpu.memory_space<vmem_shared>> -> memref<10240x128xf32, #tpu.memory_space<vmem_shared>>
        tpu.wait_indirect_dma semaphore(%run_scoped3A_671 : memref<!tpu.dma_semaphore, #tpu.memory_space<semaphore_mem>>) src(%arg12 : memref<128x128xf32, #tpu.memory_space<vmem>>) dst(%dma_wait3A_683 : memref<10240x128xf32, #tpu.memory_space<vmem_shared>>)
        tpu.yield
      }) : () -> ()
      %dma_wait3A_571 = arith.constant 10 : i32
      %dma_wait3A_572 = arith.constant 0 : i32
      %dma_wait3A_573 = arith.constant 0 : i32
      %dma_wait3A_574 = tpu.memref_slice %arg8[%dma_wait3A_571, %dma_wait3A_572, %dma_wait3A_573] : memref<16x1x128xi32, #tpu.memory_space<vmem>> -> memref<1x1x128xi32, #tpu.memory_space<vmem>>
      %dma_wait3A_575 = tpu.memref_squeeze %dma_wait3A_574 : memref<1x1x128xi32, #tpu.memory_space<vmem>> -> memref<128xi32, #tpu.memory_space<vmem>>
      %dma_wait3A_576 = arith.constant 0 : i32
      %dma_wait3A_577 = arith.constant 0 : i32
      %dma_wait3A_578 = tpu.memref_slice %arg2[%dma_wait3A_576, %dma_wait3A_577] : memref<20480x128xf32, #tpu.memory_space<hbm>> -> memref<20480x128xf32, #tpu.memory_space<hbm>>
      tpu.wait_indirect_dma semaphore(%arg13 : memref<!tpu.dma_semaphore, #tpu.memory_space<semaphore_mem>>) src(%dma_wait3A_578 : memref<20480x128xf32, #tpu.memory_space<hbm>>) dst(%arg11 : memref<128x128xf32, #tpu.memory_space<vmem>>)
      %dma_start3A_579 = arith.constant 11 : i32
      %dma_start3A_580 = arith.constant 0 : i32
      %dma_start3A_581 = arith.constant 0 : i32
      %dma_start3A_582 = tpu.memref_slice %arg8[%dma_start3A_579, %dma_start3A_580, %dma_start3A_581] : memref<16x1x128xi32, #tpu.memory_space<vmem>> -> memref<1x1x128xi32, #tpu.memory_space<vmem>>
      %dma_start3A_583 = tpu.memref_squeeze %dma_start3A_582 : memref<1x1x128xi32, #tpu.memory_space<vmem>> -> memref<128xi32, #tpu.memory_space<vmem>>
      %dma_start3A_584 = arith.constant 0 : i32
      %dma_start3A_585 = arith.constant 0 : i32
      %dma_start3A_586 = tpu.memref_slice %arg2[%dma_start3A_584, %dma_start3A_585] : memref<20480x128xf32, #tpu.memory_space<hbm>> -> memref<20480x128xf32, #tpu.memory_space<hbm>>
      tpu.enqueue_indirect_dma source(%dma_start3A_586 : memref<20480x128xf32, #tpu.memory_space<hbm>>) target(%arg12 : memref<128x128xf32, #tpu.memory_space<vmem>>) offsets(%dma_start3A_583 : memref<128xi32, #tpu.memory_space<vmem>>) semaphore(%arg14 : memref<!tpu.dma_semaphore, #tpu.memory_space<semaphore_mem>>)
      %run_scoped3A_587 = arith.constant 10 : i32
      %run_scoped3A_588 = arith.constant 0 : i32
      "tpu.region"() ({
        %run_scoped3A_671 = tpu.sem_alloc : memref<!tpu.dma_semaphore, #tpu.memory_space<semaphore_mem>>
        %dma_start3A_672 = arith.constant 0 : i32
        %dma_start3A_673 = tpu.memref_slice %arg10[%run_scoped3A_587, %run_scoped3A_588, %dma_start3A_672] : memref<16x1x128xi32, #tpu.memory_space<vmem>> -> memref<1x1x128xi32, #tpu.memory_space<vmem>>
        %dma_start3A_674 = tpu.memref_squeeze %dma_start3A_673 : memref<1x1x128xi32, #tpu.memory_space<vmem>> -> memref<128xi32, #tpu.memory_space<vmem>>
        %dma_start3A_675 = arith.constant 0 : i32
        %dma_start3A_676 = arith.constant 0 : i32
        %dma_start3A_677 = tpu.memref_slice %arg6[%dma_start3A_675, %dma_start3A_676] : memref<10240x128xf32, #tpu.memory_space<vmem_shared>> -> memref<10240x128xf32, #tpu.memory_space<vmem_shared>>
        tpu.enqueue_indirect_dma source(%arg11 : memref<128x128xf32, #tpu.memory_space<vmem>>) target(%dma_start3A_677 : memref<10240x128xf32, #tpu.memory_space<vmem_shared>>) offsets(%dma_start3A_674 : memref<128xi32, #tpu.memory_space<vmem>>) semaphore(%run_scoped3A_671 : memref<!tpu.dma_semaphore, #tpu.memory_space<semaphore_mem>>) {add = true}
        %dma_wait3A_678 = arith.constant 0 : i32
        %dma_wait3A_679 = tpu.memref_slice %arg10[%run_scoped3A_587, %run_scoped3A_588, %dma_wait3A_678] : memref<16x1x128xi32, #tpu.memory_space<vmem>> -> memref<1x1x128xi32, #tpu.memory_space<vmem>>
        %dma_wait3A_680 = tpu.memref_squeeze %dma_wait3A_679 : memref<1x1x128xi32, #tpu.memory_space<vmem>> -> memref<128xi32, #tpu.memory_space<vmem>>
        %dma_wait3A_681 = arith.constant 0 : i32
        %dma_wait3A_682 = arith.constant 0 : i32
        %dma_wait3A_683 = tpu.memref_slice %arg6[%dma_wait3A_681, %dma_wait3A_682] : memref<10240x128xf32, #tpu.memory_space<vmem_shared>> -> memref<10240x128xf32, #tpu.memory_space<vmem_shared>>
        tpu.wait_indirect_dma semaphore(%run_scoped3A_671 : memref<!tpu.dma_semaphore, #tpu.memory_space<semaphore_mem>>) src(%arg11 : memref<128x128xf32, #tpu.memory_space<vmem>>) dst(%dma_wait3A_683 : memref<10240x128xf32, #tpu.memory_space<vmem_shared>>)
        tpu.yield
      }) : () -> ()
      %dma_wait3A_589 = arith.constant 11 : i32
      %dma_wait3A_590 = arith.constant 0 : i32
      %dma_wait3A_591 = arith.constant 0 : i32
      %dma_wait3A_592 = tpu.memref_slice %arg8[%dma_wait3A_589, %dma_wait3A_590, %dma_wait3A_591] : memref<16x1x128xi32, #tpu.memory_space<vmem>> -> memref<1x1x128xi32, #tpu.memory_space<vmem>>
      %dma_wait3A_593 = tpu.memref_squeeze %dma_wait3A_592 : memref<1x1x128xi32, #tpu.memory_space<vmem>> -> memref<128xi32, #tpu.memory_space<vmem>>
      %dma_wait3A_594 = arith.constant 0 : i32
      %dma_wait3A_595 = arith.constant 0 : i32
      %dma_wait3A_596 = tpu.memref_slice %arg2[%dma_wait3A_594, %dma_wait3A_595] : memref<20480x128xf32, #tpu.memory_space<hbm>> -> memref<20480x128xf32, #tpu.memory_space<hbm>>
      tpu.wait_indirect_dma semaphore(%arg14 : memref<!tpu.dma_semaphore, #tpu.memory_space<semaphore_mem>>) src(%dma_wait3A_596 : memref<20480x128xf32, #tpu.memory_space<hbm>>) dst(%arg12 : memref<128x128xf32, #tpu.memory_space<vmem>>)
      %dma_start3A_597 = arith.constant 12 : i32
      %dma_start3A_598 = arith.constant 0 : i32
      %dma_start3A_599 = arith.constant 0 : i32
      %dma_start3A_600 = tpu.memref_slice %arg8[%dma_start3A_597, %dma_start3A_598, %dma_start3A_599] : memref<16x1x128xi32, #tpu.memory_space<vmem>> -> memref<1x1x128xi32, #tpu.memory_space<vmem>>
      %dma_start3A_601 = tpu.memref_squeeze %dma_start3A_600 : memref<1x1x128xi32, #tpu.memory_space<vmem>> -> memref<128xi32, #tpu.memory_space<vmem>>
      %dma_start3A_602 = arith.constant 0 : i32
      %dma_start3A_603 = arith.constant 0 : i32
      %dma_start3A_604 = tpu.memref_slice %arg2[%dma_start3A_602, %dma_start3A_603] : memref<20480x128xf32, #tpu.memory_space<hbm>> -> memref<20480x128xf32, #tpu.memory_space<hbm>>
      tpu.enqueue_indirect_dma source(%dma_start3A_604 : memref<20480x128xf32, #tpu.memory_space<hbm>>) target(%arg11 : memref<128x128xf32, #tpu.memory_space<vmem>>) offsets(%dma_start3A_601 : memref<128xi32, #tpu.memory_space<vmem>>) semaphore(%arg13 : memref<!tpu.dma_semaphore, #tpu.memory_space<semaphore_mem>>)
      %run_scoped3A_605 = arith.constant 11 : i32
      %run_scoped3A_606 = arith.constant 0 : i32
      "tpu.region"() ({
        %run_scoped3A_671 = tpu.sem_alloc : memref<!tpu.dma_semaphore, #tpu.memory_space<semaphore_mem>>
        %dma_start3A_672 = arith.constant 0 : i32
        %dma_start3A_673 = tpu.memref_slice %arg10[%run_scoped3A_605, %run_scoped3A_606, %dma_start3A_672] : memref<16x1x128xi32, #tpu.memory_space<vmem>> -> memref<1x1x128xi32, #tpu.memory_space<vmem>>
        %dma_start3A_674 = tpu.memref_squeeze %dma_start3A_673 : memref<1x1x128xi32, #tpu.memory_space<vmem>> -> memref<128xi32, #tpu.memory_space<vmem>>
        %dma_start3A_675 = arith.constant 0 : i32
        %dma_start3A_676 = arith.constant 0 : i32
        %dma_start3A_677 = tpu.memref_slice %arg6[%dma_start3A_675, %dma_start3A_676] : memref<10240x128xf32, #tpu.memory_space<vmem_shared>> -> memref<10240x128xf32, #tpu.memory_space<vmem_shared>>
        tpu.enqueue_indirect_dma source(%arg12 : memref<128x128xf32, #tpu.memory_space<vmem>>) target(%dma_start3A_677 : memref<10240x128xf32, #tpu.memory_space<vmem_shared>>) offsets(%dma_start3A_674 : memref<128xi32, #tpu.memory_space<vmem>>) semaphore(%run_scoped3A_671 : memref<!tpu.dma_semaphore, #tpu.memory_space<semaphore_mem>>) {add = true}
        %dma_wait3A_678 = arith.constant 0 : i32
        %dma_wait3A_679 = tpu.memref_slice %arg10[%run_scoped3A_605, %run_scoped3A_606, %dma_wait3A_678] : memref<16x1x128xi32, #tpu.memory_space<vmem>> -> memref<1x1x128xi32, #tpu.memory_space<vmem>>
        %dma_wait3A_680 = tpu.memref_squeeze %dma_wait3A_679 : memref<1x1x128xi32, #tpu.memory_space<vmem>> -> memref<128xi32, #tpu.memory_space<vmem>>
        %dma_wait3A_681 = arith.constant 0 : i32
        %dma_wait3A_682 = arith.constant 0 : i32
        %dma_wait3A_683 = tpu.memref_slice %arg6[%dma_wait3A_681, %dma_wait3A_682] : memref<10240x128xf32, #tpu.memory_space<vmem_shared>> -> memref<10240x128xf32, #tpu.memory_space<vmem_shared>>
        tpu.wait_indirect_dma semaphore(%run_scoped3A_671 : memref<!tpu.dma_semaphore, #tpu.memory_space<semaphore_mem>>) src(%arg12 : memref<128x128xf32, #tpu.memory_space<vmem>>) dst(%dma_wait3A_683 : memref<10240x128xf32, #tpu.memory_space<vmem_shared>>)
        tpu.yield
      }) : () -> ()
      %dma_wait3A_607 = arith.constant 12 : i32
      %dma_wait3A_608 = arith.constant 0 : i32
      %dma_wait3A_609 = arith.constant 0 : i32
      %dma_wait3A_610 = tpu.memref_slice %arg8[%dma_wait3A_607, %dma_wait3A_608, %dma_wait3A_609] : memref<16x1x128xi32, #tpu.memory_space<vmem>> -> memref<1x1x128xi32, #tpu.memory_space<vmem>>
      %dma_wait3A_611 = tpu.memref_squeeze %dma_wait3A_610 : memref<1x1x128xi32, #tpu.memory_space<vmem>> -> memref<128xi32, #tpu.memory_space<vmem>>
      %dma_wait3A_612 = arith.constant 0 : i32
      %dma_wait3A_613 = arith.constant 0 : i32
      %dma_wait3A_614 = tpu.memref_slice %arg2[%dma_wait3A_612, %dma_wait3A_613] : memref<20480x128xf32, #tpu.memory_space<hbm>> -> memref<20480x128xf32, #tpu.memory_space<hbm>>
      tpu.wait_indirect_dma semaphore(%arg13 : memref<!tpu.dma_semaphore, #tpu.memory_space<semaphore_mem>>) src(%dma_wait3A_614 : memref<20480x128xf32, #tpu.memory_space<hbm>>) dst(%arg11 : memref<128x128xf32, #tpu.memory_space<vmem>>)
      %dma_start3A_615 = arith.constant 13 : i32
      %dma_start3A_616 = arith.constant 0 : i32
      %dma_start3A_617 = arith.constant 0 : i32
      %dma_start3A_618 = tpu.memref_slice %arg8[%dma_start3A_615, %dma_start3A_616, %dma_start3A_617] : memref<16x1x128xi32, #tpu.memory_space<vmem>> -> memref<1x1x128xi32, #tpu.memory_space<vmem>>
      %dma_start3A_619 = tpu.memref_squeeze %dma_start3A_618 : memref<1x1x128xi32, #tpu.memory_space<vmem>> -> memref<128xi32, #tpu.memory_space<vmem>>
      %dma_start3A_620 = arith.constant 0 : i32
      %dma_start3A_621 = arith.constant 0 : i32
      %dma_start3A_622 = tpu.memref_slice %arg2[%dma_start3A_620, %dma_start3A_621] : memref<20480x128xf32, #tpu.memory_space<hbm>> -> memref<20480x128xf32, #tpu.memory_space<hbm>>
      tpu.enqueue_indirect_dma source(%dma_start3A_622 : memref<20480x128xf32, #tpu.memory_space<hbm>>) target(%arg12 : memref<128x128xf32, #tpu.memory_space<vmem>>) offsets(%dma_start3A_619 : memref<128xi32, #tpu.memory_space<vmem>>) semaphore(%arg14 : memref<!tpu.dma_semaphore, #tpu.memory_space<semaphore_mem>>)
      %run_scoped3A_623 = arith.constant 12 : i32
      %run_scoped3A_624 = arith.constant 0 : i32
      "tpu.region"() ({
        %run_scoped3A_671 = tpu.sem_alloc : memref<!tpu.dma_semaphore, #tpu.memory_space<semaphore_mem>>
        %dma_start3A_672 = arith.constant 0 : i32
        %dma_start3A_673 = tpu.memref_slice %arg10[%run_scoped3A_623, %run_scoped3A_624, %dma_start3A_672] : memref<16x1x128xi32, #tpu.memory_space<vmem>> -> memref<1x1x128xi32, #tpu.memory_space<vmem>>
        %dma_start3A_674 = tpu.memref_squeeze %dma_start3A_673 : memref<1x1x128xi32, #tpu.memory_space<vmem>> -> memref<128xi32, #tpu.memory_space<vmem>>
        %dma_start3A_675 = arith.constant 0 : i32
        %dma_start3A_676 = arith.constant 0 : i32
        %dma_start3A_677 = tpu.memref_slice %arg6[%dma_start3A_675, %dma_start3A_676] : memref<10240x128xf32, #tpu.memory_space<vmem_shared>> -> memref<10240x128xf32, #tpu.memory_space<vmem_shared>>
        tpu.enqueue_indirect_dma source(%arg11 : memref<128x128xf32, #tpu.memory_space<vmem>>) target(%dma_start3A_677 : memref<10240x128xf32, #tpu.memory_space<vmem_shared>>) offsets(%dma_start3A_674 : memref<128xi32, #tpu.memory_space<vmem>>) semaphore(%run_scoped3A_671 : memref<!tpu.dma_semaphore, #tpu.memory_space<semaphore_mem>>) {add = true}
        %dma_wait3A_678 = arith.constant 0 : i32
        %dma_wait3A_679 = tpu.memref_slice %arg10[%run_scoped3A_623, %run_scoped3A_624, %dma_wait3A_678] : memref<16x1x128xi32, #tpu.memory_space<vmem>> -> memref<1x1x128xi32, #tpu.memory_space<vmem>>
        %dma_wait3A_680 = tpu.memref_squeeze %dma_wait3A_679 : memref<1x1x128xi32, #tpu.memory_space<vmem>> -> memref<128xi32, #tpu.memory_space<vmem>>
        %dma_wait3A_681 = arith.constant 0 : i32
        %dma_wait3A_682 = arith.constant 0 : i32
        %dma_wait3A_683 = tpu.memref_slice %arg6[%dma_wait3A_681, %dma_wait3A_682] : memref<10240x128xf32, #tpu.memory_space<vmem_shared>> -> memref<10240x128xf32, #tpu.memory_space<vmem_shared>>
        tpu.wait_indirect_dma semaphore(%run_scoped3A_671 : memref<!tpu.dma_semaphore, #tpu.memory_space<semaphore_mem>>) src(%arg11 : memref<128x128xf32, #tpu.memory_space<vmem>>) dst(%dma_wait3A_683 : memref<10240x128xf32, #tpu.memory_space<vmem_shared>>)
        tpu.yield
      }) : () -> ()
      %dma_wait3A_625 = arith.constant 13 : i32
      %dma_wait3A_626 = arith.constant 0 : i32
      %dma_wait3A_627 = arith.constant 0 : i32
      %dma_wait3A_628 = tpu.memref_slice %arg8[%dma_wait3A_625, %dma_wait3A_626, %dma_wait3A_627] : memref<16x1x128xi32, #tpu.memory_space<vmem>> -> memref<1x1x128xi32, #tpu.memory_space<vmem>>
      %dma_wait3A_629 = tpu.memref_squeeze %dma_wait3A_628 : memref<1x1x128xi32, #tpu.memory_space<vmem>> -> memref<128xi32, #tpu.memory_space<vmem>>
      %dma_wait3A_630 = arith.constant 0 : i32
      %dma_wait3A_631 = arith.constant 0 : i32
      %dma_wait3A_632 = tpu.memref_slice %arg2[%dma_wait3A_630, %dma_wait3A_631] : memref<20480x128xf32, #tpu.memory_space<hbm>> -> memref<20480x128xf32, #tpu.memory_space<hbm>>
      tpu.wait_indirect_dma semaphore(%arg14 : memref<!tpu.dma_semaphore, #tpu.memory_space<semaphore_mem>>) src(%dma_wait3A_632 : memref<20480x128xf32, #tpu.memory_space<hbm>>) dst(%arg12 : memref<128x128xf32, #tpu.memory_space<vmem>>)
      %dma_start3A_633 = arith.constant 14 : i32
      %dma_start3A_634 = arith.constant 0 : i32
      %dma_start3A_635 = arith.constant 0 : i32
      %dma_start3A_636 = tpu.memref_slice %arg8[%dma_start3A_633, %dma_start3A_634, %dma_start3A_635] : memref<16x1x128xi32, #tpu.memory_space<vmem>> -> memref<1x1x128xi32, #tpu.memory_space<vmem>>
      %dma_start3A_637 = tpu.memref_squeeze %dma_start3A_636 : memref<1x1x128xi32, #tpu.memory_space<vmem>> -> memref<128xi32, #tpu.memory_space<vmem>>
      %dma_start3A_638 = arith.constant 0 : i32
      %dma_start3A_639 = arith.constant 0 : i32
      %dma_start3A_640 = tpu.memref_slice %arg2[%dma_start3A_638, %dma_start3A_639] : memref<20480x128xf32, #tpu.memory_space<hbm>> -> memref<20480x128xf32, #tpu.memory_space<hbm>>
      tpu.enqueue_indirect_dma source(%dma_start3A_640 : memref<20480x128xf32, #tpu.memory_space<hbm>>) target(%arg11 : memref<128x128xf32, #tpu.memory_space<vmem>>) offsets(%dma_start3A_637 : memref<128xi32, #tpu.memory_space<vmem>>) semaphore(%arg13 : memref<!tpu.dma_semaphore, #tpu.memory_space<semaphore_mem>>)
      %run_scoped3A_641 = arith.constant 13 : i32
      %run_scoped3A_642 = arith.constant 0 : i32
      "tpu.region"() ({
        %run_scoped3A_671 = tpu.sem_alloc : memref<!tpu.dma_semaphore, #tpu.memory_space<semaphore_mem>>
        %dma_start3A_672 = arith.constant 0 : i32
        %dma_start3A_673 = tpu.memref_slice %arg10[%run_scoped3A_641, %run_scoped3A_642, %dma_start3A_672] : memref<16x1x128xi32, #tpu.memory_space<vmem>> -> memref<1x1x128xi32, #tpu.memory_space<vmem>>
        %dma_start3A_674 = tpu.memref_squeeze %dma_start3A_673 : memref<1x1x128xi32, #tpu.memory_space<vmem>> -> memref<128xi32, #tpu.memory_space<vmem>>
        %dma_start3A_675 = arith.constant 0 : i32
        %dma_start3A_676 = arith.constant 0 : i32
        %dma_start3A_677 = tpu.memref_slice %arg6[%dma_start3A_675, %dma_start3A_676] : memref<10240x128xf32, #tpu.memory_space<vmem_shared>> -> memref<10240x128xf32, #tpu.memory_space<vmem_shared>>
        tpu.enqueue_indirect_dma source(%arg12 : memref<128x128xf32, #tpu.memory_space<vmem>>) target(%dma_start3A_677 : memref<10240x128xf32, #tpu.memory_space<vmem_shared>>) offsets(%dma_start3A_674 : memref<128xi32, #tpu.memory_space<vmem>>) semaphore(%run_scoped3A_671 : memref<!tpu.dma_semaphore, #tpu.memory_space<semaphore_mem>>) {add = true}
        %dma_wait3A_678 = arith.constant 0 : i32
        %dma_wait3A_679 = tpu.memref_slice %arg10[%run_scoped3A_641, %run_scoped3A_642, %dma_wait3A_678] : memref<16x1x128xi32, #tpu.memory_space<vmem>> -> memref<1x1x128xi32, #tpu.memory_space<vmem>>
        %dma_wait3A_680 = tpu.memref_squeeze %dma_wait3A_679 : memref<1x1x128xi32, #tpu.memory_space<vmem>> -> memref<128xi32, #tpu.memory_space<vmem>>
        %dma_wait3A_681 = arith.constant 0 : i32
        %dma_wait3A_682 = arith.constant 0 : i32
        %dma_wait3A_683 = tpu.memref_slice %arg6[%dma_wait3A_681, %dma_wait3A_682] : memref<10240x128xf32, #tpu.memory_space<vmem_shared>> -> memref<10240x128xf32, #tpu.memory_space<vmem_shared>>
        tpu.wait_indirect_dma semaphore(%run_scoped3A_671 : memref<!tpu.dma_semaphore, #tpu.memory_space<semaphore_mem>>) src(%arg12 : memref<128x128xf32, #tpu.memory_space<vmem>>) dst(%dma_wait3A_683 : memref<10240x128xf32, #tpu.memory_space<vmem_shared>>)
        tpu.yield
      }) : () -> ()
      %dma_wait3A_643 = arith.constant 14 : i32
      %dma_wait3A_644 = arith.constant 0 : i32
      %dma_wait3A_645 = arith.constant 0 : i32
      %dma_wait3A_646 = tpu.memref_slice %arg8[%dma_wait3A_643, %dma_wait3A_644, %dma_wait3A_645] : memref<16x1x128xi32, #tpu.memory_space<vmem>> -> memref<1x1x128xi32, #tpu.memory_space<vmem>>
      %dma_wait3A_647 = tpu.memref_squeeze %dma_wait3A_646 : memref<1x1x128xi32, #tpu.memory_space<vmem>> -> memref<128xi32, #tpu.memory_space<vmem>>
      %dma_wait3A_648 = arith.constant 0 : i32
      %dma_wait3A_649 = arith.constant 0 : i32
      %dma_wait3A_650 = tpu.memref_slice %arg2[%dma_wait3A_648, %dma_wait3A_649] : memref<20480x128xf32, #tpu.memory_space<hbm>> -> memref<20480x128xf32, #tpu.memory_space<hbm>>
      tpu.wait_indirect_dma semaphore(%arg13 : memref<!tpu.dma_semaphore, #tpu.memory_space<semaphore_mem>>) src(%dma_wait3A_650 : memref<20480x128xf32, #tpu.memory_space<hbm>>) dst(%arg11 : memref<128x128xf32, #tpu.memory_space<vmem>>)
      %dma_start3A_651 = arith.constant 15 : i32
      %dma_start3A_652 = arith.constant 0 : i32
      %dma_start3A_653 = arith.constant 0 : i32
      %dma_start3A_654 = tpu.memref_slice %arg8[%dma_start3A_651, %dma_start3A_652, %dma_start3A_653] : memref<16x1x128xi32, #tpu.memory_space<vmem>> -> memref<1x1x128xi32, #tpu.memory_space<vmem>>
      %dma_start3A_655 = tpu.memref_squeeze %dma_start3A_654 : memref<1x1x128xi32, #tpu.memory_space<vmem>> -> memref<128xi32, #tpu.memory_space<vmem>>
      %dma_start3A_656 = arith.constant 0 : i32
      %dma_start3A_657 = arith.constant 0 : i32
      %dma_start3A_658 = tpu.memref_slice %arg2[%dma_start3A_656, %dma_start3A_657] : memref<20480x128xf32, #tpu.memory_space<hbm>> -> memref<20480x128xf32, #tpu.memory_space<hbm>>
      tpu.enqueue_indirect_dma source(%dma_start3A_658 : memref<20480x128xf32, #tpu.memory_space<hbm>>) target(%arg12 : memref<128x128xf32, #tpu.memory_space<vmem>>) offsets(%dma_start3A_655 : memref<128xi32, #tpu.memory_space<vmem>>) semaphore(%arg14 : memref<!tpu.dma_semaphore, #tpu.memory_space<semaphore_mem>>)
      %run_scoped3A_659 = arith.constant 14 : i32
      %run_scoped3A_660 = arith.constant 0 : i32
      "tpu.region"() ({
        %run_scoped3A_671 = tpu.sem_alloc : memref<!tpu.dma_semaphore, #tpu.memory_space<semaphore_mem>>
        %dma_start3A_672 = arith.constant 0 : i32
        %dma_start3A_673 = tpu.memref_slice %arg10[%run_scoped3A_659, %run_scoped3A_660, %dma_start3A_672] : memref<16x1x128xi32, #tpu.memory_space<vmem>> -> memref<1x1x128xi32, #tpu.memory_space<vmem>>
        %dma_start3A_674 = tpu.memref_squeeze %dma_start3A_673 : memref<1x1x128xi32, #tpu.memory_space<vmem>> -> memref<128xi32, #tpu.memory_space<vmem>>
        %dma_start3A_675 = arith.constant 0 : i32
        %dma_start3A_676 = arith.constant 0 : i32
        %dma_start3A_677 = tpu.memref_slice %arg6[%dma_start3A_675, %dma_start3A_676] : memref<10240x128xf32, #tpu.memory_space<vmem_shared>> -> memref<10240x128xf32, #tpu.memory_space<vmem_shared>>
        tpu.enqueue_indirect_dma source(%arg11 : memref<128x128xf32, #tpu.memory_space<vmem>>) target(%dma_start3A_677 : memref<10240x128xf32, #tpu.memory_space<vmem_shared>>) offsets(%dma_start3A_674 : memref<128xi32, #tpu.memory_space<vmem>>) semaphore(%run_scoped3A_671 : memref<!tpu.dma_semaphore, #tpu.memory_space<semaphore_mem>>) {add = true}
        %dma_wait3A_678 = arith.constant 0 : i32
        %dma_wait3A_679 = tpu.memref_slice %arg10[%run_scoped3A_659, %run_scoped3A_660, %dma_wait3A_678] : memref<16x1x128xi32, #tpu.memory_space<vmem>> -> memref<1x1x128xi32, #tpu.memory_space<vmem>>
        %dma_wait3A_680 = tpu.memref_squeeze %dma_wait3A_679 : memref<1x1x128xi32, #tpu.memory_space<vmem>> -> memref<128xi32, #tpu.memory_space<vmem>>
        %dma_wait3A_681 = arith.constant 0 : i32
        %dma_wait3A_682 = arith.constant 0 : i32
        %dma_wait3A_683 = tpu.memref_slice %arg6[%dma_wait3A_681, %dma_wait3A_682] : memref<10240x128xf32, #tpu.memory_space<vmem_shared>> -> memref<10240x128xf32, #tpu.memory_space<vmem_shared>>
        tpu.wait_indirect_dma semaphore(%run_scoped3A_671 : memref<!tpu.dma_semaphore, #tpu.memory_space<semaphore_mem>>) src(%arg11 : memref<128x128xf32, #tpu.memory_space<vmem>>) dst(%dma_wait3A_683 : memref<10240x128xf32, #tpu.memory_space<vmem_shared>>)
        tpu.yield
      }) : () -> ()
      %dma_wait3A_661 = arith.constant 15 : i32
      %dma_wait3A_662 = arith.constant 0 : i32
      %dma_wait3A_663 = arith.constant 0 : i32
      %dma_wait3A_664 = tpu.memref_slice %arg8[%dma_wait3A_661, %dma_wait3A_662, %dma_wait3A_663] : memref<16x1x128xi32, #tpu.memory_space<vmem>> -> memref<1x1x128xi32, #tpu.memory_space<vmem>>
      %dma_wait3A_665 = tpu.memref_squeeze %dma_wait3A_664 : memref<1x1x128xi32, #tpu.memory_space<vmem>> -> memref<128xi32, #tpu.memory_space<vmem>>
      %dma_wait3A_666 = arith.constant 0 : i32
      %dma_wait3A_667 = arith.constant 0 : i32
      %dma_wait3A_668 = tpu.memref_slice %arg2[%dma_wait3A_666, %dma_wait3A_667] : memref<20480x128xf32, #tpu.memory_space<hbm>> -> memref<20480x128xf32, #tpu.memory_space<hbm>>
      tpu.wait_indirect_dma semaphore(%arg14 : memref<!tpu.dma_semaphore, #tpu.memory_space<semaphore_mem>>) src(%dma_wait3A_668 : memref<20480x128xf32, #tpu.memory_space<hbm>>) dst(%arg12 : memref<128x128xf32, #tpu.memory_space<vmem>>)
      %run_scoped3A_669 = arith.constant 15 : i32
      %run_scoped3A_670 = arith.constant 0 : i32
      "tpu.region"() ({
        %run_scoped3A_671 = tpu.sem_alloc : memref<!tpu.dma_semaphore, #tpu.memory_space<semaphore_mem>>
        %dma_start3A_672 = arith.constant 0 : i32
        %dma_start3A_673 = tpu.memref_slice %arg10[%run_scoped3A_669, %run_scoped3A_670, %dma_start3A_672] : memref<16x1x128xi32, #tpu.memory_space<vmem>> -> memref<1x1x128xi32, #tpu.memory_space<vmem>>
        %dma_start3A_674 = tpu.memref_squeeze %dma_start3A_673 : memref<1x1x128xi32, #tpu.memory_space<vmem>> -> memref<128xi32, #tpu.memory_space<vmem>>
        %dma_start3A_675 = arith.constant 0 : i32
        %dma_start3A_676 = arith.constant 0 : i32
        %dma_start3A_677 = tpu.memref_slice %arg6[%dma_start3A_675, %dma_start3A_676] : memref<10240x128xf32, #tpu.memory_space<vmem_shared>> -> memref<10240x128xf32, #tpu.memory_space<vmem_shared>>
        tpu.enqueue_indirect_dma source(%arg12 : memref<128x128xf32, #tpu.memory_space<vmem>>) target(%dma_start3A_677 : memref<10240x128xf32, #tpu.memory_space<vmem_shared>>) offsets(%dma_start3A_674 : memref<128xi32, #tpu.memory_space<vmem>>) semaphore(%run_scoped3A_671 : memref<!tpu.dma_semaphore, #tpu.memory_space<semaphore_mem>>) {add = true}
        %dma_wait3A_678 = arith.constant 0 : i32
        %dma_wait3A_679 = tpu.memref_slice %arg10[%run_scoped3A_669, %run_scoped3A_670, %dma_wait3A_678] : memref<16x1x128xi32, #tpu.memory_space<vmem>> -> memref<1x1x128xi32, #tpu.memory_space<vmem>>
        %dma_wait3A_680 = tpu.memref_squeeze %dma_wait3A_679 : memref<1x1x128xi32, #tpu.memory_space<vmem>> -> memref<128xi32, #tpu.memory_space<vmem>>
        %dma_wait3A_681 = arith.constant 0 : i32
        %dma_wait3A_682 = arith.constant 0 : i32
        %dma_wait3A_683 = tpu.memref_slice %arg6[%dma_wait3A_681, %dma_wait3A_682] : memref<10240x128xf32, #tpu.memory_space<vmem_shared>> -> memref<10240x128xf32, #tpu.memory_space<vmem_shared>>
        tpu.wait_indirect_dma semaphore(%run_scoped3A_671 : memref<!tpu.dma_semaphore, #tpu.memory_space<semaphore_mem>>) src(%arg12 : memref<128x128xf32, #tpu.memory_space<vmem>>) dst(%dma_wait3A_683 : memref<10240x128xf32, #tpu.memory_space<vmem_shared>>)
        tpu.yield
      }) : () -> ()
    }
    %scan3A_28 = arith.constant 5 : i32
    %barrier3A_29 = arith.constant 0 : index
    tpu.barrier barrier_id(%barrier3A_29)
    %mul3A_30 = arith.constant 640 : i32
    %mul3A_31 = arith.muli %arg1, %mul3A_30 : i32
    %mul3A_32 = arith.constant 10240 : i32
    %mul3A_33 = arith.muli %arg0, %mul3A_32 : i32
    %mul3A_34 = arith.constant 640 : i32
    %mul3A_35 = arith.muli %arg1, %mul3A_34 : i32
    %add3A_36 = arith.addi %mul3A_33, %mul3A_35 : i32
    "tpu.region"() ({
      %run_scoped3A = tpu.sem_alloc : memref<!tpu.dma_semaphore, #tpu.memory_space<semaphore_mem>>
      %dma_start3A_37 = arith.constant 0 : i32
      %dma_start3A_38 = tpu.memref_slice %arg5[%add3A_36, %dma_start3A_37] : memref<20480x128xf32, #tpu.memory_space<hbm>> -> memref<640x128xf32, #tpu.memory_space<hbm>>
      %dma_start3A_39 = arith.constant 0 : i32
      %dma_start3A_40 = tpu.memref_slice %arg6[%mul3A_31, %dma_start3A_39] : memref<10240x128xf32, #tpu.memory_space<vmem_shared>> -> memref<640x128xf32, #tpu.memory_space<vmem_shared>>
      tpu.enqueue_dma source(%dma_start3A_40 : memref<640x128xf32, #tpu.memory_space<vmem_shared>>) target(%dma_start3A_38 : memref<640x128xf32, #tpu.memory_space<hbm>>) target_semaphore(%run_scoped3A : memref<!tpu.dma_semaphore, #tpu.memory_space<semaphore_mem>>)
      %dma_wait3A = arith.constant 0 : i32
      %dma_wait3A_41 = tpu.memref_slice %arg5[%add3A_36, %dma_wait3A] : memref<20480x128xf32, #tpu.memory_space<hbm>> -> memref<640x128xf32, #tpu.memory_space<hbm>>
      %dma_wait3A_42 = arith.constant 0 : i32
      %dma_wait3A_43 = tpu.memref_slice %arg6[%mul3A_31, %dma_wait3A_42] : memref<10240x128xf32, #tpu.memory_space<vmem_shared>> -> memref<640x128xf32, #tpu.memory_space<vmem_shared>>
      tpu.wait_dma2 semaphore(%run_scoped3A : memref<!tpu.dma_semaphore, #tpu.memory_space<semaphore_mem>>) src(%dma_wait3A_43 : memref<640x128xf32, #tpu.memory_space<vmem_shared>>) dst(%dma_wait3A_41 : memref<640x128xf32, #tpu.memory_space<hbm>>)
      tpu.yield
    }) : () -> ()
    return
  }
}

#map = affine_map<(d0, d1) -> (0, 0)>
#map1 = affine_map<(d0, d1) -> (0, 0, 0)>
module attributes {stable_mosaic.version = 14 : i64} {
  func.func @_sc_agg1(%arg0: i32, %arg1: i32, %arg2: memref<10240x128xf32, #tpu.memory_space<hbm>>, %arg3: memref<2560x1x128xi32, #tpu.memory_space<hbm>>, %arg4: memref<2560x1x128xi32, #tpu.memory_space<hbm>>, %arg5: memref<20480x128xf32, #tpu.memory_space<hbm>>, %arg6: memref<10240x128xf32, #tpu.memory_space<vmem_shared>>, %arg7: memref<16x1x128xi32, #tpu.memory_space<vmem>>, %arg8: memref<16x1x128xi32, #tpu.memory_space<vmem>>, %arg9: memref<128x128xf32, #tpu.memory_space<vmem>>, %arg10: memref<128x128xf32, #tpu.memory_space<vmem>>, %arg11: memref<!tpu.dma_semaphore, #tpu.memory_space<semaphore_mem>>, %arg12: memref<!tpu.dma_semaphore, #tpu.memory_space<semaphore_mem>>) attributes {dimension_semantics = [#tpu.dimension_semantics<core_parallel>, #tpu.dimension_semantics<subcore_parallel>], iteration_bounds = array<i64: 2, 16>, scalar_prefetch = 0 : i64, scratch_operands = 7 : i64, tpu.core_type = #tpu.core_type<sc_vector_subcore>, window_params = [{transform_indices = #map}, {transform_indices = #map1}, {transform_indices = #map1}, {transform_indices = #map}]} {
    %mul3A = arith.constant 640 : i32
    %mul3A_0 = arith.muli %arg1, %mul3A : i32
    %mul3A_1 = arith.constant 640 : i32
    %mul3A_2 = arith.muli %arg1, %mul3A_1 : i32
    "tpu.region"() ({
      %run_scoped3A = tpu.sem_alloc : memref<!tpu.dma_semaphore, #tpu.memory_space<semaphore_mem>>
      %dma_start3A = arith.constant 0 : i32
      %dma_start3A_20 = tpu.memref_slice %arg6[%mul3A_2, %dma_start3A] : memref<10240x128xf32, #tpu.memory_space<vmem_shared>> -> memref<640x128xf32, #tpu.memory_space<vmem_shared>>
      %dma_start3A_21 = arith.constant 0 : i32
      %dma_start3A_22 = tpu.memref_slice %arg2[%mul3A_0, %dma_start3A_21] : memref<10240x128xf32, #tpu.memory_space<hbm>> -> memref<640x128xf32, #tpu.memory_space<hbm>>
      tpu.enqueue_dma source(%dma_start3A_22 : memref<640x128xf32, #tpu.memory_space<hbm>>) target(%dma_start3A_20 : memref<640x128xf32, #tpu.memory_space<vmem_shared>>) target_semaphore(%run_scoped3A : memref<!tpu.dma_semaphore, #tpu.memory_space<semaphore_mem>>)
      %dma_wait3A = arith.constant 0 : i32
      %dma_wait3A_23 = tpu.memref_slice %arg6[%mul3A_2, %dma_wait3A] : memref<10240x128xf32, #tpu.memory_space<vmem_shared>> -> memref<640x128xf32, #tpu.memory_space<vmem_shared>>
      %dma_wait3A_24 = arith.constant 0 : i32
      %dma_wait3A_25 = tpu.memref_slice %arg2[%mul3A_0, %dma_wait3A_24] : memref<10240x128xf32, #tpu.memory_space<hbm>> -> memref<640x128xf32, #tpu.memory_space<hbm>>
      tpu.wait_dma2 semaphore(%run_scoped3A : memref<!tpu.dma_semaphore, #tpu.memory_space<semaphore_mem>>) src(%dma_wait3A_25 : memref<640x128xf32, #tpu.memory_space<hbm>>) dst(%dma_wait3A_23 : memref<640x128xf32, #tpu.memory_space<vmem_shared>>)
      tpu.yield
    }) : () -> ()
    %sub3A = arith.constant 1 : i32
    %sub3A_3 = arith.subi %sub3A, %arg0 : i32
    %mul3A_4 = arith.constant 16 : i32
    %mul3A_5 = arith.muli %sub3A_3, %mul3A_4 : i32
    %add3A = arith.addi %mul3A_5, %arg1 : i32
    %mul3A_6 = arith.constant 80 : i32
    %mul3A_7 = arith.muli %add3A, %mul3A_6 : i32
    %barrier3A = arith.constant 0 : index
    tpu.barrier barrier_id(%barrier3A)
    %scan3A = arith.constant 0 : i32
    %scan3A_8 = arith.constant 5 : i32
    %scan3A_9 = arith.addi %scan3A, %scan3A_8 : i32
    %scan3A_10 = arith.constant 1 : i32
    scf.for %scan3A_20 = %scan3A to %scan3A_9 step %scan3A_10  : i32 {
      %mul3A_21 = arith.constant 16 : i32
      %mul3A_22 = arith.muli %scan3A_20, %mul3A_21 : i32
      %add3A_23 = arith.constant 0 : i32
      %add3A_24 = arith.addi %add3A_23, %mul3A_22 : i32
      %add3A_25 = arith.addi %mul3A_7, %add3A_24 : i32
      %dma_start3A = arith.constant 0 : i32
      %dma_start3A_26 = arith.constant 0 : i32
      %dma_start3A_27 = tpu.memref_slice %arg3[%add3A_25, %dma_start3A, %dma_start3A_26] : memref<2560x1x128xi32, #tpu.memory_space<hbm>> -> memref<16x1x128xi32, #tpu.memory_space<hbm>>
      %dma_start3A_28 = arith.constant 0 : i32
      %dma_start3A_29 = arith.constant 0 : i32
      %dma_start3A_30 = tpu.memref_slice %arg3[%add3A_25, %dma_start3A_28, %dma_start3A_29] : memref<2560x1x128xi32, #tpu.memory_space<hbm>> -> memref<16x1x128xi32, #tpu.memory_space<hbm>>
      tpu.enqueue_dma source(%dma_start3A_30 : memref<16x1x128xi32, #tpu.memory_space<hbm>>) target(%arg7 : memref<16x1x128xi32, #tpu.memory_space<vmem>>) target_semaphore(%arg11 : memref<!tpu.dma_semaphore, #tpu.memory_space<semaphore_mem>>)
      %add3A_31 = arith.addi %mul3A_7, %add3A_24 : i32
      %dma_start3A_32 = arith.constant 0 : i32
      %dma_start3A_33 = arith.constant 0 : i32
      %dma_start3A_34 = tpu.memref_slice %arg4[%add3A_31, %dma_start3A_32, %dma_start3A_33] : memref<2560x1x128xi32, #tpu.memory_space<hbm>> -> memref<16x1x128xi32, #tpu.memory_space<hbm>>
      %dma_start3A_35 = arith.constant 0 : i32
      %dma_start3A_36 = arith.constant 0 : i32
      %dma_start3A_37 = tpu.memref_slice %arg4[%add3A_31, %dma_start3A_35, %dma_start3A_36] : memref<2560x1x128xi32, #tpu.memory_space<hbm>> -> memref<16x1x128xi32, #tpu.memory_space<hbm>>
      tpu.enqueue_dma source(%dma_start3A_37 : memref<16x1x128xi32, #tpu.memory_space<hbm>>) target(%arg8 : memref<16x1x128xi32, #tpu.memory_space<vmem>>) target_semaphore(%arg12 : memref<!tpu.dma_semaphore, #tpu.memory_space<semaphore_mem>>)
      %dma_wait3A = arith.constant 0 : i32
      %dma_wait3A_38 = arith.constant 0 : i32
      %dma_wait3A_39 = tpu.memref_slice %arg3[%add3A_25, %dma_wait3A, %dma_wait3A_38] : memref<2560x1x128xi32, #tpu.memory_space<hbm>> -> memref<16x1x128xi32, #tpu.memory_space<hbm>>
      %dma_wait3A_40 = arith.constant 0 : i32
      %dma_wait3A_41 = arith.constant 0 : i32
      %dma_wait3A_42 = tpu.memref_slice %arg3[%add3A_25, %dma_wait3A_40, %dma_wait3A_41] : memref<2560x1x128xi32, #tpu.memory_space<hbm>> -> memref<16x1x128xi32, #tpu.memory_space<hbm>>
      tpu.wait_dma2 semaphore(%arg11 : memref<!tpu.dma_semaphore, #tpu.memory_space<semaphore_mem>>) src(%dma_wait3A_42 : memref<16x1x128xi32, #tpu.memory_space<hbm>>) dst(%arg7 : memref<16x1x128xi32, #tpu.memory_space<vmem>>)
      %dma_wait3A_43 = arith.constant 0 : i32
      %dma_wait3A_44 = arith.constant 0 : i32
      %dma_wait3A_45 = tpu.memref_slice %arg4[%add3A_31, %dma_wait3A_43, %dma_wait3A_44] : memref<2560x1x128xi32, #tpu.memory_space<hbm>> -> memref<16x1x128xi32, #tpu.memory_space<hbm>>
      %dma_wait3A_46 = arith.constant 0 : i32
      %dma_wait3A_47 = arith.constant 0 : i32
      %dma_wait3A_48 = tpu.memref_slice %arg4[%add3A_31, %dma_wait3A_46, %dma_wait3A_47] : memref<2560x1x128xi32, #tpu.memory_space<hbm>> -> memref<16x1x128xi32, #tpu.memory_space<hbm>>
      tpu.wait_dma2 semaphore(%arg12 : memref<!tpu.dma_semaphore, #tpu.memory_space<semaphore_mem>>) src(%dma_wait3A_48 : memref<16x1x128xi32, #tpu.memory_space<hbm>>) dst(%arg8 : memref<16x1x128xi32, #tpu.memory_space<vmem>>)
      %dma_start3A_49 = arith.constant 0 : i32
      %dma_start3A_50 = arith.constant 0 : i32
      %dma_start3A_51 = arith.constant 0 : i32
      %dma_start3A_52 = tpu.memref_slice %arg7[%dma_start3A_49, %dma_start3A_50, %dma_start3A_51] : memref<16x1x128xi32, #tpu.memory_space<vmem>> -> memref<1x1x128xi32, #tpu.memory_space<vmem>>
      %dma_start3A_53 = tpu.memref_squeeze %dma_start3A_52 : memref<1x1x128xi32, #tpu.memory_space<vmem>> -> memref<128xi32, #tpu.memory_space<vmem>>
      %dma_start3A_54 = arith.constant 0 : i32
      %dma_start3A_55 = arith.constant 0 : i32
      %dma_start3A_56 = tpu.memref_slice %arg2[%dma_start3A_54, %dma_start3A_55] : memref<10240x128xf32, #tpu.memory_space<hbm>> -> memref<10240x128xf32, #tpu.memory_space<hbm>>
      tpu.enqueue_indirect_dma source(%dma_start3A_56 : memref<10240x128xf32, #tpu.memory_space<hbm>>) target(%arg9 : memref<128x128xf32, #tpu.memory_space<vmem>>) offsets(%dma_start3A_53 : memref<128xi32, #tpu.memory_space<vmem>>) semaphore(%arg11 : memref<!tpu.dma_semaphore, #tpu.memory_space<semaphore_mem>>)
      %dma_wait3A_57 = arith.constant 0 : i32
      %dma_wait3A_58 = arith.constant 0 : i32
      %dma_wait3A_59 = arith.constant 0 : i32
      %dma_wait3A_60 = tpu.memref_slice %arg7[%dma_wait3A_57, %dma_wait3A_58, %dma_wait3A_59] : memref<16x1x128xi32, #tpu.memory_space<vmem>> -> memref<1x1x128xi32, #tpu.memory_space<vmem>>
      %dma_wait3A_61 = tpu.memref_squeeze %dma_wait3A_60 : memref<1x1x128xi32, #tpu.memory_space<vmem>> -> memref<128xi32, #tpu.memory_space<vmem>>
      %dma_wait3A_62 = arith.constant 0 : i32
      %dma_wait3A_63 = arith.constant 0 : i32
      %dma_wait3A_64 = tpu.memref_slice %arg2[%dma_wait3A_62, %dma_wait3A_63] : memref<10240x128xf32, #tpu.memory_space<hbm>> -> memref<10240x128xf32, #tpu.memory_space<hbm>>
      tpu.wait_indirect_dma semaphore(%arg11 : memref<!tpu.dma_semaphore, #tpu.memory_space<semaphore_mem>>) src(%dma_wait3A_64 : memref<10240x128xf32, #tpu.memory_space<hbm>>) dst(%arg9 : memref<128x128xf32, #tpu.memory_space<vmem>>)
      %dma_start3A_65 = arith.constant 1 : i32
      %dma_start3A_66 = arith.constant 0 : i32
      %dma_start3A_67 = arith.constant 0 : i32
      %dma_start3A_68 = tpu.memref_slice %arg7[%dma_start3A_65, %dma_start3A_66, %dma_start3A_67] : memref<16x1x128xi32, #tpu.memory_space<vmem>> -> memref<1x1x128xi32, #tpu.memory_space<vmem>>
      %dma_start3A_69 = tpu.memref_squeeze %dma_start3A_68 : memref<1x1x128xi32, #tpu.memory_space<vmem>> -> memref<128xi32, #tpu.memory_space<vmem>>
      %dma_start3A_70 = arith.constant 0 : i32
      %dma_start3A_71 = arith.constant 0 : i32
      %dma_start3A_72 = tpu.memref_slice %arg2[%dma_start3A_70, %dma_start3A_71] : memref<10240x128xf32, #tpu.memory_space<hbm>> -> memref<10240x128xf32, #tpu.memory_space<hbm>>
      tpu.enqueue_indirect_dma source(%dma_start3A_72 : memref<10240x128xf32, #tpu.memory_space<hbm>>) target(%arg10 : memref<128x128xf32, #tpu.memory_space<vmem>>) offsets(%dma_start3A_69 : memref<128xi32, #tpu.memory_space<vmem>>) semaphore(%arg12 : memref<!tpu.dma_semaphore, #tpu.memory_space<semaphore_mem>>)
      %run_scoped3A = arith.constant 0 : i32
      %run_scoped3A_73 = arith.constant 0 : i32
      "tpu.region"() ({
        %run_scoped3A_336 = tpu.sem_alloc : memref<!tpu.dma_semaphore, #tpu.memory_space<semaphore_mem>>
        %dma_start3A_337 = arith.constant 0 : i32
        %dma_start3A_338 = tpu.memref_slice %arg8[%run_scoped3A, %run_scoped3A_73, %dma_start3A_337] : memref<16x1x128xi32, #tpu.memory_space<vmem>> -> memref<1x1x128xi32, #tpu.memory_space<vmem>>
        %dma_start3A_339 = tpu.memref_squeeze %dma_start3A_338 : memref<1x1x128xi32, #tpu.memory_space<vmem>> -> memref<128xi32, #tpu.memory_space<vmem>>
        %dma_start3A_340 = arith.constant 0 : i32
        %dma_start3A_341 = arith.constant 0 : i32
        %dma_start3A_342 = tpu.memref_slice %arg6[%dma_start3A_340, %dma_start3A_341] : memref<10240x128xf32, #tpu.memory_space<vmem_shared>> -> memref<10240x128xf32, #tpu.memory_space<vmem_shared>>
        tpu.enqueue_indirect_dma source(%arg9 : memref<128x128xf32, #tpu.memory_space<vmem>>) target(%dma_start3A_342 : memref<10240x128xf32, #tpu.memory_space<vmem_shared>>) offsets(%dma_start3A_339 : memref<128xi32, #tpu.memory_space<vmem>>) semaphore(%run_scoped3A_336 : memref<!tpu.dma_semaphore, #tpu.memory_space<semaphore_mem>>) {add = true}
        %dma_wait3A_343 = arith.constant 0 : i32
        %dma_wait3A_344 = tpu.memref_slice %arg8[%run_scoped3A, %run_scoped3A_73, %dma_wait3A_343] : memref<16x1x128xi32, #tpu.memory_space<vmem>> -> memref<1x1x128xi32, #tpu.memory_space<vmem>>
        %dma_wait3A_345 = tpu.memref_squeeze %dma_wait3A_344 : memref<1x1x128xi32, #tpu.memory_space<vmem>> -> memref<128xi32, #tpu.memory_space<vmem>>
        %dma_wait3A_346 = arith.constant 0 : i32
        %dma_wait3A_347 = arith.constant 0 : i32
        %dma_wait3A_348 = tpu.memref_slice %arg6[%dma_wait3A_346, %dma_wait3A_347] : memref<10240x128xf32, #tpu.memory_space<vmem_shared>> -> memref<10240x128xf32, #tpu.memory_space<vmem_shared>>
        tpu.wait_indirect_dma semaphore(%run_scoped3A_336 : memref<!tpu.dma_semaphore, #tpu.memory_space<semaphore_mem>>) src(%arg9 : memref<128x128xf32, #tpu.memory_space<vmem>>) dst(%dma_wait3A_348 : memref<10240x128xf32, #tpu.memory_space<vmem_shared>>)
        tpu.yield
      }) : () -> ()
      %dma_wait3A_74 = arith.constant 1 : i32
      %dma_wait3A_75 = arith.constant 0 : i32
      %dma_wait3A_76 = arith.constant 0 : i32
      %dma_wait3A_77 = tpu.memref_slice %arg7[%dma_wait3A_74, %dma_wait3A_75, %dma_wait3A_76] : memref<16x1x128xi32, #tpu.memory_space<vmem>> -> memref<1x1x128xi32, #tpu.memory_space<vmem>>
      %dma_wait3A_78 = tpu.memref_squeeze %dma_wait3A_77 : memref<1x1x128xi32, #tpu.memory_space<vmem>> -> memref<128xi32, #tpu.memory_space<vmem>>
      %dma_wait3A_79 = arith.constant 0 : i32
      %dma_wait3A_80 = arith.constant 0 : i32
      %dma_wait3A_81 = tpu.memref_slice %arg2[%dma_wait3A_79, %dma_wait3A_80] : memref<10240x128xf32, #tpu.memory_space<hbm>> -> memref<10240x128xf32, #tpu.memory_space<hbm>>
      tpu.wait_indirect_dma semaphore(%arg12 : memref<!tpu.dma_semaphore, #tpu.memory_space<semaphore_mem>>) src(%dma_wait3A_81 : memref<10240x128xf32, #tpu.memory_space<hbm>>) dst(%arg10 : memref<128x128xf32, #tpu.memory_space<vmem>>)
      %dma_start3A_82 = arith.constant 2 : i32
      %dma_start3A_83 = arith.constant 0 : i32
      %dma_start3A_84 = arith.constant 0 : i32
      %dma_start3A_85 = tpu.memref_slice %arg7[%dma_start3A_82, %dma_start3A_83, %dma_start3A_84] : memref<16x1x128xi32, #tpu.memory_space<vmem>> -> memref<1x1x128xi32, #tpu.memory_space<vmem>>
      %dma_start3A_86 = tpu.memref_squeeze %dma_start3A_85 : memref<1x1x128xi32, #tpu.memory_space<vmem>> -> memref<128xi32, #tpu.memory_space<vmem>>
      %dma_start3A_87 = arith.constant 0 : i32
      %dma_start3A_88 = arith.constant 0 : i32
      %dma_start3A_89 = tpu.memref_slice %arg2[%dma_start3A_87, %dma_start3A_88] : memref<10240x128xf32, #tpu.memory_space<hbm>> -> memref<10240x128xf32, #tpu.memory_space<hbm>>
      tpu.enqueue_indirect_dma source(%dma_start3A_89 : memref<10240x128xf32, #tpu.memory_space<hbm>>) target(%arg9 : memref<128x128xf32, #tpu.memory_space<vmem>>) offsets(%dma_start3A_86 : memref<128xi32, #tpu.memory_space<vmem>>) semaphore(%arg11 : memref<!tpu.dma_semaphore, #tpu.memory_space<semaphore_mem>>)
      %run_scoped3A_90 = arith.constant 1 : i32
      %run_scoped3A_91 = arith.constant 0 : i32
      "tpu.region"() ({
        %run_scoped3A_336 = tpu.sem_alloc : memref<!tpu.dma_semaphore, #tpu.memory_space<semaphore_mem>>
        %dma_start3A_337 = arith.constant 0 : i32
        %dma_start3A_338 = tpu.memref_slice %arg8[%run_scoped3A_90, %run_scoped3A_91, %dma_start3A_337] : memref<16x1x128xi32, #tpu.memory_space<vmem>> -> memref<1x1x128xi32, #tpu.memory_space<vmem>>
        %dma_start3A_339 = tpu.memref_squeeze %dma_start3A_338 : memref<1x1x128xi32, #tpu.memory_space<vmem>> -> memref<128xi32, #tpu.memory_space<vmem>>
        %dma_start3A_340 = arith.constant 0 : i32
        %dma_start3A_341 = arith.constant 0 : i32
        %dma_start3A_342 = tpu.memref_slice %arg6[%dma_start3A_340, %dma_start3A_341] : memref<10240x128xf32, #tpu.memory_space<vmem_shared>> -> memref<10240x128xf32, #tpu.memory_space<vmem_shared>>
        tpu.enqueue_indirect_dma source(%arg10 : memref<128x128xf32, #tpu.memory_space<vmem>>) target(%dma_start3A_342 : memref<10240x128xf32, #tpu.memory_space<vmem_shared>>) offsets(%dma_start3A_339 : memref<128xi32, #tpu.memory_space<vmem>>) semaphore(%run_scoped3A_336 : memref<!tpu.dma_semaphore, #tpu.memory_space<semaphore_mem>>) {add = true}
        %dma_wait3A_343 = arith.constant 0 : i32
        %dma_wait3A_344 = tpu.memref_slice %arg8[%run_scoped3A_90, %run_scoped3A_91, %dma_wait3A_343] : memref<16x1x128xi32, #tpu.memory_space<vmem>> -> memref<1x1x128xi32, #tpu.memory_space<vmem>>
        %dma_wait3A_345 = tpu.memref_squeeze %dma_wait3A_344 : memref<1x1x128xi32, #tpu.memory_space<vmem>> -> memref<128xi32, #tpu.memory_space<vmem>>
        %dma_wait3A_346 = arith.constant 0 : i32
        %dma_wait3A_347 = arith.constant 0 : i32
        %dma_wait3A_348 = tpu.memref_slice %arg6[%dma_wait3A_346, %dma_wait3A_347] : memref<10240x128xf32, #tpu.memory_space<vmem_shared>> -> memref<10240x128xf32, #tpu.memory_space<vmem_shared>>
        tpu.wait_indirect_dma semaphore(%run_scoped3A_336 : memref<!tpu.dma_semaphore, #tpu.memory_space<semaphore_mem>>) src(%arg10 : memref<128x128xf32, #tpu.memory_space<vmem>>) dst(%dma_wait3A_348 : memref<10240x128xf32, #tpu.memory_space<vmem_shared>>)
        tpu.yield
      }) : () -> ()
      %dma_wait3A_92 = arith.constant 2 : i32
      %dma_wait3A_93 = arith.constant 0 : i32
      %dma_wait3A_94 = arith.constant 0 : i32
      %dma_wait3A_95 = tpu.memref_slice %arg7[%dma_wait3A_92, %dma_wait3A_93, %dma_wait3A_94] : memref<16x1x128xi32, #tpu.memory_space<vmem>> -> memref<1x1x128xi32, #tpu.memory_space<vmem>>
      %dma_wait3A_96 = tpu.memref_squeeze %dma_wait3A_95 : memref<1x1x128xi32, #tpu.memory_space<vmem>> -> memref<128xi32, #tpu.memory_space<vmem>>
      %dma_wait3A_97 = arith.constant 0 : i32
      %dma_wait3A_98 = arith.constant 0 : i32
      %dma_wait3A_99 = tpu.memref_slice %arg2[%dma_wait3A_97, %dma_wait3A_98] : memref<10240x128xf32, #tpu.memory_space<hbm>> -> memref<10240x128xf32, #tpu.memory_space<hbm>>
      tpu.wait_indirect_dma semaphore(%arg11 : memref<!tpu.dma_semaphore, #tpu.memory_space<semaphore_mem>>) src(%dma_wait3A_99 : memref<10240x128xf32, #tpu.memory_space<hbm>>) dst(%arg9 : memref<128x128xf32, #tpu.memory_space<vmem>>)
      %dma_start3A_100 = arith.constant 3 : i32
      %dma_start3A_101 = arith.constant 0 : i32
      %dma_start3A_102 = arith.constant 0 : i32
      %dma_start3A_103 = tpu.memref_slice %arg7[%dma_start3A_100, %dma_start3A_101, %dma_start3A_102] : memref<16x1x128xi32, #tpu.memory_space<vmem>> -> memref<1x1x128xi32, #tpu.memory_space<vmem>>
      %dma_start3A_104 = tpu.memref_squeeze %dma_start3A_103 : memref<1x1x128xi32, #tpu.memory_space<vmem>> -> memref<128xi32, #tpu.memory_space<vmem>>
      %dma_start3A_105 = arith.constant 0 : i32
      %dma_start3A_106 = arith.constant 0 : i32
      %dma_start3A_107 = tpu.memref_slice %arg2[%dma_start3A_105, %dma_start3A_106] : memref<10240x128xf32, #tpu.memory_space<hbm>> -> memref<10240x128xf32, #tpu.memory_space<hbm>>
      tpu.enqueue_indirect_dma source(%dma_start3A_107 : memref<10240x128xf32, #tpu.memory_space<hbm>>) target(%arg10 : memref<128x128xf32, #tpu.memory_space<vmem>>) offsets(%dma_start3A_104 : memref<128xi32, #tpu.memory_space<vmem>>) semaphore(%arg12 : memref<!tpu.dma_semaphore, #tpu.memory_space<semaphore_mem>>)
      %run_scoped3A_108 = arith.constant 2 : i32
      %run_scoped3A_109 = arith.constant 0 : i32
      "tpu.region"() ({
        %run_scoped3A_336 = tpu.sem_alloc : memref<!tpu.dma_semaphore, #tpu.memory_space<semaphore_mem>>
        %dma_start3A_337 = arith.constant 0 : i32
        %dma_start3A_338 = tpu.memref_slice %arg8[%run_scoped3A_108, %run_scoped3A_109, %dma_start3A_337] : memref<16x1x128xi32, #tpu.memory_space<vmem>> -> memref<1x1x128xi32, #tpu.memory_space<vmem>>
        %dma_start3A_339 = tpu.memref_squeeze %dma_start3A_338 : memref<1x1x128xi32, #tpu.memory_space<vmem>> -> memref<128xi32, #tpu.memory_space<vmem>>
        %dma_start3A_340 = arith.constant 0 : i32
        %dma_start3A_341 = arith.constant 0 : i32
        %dma_start3A_342 = tpu.memref_slice %arg6[%dma_start3A_340, %dma_start3A_341] : memref<10240x128xf32, #tpu.memory_space<vmem_shared>> -> memref<10240x128xf32, #tpu.memory_space<vmem_shared>>
        tpu.enqueue_indirect_dma source(%arg9 : memref<128x128xf32, #tpu.memory_space<vmem>>) target(%dma_start3A_342 : memref<10240x128xf32, #tpu.memory_space<vmem_shared>>) offsets(%dma_start3A_339 : memref<128xi32, #tpu.memory_space<vmem>>) semaphore(%run_scoped3A_336 : memref<!tpu.dma_semaphore, #tpu.memory_space<semaphore_mem>>) {add = true}
        %dma_wait3A_343 = arith.constant 0 : i32
        %dma_wait3A_344 = tpu.memref_slice %arg8[%run_scoped3A_108, %run_scoped3A_109, %dma_wait3A_343] : memref<16x1x128xi32, #tpu.memory_space<vmem>> -> memref<1x1x128xi32, #tpu.memory_space<vmem>>
        %dma_wait3A_345 = tpu.memref_squeeze %dma_wait3A_344 : memref<1x1x128xi32, #tpu.memory_space<vmem>> -> memref<128xi32, #tpu.memory_space<vmem>>
        %dma_wait3A_346 = arith.constant 0 : i32
        %dma_wait3A_347 = arith.constant 0 : i32
        %dma_wait3A_348 = tpu.memref_slice %arg6[%dma_wait3A_346, %dma_wait3A_347] : memref<10240x128xf32, #tpu.memory_space<vmem_shared>> -> memref<10240x128xf32, #tpu.memory_space<vmem_shared>>
        tpu.wait_indirect_dma semaphore(%run_scoped3A_336 : memref<!tpu.dma_semaphore, #tpu.memory_space<semaphore_mem>>) src(%arg9 : memref<128x128xf32, #tpu.memory_space<vmem>>) dst(%dma_wait3A_348 : memref<10240x128xf32, #tpu.memory_space<vmem_shared>>)
        tpu.yield
      }) : () -> ()
      %dma_wait3A_110 = arith.constant 3 : i32
      %dma_wait3A_111 = arith.constant 0 : i32
      %dma_wait3A_112 = arith.constant 0 : i32
      %dma_wait3A_113 = tpu.memref_slice %arg7[%dma_wait3A_110, %dma_wait3A_111, %dma_wait3A_112] : memref<16x1x128xi32, #tpu.memory_space<vmem>> -> memref<1x1x128xi32, #tpu.memory_space<vmem>>
      %dma_wait3A_114 = tpu.memref_squeeze %dma_wait3A_113 : memref<1x1x128xi32, #tpu.memory_space<vmem>> -> memref<128xi32, #tpu.memory_space<vmem>>
      %dma_wait3A_115 = arith.constant 0 : i32
      %dma_wait3A_116 = arith.constant 0 : i32
      %dma_wait3A_117 = tpu.memref_slice %arg2[%dma_wait3A_115, %dma_wait3A_116] : memref<10240x128xf32, #tpu.memory_space<hbm>> -> memref<10240x128xf32, #tpu.memory_space<hbm>>
      tpu.wait_indirect_dma semaphore(%arg12 : memref<!tpu.dma_semaphore, #tpu.memory_space<semaphore_mem>>) src(%dma_wait3A_117 : memref<10240x128xf32, #tpu.memory_space<hbm>>) dst(%arg10 : memref<128x128xf32, #tpu.memory_space<vmem>>)
      %dma_start3A_118 = arith.constant 4 : i32
      %dma_start3A_119 = arith.constant 0 : i32
      %dma_start3A_120 = arith.constant 0 : i32
      %dma_start3A_121 = tpu.memref_slice %arg7[%dma_start3A_118, %dma_start3A_119, %dma_start3A_120] : memref<16x1x128xi32, #tpu.memory_space<vmem>> -> memref<1x1x128xi32, #tpu.memory_space<vmem>>
      %dma_start3A_122 = tpu.memref_squeeze %dma_start3A_121 : memref<1x1x128xi32, #tpu.memory_space<vmem>> -> memref<128xi32, #tpu.memory_space<vmem>>
      %dma_start3A_123 = arith.constant 0 : i32
      %dma_start3A_124 = arith.constant 0 : i32
      %dma_start3A_125 = tpu.memref_slice %arg2[%dma_start3A_123, %dma_start3A_124] : memref<10240x128xf32, #tpu.memory_space<hbm>> -> memref<10240x128xf32, #tpu.memory_space<hbm>>
      tpu.enqueue_indirect_dma source(%dma_start3A_125 : memref<10240x128xf32, #tpu.memory_space<hbm>>) target(%arg9 : memref<128x128xf32, #tpu.memory_space<vmem>>) offsets(%dma_start3A_122 : memref<128xi32, #tpu.memory_space<vmem>>) semaphore(%arg11 : memref<!tpu.dma_semaphore, #tpu.memory_space<semaphore_mem>>)
      %run_scoped3A_126 = arith.constant 3 : i32
      %run_scoped3A_127 = arith.constant 0 : i32
      "tpu.region"() ({
        %run_scoped3A_336 = tpu.sem_alloc : memref<!tpu.dma_semaphore, #tpu.memory_space<semaphore_mem>>
        %dma_start3A_337 = arith.constant 0 : i32
        %dma_start3A_338 = tpu.memref_slice %arg8[%run_scoped3A_126, %run_scoped3A_127, %dma_start3A_337] : memref<16x1x128xi32, #tpu.memory_space<vmem>> -> memref<1x1x128xi32, #tpu.memory_space<vmem>>
        %dma_start3A_339 = tpu.memref_squeeze %dma_start3A_338 : memref<1x1x128xi32, #tpu.memory_space<vmem>> -> memref<128xi32, #tpu.memory_space<vmem>>
        %dma_start3A_340 = arith.constant 0 : i32
        %dma_start3A_341 = arith.constant 0 : i32
        %dma_start3A_342 = tpu.memref_slice %arg6[%dma_start3A_340, %dma_start3A_341] : memref<10240x128xf32, #tpu.memory_space<vmem_shared>> -> memref<10240x128xf32, #tpu.memory_space<vmem_shared>>
        tpu.enqueue_indirect_dma source(%arg10 : memref<128x128xf32, #tpu.memory_space<vmem>>) target(%dma_start3A_342 : memref<10240x128xf32, #tpu.memory_space<vmem_shared>>) offsets(%dma_start3A_339 : memref<128xi32, #tpu.memory_space<vmem>>) semaphore(%run_scoped3A_336 : memref<!tpu.dma_semaphore, #tpu.memory_space<semaphore_mem>>) {add = true}
        %dma_wait3A_343 = arith.constant 0 : i32
        %dma_wait3A_344 = tpu.memref_slice %arg8[%run_scoped3A_126, %run_scoped3A_127, %dma_wait3A_343] : memref<16x1x128xi32, #tpu.memory_space<vmem>> -> memref<1x1x128xi32, #tpu.memory_space<vmem>>
        %dma_wait3A_345 = tpu.memref_squeeze %dma_wait3A_344 : memref<1x1x128xi32, #tpu.memory_space<vmem>> -> memref<128xi32, #tpu.memory_space<vmem>>
        %dma_wait3A_346 = arith.constant 0 : i32
        %dma_wait3A_347 = arith.constant 0 : i32
        %dma_wait3A_348 = tpu.memref_slice %arg6[%dma_wait3A_346, %dma_wait3A_347] : memref<10240x128xf32, #tpu.memory_space<vmem_shared>> -> memref<10240x128xf32, #tpu.memory_space<vmem_shared>>
        tpu.wait_indirect_dma semaphore(%run_scoped3A_336 : memref<!tpu.dma_semaphore, #tpu.memory_space<semaphore_mem>>) src(%arg10 : memref<128x128xf32, #tpu.memory_space<vmem>>) dst(%dma_wait3A_348 : memref<10240x128xf32, #tpu.memory_space<vmem_shared>>)
        tpu.yield
      }) : () -> ()
      %dma_wait3A_128 = arith.constant 4 : i32
      %dma_wait3A_129 = arith.constant 0 : i32
      %dma_wait3A_130 = arith.constant 0 : i32
      %dma_wait3A_131 = tpu.memref_slice %arg7[%dma_wait3A_128, %dma_wait3A_129, %dma_wait3A_130] : memref<16x1x128xi32, #tpu.memory_space<vmem>> -> memref<1x1x128xi32, #tpu.memory_space<vmem>>
      %dma_wait3A_132 = tpu.memref_squeeze %dma_wait3A_131 : memref<1x1x128xi32, #tpu.memory_space<vmem>> -> memref<128xi32, #tpu.memory_space<vmem>>
      %dma_wait3A_133 = arith.constant 0 : i32
      %dma_wait3A_134 = arith.constant 0 : i32
      %dma_wait3A_135 = tpu.memref_slice %arg2[%dma_wait3A_133, %dma_wait3A_134] : memref<10240x128xf32, #tpu.memory_space<hbm>> -> memref<10240x128xf32, #tpu.memory_space<hbm>>
      tpu.wait_indirect_dma semaphore(%arg11 : memref<!tpu.dma_semaphore, #tpu.memory_space<semaphore_mem>>) src(%dma_wait3A_135 : memref<10240x128xf32, #tpu.memory_space<hbm>>) dst(%arg9 : memref<128x128xf32, #tpu.memory_space<vmem>>)
      %dma_start3A_136 = arith.constant 5 : i32
      %dma_start3A_137 = arith.constant 0 : i32
      %dma_start3A_138 = arith.constant 0 : i32
      %dma_start3A_139 = tpu.memref_slice %arg7[%dma_start3A_136, %dma_start3A_137, %dma_start3A_138] : memref<16x1x128xi32, #tpu.memory_space<vmem>> -> memref<1x1x128xi32, #tpu.memory_space<vmem>>
      %dma_start3A_140 = tpu.memref_squeeze %dma_start3A_139 : memref<1x1x128xi32, #tpu.memory_space<vmem>> -> memref<128xi32, #tpu.memory_space<vmem>>
      %dma_start3A_141 = arith.constant 0 : i32
      %dma_start3A_142 = arith.constant 0 : i32
      %dma_start3A_143 = tpu.memref_slice %arg2[%dma_start3A_141, %dma_start3A_142] : memref<10240x128xf32, #tpu.memory_space<hbm>> -> memref<10240x128xf32, #tpu.memory_space<hbm>>
      tpu.enqueue_indirect_dma source(%dma_start3A_143 : memref<10240x128xf32, #tpu.memory_space<hbm>>) target(%arg10 : memref<128x128xf32, #tpu.memory_space<vmem>>) offsets(%dma_start3A_140 : memref<128xi32, #tpu.memory_space<vmem>>) semaphore(%arg12 : memref<!tpu.dma_semaphore, #tpu.memory_space<semaphore_mem>>)
      %run_scoped3A_144 = arith.constant 4 : i32
      %run_scoped3A_145 = arith.constant 0 : i32
      "tpu.region"() ({
        %run_scoped3A_336 = tpu.sem_alloc : memref<!tpu.dma_semaphore, #tpu.memory_space<semaphore_mem>>
        %dma_start3A_337 = arith.constant 0 : i32
        %dma_start3A_338 = tpu.memref_slice %arg8[%run_scoped3A_144, %run_scoped3A_145, %dma_start3A_337] : memref<16x1x128xi32, #tpu.memory_space<vmem>> -> memref<1x1x128xi32, #tpu.memory_space<vmem>>
        %dma_start3A_339 = tpu.memref_squeeze %dma_start3A_338 : memref<1x1x128xi32, #tpu.memory_space<vmem>> -> memref<128xi32, #tpu.memory_space<vmem>>
        %dma_start3A_340 = arith.constant 0 : i32
        %dma_start3A_341 = arith.constant 0 : i32
        %dma_start3A_342 = tpu.memref_slice %arg6[%dma_start3A_340, %dma_start3A_341] : memref<10240x128xf32, #tpu.memory_space<vmem_shared>> -> memref<10240x128xf32, #tpu.memory_space<vmem_shared>>
        tpu.enqueue_indirect_dma source(%arg9 : memref<128x128xf32, #tpu.memory_space<vmem>>) target(%dma_start3A_342 : memref<10240x128xf32, #tpu.memory_space<vmem_shared>>) offsets(%dma_start3A_339 : memref<128xi32, #tpu.memory_space<vmem>>) semaphore(%run_scoped3A_336 : memref<!tpu.dma_semaphore, #tpu.memory_space<semaphore_mem>>) {add = true}
        %dma_wait3A_343 = arith.constant 0 : i32
        %dma_wait3A_344 = tpu.memref_slice %arg8[%run_scoped3A_144, %run_scoped3A_145, %dma_wait3A_343] : memref<16x1x128xi32, #tpu.memory_space<vmem>> -> memref<1x1x128xi32, #tpu.memory_space<vmem>>
        %dma_wait3A_345 = tpu.memref_squeeze %dma_wait3A_344 : memref<1x1x128xi32, #tpu.memory_space<vmem>> -> memref<128xi32, #tpu.memory_space<vmem>>
        %dma_wait3A_346 = arith.constant 0 : i32
        %dma_wait3A_347 = arith.constant 0 : i32
        %dma_wait3A_348 = tpu.memref_slice %arg6[%dma_wait3A_346, %dma_wait3A_347] : memref<10240x128xf32, #tpu.memory_space<vmem_shared>> -> memref<10240x128xf32, #tpu.memory_space<vmem_shared>>
        tpu.wait_indirect_dma semaphore(%run_scoped3A_336 : memref<!tpu.dma_semaphore, #tpu.memory_space<semaphore_mem>>) src(%arg9 : memref<128x128xf32, #tpu.memory_space<vmem>>) dst(%dma_wait3A_348 : memref<10240x128xf32, #tpu.memory_space<vmem_shared>>)
        tpu.yield
      }) : () -> ()
      %dma_wait3A_146 = arith.constant 5 : i32
      %dma_wait3A_147 = arith.constant 0 : i32
      %dma_wait3A_148 = arith.constant 0 : i32
      %dma_wait3A_149 = tpu.memref_slice %arg7[%dma_wait3A_146, %dma_wait3A_147, %dma_wait3A_148] : memref<16x1x128xi32, #tpu.memory_space<vmem>> -> memref<1x1x128xi32, #tpu.memory_space<vmem>>
      %dma_wait3A_150 = tpu.memref_squeeze %dma_wait3A_149 : memref<1x1x128xi32, #tpu.memory_space<vmem>> -> memref<128xi32, #tpu.memory_space<vmem>>
      %dma_wait3A_151 = arith.constant 0 : i32
      %dma_wait3A_152 = arith.constant 0 : i32
      %dma_wait3A_153 = tpu.memref_slice %arg2[%dma_wait3A_151, %dma_wait3A_152] : memref<10240x128xf32, #tpu.memory_space<hbm>> -> memref<10240x128xf32, #tpu.memory_space<hbm>>
      tpu.wait_indirect_dma semaphore(%arg12 : memref<!tpu.dma_semaphore, #tpu.memory_space<semaphore_mem>>) src(%dma_wait3A_153 : memref<10240x128xf32, #tpu.memory_space<hbm>>) dst(%arg10 : memref<128x128xf32, #tpu.memory_space<vmem>>)
      %dma_start3A_154 = arith.constant 6 : i32
      %dma_start3A_155 = arith.constant 0 : i32
      %dma_start3A_156 = arith.constant 0 : i32
      %dma_start3A_157 = tpu.memref_slice %arg7[%dma_start3A_154, %dma_start3A_155, %dma_start3A_156] : memref<16x1x128xi32, #tpu.memory_space<vmem>> -> memref<1x1x128xi32, #tpu.memory_space<vmem>>
      %dma_start3A_158 = tpu.memref_squeeze %dma_start3A_157 : memref<1x1x128xi32, #tpu.memory_space<vmem>> -> memref<128xi32, #tpu.memory_space<vmem>>
      %dma_start3A_159 = arith.constant 0 : i32
      %dma_start3A_160 = arith.constant 0 : i32
      %dma_start3A_161 = tpu.memref_slice %arg2[%dma_start3A_159, %dma_start3A_160] : memref<10240x128xf32, #tpu.memory_space<hbm>> -> memref<10240x128xf32, #tpu.memory_space<hbm>>
      tpu.enqueue_indirect_dma source(%dma_start3A_161 : memref<10240x128xf32, #tpu.memory_space<hbm>>) target(%arg9 : memref<128x128xf32, #tpu.memory_space<vmem>>) offsets(%dma_start3A_158 : memref<128xi32, #tpu.memory_space<vmem>>) semaphore(%arg11 : memref<!tpu.dma_semaphore, #tpu.memory_space<semaphore_mem>>)
      %run_scoped3A_162 = arith.constant 5 : i32
      %run_scoped3A_163 = arith.constant 0 : i32
      "tpu.region"() ({
        %run_scoped3A_336 = tpu.sem_alloc : memref<!tpu.dma_semaphore, #tpu.memory_space<semaphore_mem>>
        %dma_start3A_337 = arith.constant 0 : i32
        %dma_start3A_338 = tpu.memref_slice %arg8[%run_scoped3A_162, %run_scoped3A_163, %dma_start3A_337] : memref<16x1x128xi32, #tpu.memory_space<vmem>> -> memref<1x1x128xi32, #tpu.memory_space<vmem>>
        %dma_start3A_339 = tpu.memref_squeeze %dma_start3A_338 : memref<1x1x128xi32, #tpu.memory_space<vmem>> -> memref<128xi32, #tpu.memory_space<vmem>>
        %dma_start3A_340 = arith.constant 0 : i32
        %dma_start3A_341 = arith.constant 0 : i32
        %dma_start3A_342 = tpu.memref_slice %arg6[%dma_start3A_340, %dma_start3A_341] : memref<10240x128xf32, #tpu.memory_space<vmem_shared>> -> memref<10240x128xf32, #tpu.memory_space<vmem_shared>>
        tpu.enqueue_indirect_dma source(%arg10 : memref<128x128xf32, #tpu.memory_space<vmem>>) target(%dma_start3A_342 : memref<10240x128xf32, #tpu.memory_space<vmem_shared>>) offsets(%dma_start3A_339 : memref<128xi32, #tpu.memory_space<vmem>>) semaphore(%run_scoped3A_336 : memref<!tpu.dma_semaphore, #tpu.memory_space<semaphore_mem>>) {add = true}
        %dma_wait3A_343 = arith.constant 0 : i32
        %dma_wait3A_344 = tpu.memref_slice %arg8[%run_scoped3A_162, %run_scoped3A_163, %dma_wait3A_343] : memref<16x1x128xi32, #tpu.memory_space<vmem>> -> memref<1x1x128xi32, #tpu.memory_space<vmem>>
        %dma_wait3A_345 = tpu.memref_squeeze %dma_wait3A_344 : memref<1x1x128xi32, #tpu.memory_space<vmem>> -> memref<128xi32, #tpu.memory_space<vmem>>
        %dma_wait3A_346 = arith.constant 0 : i32
        %dma_wait3A_347 = arith.constant 0 : i32
        %dma_wait3A_348 = tpu.memref_slice %arg6[%dma_wait3A_346, %dma_wait3A_347] : memref<10240x128xf32, #tpu.memory_space<vmem_shared>> -> memref<10240x128xf32, #tpu.memory_space<vmem_shared>>
        tpu.wait_indirect_dma semaphore(%run_scoped3A_336 : memref<!tpu.dma_semaphore, #tpu.memory_space<semaphore_mem>>) src(%arg10 : memref<128x128xf32, #tpu.memory_space<vmem>>) dst(%dma_wait3A_348 : memref<10240x128xf32, #tpu.memory_space<vmem_shared>>)
        tpu.yield
      }) : () -> ()
      %dma_wait3A_164 = arith.constant 6 : i32
      %dma_wait3A_165 = arith.constant 0 : i32
      %dma_wait3A_166 = arith.constant 0 : i32
      %dma_wait3A_167 = tpu.memref_slice %arg7[%dma_wait3A_164, %dma_wait3A_165, %dma_wait3A_166] : memref<16x1x128xi32, #tpu.memory_space<vmem>> -> memref<1x1x128xi32, #tpu.memory_space<vmem>>
      %dma_wait3A_168 = tpu.memref_squeeze %dma_wait3A_167 : memref<1x1x128xi32, #tpu.memory_space<vmem>> -> memref<128xi32, #tpu.memory_space<vmem>>
      %dma_wait3A_169 = arith.constant 0 : i32
      %dma_wait3A_170 = arith.constant 0 : i32
      %dma_wait3A_171 = tpu.memref_slice %arg2[%dma_wait3A_169, %dma_wait3A_170] : memref<10240x128xf32, #tpu.memory_space<hbm>> -> memref<10240x128xf32, #tpu.memory_space<hbm>>
      tpu.wait_indirect_dma semaphore(%arg11 : memref<!tpu.dma_semaphore, #tpu.memory_space<semaphore_mem>>) src(%dma_wait3A_171 : memref<10240x128xf32, #tpu.memory_space<hbm>>) dst(%arg9 : memref<128x128xf32, #tpu.memory_space<vmem>>)
      %dma_start3A_172 = arith.constant 7 : i32
      %dma_start3A_173 = arith.constant 0 : i32
      %dma_start3A_174 = arith.constant 0 : i32
      %dma_start3A_175 = tpu.memref_slice %arg7[%dma_start3A_172, %dma_start3A_173, %dma_start3A_174] : memref<16x1x128xi32, #tpu.memory_space<vmem>> -> memref<1x1x128xi32, #tpu.memory_space<vmem>>
      %dma_start3A_176 = tpu.memref_squeeze %dma_start3A_175 : memref<1x1x128xi32, #tpu.memory_space<vmem>> -> memref<128xi32, #tpu.memory_space<vmem>>
      %dma_start3A_177 = arith.constant 0 : i32
      %dma_start3A_178 = arith.constant 0 : i32
      %dma_start3A_179 = tpu.memref_slice %arg2[%dma_start3A_177, %dma_start3A_178] : memref<10240x128xf32, #tpu.memory_space<hbm>> -> memref<10240x128xf32, #tpu.memory_space<hbm>>
      tpu.enqueue_indirect_dma source(%dma_start3A_179 : memref<10240x128xf32, #tpu.memory_space<hbm>>) target(%arg10 : memref<128x128xf32, #tpu.memory_space<vmem>>) offsets(%dma_start3A_176 : memref<128xi32, #tpu.memory_space<vmem>>) semaphore(%arg12 : memref<!tpu.dma_semaphore, #tpu.memory_space<semaphore_mem>>)
      %run_scoped3A_180 = arith.constant 6 : i32
      %run_scoped3A_181 = arith.constant 0 : i32
      "tpu.region"() ({
        %run_scoped3A_336 = tpu.sem_alloc : memref<!tpu.dma_semaphore, #tpu.memory_space<semaphore_mem>>
        %dma_start3A_337 = arith.constant 0 : i32
        %dma_start3A_338 = tpu.memref_slice %arg8[%run_scoped3A_180, %run_scoped3A_181, %dma_start3A_337] : memref<16x1x128xi32, #tpu.memory_space<vmem>> -> memref<1x1x128xi32, #tpu.memory_space<vmem>>
        %dma_start3A_339 = tpu.memref_squeeze %dma_start3A_338 : memref<1x1x128xi32, #tpu.memory_space<vmem>> -> memref<128xi32, #tpu.memory_space<vmem>>
        %dma_start3A_340 = arith.constant 0 : i32
        %dma_start3A_341 = arith.constant 0 : i32
        %dma_start3A_342 = tpu.memref_slice %arg6[%dma_start3A_340, %dma_start3A_341] : memref<10240x128xf32, #tpu.memory_space<vmem_shared>> -> memref<10240x128xf32, #tpu.memory_space<vmem_shared>>
        tpu.enqueue_indirect_dma source(%arg9 : memref<128x128xf32, #tpu.memory_space<vmem>>) target(%dma_start3A_342 : memref<10240x128xf32, #tpu.memory_space<vmem_shared>>) offsets(%dma_start3A_339 : memref<128xi32, #tpu.memory_space<vmem>>) semaphore(%run_scoped3A_336 : memref<!tpu.dma_semaphore, #tpu.memory_space<semaphore_mem>>) {add = true}
        %dma_wait3A_343 = arith.constant 0 : i32
        %dma_wait3A_344 = tpu.memref_slice %arg8[%run_scoped3A_180, %run_scoped3A_181, %dma_wait3A_343] : memref<16x1x128xi32, #tpu.memory_space<vmem>> -> memref<1x1x128xi32, #tpu.memory_space<vmem>>
        %dma_wait3A_345 = tpu.memref_squeeze %dma_wait3A_344 : memref<1x1x128xi32, #tpu.memory_space<vmem>> -> memref<128xi32, #tpu.memory_space<vmem>>
        %dma_wait3A_346 = arith.constant 0 : i32
        %dma_wait3A_347 = arith.constant 0 : i32
        %dma_wait3A_348 = tpu.memref_slice %arg6[%dma_wait3A_346, %dma_wait3A_347] : memref<10240x128xf32, #tpu.memory_space<vmem_shared>> -> memref<10240x128xf32, #tpu.memory_space<vmem_shared>>
        tpu.wait_indirect_dma semaphore(%run_scoped3A_336 : memref<!tpu.dma_semaphore, #tpu.memory_space<semaphore_mem>>) src(%arg9 : memref<128x128xf32, #tpu.memory_space<vmem>>) dst(%dma_wait3A_348 : memref<10240x128xf32, #tpu.memory_space<vmem_shared>>)
        tpu.yield
      }) : () -> ()
      %dma_wait3A_182 = arith.constant 7 : i32
      %dma_wait3A_183 = arith.constant 0 : i32
      %dma_wait3A_184 = arith.constant 0 : i32
      %dma_wait3A_185 = tpu.memref_slice %arg7[%dma_wait3A_182, %dma_wait3A_183, %dma_wait3A_184] : memref<16x1x128xi32, #tpu.memory_space<vmem>> -> memref<1x1x128xi32, #tpu.memory_space<vmem>>
      %dma_wait3A_186 = tpu.memref_squeeze %dma_wait3A_185 : memref<1x1x128xi32, #tpu.memory_space<vmem>> -> memref<128xi32, #tpu.memory_space<vmem>>
      %dma_wait3A_187 = arith.constant 0 : i32
      %dma_wait3A_188 = arith.constant 0 : i32
      %dma_wait3A_189 = tpu.memref_slice %arg2[%dma_wait3A_187, %dma_wait3A_188] : memref<10240x128xf32, #tpu.memory_space<hbm>> -> memref<10240x128xf32, #tpu.memory_space<hbm>>
      tpu.wait_indirect_dma semaphore(%arg12 : memref<!tpu.dma_semaphore, #tpu.memory_space<semaphore_mem>>) src(%dma_wait3A_189 : memref<10240x128xf32, #tpu.memory_space<hbm>>) dst(%arg10 : memref<128x128xf32, #tpu.memory_space<vmem>>)
      %dma_start3A_190 = arith.constant 8 : i32
      %dma_start3A_191 = arith.constant 0 : i32
      %dma_start3A_192 = arith.constant 0 : i32
      %dma_start3A_193 = tpu.memref_slice %arg7[%dma_start3A_190, %dma_start3A_191, %dma_start3A_192] : memref<16x1x128xi32, #tpu.memory_space<vmem>> -> memref<1x1x128xi32, #tpu.memory_space<vmem>>
      %dma_start3A_194 = tpu.memref_squeeze %dma_start3A_193 : memref<1x1x128xi32, #tpu.memory_space<vmem>> -> memref<128xi32, #tpu.memory_space<vmem>>
      %dma_start3A_195 = arith.constant 0 : i32
      %dma_start3A_196 = arith.constant 0 : i32
      %dma_start3A_197 = tpu.memref_slice %arg2[%dma_start3A_195, %dma_start3A_196] : memref<10240x128xf32, #tpu.memory_space<hbm>> -> memref<10240x128xf32, #tpu.memory_space<hbm>>
      tpu.enqueue_indirect_dma source(%dma_start3A_197 : memref<10240x128xf32, #tpu.memory_space<hbm>>) target(%arg9 : memref<128x128xf32, #tpu.memory_space<vmem>>) offsets(%dma_start3A_194 : memref<128xi32, #tpu.memory_space<vmem>>) semaphore(%arg11 : memref<!tpu.dma_semaphore, #tpu.memory_space<semaphore_mem>>)
      %run_scoped3A_198 = arith.constant 7 : i32
      %run_scoped3A_199 = arith.constant 0 : i32
      "tpu.region"() ({
        %run_scoped3A_336 = tpu.sem_alloc : memref<!tpu.dma_semaphore, #tpu.memory_space<semaphore_mem>>
        %dma_start3A_337 = arith.constant 0 : i32
        %dma_start3A_338 = tpu.memref_slice %arg8[%run_scoped3A_198, %run_scoped3A_199, %dma_start3A_337] : memref<16x1x128xi32, #tpu.memory_space<vmem>> -> memref<1x1x128xi32, #tpu.memory_space<vmem>>
        %dma_start3A_339 = tpu.memref_squeeze %dma_start3A_338 : memref<1x1x128xi32, #tpu.memory_space<vmem>> -> memref<128xi32, #tpu.memory_space<vmem>>
        %dma_start3A_340 = arith.constant 0 : i32
        %dma_start3A_341 = arith.constant 0 : i32
        %dma_start3A_342 = tpu.memref_slice %arg6[%dma_start3A_340, %dma_start3A_341] : memref<10240x128xf32, #tpu.memory_space<vmem_shared>> -> memref<10240x128xf32, #tpu.memory_space<vmem_shared>>
        tpu.enqueue_indirect_dma source(%arg10 : memref<128x128xf32, #tpu.memory_space<vmem>>) target(%dma_start3A_342 : memref<10240x128xf32, #tpu.memory_space<vmem_shared>>) offsets(%dma_start3A_339 : memref<128xi32, #tpu.memory_space<vmem>>) semaphore(%run_scoped3A_336 : memref<!tpu.dma_semaphore, #tpu.memory_space<semaphore_mem>>) {add = true}
        %dma_wait3A_343 = arith.constant 0 : i32
        %dma_wait3A_344 = tpu.memref_slice %arg8[%run_scoped3A_198, %run_scoped3A_199, %dma_wait3A_343] : memref<16x1x128xi32, #tpu.memory_space<vmem>> -> memref<1x1x128xi32, #tpu.memory_space<vmem>>
        %dma_wait3A_345 = tpu.memref_squeeze %dma_wait3A_344 : memref<1x1x128xi32, #tpu.memory_space<vmem>> -> memref<128xi32, #tpu.memory_space<vmem>>
        %dma_wait3A_346 = arith.constant 0 : i32
        %dma_wait3A_347 = arith.constant 0 : i32
        %dma_wait3A_348 = tpu.memref_slice %arg6[%dma_wait3A_346, %dma_wait3A_347] : memref<10240x128xf32, #tpu.memory_space<vmem_shared>> -> memref<10240x128xf32, #tpu.memory_space<vmem_shared>>
        tpu.wait_indirect_dma semaphore(%run_scoped3A_336 : memref<!tpu.dma_semaphore, #tpu.memory_space<semaphore_mem>>) src(%arg10 : memref<128x128xf32, #tpu.memory_space<vmem>>) dst(%dma_wait3A_348 : memref<10240x128xf32, #tpu.memory_space<vmem_shared>>)
        tpu.yield
      }) : () -> ()
      %dma_wait3A_200 = arith.constant 8 : i32
      %dma_wait3A_201 = arith.constant 0 : i32
      %dma_wait3A_202 = arith.constant 0 : i32
      %dma_wait3A_203 = tpu.memref_slice %arg7[%dma_wait3A_200, %dma_wait3A_201, %dma_wait3A_202] : memref<16x1x128xi32, #tpu.memory_space<vmem>> -> memref<1x1x128xi32, #tpu.memory_space<vmem>>
      %dma_wait3A_204 = tpu.memref_squeeze %dma_wait3A_203 : memref<1x1x128xi32, #tpu.memory_space<vmem>> -> memref<128xi32, #tpu.memory_space<vmem>>
      %dma_wait3A_205 = arith.constant 0 : i32
      %dma_wait3A_206 = arith.constant 0 : i32
      %dma_wait3A_207 = tpu.memref_slice %arg2[%dma_wait3A_205, %dma_wait3A_206] : memref<10240x128xf32, #tpu.memory_space<hbm>> -> memref<10240x128xf32, #tpu.memory_space<hbm>>
      tpu.wait_indirect_dma semaphore(%arg11 : memref<!tpu.dma_semaphore, #tpu.memory_space<semaphore_mem>>) src(%dma_wait3A_207 : memref<10240x128xf32, #tpu.memory_space<hbm>>) dst(%arg9 : memref<128x128xf32, #tpu.memory_space<vmem>>)
      %dma_start3A_208 = arith.constant 9 : i32
      %dma_start3A_209 = arith.constant 0 : i32
      %dma_start3A_210 = arith.constant 0 : i32
      %dma_start3A_211 = tpu.memref_slice %arg7[%dma_start3A_208, %dma_start3A_209, %dma_start3A_210] : memref<16x1x128xi32, #tpu.memory_space<vmem>> -> memref<1x1x128xi32, #tpu.memory_space<vmem>>
      %dma_start3A_212 = tpu.memref_squeeze %dma_start3A_211 : memref<1x1x128xi32, #tpu.memory_space<vmem>> -> memref<128xi32, #tpu.memory_space<vmem>>
      %dma_start3A_213 = arith.constant 0 : i32
      %dma_start3A_214 = arith.constant 0 : i32
      %dma_start3A_215 = tpu.memref_slice %arg2[%dma_start3A_213, %dma_start3A_214] : memref<10240x128xf32, #tpu.memory_space<hbm>> -> memref<10240x128xf32, #tpu.memory_space<hbm>>
      tpu.enqueue_indirect_dma source(%dma_start3A_215 : memref<10240x128xf32, #tpu.memory_space<hbm>>) target(%arg10 : memref<128x128xf32, #tpu.memory_space<vmem>>) offsets(%dma_start3A_212 : memref<128xi32, #tpu.memory_space<vmem>>) semaphore(%arg12 : memref<!tpu.dma_semaphore, #tpu.memory_space<semaphore_mem>>)
      %run_scoped3A_216 = arith.constant 8 : i32
      %run_scoped3A_217 = arith.constant 0 : i32
      "tpu.region"() ({
        %run_scoped3A_336 = tpu.sem_alloc : memref<!tpu.dma_semaphore, #tpu.memory_space<semaphore_mem>>
        %dma_start3A_337 = arith.constant 0 : i32
        %dma_start3A_338 = tpu.memref_slice %arg8[%run_scoped3A_216, %run_scoped3A_217, %dma_start3A_337] : memref<16x1x128xi32, #tpu.memory_space<vmem>> -> memref<1x1x128xi32, #tpu.memory_space<vmem>>
        %dma_start3A_339 = tpu.memref_squeeze %dma_start3A_338 : memref<1x1x128xi32, #tpu.memory_space<vmem>> -> memref<128xi32, #tpu.memory_space<vmem>>
        %dma_start3A_340 = arith.constant 0 : i32
        %dma_start3A_341 = arith.constant 0 : i32
        %dma_start3A_342 = tpu.memref_slice %arg6[%dma_start3A_340, %dma_start3A_341] : memref<10240x128xf32, #tpu.memory_space<vmem_shared>> -> memref<10240x128xf32, #tpu.memory_space<vmem_shared>>
        tpu.enqueue_indirect_dma source(%arg9 : memref<128x128xf32, #tpu.memory_space<vmem>>) target(%dma_start3A_342 : memref<10240x128xf32, #tpu.memory_space<vmem_shared>>) offsets(%dma_start3A_339 : memref<128xi32, #tpu.memory_space<vmem>>) semaphore(%run_scoped3A_336 : memref<!tpu.dma_semaphore, #tpu.memory_space<semaphore_mem>>) {add = true}
        %dma_wait3A_343 = arith.constant 0 : i32
        %dma_wait3A_344 = tpu.memref_slice %arg8[%run_scoped3A_216, %run_scoped3A_217, %dma_wait3A_343] : memref<16x1x128xi32, #tpu.memory_space<vmem>> -> memref<1x1x128xi32, #tpu.memory_space<vmem>>
        %dma_wait3A_345 = tpu.memref_squeeze %dma_wait3A_344 : memref<1x1x128xi32, #tpu.memory_space<vmem>> -> memref<128xi32, #tpu.memory_space<vmem>>
        %dma_wait3A_346 = arith.constant 0 : i32
        %dma_wait3A_347 = arith.constant 0 : i32
        %dma_wait3A_348 = tpu.memref_slice %arg6[%dma_wait3A_346, %dma_wait3A_347] : memref<10240x128xf32, #tpu.memory_space<vmem_shared>> -> memref<10240x128xf32, #tpu.memory_space<vmem_shared>>
        tpu.wait_indirect_dma semaphore(%run_scoped3A_336 : memref<!tpu.dma_semaphore, #tpu.memory_space<semaphore_mem>>) src(%arg9 : memref<128x128xf32, #tpu.memory_space<vmem>>) dst(%dma_wait3A_348 : memref<10240x128xf32, #tpu.memory_space<vmem_shared>>)
        tpu.yield
      }) : () -> ()
      %dma_wait3A_218 = arith.constant 9 : i32
      %dma_wait3A_219 = arith.constant 0 : i32
      %dma_wait3A_220 = arith.constant 0 : i32
      %dma_wait3A_221 = tpu.memref_slice %arg7[%dma_wait3A_218, %dma_wait3A_219, %dma_wait3A_220] : memref<16x1x128xi32, #tpu.memory_space<vmem>> -> memref<1x1x128xi32, #tpu.memory_space<vmem>>
      %dma_wait3A_222 = tpu.memref_squeeze %dma_wait3A_221 : memref<1x1x128xi32, #tpu.memory_space<vmem>> -> memref<128xi32, #tpu.memory_space<vmem>>
      %dma_wait3A_223 = arith.constant 0 : i32
      %dma_wait3A_224 = arith.constant 0 : i32
      %dma_wait3A_225 = tpu.memref_slice %arg2[%dma_wait3A_223, %dma_wait3A_224] : memref<10240x128xf32, #tpu.memory_space<hbm>> -> memref<10240x128xf32, #tpu.memory_space<hbm>>
      tpu.wait_indirect_dma semaphore(%arg12 : memref<!tpu.dma_semaphore, #tpu.memory_space<semaphore_mem>>) src(%dma_wait3A_225 : memref<10240x128xf32, #tpu.memory_space<hbm>>) dst(%arg10 : memref<128x128xf32, #tpu.memory_space<vmem>>)
      %dma_start3A_226 = arith.constant 10 : i32
      %dma_start3A_227 = arith.constant 0 : i32
      %dma_start3A_228 = arith.constant 0 : i32
      %dma_start3A_229 = tpu.memref_slice %arg7[%dma_start3A_226, %dma_start3A_227, %dma_start3A_228] : memref<16x1x128xi32, #tpu.memory_space<vmem>> -> memref<1x1x128xi32, #tpu.memory_space<vmem>>
      %dma_start3A_230 = tpu.memref_squeeze %dma_start3A_229 : memref<1x1x128xi32, #tpu.memory_space<vmem>> -> memref<128xi32, #tpu.memory_space<vmem>>
      %dma_start3A_231 = arith.constant 0 : i32
      %dma_start3A_232 = arith.constant 0 : i32
      %dma_start3A_233 = tpu.memref_slice %arg2[%dma_start3A_231, %dma_start3A_232] : memref<10240x128xf32, #tpu.memory_space<hbm>> -> memref<10240x128xf32, #tpu.memory_space<hbm>>
      tpu.enqueue_indirect_dma source(%dma_start3A_233 : memref<10240x128xf32, #tpu.memory_space<hbm>>) target(%arg9 : memref<128x128xf32, #tpu.memory_space<vmem>>) offsets(%dma_start3A_230 : memref<128xi32, #tpu.memory_space<vmem>>) semaphore(%arg11 : memref<!tpu.dma_semaphore, #tpu.memory_space<semaphore_mem>>)
      %run_scoped3A_234 = arith.constant 9 : i32
      %run_scoped3A_235 = arith.constant 0 : i32
      "tpu.region"() ({
        %run_scoped3A_336 = tpu.sem_alloc : memref<!tpu.dma_semaphore, #tpu.memory_space<semaphore_mem>>
        %dma_start3A_337 = arith.constant 0 : i32
        %dma_start3A_338 = tpu.memref_slice %arg8[%run_scoped3A_234, %run_scoped3A_235, %dma_start3A_337] : memref<16x1x128xi32, #tpu.memory_space<vmem>> -> memref<1x1x128xi32, #tpu.memory_space<vmem>>
        %dma_start3A_339 = tpu.memref_squeeze %dma_start3A_338 : memref<1x1x128xi32, #tpu.memory_space<vmem>> -> memref<128xi32, #tpu.memory_space<vmem>>
        %dma_start3A_340 = arith.constant 0 : i32
        %dma_start3A_341 = arith.constant 0 : i32
        %dma_start3A_342 = tpu.memref_slice %arg6[%dma_start3A_340, %dma_start3A_341] : memref<10240x128xf32, #tpu.memory_space<vmem_shared>> -> memref<10240x128xf32, #tpu.memory_space<vmem_shared>>
        tpu.enqueue_indirect_dma source(%arg10 : memref<128x128xf32, #tpu.memory_space<vmem>>) target(%dma_start3A_342 : memref<10240x128xf32, #tpu.memory_space<vmem_shared>>) offsets(%dma_start3A_339 : memref<128xi32, #tpu.memory_space<vmem>>) semaphore(%run_scoped3A_336 : memref<!tpu.dma_semaphore, #tpu.memory_space<semaphore_mem>>) {add = true}
        %dma_wait3A_343 = arith.constant 0 : i32
        %dma_wait3A_344 = tpu.memref_slice %arg8[%run_scoped3A_234, %run_scoped3A_235, %dma_wait3A_343] : memref<16x1x128xi32, #tpu.memory_space<vmem>> -> memref<1x1x128xi32, #tpu.memory_space<vmem>>
        %dma_wait3A_345 = tpu.memref_squeeze %dma_wait3A_344 : memref<1x1x128xi32, #tpu.memory_space<vmem>> -> memref<128xi32, #tpu.memory_space<vmem>>
        %dma_wait3A_346 = arith.constant 0 : i32
        %dma_wait3A_347 = arith.constant 0 : i32
        %dma_wait3A_348 = tpu.memref_slice %arg6[%dma_wait3A_346, %dma_wait3A_347] : memref<10240x128xf32, #tpu.memory_space<vmem_shared>> -> memref<10240x128xf32, #tpu.memory_space<vmem_shared>>
        tpu.wait_indirect_dma semaphore(%run_scoped3A_336 : memref<!tpu.dma_semaphore, #tpu.memory_space<semaphore_mem>>) src(%arg10 : memref<128x128xf32, #tpu.memory_space<vmem>>) dst(%dma_wait3A_348 : memref<10240x128xf32, #tpu.memory_space<vmem_shared>>)
        tpu.yield
      }) : () -> ()
      %dma_wait3A_236 = arith.constant 10 : i32
      %dma_wait3A_237 = arith.constant 0 : i32
      %dma_wait3A_238 = arith.constant 0 : i32
      %dma_wait3A_239 = tpu.memref_slice %arg7[%dma_wait3A_236, %dma_wait3A_237, %dma_wait3A_238] : memref<16x1x128xi32, #tpu.memory_space<vmem>> -> memref<1x1x128xi32, #tpu.memory_space<vmem>>
      %dma_wait3A_240 = tpu.memref_squeeze %dma_wait3A_239 : memref<1x1x128xi32, #tpu.memory_space<vmem>> -> memref<128xi32, #tpu.memory_space<vmem>>
      %dma_wait3A_241 = arith.constant 0 : i32
      %dma_wait3A_242 = arith.constant 0 : i32
      %dma_wait3A_243 = tpu.memref_slice %arg2[%dma_wait3A_241, %dma_wait3A_242] : memref<10240x128xf32, #tpu.memory_space<hbm>> -> memref<10240x128xf32, #tpu.memory_space<hbm>>
      tpu.wait_indirect_dma semaphore(%arg11 : memref<!tpu.dma_semaphore, #tpu.memory_space<semaphore_mem>>) src(%dma_wait3A_243 : memref<10240x128xf32, #tpu.memory_space<hbm>>) dst(%arg9 : memref<128x128xf32, #tpu.memory_space<vmem>>)
      %dma_start3A_244 = arith.constant 11 : i32
      %dma_start3A_245 = arith.constant 0 : i32
      %dma_start3A_246 = arith.constant 0 : i32
      %dma_start3A_247 = tpu.memref_slice %arg7[%dma_start3A_244, %dma_start3A_245, %dma_start3A_246] : memref<16x1x128xi32, #tpu.memory_space<vmem>> -> memref<1x1x128xi32, #tpu.memory_space<vmem>>
      %dma_start3A_248 = tpu.memref_squeeze %dma_start3A_247 : memref<1x1x128xi32, #tpu.memory_space<vmem>> -> memref<128xi32, #tpu.memory_space<vmem>>
      %dma_start3A_249 = arith.constant 0 : i32
      %dma_start3A_250 = arith.constant 0 : i32
      %dma_start3A_251 = tpu.memref_slice %arg2[%dma_start3A_249, %dma_start3A_250] : memref<10240x128xf32, #tpu.memory_space<hbm>> -> memref<10240x128xf32, #tpu.memory_space<hbm>>
      tpu.enqueue_indirect_dma source(%dma_start3A_251 : memref<10240x128xf32, #tpu.memory_space<hbm>>) target(%arg10 : memref<128x128xf32, #tpu.memory_space<vmem>>) offsets(%dma_start3A_248 : memref<128xi32, #tpu.memory_space<vmem>>) semaphore(%arg12 : memref<!tpu.dma_semaphore, #tpu.memory_space<semaphore_mem>>)
      %run_scoped3A_252 = arith.constant 10 : i32
      %run_scoped3A_253 = arith.constant 0 : i32
      "tpu.region"() ({
        %run_scoped3A_336 = tpu.sem_alloc : memref<!tpu.dma_semaphore, #tpu.memory_space<semaphore_mem>>
        %dma_start3A_337 = arith.constant 0 : i32
        %dma_start3A_338 = tpu.memref_slice %arg8[%run_scoped3A_252, %run_scoped3A_253, %dma_start3A_337] : memref<16x1x128xi32, #tpu.memory_space<vmem>> -> memref<1x1x128xi32, #tpu.memory_space<vmem>>
        %dma_start3A_339 = tpu.memref_squeeze %dma_start3A_338 : memref<1x1x128xi32, #tpu.memory_space<vmem>> -> memref<128xi32, #tpu.memory_space<vmem>>
        %dma_start3A_340 = arith.constant 0 : i32
        %dma_start3A_341 = arith.constant 0 : i32
        %dma_start3A_342 = tpu.memref_slice %arg6[%dma_start3A_340, %dma_start3A_341] : memref<10240x128xf32, #tpu.memory_space<vmem_shared>> -> memref<10240x128xf32, #tpu.memory_space<vmem_shared>>
        tpu.enqueue_indirect_dma source(%arg9 : memref<128x128xf32, #tpu.memory_space<vmem>>) target(%dma_start3A_342 : memref<10240x128xf32, #tpu.memory_space<vmem_shared>>) offsets(%dma_start3A_339 : memref<128xi32, #tpu.memory_space<vmem>>) semaphore(%run_scoped3A_336 : memref<!tpu.dma_semaphore, #tpu.memory_space<semaphore_mem>>) {add = true}
        %dma_wait3A_343 = arith.constant 0 : i32
        %dma_wait3A_344 = tpu.memref_slice %arg8[%run_scoped3A_252, %run_scoped3A_253, %dma_wait3A_343] : memref<16x1x128xi32, #tpu.memory_space<vmem>> -> memref<1x1x128xi32, #tpu.memory_space<vmem>>
        %dma_wait3A_345 = tpu.memref_squeeze %dma_wait3A_344 : memref<1x1x128xi32, #tpu.memory_space<vmem>> -> memref<128xi32, #tpu.memory_space<vmem>>
        %dma_wait3A_346 = arith.constant 0 : i32
        %dma_wait3A_347 = arith.constant 0 : i32
        %dma_wait3A_348 = tpu.memref_slice %arg6[%dma_wait3A_346, %dma_wait3A_347] : memref<10240x128xf32, #tpu.memory_space<vmem_shared>> -> memref<10240x128xf32, #tpu.memory_space<vmem_shared>>
        tpu.wait_indirect_dma semaphore(%run_scoped3A_336 : memref<!tpu.dma_semaphore, #tpu.memory_space<semaphore_mem>>) src(%arg9 : memref<128x128xf32, #tpu.memory_space<vmem>>) dst(%dma_wait3A_348 : memref<10240x128xf32, #tpu.memory_space<vmem_shared>>)
        tpu.yield
      }) : () -> ()
      %dma_wait3A_254 = arith.constant 11 : i32
      %dma_wait3A_255 = arith.constant 0 : i32
      %dma_wait3A_256 = arith.constant 0 : i32
      %dma_wait3A_257 = tpu.memref_slice %arg7[%dma_wait3A_254, %dma_wait3A_255, %dma_wait3A_256] : memref<16x1x128xi32, #tpu.memory_space<vmem>> -> memref<1x1x128xi32, #tpu.memory_space<vmem>>
      %dma_wait3A_258 = tpu.memref_squeeze %dma_wait3A_257 : memref<1x1x128xi32, #tpu.memory_space<vmem>> -> memref<128xi32, #tpu.memory_space<vmem>>
      %dma_wait3A_259 = arith.constant 0 : i32
      %dma_wait3A_260 = arith.constant 0 : i32
      %dma_wait3A_261 = tpu.memref_slice %arg2[%dma_wait3A_259, %dma_wait3A_260] : memref<10240x128xf32, #tpu.memory_space<hbm>> -> memref<10240x128xf32, #tpu.memory_space<hbm>>
      tpu.wait_indirect_dma semaphore(%arg12 : memref<!tpu.dma_semaphore, #tpu.memory_space<semaphore_mem>>) src(%dma_wait3A_261 : memref<10240x128xf32, #tpu.memory_space<hbm>>) dst(%arg10 : memref<128x128xf32, #tpu.memory_space<vmem>>)
      %dma_start3A_262 = arith.constant 12 : i32
      %dma_start3A_263 = arith.constant 0 : i32
      %dma_start3A_264 = arith.constant 0 : i32
      %dma_start3A_265 = tpu.memref_slice %arg7[%dma_start3A_262, %dma_start3A_263, %dma_start3A_264] : memref<16x1x128xi32, #tpu.memory_space<vmem>> -> memref<1x1x128xi32, #tpu.memory_space<vmem>>
      %dma_start3A_266 = tpu.memref_squeeze %dma_start3A_265 : memref<1x1x128xi32, #tpu.memory_space<vmem>> -> memref<128xi32, #tpu.memory_space<vmem>>
      %dma_start3A_267 = arith.constant 0 : i32
      %dma_start3A_268 = arith.constant 0 : i32
      %dma_start3A_269 = tpu.memref_slice %arg2[%dma_start3A_267, %dma_start3A_268] : memref<10240x128xf32, #tpu.memory_space<hbm>> -> memref<10240x128xf32, #tpu.memory_space<hbm>>
      tpu.enqueue_indirect_dma source(%dma_start3A_269 : memref<10240x128xf32, #tpu.memory_space<hbm>>) target(%arg9 : memref<128x128xf32, #tpu.memory_space<vmem>>) offsets(%dma_start3A_266 : memref<128xi32, #tpu.memory_space<vmem>>) semaphore(%arg11 : memref<!tpu.dma_semaphore, #tpu.memory_space<semaphore_mem>>)
      %run_scoped3A_270 = arith.constant 11 : i32
      %run_scoped3A_271 = arith.constant 0 : i32
      "tpu.region"() ({
        %run_scoped3A_336 = tpu.sem_alloc : memref<!tpu.dma_semaphore, #tpu.memory_space<semaphore_mem>>
        %dma_start3A_337 = arith.constant 0 : i32
        %dma_start3A_338 = tpu.memref_slice %arg8[%run_scoped3A_270, %run_scoped3A_271, %dma_start3A_337] : memref<16x1x128xi32, #tpu.memory_space<vmem>> -> memref<1x1x128xi32, #tpu.memory_space<vmem>>
        %dma_start3A_339 = tpu.memref_squeeze %dma_start3A_338 : memref<1x1x128xi32, #tpu.memory_space<vmem>> -> memref<128xi32, #tpu.memory_space<vmem>>
        %dma_start3A_340 = arith.constant 0 : i32
        %dma_start3A_341 = arith.constant 0 : i32
        %dma_start3A_342 = tpu.memref_slice %arg6[%dma_start3A_340, %dma_start3A_341] : memref<10240x128xf32, #tpu.memory_space<vmem_shared>> -> memref<10240x128xf32, #tpu.memory_space<vmem_shared>>
        tpu.enqueue_indirect_dma source(%arg10 : memref<128x128xf32, #tpu.memory_space<vmem>>) target(%dma_start3A_342 : memref<10240x128xf32, #tpu.memory_space<vmem_shared>>) offsets(%dma_start3A_339 : memref<128xi32, #tpu.memory_space<vmem>>) semaphore(%run_scoped3A_336 : memref<!tpu.dma_semaphore, #tpu.memory_space<semaphore_mem>>) {add = true}
        %dma_wait3A_343 = arith.constant 0 : i32
        %dma_wait3A_344 = tpu.memref_slice %arg8[%run_scoped3A_270, %run_scoped3A_271, %dma_wait3A_343] : memref<16x1x128xi32, #tpu.memory_space<vmem>> -> memref<1x1x128xi32, #tpu.memory_space<vmem>>
        %dma_wait3A_345 = tpu.memref_squeeze %dma_wait3A_344 : memref<1x1x128xi32, #tpu.memory_space<vmem>> -> memref<128xi32, #tpu.memory_space<vmem>>
        %dma_wait3A_346 = arith.constant 0 : i32
        %dma_wait3A_347 = arith.constant 0 : i32
        %dma_wait3A_348 = tpu.memref_slice %arg6[%dma_wait3A_346, %dma_wait3A_347] : memref<10240x128xf32, #tpu.memory_space<vmem_shared>> -> memref<10240x128xf32, #tpu.memory_space<vmem_shared>>
        tpu.wait_indirect_dma semaphore(%run_scoped3A_336 : memref<!tpu.dma_semaphore, #tpu.memory_space<semaphore_mem>>) src(%arg10 : memref<128x128xf32, #tpu.memory_space<vmem>>) dst(%dma_wait3A_348 : memref<10240x128xf32, #tpu.memory_space<vmem_shared>>)
        tpu.yield
      }) : () -> ()
      %dma_wait3A_272 = arith.constant 12 : i32
      %dma_wait3A_273 = arith.constant 0 : i32
      %dma_wait3A_274 = arith.constant 0 : i32
      %dma_wait3A_275 = tpu.memref_slice %arg7[%dma_wait3A_272, %dma_wait3A_273, %dma_wait3A_274] : memref<16x1x128xi32, #tpu.memory_space<vmem>> -> memref<1x1x128xi32, #tpu.memory_space<vmem>>
      %dma_wait3A_276 = tpu.memref_squeeze %dma_wait3A_275 : memref<1x1x128xi32, #tpu.memory_space<vmem>> -> memref<128xi32, #tpu.memory_space<vmem>>
      %dma_wait3A_277 = arith.constant 0 : i32
      %dma_wait3A_278 = arith.constant 0 : i32
      %dma_wait3A_279 = tpu.memref_slice %arg2[%dma_wait3A_277, %dma_wait3A_278] : memref<10240x128xf32, #tpu.memory_space<hbm>> -> memref<10240x128xf32, #tpu.memory_space<hbm>>
      tpu.wait_indirect_dma semaphore(%arg11 : memref<!tpu.dma_semaphore, #tpu.memory_space<semaphore_mem>>) src(%dma_wait3A_279 : memref<10240x128xf32, #tpu.memory_space<hbm>>) dst(%arg9 : memref<128x128xf32, #tpu.memory_space<vmem>>)
      %dma_start3A_280 = arith.constant 13 : i32
      %dma_start3A_281 = arith.constant 0 : i32
      %dma_start3A_282 = arith.constant 0 : i32
      %dma_start3A_283 = tpu.memref_slice %arg7[%dma_start3A_280, %dma_start3A_281, %dma_start3A_282] : memref<16x1x128xi32, #tpu.memory_space<vmem>> -> memref<1x1x128xi32, #tpu.memory_space<vmem>>
      %dma_start3A_284 = tpu.memref_squeeze %dma_start3A_283 : memref<1x1x128xi32, #tpu.memory_space<vmem>> -> memref<128xi32, #tpu.memory_space<vmem>>
      %dma_start3A_285 = arith.constant 0 : i32
      %dma_start3A_286 = arith.constant 0 : i32
      %dma_start3A_287 = tpu.memref_slice %arg2[%dma_start3A_285, %dma_start3A_286] : memref<10240x128xf32, #tpu.memory_space<hbm>> -> memref<10240x128xf32, #tpu.memory_space<hbm>>
      tpu.enqueue_indirect_dma source(%dma_start3A_287 : memref<10240x128xf32, #tpu.memory_space<hbm>>) target(%arg10 : memref<128x128xf32, #tpu.memory_space<vmem>>) offsets(%dma_start3A_284 : memref<128xi32, #tpu.memory_space<vmem>>) semaphore(%arg12 : memref<!tpu.dma_semaphore, #tpu.memory_space<semaphore_mem>>)
      %run_scoped3A_288 = arith.constant 12 : i32
      %run_scoped3A_289 = arith.constant 0 : i32
      "tpu.region"() ({
        %run_scoped3A_336 = tpu.sem_alloc : memref<!tpu.dma_semaphore, #tpu.memory_space<semaphore_mem>>
        %dma_start3A_337 = arith.constant 0 : i32
        %dma_start3A_338 = tpu.memref_slice %arg8[%run_scoped3A_288, %run_scoped3A_289, %dma_start3A_337] : memref<16x1x128xi32, #tpu.memory_space<vmem>> -> memref<1x1x128xi32, #tpu.memory_space<vmem>>
        %dma_start3A_339 = tpu.memref_squeeze %dma_start3A_338 : memref<1x1x128xi32, #tpu.memory_space<vmem>> -> memref<128xi32, #tpu.memory_space<vmem>>
        %dma_start3A_340 = arith.constant 0 : i32
        %dma_start3A_341 = arith.constant 0 : i32
        %dma_start3A_342 = tpu.memref_slice %arg6[%dma_start3A_340, %dma_start3A_341] : memref<10240x128xf32, #tpu.memory_space<vmem_shared>> -> memref<10240x128xf32, #tpu.memory_space<vmem_shared>>
        tpu.enqueue_indirect_dma source(%arg9 : memref<128x128xf32, #tpu.memory_space<vmem>>) target(%dma_start3A_342 : memref<10240x128xf32, #tpu.memory_space<vmem_shared>>) offsets(%dma_start3A_339 : memref<128xi32, #tpu.memory_space<vmem>>) semaphore(%run_scoped3A_336 : memref<!tpu.dma_semaphore, #tpu.memory_space<semaphore_mem>>) {add = true}
        %dma_wait3A_343 = arith.constant 0 : i32
        %dma_wait3A_344 = tpu.memref_slice %arg8[%run_scoped3A_288, %run_scoped3A_289, %dma_wait3A_343] : memref<16x1x128xi32, #tpu.memory_space<vmem>> -> memref<1x1x128xi32, #tpu.memory_space<vmem>>
        %dma_wait3A_345 = tpu.memref_squeeze %dma_wait3A_344 : memref<1x1x128xi32, #tpu.memory_space<vmem>> -> memref<128xi32, #tpu.memory_space<vmem>>
        %dma_wait3A_346 = arith.constant 0 : i32
        %dma_wait3A_347 = arith.constant 0 : i32
        %dma_wait3A_348 = tpu.memref_slice %arg6[%dma_wait3A_346, %dma_wait3A_347] : memref<10240x128xf32, #tpu.memory_space<vmem_shared>> -> memref<10240x128xf32, #tpu.memory_space<vmem_shared>>
        tpu.wait_indirect_dma semaphore(%run_scoped3A_336 : memref<!tpu.dma_semaphore, #tpu.memory_space<semaphore_mem>>) src(%arg9 : memref<128x128xf32, #tpu.memory_space<vmem>>) dst(%dma_wait3A_348 : memref<10240x128xf32, #tpu.memory_space<vmem_shared>>)
        tpu.yield
      }) : () -> ()
      %dma_wait3A_290 = arith.constant 13 : i32
      %dma_wait3A_291 = arith.constant 0 : i32
      %dma_wait3A_292 = arith.constant 0 : i32
      %dma_wait3A_293 = tpu.memref_slice %arg7[%dma_wait3A_290, %dma_wait3A_291, %dma_wait3A_292] : memref<16x1x128xi32, #tpu.memory_space<vmem>> -> memref<1x1x128xi32, #tpu.memory_space<vmem>>
      %dma_wait3A_294 = tpu.memref_squeeze %dma_wait3A_293 : memref<1x1x128xi32, #tpu.memory_space<vmem>> -> memref<128xi32, #tpu.memory_space<vmem>>
      %dma_wait3A_295 = arith.constant 0 : i32
      %dma_wait3A_296 = arith.constant 0 : i32
      %dma_wait3A_297 = tpu.memref_slice %arg2[%dma_wait3A_295, %dma_wait3A_296] : memref<10240x128xf32, #tpu.memory_space<hbm>> -> memref<10240x128xf32, #tpu.memory_space<hbm>>
      tpu.wait_indirect_dma semaphore(%arg12 : memref<!tpu.dma_semaphore, #tpu.memory_space<semaphore_mem>>) src(%dma_wait3A_297 : memref<10240x128xf32, #tpu.memory_space<hbm>>) dst(%arg10 : memref<128x128xf32, #tpu.memory_space<vmem>>)
      %dma_start3A_298 = arith.constant 14 : i32
      %dma_start3A_299 = arith.constant 0 : i32
      %dma_start3A_300 = arith.constant 0 : i32
      %dma_start3A_301 = tpu.memref_slice %arg7[%dma_start3A_298, %dma_start3A_299, %dma_start3A_300] : memref<16x1x128xi32, #tpu.memory_space<vmem>> -> memref<1x1x128xi32, #tpu.memory_space<vmem>>
      %dma_start3A_302 = tpu.memref_squeeze %dma_start3A_301 : memref<1x1x128xi32, #tpu.memory_space<vmem>> -> memref<128xi32, #tpu.memory_space<vmem>>
      %dma_start3A_303 = arith.constant 0 : i32
      %dma_start3A_304 = arith.constant 0 : i32
      %dma_start3A_305 = tpu.memref_slice %arg2[%dma_start3A_303, %dma_start3A_304] : memref<10240x128xf32, #tpu.memory_space<hbm>> -> memref<10240x128xf32, #tpu.memory_space<hbm>>
      tpu.enqueue_indirect_dma source(%dma_start3A_305 : memref<10240x128xf32, #tpu.memory_space<hbm>>) target(%arg9 : memref<128x128xf32, #tpu.memory_space<vmem>>) offsets(%dma_start3A_302 : memref<128xi32, #tpu.memory_space<vmem>>) semaphore(%arg11 : memref<!tpu.dma_semaphore, #tpu.memory_space<semaphore_mem>>)
      %run_scoped3A_306 = arith.constant 13 : i32
      %run_scoped3A_307 = arith.constant 0 : i32
      "tpu.region"() ({
        %run_scoped3A_336 = tpu.sem_alloc : memref<!tpu.dma_semaphore, #tpu.memory_space<semaphore_mem>>
        %dma_start3A_337 = arith.constant 0 : i32
        %dma_start3A_338 = tpu.memref_slice %arg8[%run_scoped3A_306, %run_scoped3A_307, %dma_start3A_337] : memref<16x1x128xi32, #tpu.memory_space<vmem>> -> memref<1x1x128xi32, #tpu.memory_space<vmem>>
        %dma_start3A_339 = tpu.memref_squeeze %dma_start3A_338 : memref<1x1x128xi32, #tpu.memory_space<vmem>> -> memref<128xi32, #tpu.memory_space<vmem>>
        %dma_start3A_340 = arith.constant 0 : i32
        %dma_start3A_341 = arith.constant 0 : i32
        %dma_start3A_342 = tpu.memref_slice %arg6[%dma_start3A_340, %dma_start3A_341] : memref<10240x128xf32, #tpu.memory_space<vmem_shared>> -> memref<10240x128xf32, #tpu.memory_space<vmem_shared>>
        tpu.enqueue_indirect_dma source(%arg10 : memref<128x128xf32, #tpu.memory_space<vmem>>) target(%dma_start3A_342 : memref<10240x128xf32, #tpu.memory_space<vmem_shared>>) offsets(%dma_start3A_339 : memref<128xi32, #tpu.memory_space<vmem>>) semaphore(%run_scoped3A_336 : memref<!tpu.dma_semaphore, #tpu.memory_space<semaphore_mem>>) {add = true}
        %dma_wait3A_343 = arith.constant 0 : i32
        %dma_wait3A_344 = tpu.memref_slice %arg8[%run_scoped3A_306, %run_scoped3A_307, %dma_wait3A_343] : memref<16x1x128xi32, #tpu.memory_space<vmem>> -> memref<1x1x128xi32, #tpu.memory_space<vmem>>
        %dma_wait3A_345 = tpu.memref_squeeze %dma_wait3A_344 : memref<1x1x128xi32, #tpu.memory_space<vmem>> -> memref<128xi32, #tpu.memory_space<vmem>>
        %dma_wait3A_346 = arith.constant 0 : i32
        %dma_wait3A_347 = arith.constant 0 : i32
        %dma_wait3A_348 = tpu.memref_slice %arg6[%dma_wait3A_346, %dma_wait3A_347] : memref<10240x128xf32, #tpu.memory_space<vmem_shared>> -> memref<10240x128xf32, #tpu.memory_space<vmem_shared>>
        tpu.wait_indirect_dma semaphore(%run_scoped3A_336 : memref<!tpu.dma_semaphore, #tpu.memory_space<semaphore_mem>>) src(%arg10 : memref<128x128xf32, #tpu.memory_space<vmem>>) dst(%dma_wait3A_348 : memref<10240x128xf32, #tpu.memory_space<vmem_shared>>)
        tpu.yield
      }) : () -> ()
      %dma_wait3A_308 = arith.constant 14 : i32
      %dma_wait3A_309 = arith.constant 0 : i32
      %dma_wait3A_310 = arith.constant 0 : i32
      %dma_wait3A_311 = tpu.memref_slice %arg7[%dma_wait3A_308, %dma_wait3A_309, %dma_wait3A_310] : memref<16x1x128xi32, #tpu.memory_space<vmem>> -> memref<1x1x128xi32, #tpu.memory_space<vmem>>
      %dma_wait3A_312 = tpu.memref_squeeze %dma_wait3A_311 : memref<1x1x128xi32, #tpu.memory_space<vmem>> -> memref<128xi32, #tpu.memory_space<vmem>>
      %dma_wait3A_313 = arith.constant 0 : i32
      %dma_wait3A_314 = arith.constant 0 : i32
      %dma_wait3A_315 = tpu.memref_slice %arg2[%dma_wait3A_313, %dma_wait3A_314] : memref<10240x128xf32, #tpu.memory_space<hbm>> -> memref<10240x128xf32, #tpu.memory_space<hbm>>
      tpu.wait_indirect_dma semaphore(%arg11 : memref<!tpu.dma_semaphore, #tpu.memory_space<semaphore_mem>>) src(%dma_wait3A_315 : memref<10240x128xf32, #tpu.memory_space<hbm>>) dst(%arg9 : memref<128x128xf32, #tpu.memory_space<vmem>>)
      %dma_start3A_316 = arith.constant 15 : i32
      %dma_start3A_317 = arith.constant 0 : i32
      %dma_start3A_318 = arith.constant 0 : i32
      %dma_start3A_319 = tpu.memref_slice %arg7[%dma_start3A_316, %dma_start3A_317, %dma_start3A_318] : memref<16x1x128xi32, #tpu.memory_space<vmem>> -> memref<1x1x128xi32, #tpu.memory_space<vmem>>
      %dma_start3A_320 = tpu.memref_squeeze %dma_start3A_319 : memref<1x1x128xi32, #tpu.memory_space<vmem>> -> memref<128xi32, #tpu.memory_space<vmem>>
      %dma_start3A_321 = arith.constant 0 : i32
      %dma_start3A_322 = arith.constant 0 : i32
      %dma_start3A_323 = tpu.memref_slice %arg2[%dma_start3A_321, %dma_start3A_322] : memref<10240x128xf32, #tpu.memory_space<hbm>> -> memref<10240x128xf32, #tpu.memory_space<hbm>>
      tpu.enqueue_indirect_dma source(%dma_start3A_323 : memref<10240x128xf32, #tpu.memory_space<hbm>>) target(%arg10 : memref<128x128xf32, #tpu.memory_space<vmem>>) offsets(%dma_start3A_320 : memref<128xi32, #tpu.memory_space<vmem>>) semaphore(%arg12 : memref<!tpu.dma_semaphore, #tpu.memory_space<semaphore_mem>>)
      %run_scoped3A_324 = arith.constant 14 : i32
      %run_scoped3A_325 = arith.constant 0 : i32
      "tpu.region"() ({
        %run_scoped3A_336 = tpu.sem_alloc : memref<!tpu.dma_semaphore, #tpu.memory_space<semaphore_mem>>
        %dma_start3A_337 = arith.constant 0 : i32
        %dma_start3A_338 = tpu.memref_slice %arg8[%run_scoped3A_324, %run_scoped3A_325, %dma_start3A_337] : memref<16x1x128xi32, #tpu.memory_space<vmem>> -> memref<1x1x128xi32, #tpu.memory_space<vmem>>
        %dma_start3A_339 = tpu.memref_squeeze %dma_start3A_338 : memref<1x1x128xi32, #tpu.memory_space<vmem>> -> memref<128xi32, #tpu.memory_space<vmem>>
        %dma_start3A_340 = arith.constant 0 : i32
        %dma_start3A_341 = arith.constant 0 : i32
        %dma_start3A_342 = tpu.memref_slice %arg6[%dma_start3A_340, %dma_start3A_341] : memref<10240x128xf32, #tpu.memory_space<vmem_shared>> -> memref<10240x128xf32, #tpu.memory_space<vmem_shared>>
        tpu.enqueue_indirect_dma source(%arg9 : memref<128x128xf32, #tpu.memory_space<vmem>>) target(%dma_start3A_342 : memref<10240x128xf32, #tpu.memory_space<vmem_shared>>) offsets(%dma_start3A_339 : memref<128xi32, #tpu.memory_space<vmem>>) semaphore(%run_scoped3A_336 : memref<!tpu.dma_semaphore, #tpu.memory_space<semaphore_mem>>) {add = true}
        %dma_wait3A_343 = arith.constant 0 : i32
        %dma_wait3A_344 = tpu.memref_slice %arg8[%run_scoped3A_324, %run_scoped3A_325, %dma_wait3A_343] : memref<16x1x128xi32, #tpu.memory_space<vmem>> -> memref<1x1x128xi32, #tpu.memory_space<vmem>>
        %dma_wait3A_345 = tpu.memref_squeeze %dma_wait3A_344 : memref<1x1x128xi32, #tpu.memory_space<vmem>> -> memref<128xi32, #tpu.memory_space<vmem>>
        %dma_wait3A_346 = arith.constant 0 : i32
        %dma_wait3A_347 = arith.constant 0 : i32
        %dma_wait3A_348 = tpu.memref_slice %arg6[%dma_wait3A_346, %dma_wait3A_347] : memref<10240x128xf32, #tpu.memory_space<vmem_shared>> -> memref<10240x128xf32, #tpu.memory_space<vmem_shared>>
        tpu.wait_indirect_dma semaphore(%run_scoped3A_336 : memref<!tpu.dma_semaphore, #tpu.memory_space<semaphore_mem>>) src(%arg9 : memref<128x128xf32, #tpu.memory_space<vmem>>) dst(%dma_wait3A_348 : memref<10240x128xf32, #tpu.memory_space<vmem_shared>>)
        tpu.yield
      }) : () -> ()
      %dma_wait3A_326 = arith.constant 15 : i32
      %dma_wait3A_327 = arith.constant 0 : i32
      %dma_wait3A_328 = arith.constant 0 : i32
      %dma_wait3A_329 = tpu.memref_slice %arg7[%dma_wait3A_326, %dma_wait3A_327, %dma_wait3A_328] : memref<16x1x128xi32, #tpu.memory_space<vmem>> -> memref<1x1x128xi32, #tpu.memory_space<vmem>>
      %dma_wait3A_330 = tpu.memref_squeeze %dma_wait3A_329 : memref<1x1x128xi32, #tpu.memory_space<vmem>> -> memref<128xi32, #tpu.memory_space<vmem>>
      %dma_wait3A_331 = arith.constant 0 : i32
      %dma_wait3A_332 = arith.constant 0 : i32
      %dma_wait3A_333 = tpu.memref_slice %arg2[%dma_wait3A_331, %dma_wait3A_332] : memref<10240x128xf32, #tpu.memory_space<hbm>> -> memref<10240x128xf32, #tpu.memory_space<hbm>>
      tpu.wait_indirect_dma semaphore(%arg12 : memref<!tpu.dma_semaphore, #tpu.memory_space<semaphore_mem>>) src(%dma_wait3A_333 : memref<10240x128xf32, #tpu.memory_space<hbm>>) dst(%arg10 : memref<128x128xf32, #tpu.memory_space<vmem>>)
      %run_scoped3A_334 = arith.constant 15 : i32
      %run_scoped3A_335 = arith.constant 0 : i32
      "tpu.region"() ({
        %run_scoped3A_336 = tpu.sem_alloc : memref<!tpu.dma_semaphore, #tpu.memory_space<semaphore_mem>>
        %dma_start3A_337 = arith.constant 0 : i32
        %dma_start3A_338 = tpu.memref_slice %arg8[%run_scoped3A_334, %run_scoped3A_335, %dma_start3A_337] : memref<16x1x128xi32, #tpu.memory_space<vmem>> -> memref<1x1x128xi32, #tpu.memory_space<vmem>>
        %dma_start3A_339 = tpu.memref_squeeze %dma_start3A_338 : memref<1x1x128xi32, #tpu.memory_space<vmem>> -> memref<128xi32, #tpu.memory_space<vmem>>
        %dma_start3A_340 = arith.constant 0 : i32
        %dma_start3A_341 = arith.constant 0 : i32
        %dma_start3A_342 = tpu.memref_slice %arg6[%dma_start3A_340, %dma_start3A_341] : memref<10240x128xf32, #tpu.memory_space<vmem_shared>> -> memref<10240x128xf32, #tpu.memory_space<vmem_shared>>
        tpu.enqueue_indirect_dma source(%arg10 : memref<128x128xf32, #tpu.memory_space<vmem>>) target(%dma_start3A_342 : memref<10240x128xf32, #tpu.memory_space<vmem_shared>>) offsets(%dma_start3A_339 : memref<128xi32, #tpu.memory_space<vmem>>) semaphore(%run_scoped3A_336 : memref<!tpu.dma_semaphore, #tpu.memory_space<semaphore_mem>>) {add = true}
        %dma_wait3A_343 = arith.constant 0 : i32
        %dma_wait3A_344 = tpu.memref_slice %arg8[%run_scoped3A_334, %run_scoped3A_335, %dma_wait3A_343] : memref<16x1x128xi32, #tpu.memory_space<vmem>> -> memref<1x1x128xi32, #tpu.memory_space<vmem>>
        %dma_wait3A_345 = tpu.memref_squeeze %dma_wait3A_344 : memref<1x1x128xi32, #tpu.memory_space<vmem>> -> memref<128xi32, #tpu.memory_space<vmem>>
        %dma_wait3A_346 = arith.constant 0 : i32
        %dma_wait3A_347 = arith.constant 0 : i32
        %dma_wait3A_348 = tpu.memref_slice %arg6[%dma_wait3A_346, %dma_wait3A_347] : memref<10240x128xf32, #tpu.memory_space<vmem_shared>> -> memref<10240x128xf32, #tpu.memory_space<vmem_shared>>
        tpu.wait_indirect_dma semaphore(%run_scoped3A_336 : memref<!tpu.dma_semaphore, #tpu.memory_space<semaphore_mem>>) src(%arg10 : memref<128x128xf32, #tpu.memory_space<vmem>>) dst(%dma_wait3A_348 : memref<10240x128xf32, #tpu.memory_space<vmem_shared>>)
        tpu.yield
      }) : () -> ()
    }
    %scan3A_11 = arith.constant 5 : i32
    %barrier3A_12 = arith.constant 0 : index
    tpu.barrier barrier_id(%barrier3A_12)
    %mul3A_13 = arith.constant 640 : i32
    %mul3A_14 = arith.muli %arg1, %mul3A_13 : i32
    %mul3A_15 = arith.constant 10240 : i32
    %mul3A_16 = arith.muli %arg0, %mul3A_15 : i32
    %mul3A_17 = arith.constant 640 : i32
    %mul3A_18 = arith.muli %arg1, %mul3A_17 : i32
    %add3A_19 = arith.addi %mul3A_16, %mul3A_18 : i32
    "tpu.region"() ({
      %run_scoped3A = tpu.sem_alloc : memref<!tpu.dma_semaphore, #tpu.memory_space<semaphore_mem>>
      %dma_start3A = arith.constant 0 : i32
      %dma_start3A_20 = tpu.memref_slice %arg5[%add3A_19, %dma_start3A] : memref<20480x128xf32, #tpu.memory_space<hbm>> -> memref<640x128xf32, #tpu.memory_space<hbm>>
      %dma_start3A_21 = arith.constant 0 : i32
      %dma_start3A_22 = tpu.memref_slice %arg6[%mul3A_14, %dma_start3A_21] : memref<10240x128xf32, #tpu.memory_space<vmem_shared>> -> memref<640x128xf32, #tpu.memory_space<vmem_shared>>
      tpu.enqueue_dma source(%dma_start3A_22 : memref<640x128xf32, #tpu.memory_space<vmem_shared>>) target(%dma_start3A_20 : memref<640x128xf32, #tpu.memory_space<hbm>>) target_semaphore(%run_scoped3A : memref<!tpu.dma_semaphore, #tpu.memory_space<semaphore_mem>>)
      %dma_wait3A = arith.constant 0 : i32
      %dma_wait3A_23 = tpu.memref_slice %arg5[%add3A_19, %dma_wait3A] : memref<20480x128xf32, #tpu.memory_space<hbm>> -> memref<640x128xf32, #tpu.memory_space<hbm>>
      %dma_wait3A_24 = arith.constant 0 : i32
      %dma_wait3A_25 = tpu.memref_slice %arg6[%mul3A_14, %dma_wait3A_24] : memref<10240x128xf32, #tpu.memory_space<vmem_shared>> -> memref<640x128xf32, #tpu.memory_space<vmem_shared>>
      tpu.wait_dma2 semaphore(%run_scoped3A : memref<!tpu.dma_semaphore, #tpu.memory_space<semaphore_mem>>) src(%dma_wait3A_25 : memref<640x128xf32, #tpu.memory_space<vmem_shared>>) dst(%dma_wait3A_23 : memref<640x128xf32, #tpu.memory_space<hbm>>)
      tpu.yield
    }) : () -> ()
    return
  }
}

module attributes {stable_mosaic.version = 14 : i64} {
  func.func @body(%arg0: i32, %arg1: memref<1280x128xf32, #tpu.memory_space<vmem>>, %arg2: memref<32x1280xf32, #tpu.memory_space<vmem>>, %arg3: memref<1280x128xf32, #tpu.memory_space<vmem>>) attributes {dimension_semantics = [#tpu.dimension_semantics<arbitrary>], iteration_bounds = array<i64: 8>, scalar_prefetch = 0 : i64, scratch_operands = 0 : i64, tpu.core_type = #tpu.core_type<tc>, window_params = [{transform_indices = @transform_0, window_bounds = array<i64: 1280, 128>}, {transform_indices = @transform_1, window_bounds = array<i64: 32, 1280>}, {transform_indices = @transform_2, window_bounds = array<i64: 1280, 128>}]} {
    %get3A = arith.constant 0 : index
    %get3A_0 = arith.constant 0 : index
    %get3A_1 = vector.load %arg1[%get3A, %get3A_0] : memref<1280x128xf32, #tpu.memory_space<vmem>>, vector<1280x128xf32>
    %get3A_2 = arith.constant 0 : index
    %get3A_3 = arith.constant 0 : index
    %get3A_4 = vector.load %arg2[%get3A_2, %get3A_3] : memref<32x1280xf32, #tpu.memory_space<vmem>>, vector<32x1280xf32>
    %reduce_sum3A = arith.constant dense<0.000000e+00> : vector<1280xf32>
    %reduce_sum3A_5 = vector.multi_reduction <add>, %get3A_4, %reduce_sum3A [0] : vector<32x1280xf32> to vector<1280xf32>
    %add3A = arith.constant 1.000000e+00 : f32
    %add3A_6 = vector.broadcast %add3A : f32 to vector<1280xf32>
    %add3A_7 = arith.addf %reduce_sum3A_5, %add3A_6 : vector<1280xf32>
    %rsqrt3A = math.rsqrt %add3A_7 : vector<1280xf32>
    %broadcast_in_dim3A = vector.shape_cast %rsqrt3A : vector<1280xf32> to vector<1280x1xf32>
    %mul3A = vector.broadcast %broadcast_in_dim3A : vector<1280x1xf32> to vector<1280x128xf32>
    %mul3A_8 = arith.mulf %get3A_1, %mul3A : vector<1280x128xf32>
    %swap3A = arith.constant 0 : index
    %swap3A_9 = arith.constant 0 : index
    %swap3A_10 = vector.load %arg3[%swap3A, %swap3A_9] : memref<1280x128xf32, #tpu.memory_space<vmem>>, vector<1280x128xf32>
    tpu.vector_store %arg3[%swap3A, %swap3A_9], %mul3A_8 {strides = array<i32>} : memref<1280x128xf32, #tpu.memory_space<vmem>>, vector<1280x128xf32>,
    return
  }
  func.func @transform_0(%arg0: i32) -> (i32, i32) {
    %c0_i32 = arith.constant 0 : i32
    %c0_i32_0 = arith.constant 0 : i32
    return %arg0, %c0_i32 : i32, i32
  }
  func.func @transform_1(%arg0: i32) -> (i32, i32) {
    %c0_i32 = arith.constant 0 : i32
    %c0_i32_0 = arith.constant 0 : i32
    return %c0_i32, %arg0 : i32, i32
  }
  func.func @transform_2(%arg0: i32) -> (i32, i32) {
    %c0_i32 = arith.constant 0 : i32
    %c0_i32_0 = arith.constant 0 : i32
    return %arg0, %c0_i32 : i32, i32
  }
}

module attributes {stable_mosaic.version = 14 : i64} {
  func.func @body(%arg0: i32, %arg1: memref<2x1280x128xf32, #tpu.memory_space<vmem>>, %arg2: memref<1280x128xf32, #tpu.memory_space<vmem>>, %arg3: memref<32x1280xf32, #tpu.memory_space<vmem>>, %arg4: memref<128x512xf32, #tpu.memory_space<vmem>>, %arg5: memref<1x512xf32, #tpu.memory_space<vmem>>, %arg6: memref<512x256xf32, #tpu.memory_space<vmem>>, %arg7: memref<2x1280x128xf32, #tpu.memory_space<vmem>>) attributes {dimension_semantics = [#tpu.dimension_semantics<arbitrary>], iteration_bounds = array<i64: 8>, scalar_prefetch = 0 : i64, scratch_operands = 0 : i64, tpu.core_type = #tpu.core_type<tc>, window_params = [{transform_indices = @transform_0, window_bounds = array<i64: 2, 1280, 128>}, {transform_indices = @transform_1, window_bounds = array<i64: 1280, 128>}, {transform_indices = @transform_2, window_bounds = array<i64: 32, 1280>}, {pipeline_mode = #tpu.pipeline_mode<synchronous>, transform_indices = @transform_3, window_bounds = array<i64: 128, 512>}, {pipeline_mode = #tpu.pipeline_mode<synchronous>, transform_indices = @transform_4, window_bounds = array<i64: 1, 512>}, {pipeline_mode = #tpu.pipeline_mode<synchronous>, transform_indices = @transform_5, window_bounds = array<i64: 512, 256>}, {transform_indices = @transform_6, window_bounds = array<i64: 2, 1280, 128>}]} {
    %get3A = arith.constant 0 : index
    %get3A_0 = arith.constant 0 : index
    %get3A_1 = vector.load %arg3[%get3A, %get3A_0] : memref<32x1280xf32, #tpu.memory_space<vmem>>, vector<32x1280xf32>
    %reduce_sum3A = arith.constant dense<0.000000e+00> : vector<1280xf32>
    %reduce_sum3A_2 = vector.multi_reduction <add>, %get3A_1, %reduce_sum3A [0] : vector<32x1280xf32> to vector<1280xf32>
    %add3A = arith.constant 1.000000e+00 : f32
    %add3A_3 = vector.broadcast %add3A : f32 to vector<1280xf32>
    %add3A_4 = arith.addf %reduce_sum3A_2, %add3A_3 : vector<1280xf32>
    %rsqrt3A = math.rsqrt %add3A_4 : vector<1280xf32>
    %get3A_5 = arith.constant 0 : index
    %get3A_6 = arith.constant 0 : index
    %get3A_7 = arith.constant 0 : index
    %get3A_8 = vector.load %arg1[%get3A_5, %get3A_6, %get3A_7] : memref<2x1280x128xf32, #tpu.memory_space<vmem>>, vector<1x1280x128xf32>
    %get3A_9 = vector.shape_cast %get3A_8 : vector<1x1280x128xf32> to vector<1280x128xf32>
    %get3A_10 = arith.constant 1 : index
    %get3A_11 = arith.constant 0 : index
    %get3A_12 = arith.constant 0 : index
    %get3A_13 = vector.load %arg1[%get3A_10, %get3A_11, %get3A_12] : memref<2x1280x128xf32, #tpu.memory_space<vmem>>, vector<1x1280x128xf32>
    %get3A_14 = vector.shape_cast %get3A_13 : vector<1x1280x128xf32> to vector<1280x128xf32>
    %add3A_15 = arith.addf %get3A_9, %get3A_14 : vector<1280x128xf32>
    %get3A_16 = arith.constant 0 : index
    %get3A_17 = arith.constant 0 : index
    %get3A_18 = vector.load %arg2[%get3A_16, %get3A_17] : memref<1280x128xf32, #tpu.memory_space<vmem>>, vector<1280x128xf32>
    %sub3A = arith.subf %add3A_15, %get3A_18 : vector<1280x128xf32>
    %broadcast_in_dim3A = vector.shape_cast %rsqrt3A : vector<1280xf32> to vector<1280x1xf32>
    %mul3A = vector.broadcast %broadcast_in_dim3A : vector<1280x1xf32> to vector<1280x128xf32>
    %mul3A_19 = arith.mulf %sub3A, %mul3A : vector<1280x128xf32>
    %get3A_20 = arith.constant 0 : index
    %get3A_21 = arith.constant 0 : index
    %get3A_22 = vector.load %arg4[%get3A_20, %get3A_21] : memref<128x512xf32, #tpu.memory_space<vmem>>, vector<128x512xf32>
    %dot_general3A = arith.constant dense<0.000000e+00> : vector<1280x512xf32>
    %dot_general3A_23 = tpu.matmul %mul3A_19, %get3A_22, %dot_general3A {dimension_numbers = #tpu.dot_dimension_numbers<[1], [0], [0], [1], [0, 0, 1, 1], [], []>, transpose_lhs_hint = false} : vector<1280x128xf32>, vector<128x512xf32>, vector<1280x512xf32> -> vector<1280x512xf32>
    %get3A_24 = arith.constant 0 : index
    %get3A_25 = arith.constant 0 : index
    %get3A_26 = vector.load %arg5[%get3A_24, %get3A_25] : memref<1x512xf32, #tpu.memory_space<vmem>>, vector<1x512xf32>
    %add3A_27 = vector.broadcast %get3A_26 : vector<1x512xf32> to vector<1280x512xf32>
    %add3A_28 = arith.addf %dot_general3A_23, %add3A_27 : vector<1280x512xf32>
    %max3A = arith.constant 0.000000e+00 : f32
    %max3A_29 = vector.broadcast %max3A : f32 to vector<1280x512xf32>
    %max3A_30 = arith.maximumf %add3A_28, %max3A_29 : vector<1280x512xf32>
    %get3A_31 = arith.constant 0 : index
    %get3A_32 = arith.constant 0 : index
    %get3A_33 = vector.load %arg6[%get3A_31, %get3A_32] : memref<512x256xf32, #tpu.memory_space<vmem>>, vector<512x256xf32>
    %dot_general3A_34 = arith.constant dense<0.000000e+00> : vector<1280x256xf32>
    %dot_general3A_35 = tpu.matmul %max3A_30, %get3A_33, %dot_general3A_34 {dimension_numbers = #tpu.dot_dimension_numbers<[1], [0], [0], [1], [0, 0, 1, 1], [], []>, transpose_lhs_hint = false} : vector<1280x512xf32>, vector<512x256xf32>, vector<1280x256xf32> -> vector<1280x256xf32>
    %broadcast_in_dim3A_36 = vector.shape_cast %rsqrt3A : vector<1280xf32> to vector<1280x1xf32>
    %mul3A_37 = vector.broadcast %broadcast_in_dim3A_36 : vector<1280x1xf32> to vector<1280x256xf32>
    %mul3A_38 = arith.mulf %dot_general3A_35, %mul3A_37 : vector<1280x256xf32>
    %slice3A = vector.extract_strided_slice %mul3A_38 {offsets = [0, 0], sizes = [1280, 128], strides = [1, 1]} : vector<1280x256xf32> to vector<1280x128xf32>
    %swap3A = arith.constant 0 : index
    %swap3A_39 = arith.constant 0 : index
    %swap3A_40 = arith.constant 0 : index
    %swap3A_41 = vector.load %arg7[%swap3A, %swap3A_39, %swap3A_40] : memref<2x1280x128xf32, #tpu.memory_space<vmem>>, vector<1x1280x128xf32>
    %swap3A_42 = vector.shape_cast %swap3A_41 : vector<1x1280x128xf32> to vector<1280x128xf32>
    %swap3A_43 = vector.shape_cast %slice3A : vector<1280x128xf32> to vector<1x1280x128xf32>
    tpu.vector_store %arg7[%swap3A, %swap3A_39, %swap3A_40], %swap3A_43 {strides = array<i32>} : memref<2x1280x128xf32, #tpu.memory_space<vmem>>, vector<1x1280x128xf32>,
    %slice3A_44 = vector.extract_strided_slice %mul3A_38 {offsets = [0, 128], sizes = [1280, 128], strides = [1, 1]} : vector<1280x256xf32> to vector<1280x128xf32>
    %swap3A_45 = arith.constant 1 : index
    %swap3A_46 = arith.constant 0 : index
    %swap3A_47 = arith.constant 0 : index
    %swap3A_48 = vector.load %arg7[%swap3A_45, %swap3A_46, %swap3A_47] : memref<2x1280x128xf32, #tpu.memory_space<vmem>>, vector<1x1280x128xf32>
    %swap3A_49 = vector.shape_cast %swap3A_48 : vector<1x1280x128xf32> to vector<1280x128xf32>
    %swap3A_50 = vector.shape_cast %slice3A_44 : vector<1280x128xf32> to vector<1x1280x128xf32>
    tpu.vector_store %arg7[%swap3A_45, %swap3A_46, %swap3A_47], %swap3A_50 {strides = array<i32>} : memref<2x1280x128xf32, #tpu.memory_space<vmem>>, vector<1x1280x128xf32>,
    return
  }
  func.func @transform_0(%arg0: i32) -> (i32, i32, i32) {
    %c0_i32 = arith.constant 0 : i32
    %c0_i32_0 = arith.constant 0 : i32
    %c0_i32_1 = arith.constant 0 : i32
    return %c0_i32, %arg0, %c0_i32_0 : i32, i32, i32
  }
  func.func @transform_1(%arg0: i32) -> (i32, i32) {
    %c0_i32 = arith.constant 0 : i32
    %c0_i32_0 = arith.constant 0 : i32
    return %arg0, %c0_i32 : i32, i32
  }
  func.func @transform_2(%arg0: i32) -> (i32, i32) {
    %c0_i32 = arith.constant 0 : i32
    %c0_i32_0 = arith.constant 0 : i32
    return %c0_i32, %arg0 : i32, i32
  }
  func.func @transform_3(%arg0: i32) -> (i32, i32) {
    %c0_i32 = arith.constant 0 : i32
    %c0_i32_0 = arith.constant 0 : i32
    %c0_i32_1 = arith.constant 0 : i32
    return %c0_i32, %c0_i32_0 : i32, i32
  }
  func.func @transform_4(%arg0: i32) -> (i32, i32) {
    %c0_i32 = arith.constant 0 : i32
    %c0_i32_0 = arith.constant 0 : i32
    %c0_i32_1 = arith.constant 0 : i32
    return %c0_i32, %c0_i32_0 : i32, i32
  }
  func.func @transform_5(%arg0: i32) -> (i32, i32) {
    %c0_i32 = arith.constant 0 : i32
    %c0_i32_0 = arith.constant 0 : i32
    %c0_i32_1 = arith.constant 0 : i32
    return %c0_i32, %c0_i32_0 : i32, i32
  }
  func.func @transform_6(%arg0: i32) -> (i32, i32, i32) {
    %c0_i32 = arith.constant 0 : i32
    %c0_i32_0 = arith.constant 0 : i32
    %c0_i32_1 = arith.constant 0 : i32
    return %c0_i32, %arg0, %c0_i32_0 : i32, i32, i32
  }
}

module attributes {stable_mosaic.version = 14 : i64} {
  func.func @body(%arg0: i32, %arg1: memref<2x1280x128xf32, #tpu.memory_space<vmem>>, %arg2: memref<32x1280xf32, #tpu.memory_space<vmem>>, %arg3: memref<1x256xf32, #tpu.memory_space<vmem>>, %arg4: memref<1280x256xf32, #tpu.memory_space<vmem>>) attributes {dimension_semantics = [#tpu.dimension_semantics<arbitrary>], iteration_bounds = array<i64: 8>, scalar_prefetch = 0 : i64, scratch_operands = 0 : i64, tpu.core_type = #tpu.core_type<tc>, window_params = [{transform_indices = @transform_0, window_bounds = array<i64: 2, 1280, 128>}, {transform_indices = @transform_1, window_bounds = array<i64: 32, 1280>}, {pipeline_mode = #tpu.pipeline_mode<synchronous>, transform_indices = @transform_2, window_bounds = array<i64: 1, 256>}, {transform_indices = @transform_3, window_bounds = array<i64: 1280, 256>}]} {
    %get3A = arith.constant 0 : index
    %get3A_0 = arith.constant 0 : index
    %get3A_1 = vector.load %arg2[%get3A, %get3A_0] : memref<32x1280xf32, #tpu.memory_space<vmem>>, vector<32x1280xf32>
    %reduce_sum3A = arith.constant dense<0.000000e+00> : vector<1280xf32>
    %reduce_sum3A_2 = vector.multi_reduction <add>, %get3A_1, %reduce_sum3A [0] : vector<32x1280xf32> to vector<1280xf32>
    %add3A = arith.constant 1.000000e+00 : f32
    %add3A_3 = vector.broadcast %add3A : f32 to vector<1280xf32>
    %add3A_4 = arith.addf %reduce_sum3A_2, %add3A_3 : vector<1280xf32>
    %rsqrt3A = math.rsqrt %add3A_4 : vector<1280xf32>
    %get3A_5 = arith.constant 0 : index
    %get3A_6 = arith.constant 0 : index
    %get3A_7 = arith.constant 0 : index
    %get3A_8 = vector.load %arg1[%get3A_5, %get3A_6, %get3A_7] : memref<2x1280x128xf32, #tpu.memory_space<vmem>>, vector<1x1280x128xf32>
    %get3A_9 = vector.shape_cast %get3A_8 : vector<1x1280x128xf32> to vector<1280x128xf32>
    %get3A_10 = arith.constant 1 : index
    %get3A_11 = arith.constant 0 : index
    %get3A_12 = arith.constant 0 : index
    %get3A_13 = vector.load %arg1[%get3A_10, %get3A_11, %get3A_12] : memref<2x1280x128xf32, #tpu.memory_space<vmem>>, vector<1x1280x128xf32>
    %get3A_14 = vector.shape_cast %get3A_13 : vector<1x1280x128xf32> to vector<1280x128xf32>
    %concatenate3A = tpu.concatenate %get3A_9, %get3A_14 in 1 : vector<1280x128xf32>, vector<1280x128xf32> -> vector<1280x256xf32>
    %broadcast_in_dim3A = vector.shape_cast %rsqrt3A : vector<1280xf32> to vector<1280x1xf32>
    %mul3A = vector.broadcast %broadcast_in_dim3A : vector<1280x1xf32> to vector<1280x256xf32>
    %mul3A_15 = arith.mulf %concatenate3A, %mul3A : vector<1280x256xf32>
    %get3A_16 = arith.constant 0 : index
    %get3A_17 = arith.constant 0 : index
    %get3A_18 = vector.load %arg3[%get3A_16, %get3A_17] : memref<1x256xf32, #tpu.memory_space<vmem>>, vector<1x256xf32>
    %add3A_19 = vector.broadcast %get3A_18 : vector<1x256xf32> to vector<1280x256xf32>
    %add3A_20 = arith.addf %mul3A_15, %add3A_19 : vector<1280x256xf32>
    %max3A = arith.constant 0.000000e+00 : f32
    %max3A_21 = vector.broadcast %max3A : f32 to vector<1280x256xf32>
    %max3A_22 = arith.maximumf %add3A_20, %max3A_21 : vector<1280x256xf32>
    %swap3A = arith.constant 0 : index
    %swap3A_23 = arith.constant 0 : index
    %swap3A_24 = vector.load %arg4[%swap3A, %swap3A_23] : memref<1280x256xf32, #tpu.memory_space<vmem>>, vector<1280x256xf32>
    tpu.vector_store %arg4[%swap3A, %swap3A_23], %max3A_22 {strides = array<i32>} : memref<1280x256xf32, #tpu.memory_space<vmem>>, vector<1280x256xf32>,
    return
  }
  func.func @transform_0(%arg0: i32) -> (i32, i32, i32) {
    %c0_i32 = arith.constant 0 : i32
    %c0_i32_0 = arith.constant 0 : i32
    %c0_i32_1 = arith.constant 0 : i32
    return %c0_i32, %arg0, %c0_i32_0 : i32, i32, i32
  }
  func.func @transform_1(%arg0: i32) -> (i32, i32) {
    %c0_i32 = arith.constant 0 : i32
    %c0_i32_0 = arith.constant 0 : i32
    return %c0_i32, %arg0 : i32, i32
  }
  func.func @transform_2(%arg0: i32) -> (i32, i32) {
    %c0_i32 = arith.constant 0 : i32
    %c0_i32_0 = arith.constant 0 : i32
    %c0_i32_1 = arith.constant 0 : i32
    return %c0_i32, %c0_i32_0 : i32, i32
  }
  func.func @transform_3(%arg0: i32) -> (i32, i32) {
    %c0_i32 = arith.constant 0 : i32
    %c0_i32_0 = arith.constant 0 : i32
    return %arg0, %c0_i32 : i32, i32
  }
}

</mosaic_0001>

<sc_bundles>
// kernel: kernel.11.cloned.1.call-start
scs
__scs_entry_jumppad:
0x0: {  	(pc) =	sbr.rel $0x88, $3  }
0x1: {  	(tag) =	ssettag $0x0;
	lr =	simm.s32 $0x1  }
0x2: {  	[smem:$0x3F9B] =	sst lr;
	_ =	strace $0xD0000000  }
0x3: {  	_ = 	snop  }
0x4: {  	_ = 	snop  }
0x5: {  	_ = 	snop  }
0x6: {  	_ = 	snop  }
0x7: {  	_ = 	snop  }
__scs_overlays_trampoline_lowered:
0x8: {  	[smem:$0x3FAA] =	sst s0  }
0x9: {  	[smem:$0x3FAB] =	sst s1  }
0xa: {  	[smem:$0x3FAC] =	sst s2  }
0xb: {  	[smem:$0x3FAD] =	sst s3  }
0xc: {  	[smem:$0x3FAE] =	sst s4  }
0xd: {  	[smem:$0x3FAF] =	sst s5  }
0xe: {  	[smem:$0x3FB0] =	sst s6  }
0xf: {  	[smem:$0x3FB1] =	sst s7  }
0x10: {  	[smem:$0x3FB2] =	sst s8  }
0x11: {  	[smem:$0x3FB3] =	sst s9;
	s0 =	simm.s32 @!p0 $0x0  }
0x12: {  	s1 =	sld [smem:$0x3F99];
	s0 =	simm.s32 @p0 $0x1  }
0x13: {  	[smem:$0x3FB4] =	sst s0;
	s0 =	simm.s32 @!p1 $0x0  }
0x14: {  	s2 =	sld [smem:$0x3F98];
	s0 =	simm.s32 @p1 $0x1  }
0x15: {  	[smem:$0x3FB5] =	sst s0;
	s0 =	simm.s32 @!p2 $0x0  }
0x16: {  	s3 =	sld [smem:$0x3FDB];
	s0 =	simm.s32 @p2 $0x1  }
0x17: {  	s4 =	simm.s32 $0x1BF5;
	[smem:$0x3FB7] =	sst s0  }
0x18: {  	s0 =	sld [smem:$0x3F9A];
	_ =	swait.ge [sflag:s4], $0x0  }
0x19: {  	s7 =	sld [smem:$0x3F9B]  }
0x1a: {  	s8 =	sadd.s32 $0xFFFFE003, lr  }
0x1b: {  	s9 =	sadd.s32 $0xFFFFFEF7, lr;
	s5 =	simm.s32 $0xFFFFFFFF;
	p2 =	slt.u32 s8, $0xFFFFF086  }
0x1c: {  	p1 =	slt.u32 s9, $0xF7A;
	s5 =	simm.s32 @!p2 $0x0  }
0x1d: {  	s5 =	simm.s32 @p1 $0x1;
	p0 =	seq.s32 s7, s2  }
0x1e: {  	s7 =	smul.u32 @!p0 $0xF7A, s2;
	p2 =	seq.s32 @!p0 s5, $0x0  }
0x1f: {  	s9 =	smul.u32 $0xF7A, s1;
	s8 =	simm.s32 @!p0 $0x1BF5;
	p2 =	por !p2, p0  }
0x20: {  	[sflag:s8] =	ssyncset.s32 @!p0 $0xFFFFF086;
	s6 =	sadd.s32 @!p0 s3, s7;
	s7 =	simm.s32 @!p0 $0x108  }
0x21: {  	s3 =	sadd.s32 s3, s9;
	s6 =	sadd.s32 @!p0 $0x88, s6;
	s7 =	simm.s32 @p2 $0x1082  }
0x22: {  	[simem:s7], [sflag:s8] =	dma.local @!p0 [hbm:s6], $0xF7A  }
0x23: {  	s9 =	sor.u32 $0xD0000000, s2;
	s6 =	simm.s32 $0x108;
	_ =	swait.ge @!p0 [sflag:s8], $0x0  }
0x24: {  	s3 =	sadd.s32 $0x88, s3;
	s6 =	simm.s32 @!p1 $0x1082;
	[sflag:s4] =	ssyncset.s32 $0xFFFFF086  }
0x25: {  	[simem:s6], [sflag:s4] =	dma.local [hbm:s3], $0xF7A  }
0x26: {  	[smem:$0x3F9B] =	sst s1;
	(tag) =	ssettag s2;
	_ =	strace s9  }
0x27: {  	s1 =	sld [smem:$0x3FAB]  }
0x28: {  	s2 =	sld [smem:$0x3FAC]  }
0x29: {  	s4 =	sld [smem:$0x3FAE]  }
0x2a: {  	p0 =	seq.s32 s5, $0x0;
	s5 =	sld [smem:$0x3FAF]  }
0x2b: {  	s6 =	sld [smem:$0x3FB0]  }
0x2c: {  	s7 =	sld [smem:$0x3FB1]  }
0x2d: {  	s3 =	simm.s32 $0x108;
	s8 =	sld [smem:$0x3FB2]  }
0x2e: {  	s3 =	simm.s32 @!p0 $0x1082;
	s9 =	sld [smem:$0x3FB3]  }
0x2f: {  	lr =	sadd.s32 s0, s3;
	s0 =	sld [smem:$0x3FAA]  }
0x30: {  	s3 =	sld [smem:$0x3FAD]  }
0x31: {  	[smem:$0x3FB6] =	sst s10  }
0x32: {  	s10 =	sld [smem:$0x3FB4];
	_ =	sdelay $0x3  }
0x33: {  	p0 =	seq.s32 s10, $0x1;
	s10 =	sld [smem:$0x3FB6];
	_ =	sdelay $0x3  }
0x34: {  	[smem:$0x3FB6] =	sst s10  }
0x35: {  	s10 =	sld [smem:$0x3FB5];
	_ =	sdelay $0x3  }
0x36: {  	p1 =	seq.s32 s10, $0x1;
	s10 =	sld [smem:$0x3FB6];
	_ =	sdelay $0x3  }
0x37: {  	[smem:$0x3FB6] =	sst s10  }
0x38: {  	s10 =	sld [smem:$0x3FB7]  }
0x39: {  	_ = 	snop;
	(pc) =	sbr.ind lr, $3  }
0x3a: {  	_ = 	snop  }
0x3b: {  	_ = 	snop  }
0x3c: {  	p2 =	seq.s32 s10, $0x1;
	s10 =	sld [smem:$0x3FB6]  }
0x3d: {  	_ =	shalt  }
0x3e: {  	_ =	shalt  }
0x3f: {  	_ =	shalt  }
0x40: {  	_ =	shalt  }
0x41: {  	_ =	shalt  }
0x42: {  	_ =	shalt  }
0x43: {  	_ =	shalt  }
0x44: {  	_ =	shalt  }
0x45: {  	_ =	shalt  }
0x46: {  	_ =	shalt  }
0x47: {  	_ =	shalt  }
0x48: {  	_ =	shalt  }
0x49: {  	_ =	shalt  }
0x4a: {  	_ =	shalt  }
0x4b: {  	_ =	shalt  }
0x4c: {  	_ =	shalt  }
0x4d: {  	_ =	shalt  }
0x4e: {  	_ =	shalt  }
0x4f: {  	_ =	shalt  }
0x50: {  	_ =	shalt  }
0x51: {  	_ =	shalt  }
0x52: {  	_ =	shalt  }
0x53: {  	_ =	shalt  }
0x54: {  	_ =	shalt  }
0x55: {  	_ =	shalt  }
0x56: {  	_ =	shalt  }
0x57: {  	_ =	shalt  }
0x58: {  	_ =	shalt  }
0x59: {  	_ =	shalt  }
0x5a: {  	_ =	shalt  }
0x5b: {  	_ =	shalt  }
0x5c: {  	_ =	shalt  }
0x5d: {  	_ =	shalt  }
0x5e: {  	_ =	shalt  }
0x5f: {  	_ =	shalt  }
0x60: {  	_ =	shalt  }
0x61: {  	_ =	shalt  }
0x62: {  	_ =	shalt  }
0x63: {  	_ =	shalt  }
0x64: {  	_ =	shalt  }
0x65: {  	_ =	shalt  }
0x66: {  	_ =	shalt  }
0x67: {  	_ =	shalt  }
0x68: {  	_ =	shalt  }
0x69: {  	_ =	shalt  }
0x6a: {  	_ =	shalt  }
0x6b: {  	_ =	shalt  }
0x6c: {  	_ =	shalt  }
0x6d: {  	_ =	shalt  }
0x6e: {  	_ =	shalt  }
0x6f: {  	_ =	shalt  }
0x70: {  	_ =	shalt  }
0x71: {  	_ =	shalt  }
0x72: {  	_ =	shalt  }
0x73: {  	_ =	shalt  }
0x74: {  	_ =	shalt  }
0x75: {  	_ =	shalt  }
0x76: {  	_ =	shalt  }
0x77: {  	_ =	shalt  }
0x78: {  	_ =	shalt  }
0x79: {  	_ =	shalt  }
0x7a: {  	_ =	shalt  }
0x7b: {  	_ =	shalt  }
0x7c: {  	_ =	shalt  }
0x7d: {  	_ =	shalt  }
0x7e: {  	_ =	shalt  }
0x7f: {  	_ =	shalt  }
0x80: {  	_ =	shalt  }
0x81: {  	_ =	shalt  }
0x82: {  	_ =	shalt  }
0x83: {  	_ =	shalt  }
0x84: {  	_ =	shalt  }
0x85: {  	_ =	shalt  }
0x86: {  	_ =	shalt  }
0x87: {  	_ =	shalt  }
.Lfunc_end0:
.L_simem_size_0:
called_computation.1_lowered:
.L_overlay_start_0:
0x88: {  	s2 =	sld [smem:$0x3FD9]  }
0x89: {  	s3 =	sld [smem:$0x3FFE];
	_ =	sdelay $0x1  }
0x8a: {  	s1 =	srdreg.scid  }
0x8b: {  	s0 =	sand.u32 $0x1, s1  }
0x8c: {  	s17 =	sshll.u32 s0, $0xA;
	s2 =	sadd.s32 s3, s2  }
0x8d: {  	s2 =	sadd.s32 s2, s17  }
0x8e: {  	[smem:$0x3FC2] =	sst s2  }
0x8f: {  	_ = 	snop  }
0x90: {  	s2 =	sld [smem:$0x3FD0];
	(tm) =	ssettm $0x1  }
0x91: {  	s18 =	sld [smem:$0x3FFB];
	_ =	sdelay $0x3  }
0x92: {  	_ =	strace s18  }
0x93: {  	s3 =	sld [smem:$0x3FFC];
	_ =	sdelay $0x3  }
0x94: {  	_ =	strace s3  }
0x95: {  	s3 =	sld [smem:$0x3FFD];
	_ =	sdelay $0x3  }
0x96: {  	_ =	strace s3  }
0x97: {  	_ =	strace $0x8FFFFFFF  }
0x98: {  	s19 =	sld [smem:$0x3FDB];
	_ =	sdelay $0x1  }
0x99: {  	s4 =	simm.s32 $_scs_section_size  }
0x9a: {  	s5 =	simm.s32 $_size__tile_overlayer_lowered;
	s6 =	simm.s32 $_tile_overlayer_lowered  }
0x9b: {  	s22 =	simm.s32 $0x1BFF;
	s21 =	sshll.u32 s6, $0x1;
	s3 =	sadd.s32 s4, s19  }
0x9c: {  	s7 =	simm.s32 $0x0;
	s20 =	sshll.u32 s5, $0x1;
	s5 =	sadd.s32 s21, s3  }
0x9d: {  	[timem:s7], [sflag:s22] =	dma.local [hbm:s5], s20  }
0x9e: {  	_ =	swait.ge [sflag:s22], s20  }
0x9f: {  	s4 =	ssub.s32 $0x0, s20;
	[sflag:s22] =	ssyncset.done $0x0  }
0xa0: {  	[sflag:s22] =	ssyncadd.s32 s4;
	_ =	sdelay $0x1  }
0xa1: {  	s23 =	simm.s32 $0x1B8B  }
0xa2: {  	_ =	swait.ge [sflag:s23], $0x1  }
0xa3: {  	[sflag:s23] =	ssyncset.done $0x0  }
0xa4: {  	s25 =	simm.s32 $0x1B8E;
	s24 =	sld [smem:$0x3FFE];
	[sflag:s23] =	ssyncadd.s32 $0xFFFFFFFF  }
0xa5: {  	s26 =	simm.s32 $execute0_lowered;
	[smem:$0x3FD2] =	sst s25  }
0xa6: {  	s5 =	sshll.u32 s26, $0x1;
	_ =	strace $0x80000049;
	[dreg:$0x1] =	wrdreg $0xFFFFFFFF  }
0xa7: {  	s28 =	simm.s32 $_size_execute0_lowered;
	s3 =	sadd.s32 s3, s5;
	[dreg:$0x0] =	wrdreg $0x0  }
0xa8: {  	s5 =	sshll.u32 s28, $0x1;
	[dreg:$0x2] =	wrdreg s3  }
0xa9: {  	[dreg:$0x3] =	wrdreg s5  }
0xaa: {  	[dreg:$0x4] =	wrdreg $0xC0  }
0xab: {  	_ =	task [dreg:s7], $0x5FFFF  }
0xac: {  	[dreg:$0x1] =	wrdreg $0xFFFFFFFF  }
0xad: {  	[dreg:$0x0] =	wrdreg $0x60  }
0xae: {  	[dreg:$0x2] =	wrdreg s2  }
0xaf: {  	[dreg:$0x3] =	wrdreg s24  }
0xb0: {  	[dreg:$0x4] =	wrdreg $0x0  }
0xb1: {  	[dreg:$0x5] =	wrdreg $0x9  }
0xb2: {  	_ =	task.clear_ibuf [dreg:s7], $0x6FFFF;
	_ =	strace $0x90000049  }
0xb3: {  	s29 =	simm.s32 $0x9;
	_ =	strace $0x8000004B  }
0xb4: {  	_ =	swait.ge [sflag:s29], $0x1  }
0xb5: {  	[sflag:s29] =	ssyncadd.s32 $0xFFFFFFFF  }
0xb6: {  	_ =	strace $0x9000004B  }
0xb7: {  	_ =	sfence  }
0xb8: {  	s30 =	sld [smem:$0x0];
	_ =	sdelay $0x2  }
0xb9: {  	s31 =	sshll.u32 s1, $0xD;
	s1 =	sshrl.u32 s1, $0x2  }
0xba: {  	s3 =	sand.u32 $0x4000, s31;
	s1 =	sadd.s32 s1, s30  }
0xbb: {  	s0 =	sor.u32 s3, s0;
	s1 =	sshll.u32 s1, $0x11  }
0xbc: {  	s0 =	sor.u32 s1, s0  }
0xbd: {  	s0 =	sadd.s32 $0x8F2B, s0  }
0xbe: {  	[sflag:s0] =	ssyncadd.remote.s32 $0x1  }
0xbf: {  	_ =	sfence.sel $0xFFFF  }
0xc0: {  	[dreg:$0x0] =	wrdreg $0xFFFFFFFF;
	(pc) =	sbr.abs _section_cstart, $3  }
0xc1: {  	[dreg:$0x1] =	wrdreg $0xFFFFFFFF  }
0xc2: {  	_ =	task.clear_ibuf [dreg:s7], $0x2FFFF;
	_ =	strace $0x9FFFFFFF  }
0xc3: {  	(tm) =	ssettm $0x7FFFFFFF  }
tec
execute0_lowered:
.L_overlay_start_1:
0x0: {  	(tag) =	ssettag $0x1  }
0x1: {  	s2 =	rddreg [dreg:$0x0]  }
0x2: {  	s0 =	srdreg.scid;
	s5 =	rddreg [dreg:$0x1]  }
0x3: {  	s9 =	stileid.u32;
	s3 =	rddreg [dreg:$0x2];
	s4 =	simm.s32 $0x0  }
0x4: {  	s12 =	simm.s32 $0x14080;
	s14 =	simm.s32 $0x14100;
	s15 =	simm.s32 $0x14880  }
0x5: {  	s16 =	simm.s32 $0x14180;
	s17 =	simm.s32 $0x14900;
	[smem:$0x7FF] =	sst s4  }
0x6: {  	s18 =	simm.s32 $0x14200;
	_ =	strace $0x8000004A;
	[dreg:$0x6] =	wrdreg s12  }
0x7: {  	s19 =	simm.s32 $0x14980;
	s20 =	simm.s32 $0x14280;
	[dreg:$0x7] =	wrdreg s14  }
0x8: {  	s21 =	simm.s32 $0x14A00;
	s22 =	simm.s32 $0x14300;
	[dreg:$0x8] =	wrdreg s15  }
0x9: {  	s23 =	simm.s32 $0x14A80;
	s24 =	simm.s32 $0x14380;
	[dreg:$0x9] =	wrdreg s16  }
0xa: {  	s25 =	simm.s32 $0x14B00;
	s28 =	simm.s32 $0x14680;
	[dreg:$0xa] =	wrdreg s17  }
0xb: {  	s29 =	simm.s32 $0x14E00;
	s30 =	simm.s32 $0x14700;
	[dreg:$0xb] =	wrdreg s18  }
0xc: {  	s31 =	simm.s32 $0x14E80;
	s1 =	smul.u32 $0x2800, s9;
	[dreg:$0xc] =	wrdreg s19  }
0xd: {  	s0 =	sand.u32 $0x1, s0;
	s8 =	smul.u32 $0x50000, s9;
	[dreg:$0xd] =	wrdreg s20  }
0xe: {  	s13 =	sshll.u32 s9, $0x6;
	s9 =	simm.s32 $0x0;
	[dreg:$0xe] =	wrdreg s21  }
0xf: {  	s6 =	smul.u32 $0x28000, s0;
	s0 =	ssub.s32 $0x2, s0;
	[dreg:$0xf] =	wrdreg s22  }
0x10: {  	s12 =	simm.s32 $0x14800;
	s14 =	simm.s32 $0x2;
	[dreg:$0x10] =	wrdreg s23  }
0x11: {  	s15 =	simm.s32 $0x80;
	s16 =	simm.s32 $0x15000;
	[dreg:$0x11] =	wrdreg s24  }
0x12: {  	s17 =	simm.s32 $0x19000;
	[dreg:$0x12] =	wrdreg s25;
	s19 =	simm.s32 $0x14480  }
0x13: {  	s20 =	simm.s32 $0x14C00;
	s21 =	simm.s32 $0x14500;
	s22 =	simm.s32 $0x14C80  }
0x14: {  	s23 =	simm.s32 $0x14580;
	s24 =	simm.s32 $0x14D00;
	s25 =	simm.s32 $0x14600  }
0x15: {  	s26 =	sshrl.u32 s0, $0x1;
	s10 =	sshrl.u32 s8, $0x2;
	s7 =	ssub.s32 s1, s6  }
0x16: {  	s6 =	sadd.s32 s1, s6;
	s0 =	ssub.s32 s0, s26;
	s1 =	sadd.s32 s2, s1  }
0x17: {  	s26 =	simm.s32 $0x14400;
	s7 =	sadd.s32 $0x28000, s7;
	[dreg:$0x14] =	wrdreg s1  }
0x18: {  	s0 =	smax.u32 s0, $0x1;
	[dreg:$0x13] =	wrdreg s26;
	s7 =	sshrl.u32 s7, $0x3  }
0x19: {  	s26 =	simm.s32 $0x14D80;
	s1 =	simm.s32 $0x14780;
	s7 =	sadd.s32 s7, s5  }
0x1a: {  	[dreg:$0x17] =	wrdreg s0;
	s0 =	simm.s32 $0x14F00;
	s11 =	sadd.s32 $0x1E00, s7  }
0x1b: {  	s5 =	sadd.s32 s6, s5;
	s7 =	sadd.s32 $0xC400, s7;
	[dreg:$0x4] =	wrdreg s11  }
0x1c: {  	s6 =	sadd.s32 s10, s3;
	s5 =	sadd.s32 $0x16400, s5;
	[dreg:$0x5] =	wrdreg s7  }
0x1d: {  	s10 =	simm.s32 $0x3;
	s8 =	sshrl.u32 s6, $0x3;
	[dreg:$0x16] =	wrdreg s5  }
0x1e: {  	s7 =	sor.u32 $0x1C03, s13;
	s11 =	simm.s32 $0x14000;
	[dreg:$0x18] =	wrdreg s8  }
0x1f: {  	s13 =	simm.s32 $0x1;
	s5 =	simm.s32 $0x14F80;
	[dreg:$0x15] =	wrdreg s7  }
.LBB2_1:
0x20: {  	[dreg:$0x19] =	wrdreg s9  }
0x21: {  	s6 =	rddreg [dreg:$0x14]  }
0x22: {  	[spmem:s8], [sflag:s7] =	dma.local [hbm:s6], $0x2800  }
0x23: {  	_ =	swait.ge [sflag:s10], $0x2800  }
0x24: {  	[sflag:s10] =	ssyncset.done $0x0  }
0x25: {  	[sflag:s10] =	ssyncadd.s32 $0xFFFFD800  }
0x26: {  	[bflag:$0x0] =	sbarrier.arrive $0xFFFF  }
0x27: {  	s8 =	rddreg [dreg:$0x5]  }
0x28: {  	s9 =	rddreg [dreg:$0x4];
	s6 =	sadd.s32 $0x0, s8  }
0x29: {  	[tilespmem:s11], [sflag:$0x1] =	stream.linear.gather [hbm4b:s6+s4], $0x800, $0x38;
	[tilespmem:$0x1D000] =	vst v63  }
0x2a: {  	s18 =	sadd.s32 $0x0, s9  }
0x2b: {  	[tilespmem:s12], [sflag:$0x2] =	stream.linear.gather [hbm4b:s18+s4], $0x800, $0x38;
	[tilespmem:$0x1D000] =	vst v63  }
0x2c: {  	_ =	swait.ge [sflag:s13], $0x800  }
0x2d: {  	[sflag:s13] =	ssyncset.done $0x0  }
0x2e: {  	[sflag:s13] =	ssyncadd.s32 $0xFFFFF800  }
0x2f: {  	_ =	swait.ge [sflag:s14], $0x800  }
0x30: {  	[sflag:s14] =	ssyncset.done $0x0  }
0x31: {  	[sflag:s14] =	ssyncadd.s32 $0xFFFFF800  }
0x32: {  	[tilespmem:s16], [sflag:$0x1] =	stream.indirect.gather [hbm4b:s2+s15], $0x80, s11, s15, $0xb8;
	[tilespmem:$0x1D000] =	vst v63  }
0x33: {  	_ =	swait.ge [sflag:s13], $0x4000  }
0x34: {  	[sflag:s13] =	ssyncset.done $0x0  }
0x35: {  	s7 =	rddreg [dreg:$0x6];
	[sflag:s13] =	ssyncadd.s32 $0xFFFFC000  }
0x36: {  	[tilespmem:s17], [sflag:$0x2] =	stream.indirect.gather [hbm4b:s2+s15], $0x80, s7, s15, $0xb8;
	[tilespmem:$0x1D000] =	vst v63  }
0x37: {  	_ = 	snop  }
0x38: {  	[spmem:s3] =	stream.indirect.scatter.add.f32 [tilespmem:s16], [sflag:$0x3], $0x80, s12, s15, $0xb8;
	[tilespmem:$0x1D000] =	vst v63  }
0x39: {  	_ =	swait.ge [sflag:s10], $0x4000  }
0x3a: {  	[sflag:s10] =	ssyncset.done $0x0  }
0x3b: {  	[sflag:s10] =	ssyncadd.s32 $0xFFFFC000  }
0x3c: {  	_ =	swait.ge [sflag:s14], $0x4000  }
0x3d: {  	[sflag:s14] =	ssyncset.done $0x0  }
0x3e: {  	s8 =	rddreg [dreg:$0x7];
	[sflag:s14] =	ssyncadd.s32 $0xFFFFC000  }
0x3f: {  	[tilespmem:s16], [sflag:$0x1] =	stream.indirect.gather [hbm4b:s2+s15], $0x80, s8, s15, $0xb8;
	[tilespmem:$0x1D000] =	vst v63  }
0x40: {  	s9 =	rddreg [dreg:$0x8]  }
0x41: {  	[spmem:s3] =	stream.indirect.scatter.add.f32 [tilespmem:s17], [sflag:$0x3], $0x80, s9, s15, $0xb8;
	[tilespmem:$0x1D000] =	vst v63  }
0x42: {  	_ =	swait.ge [sflag:s10], $0x4000  }
0x43: {  	[sflag:s10] =	ssyncset.done $0x0  }
0x44: {  	[sflag:s10] =	ssyncadd.s32 $0xFFFFC000  }
0x45: {  	_ =	swait.ge [sflag:s13], $0x4000  }
0x46: {  	[sflag:s13] =	ssyncset.done $0x0  }
0x47: {  	s18 =	rddreg [dreg:$0x9];
	[sflag:s13] =	ssyncadd.s32 $0xFFFFC000  }
0x48: {  	[tilespmem:s17], [sflag:$0x2] =	stream.indirect.gather [hbm4b:s2+s15], $0x80, s18, s15, $0xb8;
	[tilespmem:$0x1D000] =	vst v63  }
0x49: {  	s7 =	rddreg [dreg:$0xa]  }
0x4a: {  	[spmem:s3] =	stream.indirect.scatter.add.f32 [tilespmem:s16], [sflag:$0x3], $0x80, s7, s15, $0xb8;
	[tilespmem:$0x1D000] =	vst v63  }
0x4b: {  	_ =	swait.ge [sflag:s10], $0x4000  }
0x4c: {  	[sflag:s10] =	ssyncset.done $0x0  }
0x4d: {  	[sflag:s10] =	ssyncadd.s32 $0xFFFFC000  }
0x4e: {  	_ =	swait.ge [sflag:s14], $0x4000  }
0x4f: {  	[sflag:s14] =	ssyncset.done $0x0  }
0x50: {  	s8 =	rddreg [dreg:$0xb];
	[sflag:s14] =	ssyncadd.s32 $0xFFFFC000  }
0x51: {  	[tilespmem:s16], [sflag:$0x1] =	stream.indirect.gather [hbm4b:s2+s15], $0x80, s8, s15, $0xb8;
	[tilespmem:$0x1D000] =	vst v63  }
0x52: {  	s9 =	rddreg [dreg:$0xc]  }
0x53: {  	[spmem:s3] =	stream.indirect.scatter.add.f32 [tilespmem:s17], [sflag:$0x3], $0x80, s9, s15, $0xb8;
	[tilespmem:$0x1D000] =	vst v63  }
0x54: {  	_ =	swait.ge [sflag:s10], $0x4000  }
0x55: {  	[sflag:s10] =	ssyncset.done $0x0  }
0x56: {  	[sflag:s10] =	ssyncadd.s32 $0xFFFFC000  }
0x57: {  	_ =	swait.ge [sflag:s13], $0x4000  }
0x58: {  	[sflag:s13] =	ssyncset.done $0x0  }
0x59: {  	s18 =	rddreg [dreg:$0xd];
	[sflag:s13] =	ssyncadd.s32 $0xFFFFC000  }
0x5a: {  	[tilespmem:s17], [sflag:$0x2] =	stream.indirect.gather [hbm4b:s2+s15], $0x80, s18, s15, $0xb8;
	[tilespmem:$0x1D000] =	vst v63  }
0x5b: {  	s7 =	rddreg [dreg:$0xe]  }
0x5c: {  	[spmem:s3] =	stream.indirect.scatter.add.f32 [tilespmem:s16], [sflag:$0x3], $0x80, s7, s15, $0xb8;
	[tilespmem:$0x1D000] =	vst v63  }
0x5d: {  	_ =	swait.ge [sflag:s10], $0x4000  }
0x5e: {  	[sflag:s10] =	ssyncset.done $0x0  }
0x5f: {  	[sflag:s10] =	ssyncadd.s32 $0xFFFFC000  }
0x60: {  	_ =	swait.ge [sflag:s14], $0x4000  }
0x61: {  	[sflag:s14] =	ssyncset.done $0x0  }
0x62: {  	s8 =	rddreg [dreg:$0xf];
	[sflag:s14] =	ssyncadd.s32 $0xFFFFC000  }
0x63: {  	[tilespmem:s16], [sflag:$0x1] =	stream.indirect.gather [hbm4b:s2+s15], $0x80, s8, s15, $0xb8;
	[tilespmem:$0x1D000] =	vst v63  }
0x64: {  	s9 =	rddreg [dreg:$0x10]  }
0x65: {  	[spmem:s3] =	stream.indirect.scatter.add.f32 [tilespmem:s17], [sflag:$0x3], $0x80, s9, s15, $0xb8;
	[tilespmem:$0x1D000] =	vst v63  }
0x66: {  	_ =	swait.ge [sflag:s10], $0x4000  }
0x67: {  	[sflag:s10] =	ssyncset.done $0x0  }
0x68: {  	[sflag:s10] =	ssyncadd.s32 $0xFFFFC000  }
0x69: {  	_ =	swait.ge [sflag:s13], $0x4000  }
0x6a: {  	[sflag:s13] =	ssyncset.done $0x0  }
0x6b: {  	s18 =	rddreg [dreg:$0x11];
	[sflag:s13] =	ssyncadd.s32 $0xFFFFC000  }
0x6c: {  	[tilespmem:s17], [sflag:$0x2] =	stream.indirect.gather [hbm4b:s2+s15], $0x80, s18, s15, $0xb8;
	[tilespmem:$0x1D000] =	vst v63  }
0x6d: {  	s7 =	rddreg [dreg:$0x12]  }
0x6e: {  	[spmem:s3] =	stream.indirect.scatter.add.f32 [tilespmem:s16], [sflag:$0x3], $0x80, s7, s15, $0xb8;
	[tilespmem:$0x1D000] =	vst v63  }
0x6f: {  	_ =	swait.ge [sflag:s10], $0x4000  }
0x70: {  	[sflag:s10] =	ssyncset.done $0x0  }
0x71: {  	[sflag:s10] =	ssyncadd.s32 $0xFFFFC000  }
0x72: {  	_ =	swait.ge [sflag:s14], $0x4000  }
0x73: {  	[sflag:s14] =	ssyncset.done $0x0  }
0x74: {  	s9 =	rddreg [dreg:$0x13];
	[sflag:s14] =	ssyncadd.s32 $0xFFFFC000  }
0x75: {  	[tilespmem:s16], [sflag:$0x1] =	stream.indirect.gather [hbm4b:s2+s15], $0x80, s9, s15, $0xb8;
	[tilespmem:$0x1D000] =	vst v63  }
0x76: {  	s18 =	simm.s32 $0x14B80  }
0x77: {  	[spmem:s3] =	stream.indirect.scatter.add.f32 [tilespmem:s17], [sflag:$0x3], $0x80, s18, s15, $0xb8;
	[tilespmem:$0x1D000] =	vst v63  }
0x78: {  	_ =	swait.ge [sflag:s10], $0x4000  }
0x79: {  	[sflag:s10] =	ssyncset.done $0x0  }
0x7a: {  	[sflag:s10] =	ssyncadd.s32 $0xFFFFC000  }
0x7b: {  	_ =	swait.ge [sflag:s13], $0x4000  }
0x7c: {  	[sflag:s13] =	ssyncset.done $0x0  }
0x7d: {  	[sflag:s13] =	ssyncadd.s32 $0xFFFFC000  }
0x7e: {  	[tilespmem:s17], [sflag:$0x2] =	stream.indirect.gather [hbm4b:s2+s15], $0x80, s19, s15, $0xb8;
	[tilespmem:$0x1D000] =	vst v63  }
0x7f: {  	_ = 	snop  }
0x80: {  	[spmem:s3] =	stream.indirect.scatter.add.f32 [tilespmem:s16], [sflag:$0x3], $0x80, s20, s15, $0xb8;
	[tilespmem:$0x1D000] =	vst v63  }
0x81: {  	_ =	swait.ge [sflag:s10], $0x4000  }
0x82: {  	[sflag:s10] =	ssyncset.done $0x0  }
0x83: {  	[sflag:s10] =	ssyncadd.s32 $0xFFFFC000  }
0x84: {  	_ =	swait.ge [sflag:s14], $0x4000  }
0x85: {  	[sflag:s14] =	ssyncset.done $0x0  }
0x86: {  	[sflag:s14] =	ssyncadd.s32 $0xFFFFC000  }
0x87: {  	[tilespmem:s16], [sflag:$0x1] =	stream.indirect.gather [hbm4b:s2+s15], $0x80, s21, s15, $0xb8;
	[tilespmem:$0x1D000] =	vst v63  }
0x88: {  	_ = 	snop  }
0x89: {  	[spmem:s3] =	stream.indirect.scatter.add.f32 [tilespmem:s17], [sflag:$0x3], $0x80, s22, s15, $0xb8;
	[tilespmem:$0x1D000] =	vst v63  }
0x8a: {  	_ =	swait.ge [sflag:s10], $0x4000  }
0x8b: {  	[sflag:s10] =	ssyncset.done $0x0  }
0x8c: {  	[sflag:s10] =	ssyncadd.s32 $0xFFFFC000  }
0x8d: {  	_ =	swait.ge [sflag:s13], $0x4000  }
0x8e: {  	[sflag:s13] =	ssyncset.done $0x0  }
0x8f: {  	[sflag:s13] =	ssyncadd.s32 $0xFFFFC000  }
0x90: {  	[tilespmem:s17], [sflag:$0x2] =	stream.indirect.gather [hbm4b:s2+s15], $0x80, s23, s15, $0xb8;
	[tilespmem:$0x1D000] =	vst v63  }
0x91: {  	_ = 	snop  }
0x92: {  	[spmem:s3] =	stream.indirect.scatter.add.f32 [tilespmem:s16], [sflag:$0x3], $0x80, s24, s15, $0xb8;
	[tilespmem:$0x1D000] =	vst v63  }
0x93: {  	_ =	swait.ge [sflag:s10], $0x4000  }
0x94: {  	[sflag:s10] =	ssyncset.done $0x0  }
0x95: {  	[sflag:s10] =	ssyncadd.s32 $0xFFFFC000  }
0x96: {  	_ =	swait.ge [sflag:s14], $0x4000  }
0x97: {  	[sflag:s14] =	ssyncset.done $0x0  }
0x98: {  	[sflag:s14] =	ssyncadd.s32 $0xFFFFC000  }
0x99: {  	[tilespmem:s16], [sflag:$0x1] =	stream.indirect.gather [hbm4b:s2+s15], $0x80, s25, s15, $0xb8;
	[tilespmem:$0x1D000] =	vst v63  }
0x9a: {  	_ = 	snop  }
0x9b: {  	[spmem:s3] =	stream.indirect.scatter.add.f32 [tilespmem:s17], [sflag:$0x3], $0x80, s26, s15, $0xb8;
	[tilespmem:$0x1D000] =	vst v63  }
0x9c: {  	_ =	swait.ge [sflag:s10], $0x4000  }
0x9d: {  	[sflag:s10] =	ssyncset.done $0x0  }
0x9e: {  	[sflag:s10] =	ssyncadd.s32 $0xFFFFC000  }
0x9f: {  	_ =	swait.ge [sflag:s13], $0x4000  }
0xa0: {  	[sflag:s13] =	ssyncset.done $0x0  }
0xa1: {  	[sflag:s13] =	ssyncadd.s32 $0xFFFFC000  }
0xa2: {  	[tilespmem:s17], [sflag:$0x2] =	stream.indirect.gather [hbm4b:s2+s15], $0x80, s28, s15, $0xb8;
	[tilespmem:$0x1D000] =	vst v63  }
0xa3: {  	_ = 	snop  }
0xa4: {  	[spmem:s3] =	stream.indirect.scatter.add.f32 [tilespmem:s16], [sflag:$0x3], $0x80, s29, s15, $0xb8;
	[tilespmem:$0x1D000] =	vst v63  }
0xa5: {  	_ =	swait.ge [sflag:s10], $0x4000  }
0xa6: {  	[sflag:s10] =	ssyncset.done $0x0  }
0xa7: {  	[sflag:s10] =	ssyncadd.s32 $0xFFFFC000  }
0xa8: {  	_ =	swait.ge [sflag:s14], $0x4000  }
0xa9: {  	[sflag:s14] =	ssyncset.done $0x0  }
0xaa: {  	[sflag:s14] =	ssyncadd.s32 $0xFFFFC000  }
0xab: {  	[tilespmem:s16], [sflag:$0x1] =	stream.indirect.gather [hbm4b:s2+s15], $0x80, s30, s15, $0xb8;
	[tilespmem:$0x1D000] =	vst v63  }
0xac: {  	_ = 	snop  }
0xad: {  	[spmem:s3] =	stream.indirect.scatter.add.f32 [tilespmem:s17], [sflag:$0x3], $0x80, s31, s15, $0xb8;
	[tilespmem:$0x1D000] =	vst v63  }
0xae: {  	_ =	swait.ge [sflag:s10], $0x4000  }
0xaf: {  	[sflag:s10] =	ssyncset.done $0x0  }
0xb0: {  	[sflag:s10] =	ssyncadd.s32 $0xFFFFC000  }
0xb1: {  	_ =	swait.ge [sflag:s13], $0x4000  }
0xb2: {  	[sflag:s13] =	ssyncset.done $0x0  }
0xb3: {  	[sflag:s13] =	ssyncadd.s32 $0xFFFFC000  }
0xb4: {  	[tilespmem:s17], [sflag:$0x2] =	stream.indirect.gather [hbm4b:s2+s15], $0x80, s1, s15, $0xb8;
	[tilespmem:$0x1D000] =	vst v63  }
0xb5: {  	_ = 	snop  }
0xb6: {  	[spmem:s3] =	stream.indirect.scatter.add.f32 [tilespmem:s16], [sflag:$0x3], $0x80, s0, s15, $0xb8;
	[tilespmem:$0x1D000] =	vst v63  }
0xb7: {  	_ =	swait.ge [sflag:s10], $0x4000  }
0xb8: {  	[sflag:s10] =	ssyncset.done $0x0  }
0xb9: {  	[sflag:s10] =	ssyncadd.s32 $0xFFFFC000  }
0xba: {  	_ =	swait.ge [sflag:s14], $0x4000  }
0xbb: {  	[sflag:s14] =	ssyncset.done $0x0  }
0xbc: {  	[sflag:s14] =	ssyncadd.s32 $0xFFFFC000  }
0xbd: {  	[spmem:s3] =	stream.indirect.scatter.add.f32 [tilespmem:s17], [sflag:$0x3], $0x80, s5, s15, $0xb8;
	[tilespmem:$0x1D000] =	vst v63  }
0xbe: {  	s6 =	simm.s32 $0x200;
	_ =	swait.ge [sflag:s10], $0x4000  }
0xbf: {  	s8 =	simm.s32 $0x100;
	s9 =	rddreg [dreg:$0x5];
	[sflag:s10] =	ssyncset.done $0x0  }
.LBB2_2:
0xc0: {  	[sflag:s10] =	ssyncadd.s32 $0xFFFFC000;
	s18 =	rddreg [dreg:$0x4];
	s9 =	sadd.s32 s8, s9  }
0xc1: {  	[tilespmem:s11], [sflag:$0x1] =	stream.linear.gather [hbm4b:s9+s4], $0x800, $0x38;
	[tilespmem:$0x1D000] =	vst v63  }
0xc2: {  	s18 =	sadd.s32 s8, s18  }
0xc3: {  	[tilespmem:s12], [sflag:$0x2] =	stream.linear.gather [hbm4b:s18+s4], $0x800, $0x38;
	[tilespmem:$0x1D000] =	vst v63  }
0xc4: {  	_ =	swait.ge [sflag:s13], $0x800  }
0xc5: {  	[sflag:s13] =	ssyncset.done $0x0  }
0xc6: {  	[sflag:s13] =	ssyncadd.s32 $0xFFFFF800  }
0xc7: {  	_ =	swait.ge [sflag:s14], $0x800  }
0xc8: {  	[sflag:s14] =	ssyncset.done $0x0  }
0xc9: {  	[sflag:s14] =	ssyncadd.s32 $0xFFFFF800  }
0xca: {  	[tilespmem:s16], [sflag:$0x1] =	stream.indirect.gather [hbm4b:s2+s15], $0x80, s11, s15, $0xb8;
	[tilespmem:$0x1D000] =	vst v63  }
0xcb: {  	_ =	swait.ge [sflag:s13], $0x4000  }
0xcc: {  	[sflag:s13] =	ssyncset.done $0x0  }
0xcd: {  	s18 =	rddreg [dreg:$0x6];
	[sflag:s13] =	ssyncadd.s32 $0xFFFFC000  }
0xce: {  	[tilespmem:s17], [sflag:$0x2] =	stream.indirect.gather [hbm4b:s2+s15], $0x80, s18, s15, $0xb8;
	[tilespmem:$0x1D000] =	vst v63  }
0xcf: {  	_ = 	snop  }
0xd0: {  	[spmem:s3] =	stream.indirect.scatter.add.f32 [tilespmem:s16], [sflag:$0x3], $0x80, s12, s15, $0xb8;
	[tilespmem:$0x1D000] =	vst v63  }
0xd1: {  	_ =	swait.ge [sflag:s10], $0x4000  }
0xd2: {  	[sflag:s10] =	ssyncset.done $0x0  }
0xd3: {  	[sflag:s10] =	ssyncadd.s32 $0xFFFFC000  }
0xd4: {  	_ =	swait.ge [sflag:s14], $0x4000  }
0xd5: {  	[sflag:s14] =	ssyncset.done $0x0  }
0xd6: {  	s9 =	rddreg [dreg:$0x7];
	[sflag:s14] =	ssyncadd.s32 $0xFFFFC000  }
0xd7: {  	[tilespmem:s16], [sflag:$0x1] =	stream.indirect.gather [hbm4b:s2+s15], $0x80, s9, s15, $0xb8;
	[tilespmem:$0x1D000] =	vst v63  }
0xd8: {  	s18 =	rddreg [dreg:$0x8]  }
0xd9: {  	[spmem:s3] =	stream.indirect.scatter.add.f32 [tilespmem:s17], [sflag:$0x3], $0x80, s18, s15, $0xb8;
	[tilespmem:$0x1D000] =	vst v63  }
0xda: {  	_ =	swait.ge [sflag:s10], $0x4000  }
0xdb: {  	[sflag:s10] =	ssyncset.done $0x0  }
0xdc: {  	[sflag:s10] =	ssyncadd.s32 $0xFFFFC000  }
0xdd: {  	_ =	swait.ge [sflag:s13], $0x4000  }
0xde: {  	[sflag:s13] =	ssyncset.done $0x0  }
0xdf: {  	s9 =	rddreg [dreg:$0x9];
	[sflag:s13] =	ssyncadd.s32 $0xFFFFC000  }
0xe0: {  	[tilespmem:s17], [sflag:$0x2] =	stream.indirect.gather [hbm4b:s2+s15], $0x80, s9, s15, $0xb8;
	[tilespmem:$0x1D000] =	vst v63  }
0xe1: {  	s18 =	rddreg [dreg:$0xa]  }
0xe2: {  	[spmem:s3] =	stream.indirect.scatter.add.f32 [tilespmem:s16], [sflag:$0x3], $0x80, s18, s15, $0xb8;
	[tilespmem:$0x1D000] =	vst v63  }
0xe3: {  	_ =	swait.ge [sflag:s10], $0x4000  }
0xe4: {  	[sflag:s10] =	ssyncset.done $0x0  }
0xe5: {  	[sflag:s10] =	ssyncadd.s32 $0xFFFFC000  }
0xe6: {  	_ =	swait.ge [sflag:s14], $0x4000  }
0xe7: {  	[sflag:s14] =	ssyncset.done $0x0  }
0xe8: {  	s9 =	rddreg [dreg:$0xb];
	[sflag:s14] =	ssyncadd.s32 $0xFFFFC000  }
0xe9: {  	[tilespmem:s16], [sflag:$0x1] =	stream.indirect.gather [hbm4b:s2+s15], $0x80, s9, s15, $0xb8;
	[tilespmem:$0x1D000] =	vst v63  }
0xea: {  	s18 =	rddreg [dreg:$0xc]  }
0xeb: {  	[spmem:s3] =	stream.indirect.scatter.add.f32 [tilespmem:s17], [sflag:$0x3], $0x80, s18, s15, $0xb8;
	[tilespmem:$0x1D000] =	vst v63  }
0xec: {  	_ =	swait.ge [sflag:s10], $0x4000  }
0xed: {  	[sflag:s10] =	ssyncset.done $0x0  }
0xee: {  	[sflag:s10] =	ssyncadd.s32 $0xFFFFC000  }
0xef: {  	_ =	swait.ge [sflag:s13], $0x4000  }
0xf0: {  	[sflag:s13] =	ssyncset.done $0x0  }
0xf1: {  	s9 =	rddreg [dreg:$0xd];
	[sflag:s13] =	ssyncadd.s32 $0xFFFFC000  }
0xf2: {  	[tilespmem:s17], [sflag:$0x2] =	stream.indirect.gather [hbm4b:s2+s15], $0x80, s9, s15, $0xb8;
	[tilespmem:$0x1D000] =	vst v63  }
0xf3: {  	s18 =	rddreg [dreg:$0xe]  }
0xf4: {  	[spmem:s3] =	stream.indirect.scatter.add.f32 [tilespmem:s16], [sflag:$0x3], $0x80, s18, s15, $0xb8;
	[tilespmem:$0x1D000] =	vst v63  }
0xf5: {  	_ =	swait.ge [sflag:s10], $0x4000  }
0xf6: {  	[sflag:s10] =	ssyncset.done $0x0  }
0xf7: {  	[sflag:s10] =	ssyncadd.s32 $0xFFFFC000  }
0xf8: {  	_ =	swait.ge [sflag:s14], $0x4000  }
0xf9: {  	[sflag:s14] =	ssyncset.done $0x0  }
0xfa: {  	s9 =	rddreg [dreg:$0xf];
	[sflag:s14] =	ssyncadd.s32 $0xFFFFC000  }
0xfb: {  	[tilespmem:s16], [sflag:$0x1] =	stream.indirect.gather [hbm4b:s2+s15], $0x80, s9, s15, $0xb8;
	[tilespmem:$0x1D000] =	vst v63  }
0xfc: {  	s18 =	rddreg [dreg:$0x10]  }
0xfd: {  	[spmem:s3] =	stream.indirect.scatter.add.f32 [tilespmem:s17], [sflag:$0x3], $0x80, s18, s15, $0xb8;
	[tilespmem:$0x1D000] =	vst v63  }
0xfe: {  	_ =	swait.ge [sflag:s10], $0x4000  }
0xff: {  	[sflag:s10] =	ssyncset.done $0x0  }
0x100: {  	[sflag:s10] =	ssyncadd.s32 $0xFFFFC000  }
0x101: {  	_ =	swait.ge [sflag:s13], $0x4000  }
0x102: {  	[sflag:s13] =	ssyncset.done $0x0  }
0x103: {  	s9 =	rddreg [dreg:$0x11];
	[sflag:s13] =	ssyncadd.s32 $0xFFFFC000  }
0x104: {  	[tilespmem:s17], [sflag:$0x2] =	stream.indirect.gather [hbm4b:s2+s15], $0x80, s9, s15, $0xb8;
	[tilespmem:$0x1D000] =	vst v63  }
0x105: {  	s18 =	rddreg [dreg:$0x12]  }
0x106: {  	[spmem:s3] =	stream.indirect.scatter.add.f32 [tilespmem:s16], [sflag:$0x3], $0x80, s18, s15, $0xb8;
	[tilespmem:$0x1D000] =	vst v63  }
0x107: {  	_ =	swait.ge [sflag:s10], $0x4000  }
0x108: {  	[sflag:s10] =	ssyncset.done $0x0  }
0x109: {  	[sflag:s10] =	ssyncadd.s32 $0xFFFFC000  }
0x10a: {  	_ =	swait.ge [sflag:s14], $0x4000  }
0x10b: {  	[sflag:s14] =	ssyncset.done $0x0  }
0x10c: {  	s9 =	rddreg [dreg:$0x13];
	[sflag:s14] =	ssyncadd.s32 $0xFFFFC000  }
0x10d: {  	[tilespmem:s16], [sflag:$0x1] =	stream.indirect.gather [hbm4b:s2+s15], $0x80, s9, s15, $0xb8;
	[tilespmem:$0x1D000] =	vst v63  }
0x10e: {  	s18 =	simm.s32 $0x14B80  }
0x10f: {  	[spmem:s3] =	stream.indirect.scatter.add.f32 [tilespmem:s17], [sflag:$0x3], $0x80, s18, s15, $0xb8;
	[tilespmem:$0x1D000] =	vst v63  }
0x110: {  	_ =	swait.ge [sflag:s10], $0x4000  }
0x111: {  	[sflag:s10] =	ssyncset.done $0x0  }
0x112: {  	[sflag:s10] =	ssyncadd.s32 $0xFFFFC000  }
0x113: {  	_ =	swait.ge [sflag:s13], $0x4000  }
0x114: {  	[sflag:s13] =	ssyncset.done $0x0  }
0x115: {  	[sflag:s13] =	ssyncadd.s32 $0xFFFFC000  }
0x116: {  	[tilespmem:s17], [sflag:$0x2] =	stream.indirect.gather [hbm4b:s2+s15], $0x80, s19, s15, $0xb8;
	[tilespmem:$0x1D000] =	vst v63  }
0x117: {  	_ = 	snop  }
0x118: {  	[spmem:s3] =	stream.indirect.scatter.add.f32 [tilespmem:s16], [sflag:$0x3], $0x80, s20, s15, $0xb8;
	[tilespmem:$0x1D000] =	vst v63  }
0x119: {  	_ =	swait.ge [sflag:s10], $0x4000  }
0x11a: {  	[sflag:s10] =	ssyncset.done $0x0  }
0x11b: {  	[sflag:s10] =	ssyncadd.s32 $0xFFFFC000  }
0x11c: {  	_ =	swait.ge [sflag:s14], $0x4000  }
0x11d: {  	[sflag:s14] =	ssyncset.done $0x0  }
0x11e: {  	[sflag:s14] =	ssyncadd.s32 $0xFFFFC000  }
0x11f: {  	[tilespmem:s16], [sflag:$0x1] =	stream.indirect.gather [hbm4b:s2+s15], $0x80, s21, s15, $0xb8;
	[tilespmem:$0x1D000] =	vst v63  }
0x120: {  	_ = 	snop  }
0x121: {  	[spmem:s3] =	stream.indirect.scatter.add.f32 [tilespmem:s17], [sflag:$0x3], $0x80, s22, s15, $0xb8;
	[tilespmem:$0x1D000] =	vst v63  }
0x122: {  	_ =	swait.ge [sflag:s10], $0x4000  }
0x123: {  	[sflag:s10] =	ssyncset.done $0x0  }
0x124: {  	[sflag:s10] =	ssyncadd.s32 $0xFFFFC000  }
0x125: {  	_ =	swait.ge [sflag:s13], $0x4000  }
0x126: {  	[sflag:s13] =	ssyncset.done $0x0  }
0x127: {  	[sflag:s13] =	ssyncadd.s32 $0xFFFFC000  }
0x128: {  	[tilespmem:s17], [sflag:$0x2] =	stream.indirect.gather [hbm4b:s2+s15], $0x80, s23, s15, $0xb8;
	[tilespmem:$0x1D000] =	vst v63  }
0x129: {  	_ = 	snop  }
0x12a: {  	[spmem:s3] =	stream.indirect.scatter.add.f32 [tilespmem:s16], [sflag:$0x3], $0x80, s24, s15, $0xb8;
	[tilespmem:$0x1D000] =	vst v63  }
0x12b: {  	_ =	swait.ge [sflag:s10], $0x4000  }
0x12c: {  	[sflag:s10] =	ssyncset.done $0x0  }
0x12d: {  	[sflag:s10] =	ssyncadd.s32 $0xFFFFC000  }
0x12e: {  	_ =	swait.ge [sflag:s14], $0x4000  }
0x12f: {  	[sflag:s14] =	ssyncset.done $0x0  }
0x130: {  	[sflag:s14] =	ssyncadd.s32 $0xFFFFC000  }
0x131: {  	[tilespmem:s16], [sflag:$0x1] =	stream.indirect.gather [hbm4b:s2+s15], $0x80, s25, s15, $0xb8;
	[tilespmem:$0x1D000] =	vst v63  }
0x132: {  	_ = 	snop  }
0x133: {  	[spmem:s3] =	stream.indirect.scatter.add.f32 [tilespmem:s17], [sflag:$0x3], $0x80, s26, s15, $0xb8;
	[tilespmem:$0x1D000] =	vst v63  }
0x134: {  	_ =	swait.ge [sflag:s10], $0x4000  }
0x135: {  	[sflag:s10] =	ssyncset.done $0x0  }
0x136: {  	[sflag:s10] =	ssyncadd.s32 $0xFFFFC000  }
0x137: {  	_ =	swait.ge [sflag:s13], $0x4000  }
0x138: {  	[sflag:s13] =	ssyncset.done $0x0  }
0x139: {  	[sflag:s13] =	ssyncadd.s32 $0xFFFFC000  }
0x13a: {  	[tilespmem:s17], [sflag:$0x2] =	stream.indirect.gather [hbm4b:s2+s15], $0x80, s28, s15, $0xb8;
	[tilespmem:$0x1D000] =	vst v63  }
0x13b: {  	_ = 	snop  }
0x13c: {  	[spmem:s3] =	stream.indirect.scatter.add.f32 [tilespmem:s16], [sflag:$0x3], $0x80, s29, s15, $0xb8;
	[tilespmem:$0x1D000] =	vst v63  }
0x13d: {  	_ =	swait.ge [sflag:s10], $0x4000  }
0x13e: {  	[sflag:s10] =	ssyncset.done $0x0  }
0x13f: {  	[sflag:s10] =	ssyncadd.s32 $0xFFFFC000  }
0x140: {  	_ =	swait.ge [sflag:s14], $0x4000  }
0x141: {  	[sflag:s14] =	ssyncset.done $0x0  }
0x142: {  	[sflag:s14] =	ssyncadd.s32 $0xFFFFC000  }
0x143: {  	[tilespmem:s16], [sflag:$0x1] =	stream.indirect.gather [hbm4b:s2+s15], $0x80, s30, s15, $0xb8;
	[tilespmem:$0x1D000] =	vst v63  }
0x144: {  	_ = 	snop  }
0x145: {  	[spmem:s3] =	stream.indirect.scatter.add.f32 [tilespmem:s17], [sflag:$0x3], $0x80, s31, s15, $0xb8;
	[tilespmem:$0x1D000] =	vst v63  }
0x146: {  	_ =	swait.ge [sflag:s10], $0x4000  }
0x147: {  	[sflag:s10] =	ssyncset.done $0x0  }
0x148: {  	[sflag:s10] =	ssyncadd.s32 $0xFFFFC000  }
0x149: {  	_ =	swait.ge [sflag:s13], $0x4000  }
0x14a: {  	[sflag:s13] =	ssyncset.done $0x0  }
0x14b: {  	[sflag:s13] =	ssyncadd.s32 $0xFFFFC000  }
0x14c: {  	[tilespmem:s17], [sflag:$0x2] =	stream.indirect.gather [hbm4b:s2+s15], $0x80, s1, s15, $0xb8;
	[tilespmem:$0x1D000] =	vst v63  }
0x14d: {  	_ = 	snop  }
0x14e: {  	[spmem:s3] =	stream.indirect.scatter.add.f32 [tilespmem:s16], [sflag:$0x3], $0x80, s0, s15, $0xb8;
	[tilespmem:$0x1D000] =	vst v63  }
0x14f: {  	_ =	swait.ge [sflag:s10], $0x4000  }
0x150: {  	[sflag:s10] =	ssyncset.done $0x0  }
0x151: {  	[sflag:s10] =	ssyncadd.s32 $0xFFFFC000  }
0x152: {  	p0 =	sne.s32 s6, $0x400;
	_ =	swait.ge [sflag:s14], $0x4000  }
.Ltmp0:
0x153: {  	[sflag:s14] =	ssyncset.done $0x0;
	(pc) =	sbr.rel @p0 .LBB2_2-.Ltmp0, $4  }
0x154: {  	[sflag:s14] =	ssyncadd.s32 $0xFFFFC000  }
0x155: {  	[spmem:s3] =	stream.indirect.scatter.add.f32 [tilespmem:s17], [sflag:$0x3], $0x80, s5, s15, $0xb8;
	[tilespmem:$0x1D000] =	vst v63  }
0x156: {  	s7 =	smov.u32 s6;
	s6 =	sadd.s32 $0x100, s6;
	_ =	swait.ge [sflag:s10], $0x4000  }
0x157: {  	s8 =	smov.u32 s7;
	s9 =	rddreg [dreg:$0x5];
	[sflag:s10] =	ssyncset.done $0x0  }
0x158: {  	s6 =	rddreg [dreg:$0x4];
	[sflag:s10] =	ssyncadd.s32 $0xFFFFC000;
	s7 =	sadd.s32 s8, s9  }
0x159: {  	[tilespmem:s11], [sflag:$0x1] =	stream.linear.gather [hbm4b:s7+s4], $0x800, $0x38;
	[tilespmem:$0x1D000] =	vst v63  }
0x15a: {  	s6 =	sadd.s32 s8, s6  }
0x15b: {  	[tilespmem:s12], [sflag:$0x2] =	stream.linear.gather [hbm4b:s6+s4], $0x800, $0x38;
	[tilespmem:$0x1D000] =	vst v63  }
0x15c: {  	_ =	swait.ge [sflag:s13], $0x800  }
0x15d: {  	[sflag:s13] =	ssyncset.done $0x0  }
0x15e: {  	[sflag:s13] =	ssyncadd.s32 $0xFFFFF800  }
0x15f: {  	_ =	swait.ge [sflag:s14], $0x800  }
0x160: {  	[sflag:s14] =	ssyncset.done $0x0  }
0x161: {  	[sflag:s14] =	ssyncadd.s32 $0xFFFFF800  }
0x162: {  	[tilespmem:s16], [sflag:$0x1] =	stream.indirect.gather [hbm4b:s2+s15], $0x80, s11, s15, $0xb8;
	[tilespmem:$0x1D000] =	vst v63  }
0x163: {  	_ =	swait.ge [sflag:s13], $0x4000  }
0x164: {  	[sflag:s13] =	ssyncset.done $0x0  }
0x165: {  	s18 =	rddreg [dreg:$0x6];
	[sflag:s13] =	ssyncadd.s32 $0xFFFFC000  }
0x166: {  	[tilespmem:s17], [sflag:$0x2] =	stream.indirect.gather [hbm4b:s2+s15], $0x80, s18, s15, $0xb8;
	[tilespmem:$0x1D000] =	vst v63  }
0x167: {  	_ = 	snop  }
0x168: {  	[spmem:s3] =	stream.indirect.scatter.add.f32 [tilespmem:s16], [sflag:$0x3], $0x80, s12, s15, $0xb8;
	[tilespmem:$0x1D000] =	vst v63  }
0x169: {  	_ =	swait.ge [sflag:s10], $0x4000  }
0x16a: {  	[sflag:s10] =	ssyncset.done $0x0  }
0x16b: {  	[sflag:s10] =	ssyncadd.s32 $0xFFFFC000  }
0x16c: {  	_ =	swait.ge [sflag:s14], $0x4000  }
0x16d: {  	[sflag:s14] =	ssyncset.done $0x0  }
0x16e: {  	s7 =	rddreg [dreg:$0x7];
	[sflag:s14] =	ssyncadd.s32 $0xFFFFC000  }
0x16f: {  	[tilespmem:s16], [sflag:$0x1] =	stream.indirect.gather [hbm4b:s2+s15], $0x80, s7, s15, $0xb8;
	[tilespmem:$0x1D000] =	vst v63  }
0x170: {  	s8 =	rddreg [dreg:$0x8]  }
0x171: {  	[spmem:s3] =	stream.indirect.scatter.add.f32 [tilespmem:s17], [sflag:$0x3], $0x80, s8, s15, $0xb8;
	[tilespmem:$0x1D000] =	vst v63  }
0x172: {  	_ =	swait.ge [sflag:s10], $0x4000  }
0x173: {  	[sflag:s10] =	ssyncset.done $0x0  }
0x174: {  	[sflag:s10] =	ssyncadd.s32 $0xFFFFC000  }
0x175: {  	_ =	swait.ge [sflag:s13], $0x4000  }
0x176: {  	[sflag:s13] =	ssyncset.done $0x0  }
0x177: {  	s9 =	rddreg [dreg:$0x9];
	[sflag:s13] =	ssyncadd.s32 $0xFFFFC000  }
0x178: {  	[tilespmem:s17], [sflag:$0x2] =	stream.indirect.gather [hbm4b:s2+s15], $0x80, s9, s15, $0xb8;
	[tilespmem:$0x1D000] =	vst v63  }
0x179: {  	s18 =	rddreg [dreg:$0xa]  }
0x17a: {  	[spmem:s3] =	stream.indirect.scatter.add.f32 [tilespmem:s16], [sflag:$0x3], $0x80, s18, s15, $0xb8;
	[tilespmem:$0x1D000] =	vst v63  }
0x17b: {  	_ =	swait.ge [sflag:s10], $0x4000  }
0x17c: {  	[sflag:s10] =	ssyncset.done $0x0  }
0x17d: {  	[sflag:s10] =	ssyncadd.s32 $0xFFFFC000  }
0x17e: {  	_ =	swait.ge [sflag:s14], $0x4000  }
0x17f: {  	[sflag:s14] =	ssyncset.done $0x0  }
0x180: {  	s7 =	rddreg [dreg:$0xb];
	[sflag:s14] =	ssyncadd.s32 $0xFFFFC000  }
0x181: {  	[tilespmem:s16], [sflag:$0x1] =	stream.indirect.gather [hbm4b:s2+s15], $0x80, s7, s15, $0xb8;
	[tilespmem:$0x1D000] =	vst v63  }
0x182: {  	s8 =	rddreg [dreg:$0xc]  }
0x183: {  	[spmem:s3] =	stream.indirect.scatter.add.f32 [tilespmem:s17], [sflag:$0x3], $0x80, s8, s15, $0xb8;
	[tilespmem:$0x1D000] =	vst v63  }
0x184: {  	_ =	swait.ge [sflag:s10], $0x4000  }
0x185: {  	[sflag:s10] =	ssyncset.done $0x0  }
0x186: {  	[sflag:s10] =	ssyncadd.s32 $0xFFFFC000  }
0x187: {  	_ =	swait.ge [sflag:s13], $0x4000  }
0x188: {  	[sflag:s13] =	ssyncset.done $0x0  }
0x189: {  	s9 =	rddreg [dreg:$0xd];
	[sflag:s13] =	ssyncadd.s32 $0xFFFFC000  }
0x18a: {  	[tilespmem:s17], [sflag:$0x2] =	stream.indirect.gather [hbm4b:s2+s15], $0x80, s9, s15, $0xb8;
	[tilespmem:$0x1D000] =	vst v63  }
0x18b: {  	s18 =	rddreg [dreg:$0xe]  }
0x18c: {  	[spmem:s3] =	stream.indirect.scatter.add.f32 [tilespmem:s16], [sflag:$0x3], $0x80, s18, s15, $0xb8;
	[tilespmem:$0x1D000] =	vst v63  }
0x18d: {  	_ =	swait.ge [sflag:s10], $0x4000  }
0x18e: {  	[sflag:s10] =	ssyncset.done $0x0  }
0x18f: {  	[sflag:s10] =	ssyncadd.s32 $0xFFFFC000  }
0x190: {  	_ =	swait.ge [sflag:s14], $0x4000  }
0x191: {  	[sflag:s14] =	ssyncset.done $0x0  }
0x192: {  	s7 =	rddreg [dreg:$0xf];
	[sflag:s14] =	ssyncadd.s32 $0xFFFFC000  }
0x193: {  	[tilespmem:s16], [sflag:$0x1] =	stream.indirect.gather [hbm4b:s2+s15], $0x80, s7, s15, $0xb8;
	[tilespmem:$0x1D000] =	vst v63  }
0x194: {  	s8 =	rddreg [dreg:$0x10]  }
0x195: {  	[spmem:s3] =	stream.indirect.scatter.add.f32 [tilespmem:s17], [sflag:$0x3], $0x80, s8, s15, $0xb8;
	[tilespmem:$0x1D000] =	vst v63  }
0x196: {  	_ =	swait.ge [sflag:s10], $0x4000  }
0x197: {  	[sflag:s10] =	ssyncset.done $0x0  }
0x198: {  	[sflag:s10] =	ssyncadd.s32 $0xFFFFC000  }
0x199: {  	_ =	swait.ge [sflag:s13], $0x4000  }
0x19a: {  	[sflag:s13] =	ssyncset.done $0x0  }
0x19b: {  	s9 =	rddreg [dreg:$0x11];
	[sflag:s13] =	ssyncadd.s32 $0xFFFFC000  }
0x19c: {  	[tilespmem:s17], [sflag:$0x2] =	stream.indirect.gather [hbm4b:s2+s15], $0x80, s9, s15, $0xb8;
	[tilespmem:$0x1D000] =	vst v63  }
0x19d: {  	s18 =	rddreg [dreg:$0x12]  }
0x19e: {  	[spmem:s3] =	stream.indirect.scatter.add.f32 [tilespmem:s16], [sflag:$0x3], $0x80, s18, s15, $0xb8;
	[tilespmem:$0x1D000] =	vst v63  }
0x19f: {  	_ =	swait.ge [sflag:s10], $0x4000  }
0x1a0: {  	[sflag:s10] =	ssyncset.done $0x0  }
0x1a1: {  	[sflag:s10] =	ssyncadd.s32 $0xFFFFC000  }
0x1a2: {  	_ =	swait.ge [sflag:s14], $0x4000  }
0x1a3: {  	[sflag:s14] =	ssyncset.done $0x0  }
0x1a4: {  	s8 =	rddreg [dreg:$0x13];
	[sflag:s14] =	ssyncadd.s32 $0xFFFFC000  }
0x1a5: {  	[tilespmem:s16], [sflag:$0x1] =	stream.indirect.gather [hbm4b:s2+s15], $0x80, s8, s15, $0xb8;
	[tilespmem:$0x1D000] =	vst v63  }
0x1a6: {  	s9 =	simm.s32 $0x14B80  }
0x1a7: {  	[spmem:s3] =	stream.indirect.scatter.add.f32 [tilespmem:s17], [sflag:$0x3], $0x80, s9, s15, $0xb8;
	[tilespmem:$0x1D000] =	vst v63  }
0x1a8: {  	_ =	swait.ge [sflag:s10], $0x4000  }
0x1a9: {  	[sflag:s10] =	ssyncset.done $0x0  }
0x1aa: {  	[sflag:s10] =	ssyncadd.s32 $0xFFFFC000  }
0x1ab: {  	_ =	swait.ge [sflag:s13], $0x4000  }
0x1ac: {  	[sflag:s13] =	ssyncset.done $0x0  }
0x1ad: {  	[sflag:s13] =	ssyncadd.s32 $0xFFFFC000  }
0x1ae: {  	[tilespmem:s17], [sflag:$0x2] =	stream.indirect.gather [hbm4b:s2+s15], $0x80, s19, s15, $0xb8;
	[tilespmem:$0x1D000] =	vst v63  }
0x1af: {  	_ = 	snop  }
0x1b0: {  	[spmem:s3] =	stream.indirect.scatter.add.f32 [tilespmem:s16], [sflag:$0x3], $0x80, s20, s15, $0xb8;
	[tilespmem:$0x1D000] =	vst v63  }
0x1b1: {  	_ =	swait.ge [sflag:s10], $0x4000  }
0x1b2: {  	[sflag:s10] =	ssyncset.done $0x0  }
0x1b3: {  	[sflag:s10] =	ssyncadd.s32 $0xFFFFC000  }
0x1b4: {  	_ =	swait.ge [sflag:s14], $0x4000  }
0x1b5: {  	[sflag:s14] =	ssyncset.done $0x0  }
0x1b6: {  	[sflag:s14] =	ssyncadd.s32 $0xFFFFC000  }
0x1b7: {  	[tilespmem:s16], [sflag:$0x1] =	stream.indirect.gather [hbm4b:s2+s15], $0x80, s21, s15, $0xb8;
	[tilespmem:$0x1D000] =	vst v63  }
0x1b8: {  	_ = 	snop  }
0x1b9: {  	[spmem:s3] =	stream.indirect.scatter.add.f32 [tilespmem:s17], [sflag:$0x3], $0x80, s22, s15, $0xb8;
	[tilespmem:$0x1D000] =	vst v63  }
0x1ba: {  	_ =	swait.ge [sflag:s10], $0x4000  }
0x1bb: {  	[sflag:s10] =	ssyncset.done $0x0  }
0x1bc: {  	[sflag:s10] =	ssyncadd.s32 $0xFFFFC000  }
0x1bd: {  	_ =	swait.ge [sflag:s13], $0x4000  }
0x1be: {  	[sflag:s13] =	ssyncset.done $0x0  }
0x1bf: {  	[sflag:s13] =	ssyncadd.s32 $0xFFFFC000  }
0x1c0: {  	[tilespmem:s17], [sflag:$0x2] =	stream.indirect.gather [hbm4b:s2+s15], $0x80, s23, s15, $0xb8;
	[tilespmem:$0x1D000] =	vst v63  }
0x1c1: {  	_ = 	snop  }
0x1c2: {  	[spmem:s3] =	stream.indirect.scatter.add.f32 [tilespmem:s16], [sflag:$0x3], $0x80, s24, s15, $0xb8;
	[tilespmem:$0x1D000] =	vst v63  }
0x1c3: {  	_ =	swait.ge [sflag:s10], $0x4000  }
0x1c4: {  	[sflag:s10] =	ssyncset.done $0x0  }
0x1c5: {  	[sflag:s10] =	ssyncadd.s32 $0xFFFFC000  }
0x1c6: {  	_ =	swait.ge [sflag:s14], $0x4000  }
0x1c7: {  	[sflag:s14] =	ssyncset.done $0x0  }
0x1c8: {  	[sflag:s14] =	ssyncadd.s32 $0xFFFFC000  }
0x1c9: {  	[tilespmem:s16], [sflag:$0x1] =	stream.indirect.gather [hbm4b:s2+s15], $0x80, s25, s15, $0xb8;
	[tilespmem:$0x1D000] =	vst v63  }
0x1ca: {  	_ = 	snop  }
0x1cb: {  	[spmem:s3] =	stream.indirect.scatter.add.f32 [tilespmem:s17], [sflag:$0x3], $0x80, s26, s15, $0xb8;
	[tilespmem:$0x1D000] =	vst v63  }
0x1cc: {  	_ =	swait.ge [sflag:s10], $0x4000  }
0x1cd: {  	[sflag:s10] =	ssyncset.done $0x0  }
0x1ce: {  	[sflag:s10] =	ssyncadd.s32 $0xFFFFC000  }
0x1cf: {  	_ =	swait.ge [sflag:s13], $0x4000  }
0x1d0: {  	[sflag:s13] =	ssyncset.done $0x0  }
0x1d1: {  	[sflag:s13] =	ssyncadd.s32 $0xFFFFC000  }
0x1d2: {  	[tilespmem:s17], [sflag:$0x2] =	stream.indirect.gather [hbm4b:s2+s15], $0x80, s28, s15, $0xb8;
	[tilespmem:$0x1D000] =	vst v63  }
0x1d3: {  	_ = 	snop  }
0x1d4: {  	[spmem:s3] =	stream.indirect.scatter.add.f32 [tilespmem:s16], [sflag:$0x3], $0x80, s29, s15, $0xb8;
	[tilespmem:$0x1D000] =	vst v63  }
0x1d5: {  	_ =	swait.ge [sflag:s10], $0x4000  }
0x1d6: {  	[sflag:s10] =	ssyncset.done $0x0  }
0x1d7: {  	[sflag:s10] =	ssyncadd.s32 $0xFFFFC000  }
0x1d8: {  	_ =	swait.ge [sflag:s14], $0x4000  }
0x1d9: {  	[sflag:s14] =	ssyncset.done $0x0  }
0x1da: {  	[sflag:s14] =	ssyncadd.s32 $0xFFFFC000  }
0x1db: {  	[tilespmem:s16], [sflag:$0x1] =	stream.indirect.gather [hbm4b:s2+s15], $0x80, s30, s15, $0xb8;
	[tilespmem:$0x1D000] =	vst v63  }
0x1dc: {  	_ = 	snop  }
0x1dd: {  	[spmem:s3] =	stream.indirect.scatter.add.f32 [tilespmem:s17], [sflag:$0x3], $0x80, s31, s15, $0xb8;
	[tilespmem:$0x1D000] =	vst v63  }
0x1de: {  	_ =	swait.ge [sflag:s10], $0x4000  }
0x1df: {  	[sflag:s10] =	ssyncset.done $0x0  }
0x1e0: {  	[sflag:s10] =	ssyncadd.s32 $0xFFFFC000  }
0x1e1: {  	_ =	swait.ge [sflag:s13], $0x4000  }
0x1e2: {  	[sflag:s13] =	ssyncset.done $0x0  }
0x1e3: {  	[sflag:s13] =	ssyncadd.s32 $0xFFFFC000  }
0x1e4: {  	[tilespmem:s17], [sflag:$0x2] =	stream.indirect.gather [hbm4b:s2+s15], $0x80, s1, s15, $0xb8;
	[tilespmem:$0x1D000] =	vst v63  }
0x1e5: {  	_ = 	snop  }
0x1e6: {  	[spmem:s3] =	stream.indirect.scatter.add.f32 [tilespmem:s16], [sflag:$0x3], $0x80, s0, s15, $0xb8;
	[tilespmem:$0x1D000] =	vst v63  }
0x1e7: {  	_ =	swait.ge [sflag:s10], $0x4000  }
0x1e8: {  	[sflag:s10] =	ssyncset.done $0x0  }
0x1e9: {  	[sflag:s10] =	ssyncadd.s32 $0xFFFFC000  }
0x1ea: {  	_ =	swait.ge [sflag:s14], $0x4000  }
0x1eb: {  	[sflag:s14] =	ssyncset.done $0x0  }
0x1ec: {  	[sflag:s14] =	ssyncadd.s32 $0xFFFFC000  }
0x1ed: {  	[spmem:s3] =	stream.indirect.scatter.add.f32 [tilespmem:s17], [sflag:$0x3], $0x80, s5, s15, $0xb8;
	[tilespmem:$0x1D000] =	vst v63  }
0x1ee: {  	_ =	swait.ge [sflag:s10], $0x4000  }
0x1ef: {  	[sflag:s10] =	ssyncset.done $0x0  }
0x1f0: {  	[sflag:s10] =	ssyncadd.s32 $0xFFFFC000  }
0x1f1: {  	[bflag:$0x0] =	sbarrier.arrive $0xFFFF  }
0x1f2: {  	s7 =	rddreg [dreg:$0x15]  }
0x1f3: {  	s18 =	rddreg [dreg:$0x16]  }
0x1f4: {  	s8 =	rddreg [dreg:$0x18]  }
0x1f5: {  	[hbm:s18], [sflag:s7] =	dma.local [spmem:s8], $0x2800  }
0x1f6: {  	_ =	swait.ge [sflag:s10], $0x2800  }
0x1f7: {  	s6 =	rddreg [dreg:$0x19]  }
0x1f8: {  	s18 =	rddreg [dreg:$0x17];
	s9 =	sadd.s32 $0x1, s6  }
0x1f9: {  	p0 =	sne.s32 s9, s18  }
.Ltmp1:
0x1fa: {  	_ = 	snop;
	(pc) =	sbr.rel @p0 .LBB2_1-.Ltmp1, $3  }
0x1fb: {  	_ =	sdelay $0x1  }
0x1fc: {  	[sflag:s10] =	ssyncset.done $0x0  }
0x1fd: {  	[sflag:s10] =	ssyncadd.s32 $0xFFFFD800  }
0x1fe: {  	_ =	sfence.sel $0x180000  }
0x1ff: {  	[bflag:$0x0] =	sbarrier.arrive $0xFFFF  }
0x200: {  	_ =	strace $0x9000004A  }
0x201: {  	s0 =	stileid.u32;
	[bflag:$0x2] =	sbarrier.arrive $0xFFFF  }
0x202: {  	p0 =	sne.s32 s0, $0x0;
	s0 =	rddreg [dreg:$0x3]  }
0x203: {  	s0 =	sadd.s32 @!p0 $0x100000, s0  }
0x204: {  	[sflag:s0] =	ssyncadd.tile.s32 @!p0 $0x1;
	_ =	shalt  }
.Lfunc_end2:
_tile_overlayer_lowered:
.L_overlay_start_2:
0x205: {  	(tag) =	ssettag $0x2  }
0x206: {  	s0 =	rddreg [dreg:$0x0];
	s2 =	stileid.u32  }
0x207: {  	s1 =	rddreg [dreg:$0x1];
	p0 =	sne.s32 s2, $0x0  }
0x208: {  	s3 =	rddreg [dreg:$0x2];
	[bflag:$0x3] =	sbarrier.arrive $0xFFFF;
	s2 =	simm.s32 @!p0 $0x1C03  }
0x209: {  	[timem:s3], [sflag:s2] =	dma.local @!p0 [hbm:s0], s1  }
0x20a: {  	s0 =	simm.s32 @!p0 $0x3  }
0x20b: {  	_ =	swait.ge @!p0 [sflag:s0], s1  }
0x20c: {  	s1 =	ssub.s32 @!p0 $0x0, s1;
	[sflag:s0] =	ssyncset.done @!p0 $0x0  }
0x20d: {  	[sflag:s0] =	ssyncadd.s32 @!p0 s1  }
0x20e: {  	[bflag:$0x3] =	sbarrier.arrive $0xFFFF  }
0x20f: {  	_ =	shalt  }

// kernel: kernel.14.cloned.1.call-start
scs
__scs_entry_jumppad:
0x0: {  	(pc) =	sbr.rel $0x88, $3  }
0x1: {  	(tag) =	ssettag $0x0;
	lr =	simm.s32 $0x1  }
0x2: {  	[smem:$0x3F9B] =	sst lr;
	_ =	strace $0xD0000000  }
0x3: {  	_ = 	snop  }
0x4: {  	_ = 	snop  }
0x5: {  	_ = 	snop  }
0x6: {  	_ = 	snop  }
0x7: {  	_ = 	snop  }
__scs_overlays_trampoline_lowered:
0x8: {  	[smem:$0x3FAA] =	sst s0  }
0x9: {  	[smem:$0x3FAB] =	sst s1  }
0xa: {  	[smem:$0x3FAC] =	sst s2  }
0xb: {  	[smem:$0x3FAD] =	sst s3  }
0xc: {  	[smem:$0x3FAE] =	sst s4  }
0xd: {  	[smem:$0x3FAF] =	sst s5  }
0xe: {  	[smem:$0x3FB0] =	sst s6  }
0xf: {  	[smem:$0x3FB1] =	sst s7  }
0x10: {  	[smem:$0x3FB2] =	sst s8  }
0x11: {  	[smem:$0x3FB3] =	sst s9;
	s0 =	simm.s32 @!p0 $0x0  }
0x12: {  	s1 =	sld [smem:$0x3F99];
	s0 =	simm.s32 @p0 $0x1  }
0x13: {  	[smem:$0x3FB4] =	sst s0;
	s0 =	simm.s32 @!p1 $0x0  }
0x14: {  	s2 =	sld [smem:$0x3F98];
	s0 =	simm.s32 @p1 $0x1  }
0x15: {  	[smem:$0x3FB5] =	sst s0;
	s0 =	simm.s32 @!p2 $0x0  }
0x16: {  	s3 =	sld [smem:$0x3FDB];
	s0 =	simm.s32 @p2 $0x1  }
0x17: {  	s4 =	simm.s32 $0x1BF5;
	[smem:$0x3FB7] =	sst s0  }
0x18: {  	s0 =	sld [smem:$0x3F9A];
	_ =	swait.ge [sflag:s4], $0x0  }
0x19: {  	s7 =	sld [smem:$0x3F9B]  }
0x1a: {  	s8 =	sadd.s32 $0xFFFFE003, lr  }
0x1b: {  	s9 =	sadd.s32 $0xFFFFFEF7, lr;
	s5 =	simm.s32 $0xFFFFFFFF;
	p2 =	slt.u32 s8, $0xFFFFF086  }
0x1c: {  	p1 =	slt.u32 s9, $0xF7A;
	s5 =	simm.s32 @!p2 $0x0  }
0x1d: {  	s5 =	simm.s32 @p1 $0x1;
	p0 =	seq.s32 s7, s2  }
0x1e: {  	s7 =	smul.u32 @!p0 $0xF7A, s2;
	p2 =	seq.s32 @!p0 s5, $0x0  }
0x1f: {  	s9 =	smul.u32 $0xF7A, s1;
	s8 =	simm.s32 @!p0 $0x1BF5;
	p2 =	por !p2, p0  }
0x20: {  	[sflag:s8] =	ssyncset.s32 @!p0 $0xFFFFF086;
	s6 =	sadd.s32 @!p0 s3, s7;
	s7 =	simm.s32 @!p0 $0x108  }
0x21: {  	s3 =	sadd.s32 s3, s9;
	s6 =	sadd.s32 @!p0 $0x88, s6;
	s7 =	simm.s32 @p2 $0x1082  }
0x22: {  	[simem:s7], [sflag:s8] =	dma.local @!p0 [hbm:s6], $0xF7A  }
0x23: {  	s9 =	sor.u32 $0xD0000000, s2;
	s6 =	simm.s32 $0x108;
	_ =	swait.ge @!p0 [sflag:s8], $0x0  }
0x24: {  	s3 =	sadd.s32 $0x88, s3;
	s6 =	simm.s32 @!p1 $0x1082;
	[sflag:s4] =	ssyncset.s32 $0xFFFFF086  }
0x25: {  	[simem:s6], [sflag:s4] =	dma.local [hbm:s3], $0xF7A  }
0x26: {  	[smem:$0x3F9B] =	sst s1;
	(tag) =	ssettag s2;
	_ =	strace s9  }
0x27: {  	s1 =	sld [smem:$0x3FAB]  }
0x28: {  	s2 =	sld [smem:$0x3FAC]  }
0x29: {  	s4 =	sld [smem:$0x3FAE]  }
0x2a: {  	p0 =	seq.s32 s5, $0x0;
	s5 =	sld [smem:$0x3FAF]  }
0x2b: {  	s6 =	sld [smem:$0x3FB0]  }
0x2c: {  	s7 =	sld [smem:$0x3FB1]  }
0x2d: {  	s3 =	simm.s32 $0x108;
	s8 =	sld [smem:$0x3FB2]  }
0x2e: {  	s3 =	simm.s32 @!p0 $0x1082;
	s9 =	sld [smem:$0x3FB3]  }
0x2f: {  	lr =	sadd.s32 s0, s3;
	s0 =	sld [smem:$0x3FAA]  }
0x30: {  	s3 =	sld [smem:$0x3FAD]  }
0x31: {  	[smem:$0x3FB6] =	sst s10  }
0x32: {  	s10 =	sld [smem:$0x3FB4];
	_ =	sdelay $0x3  }
0x33: {  	p0 =	seq.s32 s10, $0x1;
	s10 =	sld [smem:$0x3FB6];
	_ =	sdelay $0x3  }
0x34: {  	[smem:$0x3FB6] =	sst s10  }
0x35: {  	s10 =	sld [smem:$0x3FB5];
	_ =	sdelay $0x3  }
0x36: {  	p1 =	seq.s32 s10, $0x1;
	s10 =	sld [smem:$0x3FB6];
	_ =	sdelay $0x3  }
0x37: {  	[smem:$0x3FB6] =	sst s10  }
0x38: {  	s10 =	sld [smem:$0x3FB7]  }
0x39: {  	_ = 	snop;
	(pc) =	sbr.ind lr, $3  }
0x3a: {  	_ = 	snop  }
0x3b: {  	_ = 	snop  }
0x3c: {  	p2 =	seq.s32 s10, $0x1;
	s10 =	sld [smem:$0x3FB6]  }
0x3d: {  	_ =	shalt  }
0x3e: {  	_ =	shalt  }
0x3f: {  	_ =	shalt  }
0x40: {  	_ =	shalt  }
0x41: {  	_ =	shalt  }
0x42: {  	_ =	shalt  }
0x43: {  	_ =	shalt  }
0x44: {  	_ =	shalt  }
0x45: {  	_ =	shalt  }
0x46: {  	_ =	shalt  }
0x47: {  	_ =	shalt  }
0x48: {  	_ =	shalt  }
0x49: {  	_ =	shalt  }
0x4a: {  	_ =	shalt  }
0x4b: {  	_ =	shalt  }
0x4c: {  	_ =	shalt  }
0x4d: {  	_ =	shalt  }
0x4e: {  	_ =	shalt  }
0x4f: {  	_ =	shalt  }
0x50: {  	_ =	shalt  }
0x51: {  	_ =	shalt  }
0x52: {  	_ =	shalt  }
0x53: {  	_ =	shalt  }
0x54: {  	_ =	shalt  }
0x55: {  	_ =	shalt  }
0x56: {  	_ =	shalt  }
0x57: {  	_ =	shalt  }
0x58: {  	_ =	shalt  }
0x59: {  	_ =	shalt  }
0x5a: {  	_ =	shalt  }
0x5b: {  	_ =	shalt  }
0x5c: {  	_ =	shalt  }
0x5d: {  	_ =	shalt  }
0x5e: {  	_ =	shalt  }
0x5f: {  	_ =	shalt  }
0x60: {  	_ =	shalt  }
0x61: {  	_ =	shalt  }
0x62: {  	_ =	shalt  }
0x63: {  	_ =	shalt  }
0x64: {  	_ =	shalt  }
0x65: {  	_ =	shalt  }
0x66: {  	_ =	shalt  }
0x67: {  	_ =	shalt  }
0x68: {  	_ =	shalt  }
0x69: {  	_ =	shalt  }
0x6a: {  	_ =	shalt  }
0x6b: {  	_ =	shalt  }
0x6c: {  	_ =	shalt  }
0x6d: {  	_ =	shalt  }
0x6e: {  	_ =	shalt  }
0x6f: {  	_ =	shalt  }
0x70: {  	_ =	shalt  }
0x71: {  	_ =	shalt  }
0x72: {  	_ =	shalt  }
0x73: {  	_ =	shalt  }
0x74: {  	_ =	shalt  }
0x75: {  	_ =	shalt  }
0x76: {  	_ =	shalt  }
0x77: {  	_ =	shalt  }
0x78: {  	_ =	shalt  }
0x79: {  	_ =	shalt  }
0x7a: {  	_ =	shalt  }
0x7b: {  	_ =	shalt  }
0x7c: {  	_ =	shalt  }
0x7d: {  	_ =	shalt  }
0x7e: {  	_ =	shalt  }
0x7f: {  	_ =	shalt  }
0x80: {  	_ =	shalt  }
0x81: {  	_ =	shalt  }
0x82: {  	_ =	shalt  }
0x83: {  	_ =	shalt  }
0x84: {  	_ =	shalt  }
0x85: {  	_ =	shalt  }
0x86: {  	_ =	shalt  }
0x87: {  	_ =	shalt  }
.Lfunc_end0:
.L_simem_size_0:
called_computation.2_lowered:
.L_overlay_start_0:
0x88: {  	s2 =	sld [smem:$0x3FD9]  }
0x89: {  	s3 =	sld [smem:$0x3FFE];
	_ =	sdelay $0x1  }
0x8a: {  	s1 =	srdreg.scid  }
0x8b: {  	s0 =	sand.u32 $0x1, s1  }
0x8c: {  	s16 =	sshll.u32 s0, $0xA;
	s2 =	sadd.s32 s3, s2  }
0x8d: {  	s2 =	sadd.s32 s2, s16  }
0x8e: {  	[smem:$0x3FC2] =	sst s2  }
0x8f: {  	_ = 	snop  }
0x90: {  	(tm) =	ssettm $0x1  }
0x91: {  	s17 =	sld [smem:$0x3FFB];
	_ =	sdelay $0x3  }
0x92: {  	_ =	strace s17  }
0x93: {  	s2 =	sld [smem:$0x3FFC];
	_ =	sdelay $0x3  }
0x94: {  	_ =	strace s2  }
0x95: {  	s2 =	sld [smem:$0x3FFD];
	_ =	sdelay $0x3  }
0x96: {  	_ =	strace s2  }
0x97: {  	_ =	strace $0x8FFFFFFF  }
0x98: {  	s18 =	sld [smem:$0x3FDB];
	_ =	sdelay $0x1  }
0x99: {  	s19 =	simm.s32 $_scs_section_size  }
0x9a: {  	s4 =	simm.s32 $_size__tile_overlayer_lowered;
	s5 =	simm.s32 $_tile_overlayer_lowered  }
0x9b: {  	s22 =	simm.s32 $0x1BFF;
	s21 =	sshll.u32 s5, $0x1;
	s2 =	sadd.s32 s19, s18  }
0x9c: {  	s6 =	simm.s32 $0x0;
	s20 =	sshll.u32 s4, $0x1;
	s4 =	sadd.s32 s21, s2  }
0x9d: {  	[timem:s6], [sflag:s22] =	dma.local [hbm:s4], s20  }
0x9e: {  	_ =	swait.ge [sflag:s22], s20  }
0x9f: {  	s3 =	ssub.s32 $0x0, s20;
	[sflag:s22] =	ssyncset.done $0x0  }
0xa0: {  	[sflag:s22] =	ssyncadd.s32 s3;
	_ =	sdelay $0x1  }
0xa1: {  	s23 =	simm.s32 $0x1B8B  }
0xa2: {  	_ =	swait.ge [sflag:s23], $0x1  }
0xa3: {  	[sflag:s23] =	ssyncset.done $0x0  }
0xa4: {  	s25 =	simm.s32 $0x1B8E;
	s24 =	sld [smem:$0x3FFE];
	[sflag:s23] =	ssyncadd.s32 $0xFFFFFFFF  }
0xa5: {  	s26 =	simm.s32 $execute0_lowered;
	[smem:$0x3FD2] =	sst s25  }
0xa6: {  	s4 =	sshll.u32 s26, $0x1;
	_ =	strace $0x8000004C;
	[dreg:$0x1] =	wrdreg $0xFFFFFFFF  }
0xa7: {  	s28 =	simm.s32 $_size_execute0_lowered;
	s2 =	sadd.s32 s2, s4;
	[dreg:$0x0] =	wrdreg $0x0  }
0xa8: {  	s4 =	sshll.u32 s28, $0x1;
	[dreg:$0x2] =	wrdreg s2  }
0xa9: {  	[dreg:$0x3] =	wrdreg s4  }
0xaa: {  	[dreg:$0x4] =	wrdreg $0xC0  }
0xab: {  	_ =	task [dreg:s6], $0x5FFFF  }
0xac: {  	[dreg:$0x1] =	wrdreg $0xFFFFFFFF  }
0xad: {  	[dreg:$0x0] =	wrdreg $0x60  }
0xae: {  	[dreg:$0x2] =	wrdreg s24  }
0xaf: {  	[dreg:$0x3] =	wrdreg $0x0  }
0xb0: {  	[dreg:$0x4] =	wrdreg $0x9  }
0xb1: {  	_ =	task.clear_ibuf [dreg:s6], $0x5FFFF;
	_ =	strace $0x9000004C  }
0xb2: {  	s29 =	simm.s32 $0x9;
	_ =	strace $0x8000004E  }
0xb3: {  	_ =	swait.ge [sflag:s29], $0x1  }
0xb4: {  	[sflag:s29] =	ssyncadd.s32 $0xFFFFFFFF  }
0xb5: {  	_ =	strace $0x9000004E  }
0xb6: {  	_ =	sfence  }
0xb7: {  	s30 =	sld [smem:$0x0];
	_ =	sdelay $0x2  }
0xb8: {  	s31 =	sshll.u32 s1, $0xD;
	s1 =	sshrl.u32 s1, $0x2  }
0xb9: {  	s3 =	sand.u32 $0x4000, s31;
	s1 =	sadd.s32 s1, s30  }
0xba: {  	s0 =	sor.u32 s3, s0;
	s1 =	sshll.u32 s1, $0x11  }
0xbb: {  	s0 =	sor.u32 s1, s0  }
0xbc: {  	s0 =	sadd.s32 $0x8F2B, s0  }
0xbd: {  	[sflag:s0] =	ssyncadd.remote.s32 $0x1  }
0xbe: {  	_ =	sfence.sel $0xFFFF  }
0xbf: {  	[dreg:$0x0] =	wrdreg $0xFFFFFFFF;
	(pc) =	sbr.abs _section_cstart, $3  }
0xc0: {  	[dreg:$0x1] =	wrdreg $0xFFFFFFFF  }
0xc1: {  	_ =	task.clear_ibuf [dreg:s6], $0x2FFFF;
	_ =	strace $0x9FFFFFFF  }
0xc2: {  	(tm) =	ssettm $0x7FFFFFFF  }
0xc3: {  	_ =	shalt  }
tec
execute0_lowered:
.L_overlay_start_1:
0x0: {  	(tag) =	ssettag $0x1  }
0x1: {  	s5 =	rddreg [dreg:$0x0]  }
0x2: {  	s1 =	rddreg [dreg:$0x1];
	s2 =	simm.s32 $0x0  }
0x3: {  	s3 =	simm.s32 $0x14080;
	[smem:$0x7FF] =	sst s2  }
0x4: {  	s10 =	simm.s32 $0x14100;
	_ =	strace $0x8000004D;
	[dreg:$0x3] =	wrdreg s3  }
0x5: {  	s11 =	simm.s32 $0x15080;
	[dreg:$0x4] =	wrdreg s10  }
0x6: {  	s12 =	simm.s32 $0x14180;
	[dreg:$0x5] =	wrdreg s11  }
0x7: {  	s13 =	simm.s32 $0x15100;
	[dreg:$0x6] =	wrdreg s12  }
0x8: {  	s14 =	simm.s32 $0x14200;
	[dreg:$0x7] =	wrdreg s13  }
0x9: {  	s15 =	simm.s32 $0x15180;
	[dreg:$0x8] =	wrdreg s14  }
0xa: {  	s16 =	simm.s32 $0x14280;
	[dreg:$0x9] =	wrdreg s15  }
0xb: {  	s17 =	simm.s32 $0x15200;
	[dreg:$0xa] =	wrdreg s16  }
0xc: {  	s18 =	simm.s32 $0x14300;
	[dreg:$0xb] =	wrdreg s17  }
0xd: {  	s19 =	simm.s32 $0x15280;
	[dreg:$0xc] =	wrdreg s18  }
0xe: {  	s20 =	simm.s32 $0x14380;
	[dreg:$0xd] =	wrdreg s19  }
0xf: {  	s4 =	simm.s32 $0x15300;
	[dreg:$0xe] =	wrdreg s20  }
0x10: {  	s21 =	simm.s32 $0x14400;
	[dreg:$0xf] =	wrdreg s4  }
0x11: {  	s6 =	simm.s32 $0x15380;
	[dreg:$0x10] =	wrdreg s21  }
0x12: {  	s22 =	simm.s32 $0x14480;
	[dreg:$0x11] =	wrdreg s6  }
0x13: {  	s23 =	simm.s32 $0x15400;
	[dreg:$0x12] =	wrdreg s22  }
0x14: {  	s24 =	simm.s32 $0x14500;
	[dreg:$0x13] =	wrdreg s23  }
0x15: {  	s25 =	simm.s32 $0x15480;
	[dreg:$0x14] =	wrdreg s24  }
0x16: {  	s26 =	simm.s32 $0x14580;
	[dreg:$0x15] =	wrdreg s25  }
0x17: {  	s30 =	simm.s32 $0x15500;
	[dreg:$0x16] =	wrdreg s26  }
0x18: {  	s31 =	simm.s32 $0x14600;
	[dreg:$0x17] =	wrdreg s30  }
0x19: {  	[dreg:$0x18] =	wrdreg s31;
	s4 =	simm.s32 $0x15580  }
0x1a: {  	s0 =	stileid.u32;
	s14 =	simm.s32 $0x15600;
	[dreg:$0x19] =	wrdreg s4  }
0x1b: {  	s7 =	srdreg.scid;
	s16 =	simm.s32 $0x14700;
	[dreg:$0x1b] =	wrdreg s14  }
0x1c: {  	s28 =	simm.s32 $0x15F80;
	s18 =	simm.s32 $0x15680;
	[dreg:$0x1c] =	wrdreg s16  }
0x1d: {  	s29 =	simm.s32 $0x0;
	s19 =	simm.s32 $0x14780;
	[dreg:$0x1d] =	wrdreg s18  }
0x1e: {  	s8 =	smul.u32 $0x280, s0;
	s20 =	simm.s32 $0x15700;
	[dreg:$0x1e] =	wrdreg s19  }
0x1f: {  	s3 =	sadd.s32 $0xBE00, s5;
	s22 =	simm.s32 $0x15780;
	[dreg:$0x1f] =	wrdreg s20  }
0x20: {  	s12 =	smul.u32 $0xA00, s0;
	s23 =	simm.s32 $0x14880;
	[smem:$0x7E0] =	sst s22  }
0x21: {  	s25 =	simm.s32 $0x14900;
	s26 =	sshll.u32 s0, $0x6;
	[smem:$0x7E2] =	sst s23  }
0x22: {  	s30 =	simm.s32 $0x15880;
	s31 =	smul.u32 $0xA0, s0;
	[smem:$0x7E3] =	sst s25  }
0x23: {  	s14 =	smul.u32 $0x50000, s0;
	[smem:$0x7E4] =	sst s30;
	s0 =	simm.s32 $0x14980  }
0x24: {  	s11 =	sadd.s32 $0x66400, s5;
	s4 =	simm.s32 $0x14A00;
	[smem:$0x7E5] =	sst s0  }
0x25: {  	s10 =	sand.u32 $0x1, s7;
	s18 =	simm.s32 $0x14B00;
	[smem:$0x7E7] =	sst s4  }
0x26: {  	s7 =	smul.u32 $0x2800, s10;
	s19 =	simm.s32 $0x15A80;
	[smem:$0x7EC] =	sst s18  }
0x27: {  	s15 =	ssub.s32 $0x2, s10;
	s22 =	simm.s32 $0x15B00;
	[smem:$0x7ED] =	sst s19  }
0x28: {  	s16 =	smul.u32 $0xA00, s10;
	s23 =	simm.s32 $0x14C00;
	[smem:$0x7EF] =	sst s22  }
0x29: {  	s6 =	sor.u32 $0x1C05, s26;
	s25 =	simm.s32 $0x14C80;
	[smem:$0x7F0] =	sst s23  }
0x2a: {  	s20 =	smul.u32 $0xA000, s10;
	s26 =	simm.s32 $0x15C00;
	[smem:$0x7F2] =	sst s25  }
0x2b: {  	s30 =	simm.s32 $0x14D00;
	s9 =	sadd.s32 s12, s5;
	[smem:$0x7F3] =	sst s26  }
0x2c: {  	s17 =	sshrl.u32 s15, $0x1;
	[smem:$0x7F4] =	sst s30;
	s18 =	simm.s32 $0x14D80  }
0x2d: {  	s19 =	simm.s32 $0x15D00;
	s22 =	simm.s32 $0x14E80;
	s23 =	simm.s32 $0x15E00  }
0x2e: {  	s25 =	simm.s32 $0x15E80;
	s26 =	simm.s32 $0x15F00;
	[smem:$0x7F6] =	sst s18  }
0x2f: {  	s7 =	sadd.s32 s8, s7;
	s8 =	simm.s32 $0x14680;
	[smem:$0x7F7] =	sst s19  }
0x30: {  	s15 =	ssub.s32 s15, s17;
	s21 =	sshrl.u32 s14, $0x2;
	[smem:$0x7FA] =	sst s22  }
0x31: {  	s17 =	simm.s32 $0x15900;
	s18 =	simm.s32 $0x14800;
	[smem:$0x7FB] =	sst s23  }
0x32: {  	s19 =	simm.s32 $0x15800;
	s22 =	simm.s32 $0x1;
	[smem:$0x7FD] =	sst s25  }
0x33: {  	s23 =	simm.s32 $0x1A000;
	s25 =	simm.s32 $0x14F80;
	[dreg:$0x1a] =	wrdreg s8  }
0x34: {  	s7 =	sshll.u32 s7, $0x4;
	s14 =	sadd.s32 s21, s1;
	[smem:$0x7E6] =	sst s17  }
0x35: {  	s8 =	sadd.s32 s31, s16;
	s17 =	simm.s32 $0x15A00;
	s21 =	simm.s32 $0x14B80  }
0x36: {  	s10 =	smax.u32 s15, $0x1;
	s15 =	simm.s32 $0x15000;
	[smem:$0x7EB] =	sst s17  }
0x37: {  	s31 =	simm.s32 $0x15C80;
	s16 =	simm.s32 $0x3;
	[smem:$0x7EE] =	sst s21  }
0x38: {  	s13 =	sadd.s32 s7, s5;
	s24 =	sadd.s32 s3, s7;
	[smem:$0x7F5] =	sst s31  }
0x39: {  	s5 =	simm.s32 $0x15980;
	s8 =	sshll.u32 s8, $0x4;
	[smem:$0x7E1] =	sst s24  }
0x3a: {  	s7 =	simm.s32 $0x14A80;
	s17 =	simm.s32 $0x4;
	[smem:$0x7E8] =	sst s5  }
0x3b: {  	s21 =	simm.s32 $0x15D80;
	s8 =	sadd.s32 s11, s8;
	[smem:$0x7EA] =	sst s7  }
0x3c: {  	s11 =	sadd.s32 s20, s11;
	s24 =	simm.s32 $0x15B80;
	[smem:$0x7F9] =	sst s21  }
0x3d: {  	s20 =	simm.s32 $0x14E00;
	s21 =	simm.s32 $0x16000;
	[smem:$0x7E9] =	sst s8  }
0x3e: {  	s8 =	sadd.s32 $0x1E00, s9;
	s9 =	sadd.s32 $0x7A400, s13;
	s11 =	sadd.s32 s12, s11  }
0x3f: {  	s12 =	sshrl.u32 s14, $0x3;
	[smem:$0x7F1] =	sst s24;
	s13 =	simm.s32 $0x5  }
0x40: {  	s14 =	simm.s32 $0x14000;
	[smem:$0x7F8] =	sst s20;
	s24 =	simm.s32 $0x14F00  }
0x41: {  	s20 =	simm.s32 $0x80;
	[smem:$0x7FC] =	sst s24;
	s24 =	simm.s32 $0x2  }
.LBB2_1:
0x42: {  	s0 =	sld [smem:$0x7E1];
	_ =	sdelay $0x2  }
0x43: {  	[spmem:s12], [sflag:s6] =	dma.local [hbm:s0], $0x2800  }
0x44: {  	_ =	swait.ge [sflag:s13], $0x2800  }
0x45: {  	s31 =	sld [smem:$0x7E9]  }
0x46: {  	[sflag:s13] =	ssyncset.done $0x0  }
0x47: {  	[sflag:s13] =	ssyncadd.s32 $0xFFFFD800  }
0x48: {  	[tilespmem:s14], [sflag:$0x3] =	stream.linear.gather [hbm4b:s31+s2], $0x800, $0x38;
	[tilespmem:$0x1E000] =	vst v63  }
0x49: {  	_ = 	snop  }
0x4a: {  	[tilespmem:s15], [sflag:$0x4] =	stream.linear.gather [hbm4b:s8+s2], $0x800, $0x38;
	[tilespmem:$0x1E000] =	vst v63  }
0x4b: {  	[bflag:$0x0] =	sbarrier.arrive $0xFFFF  }
0x4c: {  	_ =	swait.ge [sflag:s16], $0x800  }
0x4d: {  	[sflag:s16] =	ssyncset.done $0x0  }
0x4e: {  	[sflag:s16] =	ssyncadd.s32 $0xFFFFF800  }
0x4f: {  	_ =	swait.ge [sflag:s17], $0x800  }
0x50: {  	s30 =	sadd.s32 $0x0, s11;
	[sflag:s17] =	ssyncset.done $0x0  }
0x51: {  	s30 =	sadd.s32 $0x100, s30;
	s31 =	sadd.s32 $0x0, s8;
	[sflag:s17] =	ssyncadd.s32 $0xFFFFF800  }
0x52: {  	[tilespmem:s18], [sflag:$0x3] =	stream.linear.gather [hbm4b:s30+s2], $0x800, $0x38;
	[tilespmem:$0x1E000] =	vst v63  }
0x53: {  	s30 =	sadd.s32 $0x100, s31  }
0x54: {  	[tilespmem:s19], [sflag:$0x4] =	stream.linear.gather [hbm4b:s30+s2], $0x800, $0x38;
	[tilespmem:$0x1E000] =	vst v63  }
0x55: {  	_ = 	snop  }
0x56: {  	[tilespmem:s21], [sflag:$0x1] =	stream.indirect.gather [hbm4b:s3+s20], $0x80, s14, s20, $0xb8;
	[tilespmem:$0x1E000] =	vst v63  }
0x57: {  	_ =	swait.ge [sflag:s22], $0x4000  }
0x58: {  	[sflag:s22] =	ssyncset.done $0x0  }
0x59: {  	s30 =	rddreg [dreg:$0x3];
	[sflag:s22] =	ssyncadd.s32 $0xFFFFC000  }
0x5a: {  	[tilespmem:s23], [sflag:$0x2] =	stream.indirect.gather [hbm4b:s3+s20], $0x80, s30, s20, $0xb8;
	[tilespmem:$0x1E000] =	vst v63  }
0x5b: {  	_ = 	snop  }
0x5c: {  	[spmem:s1] =	stream.indirect.scatter.add.f32 [tilespmem:s21], [sflag:$0x5], $0x80, s15, s20, $0xb8;
	[tilespmem:$0x1E000] =	vst v63  }
0x5d: {  	_ =	swait.ge [sflag:s13], $0x4000  }
0x5e: {  	[sflag:s13] =	ssyncset.done $0x0  }
0x5f: {  	[sflag:s13] =	ssyncadd.s32 $0xFFFFC000  }
0x60: {  	_ =	swait.ge [sflag:s24], $0x4000  }
0x61: {  	[sflag:s24] =	ssyncset.done $0x0  }
0x62: {  	s30 =	rddreg [dreg:$0x4];
	[sflag:s24] =	ssyncadd.s32 $0xFFFFC000  }
0x63: {  	[tilespmem:s21], [sflag:$0x1] =	stream.indirect.gather [hbm4b:s3+s20], $0x80, s30, s20, $0xb8;
	[tilespmem:$0x1E000] =	vst v63  }
0x64: {  	s4 =	rddreg [dreg:$0x5]  }
0x65: {  	[spmem:s1] =	stream.indirect.scatter.add.f32 [tilespmem:s23], [sflag:$0x5], $0x80, s4, s20, $0xb8;
	[tilespmem:$0x1E000] =	vst v63  }
0x66: {  	_ =	swait.ge [sflag:s13], $0x4000  }
0x67: {  	[sflag:s13] =	ssyncset.done $0x0  }
0x68: {  	[sflag:s13] =	ssyncadd.s32 $0xFFFFC000  }
0x69: {  	_ =	swait.ge [sflag:s22], $0x4000  }
0x6a: {  	[sflag:s22] =	ssyncset.done $0x0  }
0x6b: {  	s30 =	rddreg [dreg:$0x6];
	[sflag:s22] =	ssyncadd.s32 $0xFFFFC000  }
0x6c: {  	[tilespmem:s23], [sflag:$0x2] =	stream.indirect.gather [hbm4b:s3+s20], $0x80, s30, s20, $0xb8;
	[tilespmem:$0x1E000] =	vst v63  }
0x6d: {  	s5 =	rddreg [dreg:$0x7]  }
0x6e: {  	[spmem:s1] =	stream.indirect.scatter.add.f32 [tilespmem:s21], [sflag:$0x5], $0x80, s5, s20, $0xb8;
	[tilespmem:$0x1E000] =	vst v63  }
0x6f: {  	_ =	swait.ge [sflag:s13], $0x4000  }
0x70: {  	[sflag:s13] =	ssyncset.done $0x0  }
0x71: {  	[sflag:s13] =	ssyncadd.s32 $0xFFFFC000  }
0x72: {  	_ =	swait.ge [sflag:s24], $0x4000  }
0x73: {  	[sflag:s24] =	ssyncset.done $0x0  }
0x74: {  	s30 =	rddreg [dreg:$0x8];
	[sflag:s24] =	ssyncadd.s32 $0xFFFFC000  }
0x75: {  	[tilespmem:s21], [sflag:$0x1] =	stream.indirect.gather [hbm4b:s3+s20], $0x80, s30, s20, $0xb8;
	[tilespmem:$0x1E000] =	vst v63  }
0x76: {  	s7 =	rddreg [dreg:$0x9]  }
0x77: {  	[spmem:s1] =	stream.indirect.scatter.add.f32 [tilespmem:s23], [sflag:$0x5], $0x80, s7, s20, $0xb8;
	[tilespmem:$0x1E000] =	vst v63  }
0x78: {  	_ =	swait.ge [sflag:s13], $0x4000  }
0x79: {  	[sflag:s13] =	ssyncset.done $0x0  }
0x7a: {  	[sflag:s13] =	ssyncadd.s32 $0xFFFFC000  }
0x7b: {  	_ =	swait.ge [sflag:s22], $0x4000  }
0x7c: {  	[sflag:s22] =	ssyncset.done $0x0  }
0x7d: {  	s30 =	rddreg [dreg:$0xa];
	[sflag:s22] =	ssyncadd.s32 $0xFFFFC000  }
0x7e: {  	[tilespmem:s23], [sflag:$0x2] =	stream.indirect.gather [hbm4b:s3+s20], $0x80, s30, s20, $0xb8;
	[tilespmem:$0x1E000] =	vst v63  }
0x7f: {  	s0 =	rddreg [dreg:$0xb]  }
0x80: {  	[spmem:s1] =	stream.indirect.scatter.add.f32 [tilespmem:s21], [sflag:$0x5], $0x80, s0, s20, $0xb8;
	[tilespmem:$0x1E000] =	vst v63  }
0x81: {  	_ =	swait.ge [sflag:s13], $0x4000  }
0x82: {  	[sflag:s13] =	ssyncset.done $0x0  }
0x83: {  	[sflag:s13] =	ssyncadd.s32 $0xFFFFC000  }
0x84: {  	_ =	swait.ge [sflag:s24], $0x4000  }
0x85: {  	[sflag:s24] =	ssyncset.done $0x0  }
0x86: {  	s30 =	rddreg [dreg:$0xc];
	[sflag:s24] =	ssyncadd.s32 $0xFFFFC000  }
0x87: {  	[tilespmem:s21], [sflag:$0x1] =	stream.indirect.gather [hbm4b:s3+s20], $0x80, s30, s20, $0xb8;
	[tilespmem:$0x1E000] =	vst v63  }
0x88: {  	s4 =	rddreg [dreg:$0xd]  }
0x89: {  	[spmem:s1] =	stream.indirect.scatter.add.f32 [tilespmem:s23], [sflag:$0x5], $0x80, s4, s20, $0xb8;
	[tilespmem:$0x1E000] =	vst v63  }
0x8a: {  	_ =	swait.ge [sflag:s13], $0x4000  }
0x8b: {  	[sflag:s13] =	ssyncset.done $0x0  }
0x8c: {  	[sflag:s13] =	ssyncadd.s32 $0xFFFFC000  }
0x8d: {  	_ =	swait.ge [sflag:s22], $0x4000  }
0x8e: {  	[sflag:s22] =	ssyncset.done $0x0  }
0x8f: {  	s30 =	rddreg [dreg:$0xe];
	[sflag:s22] =	ssyncadd.s32 $0xFFFFC000  }
0x90: {  	[tilespmem:s23], [sflag:$0x2] =	stream.indirect.gather [hbm4b:s3+s20], $0x80, s30, s20, $0xb8;
	[tilespmem:$0x1E000] =	vst v63  }
0x91: {  	s5 =	rddreg [dreg:$0xf]  }
0x92: {  	[spmem:s1] =	stream.indirect.scatter.add.f32 [tilespmem:s21], [sflag:$0x5], $0x80, s5, s20, $0xb8;
	[tilespmem:$0x1E000] =	vst v63  }
0x93: {  	_ =	swait.ge [sflag:s13], $0x4000  }
0x94: {  	[sflag:s13] =	ssyncset.done $0x0  }
0x95: {  	[sflag:s13] =	ssyncadd.s32 $0xFFFFC000  }
0x96: {  	_ =	swait.ge [sflag:s24], $0x4000  }
0x97: {  	[sflag:s24] =	ssyncset.done $0x0  }
0x98: {  	s30 =	rddreg [dreg:$0x10];
	[sflag:s24] =	ssyncadd.s32 $0xFFFFC000  }
0x99: {  	[tilespmem:s21], [sflag:$0x1] =	stream.indirect.gather [hbm4b:s3+s20], $0x80, s30, s20, $0xb8;
	[tilespmem:$0x1E000] =	vst v63  }
0x9a: {  	s7 =	rddreg [dreg:$0x11]  }
0x9b: {  	[spmem:s1] =	stream.indirect.scatter.add.f32 [tilespmem:s23], [sflag:$0x5], $0x80, s7, s20, $0xb8;
	[tilespmem:$0x1E000] =	vst v63  }
0x9c: {  	_ =	swait.ge [sflag:s13], $0x4000  }
0x9d: {  	[sflag:s13] =	ssyncset.done $0x0  }
0x9e: {  	[sflag:s13] =	ssyncadd.s32 $0xFFFFC000  }
0x9f: {  	_ =	swait.ge [sflag:s22], $0x4000  }
0xa0: {  	[sflag:s22] =	ssyncset.done $0x0  }
0xa1: {  	s30 =	rddreg [dreg:$0x12];
	[sflag:s22] =	ssyncadd.s32 $0xFFFFC000  }
0xa2: {  	[tilespmem:s23], [sflag:$0x2] =	stream.indirect.gather [hbm4b:s3+s20], $0x80, s30, s20, $0xb8;
	[tilespmem:$0x1E000] =	vst v63  }
0xa3: {  	s0 =	rddreg [dreg:$0x13]  }
0xa4: {  	[spmem:s1] =	stream.indirect.scatter.add.f32 [tilespmem:s21], [sflag:$0x5], $0x80, s0, s20, $0xb8;
	[tilespmem:$0x1E000] =	vst v63  }
0xa5: {  	_ =	swait.ge [sflag:s13], $0x4000  }
0xa6: {  	[sflag:s13] =	ssyncset.done $0x0  }
0xa7: {  	[sflag:s13] =	ssyncadd.s32 $0xFFFFC000  }
0xa8: {  	_ =	swait.ge [sflag:s24], $0x4000  }
0xa9: {  	[sflag:s24] =	ssyncset.done $0x0  }
0xaa: {  	s30 =	rddreg [dreg:$0x14];
	[sflag:s24] =	ssyncadd.s32 $0xFFFFC000  }
0xab: {  	[tilespmem:s21], [sflag:$0x1] =	stream.indirect.gather [hbm4b:s3+s20], $0x80, s30, s20, $0xb8;
	[tilespmem:$0x1E000] =	vst v63  }
0xac: {  	s4 =	rddreg [dreg:$0x15]  }
0xad: {  	[spmem:s1] =	stream.indirect.scatter.add.f32 [tilespmem:s23], [sflag:$0x5], $0x80, s4, s20, $0xb8;
	[tilespmem:$0x1E000] =	vst v63  }
0xae: {  	_ =	swait.ge [sflag:s13], $0x4000  }
0xaf: {  	[sflag:s13] =	ssyncset.done $0x0  }
0xb0: {  	[sflag:s13] =	ssyncadd.s32 $0xFFFFC000  }
0xb1: {  	_ =	swait.ge [sflag:s22], $0x4000  }
0xb2: {  	[sflag:s22] =	ssyncset.done $0x0  }
0xb3: {  	s30 =	rddreg [dreg:$0x16];
	[sflag:s22] =	ssyncadd.s32 $0xFFFFC000  }
0xb4: {  	[tilespmem:s23], [sflag:$0x2] =	stream.indirect.gather [hbm4b:s3+s20], $0x80, s30, s20, $0xb8;
	[tilespmem:$0x1E000] =	vst v63  }
0xb5: {  	s5 =	rddreg [dreg:$0x17]  }
0xb6: {  	[spmem:s1] =	stream.indirect.scatter.add.f32 [tilespmem:s21], [sflag:$0x5], $0x80, s5, s20, $0xb8;
	[tilespmem:$0x1E000] =	vst v63  }
0xb7: {  	_ =	swait.ge [sflag:s13], $0x4000  }
0xb8: {  	[sflag:s13] =	ssyncset.done $0x0  }
0xb9: {  	[sflag:s13] =	ssyncadd.s32 $0xFFFFC000  }
0xba: {  	_ =	swait.ge [sflag:s24], $0x4000  }
0xbb: {  	[sflag:s24] =	ssyncset.done $0x0  }
0xbc: {  	s30 =	rddreg [dreg:$0x18];
	[sflag:s24] =	ssyncadd.s32 $0xFFFFC000  }
0xbd: {  	[tilespmem:s21], [sflag:$0x1] =	stream.indirect.gather [hbm4b:s3+s20], $0x80, s30, s20, $0xb8;
	[tilespmem:$0x1E000] =	vst v63  }
0xbe: {  	s7 =	rddreg [dreg:$0x19]  }
0xbf: {  	[spmem:s1] =	stream.indirect.scatter.add.f32 [tilespmem:s23], [sflag:$0x5], $0x80, s7, s20, $0xb8;
	[tilespmem:$0x1E000] =	vst v63  }
0xc0: {  	_ =	swait.ge [sflag:s13], $0x4000  }
0xc1: {  	[sflag:s13] =	ssyncset.done $0x0  }
0xc2: {  	[sflag:s13] =	ssyncadd.s32 $0xFFFFC000  }
0xc3: {  	_ =	swait.ge [sflag:s22], $0x4000  }
0xc4: {  	[sflag:s22] =	ssyncset.done $0x0  }
0xc5: {  	s30 =	rddreg [dreg:$0x1a];
	[sflag:s22] =	ssyncadd.s32 $0xFFFFC000  }
0xc6: {  	[tilespmem:s23], [sflag:$0x2] =	stream.indirect.gather [hbm4b:s3+s20], $0x80, s30, s20, $0xb8;
	[tilespmem:$0x1E000] =	vst v63  }
0xc7: {  	s0 =	rddreg [dreg:$0x1b]  }
0xc8: {  	[spmem:s1] =	stream.indirect.scatter.add.f32 [tilespmem:s21], [sflag:$0x5], $0x80, s0, s20, $0xb8;
	[tilespmem:$0x1E000] =	vst v63  }
0xc9: {  	_ =	swait.ge [sflag:s13], $0x4000  }
0xca: {  	[sflag:s13] =	ssyncset.done $0x0  }
0xcb: {  	[sflag:s13] =	ssyncadd.s32 $0xFFFFC000  }
0xcc: {  	_ =	swait.ge [sflag:s24], $0x4000  }
0xcd: {  	[sflag:s24] =	ssyncset.done $0x0  }
0xce: {  	s30 =	rddreg [dreg:$0x1c];
	[sflag:s24] =	ssyncadd.s32 $0xFFFFC000  }
0xcf: {  	[tilespmem:s21], [sflag:$0x1] =	stream.indirect.gather [hbm4b:s3+s20], $0x80, s30, s20, $0xb8;
	[tilespmem:$0x1E000] =	vst v63  }
0xd0: {  	s4 =	rddreg [dreg:$0x1d]  }
0xd1: {  	[spmem:s1] =	stream.indirect.scatter.add.f32 [tilespmem:s23], [sflag:$0x5], $0x80, s4, s20, $0xb8;
	[tilespmem:$0x1E000] =	vst v63  }
0xd2: {  	_ =	swait.ge [sflag:s13], $0x4000  }
0xd3: {  	[sflag:s13] =	ssyncset.done $0x0  }
0xd4: {  	[sflag:s13] =	ssyncadd.s32 $0xFFFFC000  }
0xd5: {  	_ =	swait.ge [sflag:s22], $0x4000  }
0xd6: {  	[sflag:s22] =	ssyncset.done $0x0  }
0xd7: {  	s30 =	rddreg [dreg:$0x1e];
	[sflag:s22] =	ssyncadd.s32 $0xFFFFC000  }
0xd8: {  	[tilespmem:s23], [sflag:$0x2] =	stream.indirect.gather [hbm4b:s3+s20], $0x80, s30, s20, $0xb8;
	[tilespmem:$0x1E000] =	vst v63  }
0xd9: {  	s5 =	rddreg [dreg:$0x1f]  }
0xda: {  	[spmem:s1] =	stream.indirect.scatter.add.f32 [tilespmem:s21], [sflag:$0x5], $0x80, s5, s20, $0xb8;
	[tilespmem:$0x1E000] =	vst v63  }
0xdb: {  	_ =	swait.ge [sflag:s13], $0x4000  }
0xdc: {  	[sflag:s13] =	ssyncset.done $0x0  }
0xdd: {  	[sflag:s13] =	ssyncadd.s32 $0xFFFFC000  }
0xde: {  	_ =	swait.ge [sflag:s24], $0x4000  }
0xdf: {  	s30 =	sld [smem:$0x7E0]  }
0xe0: {  	[sflag:s24] =	ssyncset.done $0x0  }
0xe1: {  	[sflag:s24] =	ssyncadd.s32 $0xFFFFC000  }
0xe2: {  	[spmem:s1] =	stream.indirect.scatter.add.f32 [tilespmem:s23], [sflag:$0x5], $0x80, s30, s20, $0xb8;
	[tilespmem:$0x1E000] =	vst v63  }
0xe3: {  	_ =	swait.ge [sflag:s13], $0x4000  }
0xe4: {  	[sflag:s13] =	ssyncset.done $0x0  }
0xe5: {  	[sflag:s13] =	ssyncadd.s32 $0xFFFFC000  }
0xe6: {  	_ =	swait.ge [sflag:s16], $0x800  }
0xe7: {  	[sflag:s16] =	ssyncset.done $0x0  }
0xe8: {  	[sflag:s16] =	ssyncadd.s32 $0xFFFFF800  }
0xe9: {  	p0 =	por $0x0, $0x0;
	_ =	swait.ge [sflag:s17], $0x800  }
0xea: {  	s31 =	simm.s32 @!p0 $0x0;
	s30 =	sadd.s32 @!p0 $0x0, s11;
	[sflag:s17] =	ssyncset.done $0x0  }
0xeb: {  	s0 =	simm.s32 @!p0 $0x14000;
	s30 =	sadd.s32 @!p0 $0x200, s30;
	[sflag:s17] =	ssyncadd.s32 $0xFFFFF800  }
0xec: {  	[tilespmem:s0], [sflag:$0x3] =	stream.linear.gather @!p0 [hbm4b:s30+s31], $0x800, $0x38;
	[tilespmem:$0x1E000] =	vst v63  }
0xed: {  	s0 =	sadd.s32 @!p0 $0x0, s8  }
0xee: {  	s30 =	simm.s32 @!p0 $0x15000;
	s0 =	sadd.s32 @!p0 $0x200, s0  }
0xef: {  	[tilespmem:s30], [sflag:$0x4] =	stream.linear.gather @!p0 [hbm4b:s0+s31], $0x800, $0x38;
	[tilespmem:$0x1E000] =	vst v63  }
0xf0: {  	_ = 	snop  }
0xf1: {  	[tilespmem:s21], [sflag:$0x1] =	stream.indirect.gather [hbm4b:s3+s20], $0x80, s18, s20, $0xb8;
	[tilespmem:$0x1E000] =	vst v63  }
0xf2: {  	_ =	swait.ge [sflag:s22], $0x4000  }
0xf3: {  	s7 =	sld [smem:$0x7E2]  }
0xf4: {  	[sflag:s22] =	ssyncset.done $0x0  }
0xf5: {  	[sflag:s22] =	ssyncadd.s32 $0xFFFFC000  }
0xf6: {  	[tilespmem:s23], [sflag:$0x2] =	stream.indirect.gather [hbm4b:s3+s20], $0x80, s7, s20, $0xb8;
	[tilespmem:$0x1E000] =	vst v63  }
0xf7: {  	_ = 	snop  }
0xf8: {  	[spmem:s1] =	stream.indirect.scatter.add.f32 [tilespmem:s21], [sflag:$0x5], $0x80, s19, s20, $0xb8;
	[tilespmem:$0x1E000] =	vst v63  }
0xf9: {  	_ =	swait.ge [sflag:s13], $0x4000  }
0xfa: {  	[sflag:s13] =	ssyncset.done $0x0  }
0xfb: {  	[sflag:s13] =	ssyncadd.s32 $0xFFFFC000  }
0xfc: {  	_ =	swait.ge [sflag:s24], $0x4000  }
0xfd: {  	s31 =	sld [smem:$0x7E3]  }
0xfe: {  	[sflag:s24] =	ssyncset.done $0x0  }
0xff: {  	s30 =	sld [smem:$0x7E4];
	[sflag:s24] =	ssyncadd.s32 $0xFFFFC000  }
0x100: {  	[tilespmem:s21], [sflag:$0x1] =	stream.indirect.gather [hbm4b:s3+s20], $0x80, s31, s20, $0xb8;
	[tilespmem:$0x1E000] =	vst v63  }
0x101: {  	_ = 	snop  }
0x102: {  	[spmem:s1] =	stream.indirect.scatter.add.f32 [tilespmem:s23], [sflag:$0x5], $0x80, s30, s20, $0xb8;
	[tilespmem:$0x1E000] =	vst v63  }
0x103: {  	_ =	swait.ge [sflag:s13], $0x4000  }
0x104: {  	[sflag:s13] =	ssyncset.done $0x0  }
0x105: {  	[sflag:s13] =	ssyncadd.s32 $0xFFFFC000  }
0x106: {  	_ =	swait.ge [sflag:s22], $0x4000  }
0x107: {  	s4 =	sld [smem:$0x7E5]  }
0x108: {  	[sflag:s22] =	ssyncset.done $0x0  }
0x109: {  	s30 =	sld [smem:$0x7E6];
	[sflag:s22] =	ssyncadd.s32 $0xFFFFC000  }
0x10a: {  	[tilespmem:s23], [sflag:$0x2] =	stream.indirect.gather [hbm4b:s3+s20], $0x80, s4, s20, $0xb8;
	[tilespmem:$0x1E000] =	vst v63  }
0x10b: {  	_ = 	snop  }
0x10c: {  	[spmem:s1] =	stream.indirect.scatter.add.f32 [tilespmem:s21], [sflag:$0x5], $0x80, s30, s20, $0xb8;
	[tilespmem:$0x1E000] =	vst v63  }
0x10d: {  	_ =	swait.ge [sflag:s13], $0x4000  }
0x10e: {  	[sflag:s13] =	ssyncset.done $0x0  }
0x10f: {  	[sflag:s13] =	ssyncadd.s32 $0xFFFFC000  }
0x110: {  	_ =	swait.ge [sflag:s24], $0x4000  }
0x111: {  	s5 =	sld [smem:$0x7E7]  }
0x112: {  	[sflag:s24] =	ssyncset.done $0x0  }
0x113: {  	s30 =	sld [smem:$0x7E8];
	[sflag:s24] =	ssyncadd.s32 $0xFFFFC000  }
0x114: {  	[tilespmem:s21], [sflag:$0x1] =	stream.indirect.gather [hbm4b:s3+s20], $0x80, s5, s20, $0xb8;
	[tilespmem:$0x1E000] =	vst v63  }
0x115: {  	_ = 	snop  }
0x116: {  	[spmem:s1] =	stream.indirect.scatter.add.f32 [tilespmem:s23], [sflag:$0x5], $0x80, s30, s20, $0xb8;
	[tilespmem:$0x1E000] =	vst v63  }
0x117: {  	_ =	swait.ge [sflag:s13], $0x4000  }
0x118: {  	[sflag:s13] =	ssyncset.done $0x0  }
0x119: {  	[sflag:s13] =	ssyncadd.s32 $0xFFFFC000  }
0x11a: {  	_ =	swait.ge [sflag:s22], $0x4000  }
0x11b: {  	s7 =	sld [smem:$0x7EA]  }
0x11c: {  	[sflag:s22] =	ssyncset.done $0x0  }
0x11d: {  	s30 =	sld [smem:$0x7EB];
	[sflag:s22] =	ssyncadd.s32 $0xFFFFC000  }
0x11e: {  	[tilespmem:s23], [sflag:$0x2] =	stream.indirect.gather [hbm4b:s3+s20], $0x80, s7, s20, $0xb8;
	[tilespmem:$0x1E000] =	vst v63  }
0x11f: {  	_ = 	snop  }
0x120: {  	[spmem:s1] =	stream.indirect.scatter.add.f32 [tilespmem:s21], [sflag:$0x5], $0x80, s30, s20, $0xb8;
	[tilespmem:$0x1E000] =	vst v63  }
0x121: {  	_ =	swait.ge [sflag:s13], $0x4000  }
0x122: {  	[sflag:s13] =	ssyncset.done $0x0  }
0x123: {  	[sflag:s13] =	ssyncadd.s32 $0xFFFFC000  }
0x124: {  	_ =	swait.ge [sflag:s24], $0x4000  }
0x125: {  	s31 =	sld [smem:$0x7EC]  }
0x126: {  	[sflag:s24] =	ssyncset.done $0x0  }
0x127: {  	s30 =	sld [smem:$0x7ED];
	[sflag:s24] =	ssyncadd.s32 $0xFFFFC000  }
0x128: {  	[tilespmem:s21], [sflag:$0x1] =	stream.indirect.gather [hbm4b:s3+s20], $0x80, s31, s20, $0xb8;
	[tilespmem:$0x1E000] =	vst v63  }
0x129: {  	_ = 	snop  }
0x12a: {  	[spmem:s1] =	stream.indirect.scatter.add.f32 [tilespmem:s23], [sflag:$0x5], $0x80, s30, s20, $0xb8;
	[tilespmem:$0x1E000] =	vst v63  }
0x12b: {  	_ =	swait.ge [sflag:s13], $0x4000  }
0x12c: {  	[sflag:s13] =	ssyncset.done $0x0  }
0x12d: {  	[sflag:s13] =	ssyncadd.s32 $0xFFFFC000  }
0x12e: {  	_ =	swait.ge [sflag:s22], $0x4000  }
0x12f: {  	s4 =	sld [smem:$0x7EE]  }
0x130: {  	[sflag:s22] =	ssyncset.done $0x0  }
0x131: {  	s30 =	sld [smem:$0x7EF];
	[sflag:s22] =	ssyncadd.s32 $0xFFFFC000  }
0x132: {  	[tilespmem:s23], [sflag:$0x2] =	stream.indirect.gather [hbm4b:s3+s20], $0x80, s4, s20, $0xb8;
	[tilespmem:$0x1E000] =	vst v63  }
0x133: {  	_ = 	snop  }
0x134: {  	[spmem:s1] =	stream.indirect.scatter.add.f32 [tilespmem:s21], [sflag:$0x5], $0x80, s30, s20, $0xb8;
	[tilespmem:$0x1E000] =	vst v63  }
0x135: {  	_ =	swait.ge [sflag:s13], $0x4000  }
0x136: {  	[sflag:s13] =	ssyncset.done $0x0  }
0x137: {  	[sflag:s13] =	ssyncadd.s32 $0xFFFFC000  }
0x138: {  	_ =	swait.ge [sflag:s24], $0x4000  }
0x139: {  	s5 =	sld [smem:$0x7F0]  }
0x13a: {  	[sflag:s24] =	ssyncset.done $0x0  }
0x13b: {  	s30 =	sld [smem:$0x7F1];
	[sflag:s24] =	ssyncadd.s32 $0xFFFFC000  }
0x13c: {  	[tilespmem:s21], [sflag:$0x1] =	stream.indirect.gather [hbm4b:s3+s20], $0x80, s5, s20, $0xb8;
	[tilespmem:$0x1E000] =	vst v63  }
0x13d: {  	_ = 	snop  }
0x13e: {  	[spmem:s1] =	stream.indirect.scatter.add.f32 [tilespmem:s23], [sflag:$0x5], $0x80, s30, s20, $0xb8;
	[tilespmem:$0x1E000] =	vst v63  }
0x13f: {  	_ =	swait.ge [sflag:s13], $0x4000  }
0x140: {  	[sflag:s13] =	ssyncset.done $0x0  }
0x141: {  	[sflag:s13] =	ssyncadd.s32 $0xFFFFC000  }
0x142: {  	_ =	swait.ge [sflag:s22], $0x4000  }
0x143: {  	s7 =	sld [smem:$0x7F2]  }
0x144: {  	[sflag:s22] =	ssyncset.done $0x0  }
0x145: {  	s30 =	sld [smem:$0x7F3];
	[sflag:s22] =	ssyncadd.s32 $0xFFFFC000  }
0x146: {  	[tilespmem:s23], [sflag:$0x2] =	stream.indirect.gather [hbm4b:s3+s20], $0x80, s7, s20, $0xb8;
	[tilespmem:$0x1E000] =	vst v63  }
0x147: {  	_ = 	snop  }
0x148: {  	[spmem:s1] =	stream.indirect.scatter.add.f32 [tilespmem:s21], [sflag:$0x5], $0x80, s30, s20, $0xb8;
	[tilespmem:$0x1E000] =	vst v63  }
0x149: {  	_ =	swait.ge [sflag:s13], $0x4000  }
0x14a: {  	[sflag:s13] =	ssyncset.done $0x0  }
0x14b: {  	[sflag:s13] =	ssyncadd.s32 $0xFFFFC000  }
0x14c: {  	_ =	swait.ge [sflag:s24], $0x4000  }
0x14d: {  	s31 =	sld [smem:$0x7F4]  }
0x14e: {  	[sflag:s24] =	ssyncset.done $0x0  }
0x14f: {  	s30 =	sld [smem:$0x7F5];
	[sflag:s24] =	ssyncadd.s32 $0xFFFFC000  }
0x150: {  	[tilespmem:s21], [sflag:$0x1] =	stream.indirect.gather [hbm4b:s3+s20], $0x80, s31, s20, $0xb8;
	[tilespmem:$0x1E000] =	vst v63  }
0x151: {  	_ = 	snop  }
0x152: {  	[spmem:s1] =	stream.indirect.scatter.add.f32 [tilespmem:s23], [sflag:$0x5], $0x80, s30, s20, $0xb8;
	[tilespmem:$0x1E000] =	vst v63  }
0x153: {  	_ =	swait.ge [sflag:s13], $0x4000  }
0x154: {  	[sflag:s13] =	ssyncset.done $0x0  }
0x155: {  	[sflag:s13] =	ssyncadd.s32 $0xFFFFC000  }
0x156: {  	_ =	swait.ge [sflag:s22], $0x4000  }
0x157: {  	s4 =	sld [smem:$0x7F6]  }
0x158: {  	[sflag:s22] =	ssyncset.done $0x0  }
0x159: {  	s30 =	sld [smem:$0x7F7];
	[sflag:s22] =	ssyncadd.s32 $0xFFFFC000  }
0x15a: {  	[tilespmem:s23], [sflag:$0x2] =	stream.indirect.gather [hbm4b:s3+s20], $0x80, s4, s20, $0xb8;
	[tilespmem:$0x1E000] =	vst v63  }
0x15b: {  	_ = 	snop  }
0x15c: {  	[spmem:s1] =	stream.indirect.scatter.add.f32 [tilespmem:s21], [sflag:$0x5], $0x80, s30, s20, $0xb8;
	[tilespmem:$0x1E000] =	vst v63  }
0x15d: {  	_ =	swait.ge [sflag:s13], $0x4000  }
0x15e: {  	[sflag:s13] =	ssyncset.done $0x0  }
0x15f: {  	[sflag:s13] =	ssyncadd.s32 $0xFFFFC000  }
0x160: {  	_ =	swait.ge [sflag:s24], $0x4000  }
0x161: {  	s5 =	sld [smem:$0x7F8]  }
0x162: {  	[sflag:s24] =	ssyncset.done $0x0  }
0x163: {  	s30 =	sld [smem:$0x7F9];
	[sflag:s24] =	ssyncadd.s32 $0xFFFFC000  }
0x164: {  	[tilespmem:s21], [sflag:$0x1] =	stream.indirect.gather [hbm4b:s3+s20], $0x80, s5, s20, $0xb8;
	[tilespmem:$0x1E000] =	vst v63  }
0x165: {  	_ = 	snop  }
0x166: {  	[spmem:s1] =	stream.indirect.scatter.add.f32 [tilespmem:s23], [sflag:$0x5], $0x80, s30, s20, $0xb8;
	[tilespmem:$0x1E000] =	vst v63  }
0x167: {  	_ =	swait.ge [sflag:s13], $0x4000  }
0x168: {  	[sflag:s13] =	ssyncset.done $0x0  }
0x169: {  	[sflag:s13] =	ssyncadd.s32 $0xFFFFC000  }
0x16a: {  	_ =	swait.ge [sflag:s22], $0x4000  }
0x16b: {  	s7 =	sld [smem:$0x7FA]  }
0x16c: {  	[sflag:s22] =	ssyncset.done $0x0  }
0x16d: {  	s30 =	sld [smem:$0x7FB];
	[sflag:s22] =	ssyncadd.s32 $0xFFFFC000  }
0x16e: {  	[tilespmem:s23], [sflag:$0x2] =	stream.indirect.gather [hbm4b:s3+s20], $0x80, s7, s20, $0xb8;
	[tilespmem:$0x1E000] =	vst v63  }
0x16f: {  	_ = 	snop  }
0x170: {  	[spmem:s1] =	stream.indirect.scatter.add.f32 [tilespmem:s21], [sflag:$0x5], $0x80, s30, s20, $0xb8;
	[tilespmem:$0x1E000] =	vst v63  }
0x171: {  	_ =	swait.ge [sflag:s13], $0x4000  }
0x172: {  	[sflag:s13] =	ssyncset.done $0x0  }
0x173: {  	[sflag:s13] =	ssyncadd.s32 $0xFFFFC000  }
0x174: {  	_ =	swait.ge [sflag:s24], $0x4000  }
0x175: {  	s31 =	sld [smem:$0x7FC]  }
0x176: {  	[sflag:s24] =	ssyncset.done $0x0  }
0x177: {  	s30 =	sld [smem:$0x7FD];
	[sflag:s24] =	ssyncadd.s32 $0xFFFFC000  }
0x178: {  	[tilespmem:s21], [sflag:$0x1] =	stream.indirect.gather [hbm4b:s3+s20], $0x80, s31, s20, $0xb8;
	[tilespmem:$0x1E000] =	vst v63  }
0x179: {  	_ = 	snop  }
0x17a: {  	[spmem:s1] =	stream.indirect.scatter.add.f32 [tilespmem:s23], [sflag:$0x5], $0x80, s30, s20, $0xb8;
	[tilespmem:$0x1E000] =	vst v63  }
0x17b: {  	_ =	swait.ge [sflag:s13], $0x4000  }
0x17c: {  	[sflag:s13] =	ssyncset.done $0x0  }
0x17d: {  	[sflag:s13] =	ssyncadd.s32 $0xFFFFC000  }
0x17e: {  	_ =	swait.ge [sflag:s22], $0x4000  }
0x17f: {  	[sflag:s22] =	ssyncset.done $0x0  }
0x180: {  	[sflag:s22] =	ssyncadd.s32 $0xFFFFC000  }
0x181: {  	[tilespmem:s23], [sflag:$0x2] =	stream.indirect.gather [hbm4b:s3+s20], $0x80, s25, s20, $0xb8;
	[tilespmem:$0x1E000] =	vst v63  }
0x182: {  	_ = 	snop  }
0x183: {  	[spmem:s1] =	stream.indirect.scatter.add.f32 [tilespmem:s21], [sflag:$0x5], $0x80, s26, s20, $0xb8;
	[tilespmem:$0x1E000] =	vst v63  }
0x184: {  	_ =	swait.ge [sflag:s13], $0x4000  }
0x185: {  	[sflag:s13] =	ssyncset.done $0x0  }
0x186: {  	[sflag:s13] =	ssyncadd.s32 $0xFFFFC000  }
0x187: {  	_ =	swait.ge [sflag:s24], $0x4000  }
0x188: {  	[sflag:s24] =	ssyncset.done $0x0  }
0x189: {  	[sflag:s24] =	ssyncadd.s32 $0xFFFFC000  }
0x18a: {  	[spmem:s1] =	stream.indirect.scatter.add.f32 [tilespmem:s23], [sflag:$0x5], $0x80, s28, s20, $0xb8;
	[tilespmem:$0x1E000] =	vst v63  }
0x18b: {  	s30 =	simm.s32 $0x200;
	_ =	swait.ge [sflag:s13], $0x4000  }
.LBB2_2:
0x18c: {  	[sflag:s13] =	ssyncset.done $0x0  }
0x18d: {  	[sflag:s13] =	ssyncadd.s32 $0xFFFFC000  }
0x18e: {  	_ =	swait.ge [sflag:s16], $0x800  }
0x18f: {  	[sflag:s16] =	ssyncset.done $0x0  }
0x190: {  	[sflag:s16] =	ssyncadd.s32 $0xFFFFF800  }
0x191: {  	s31 =	smov.u32 s30;
	_ =	swait.ge [sflag:s17], $0x800  }
0x192: {  	s0 =	sadd.s32 s31, s11;
	[sflag:s17] =	ssyncset.done $0x0  }
0x193: {  	s4 =	sadd.s32 s31, s8;
	s0 =	sadd.s32 $0x100, s0;
	[sflag:s17] =	ssyncadd.s32 $0xFFFFF800  }
0x194: {  	[tilespmem:s18], [sflag:$0x3] =	stream.linear.gather [hbm4b:s0+s2], $0x800, $0x38;
	[tilespmem:$0x1E000] =	vst v63  }
0x195: {  	s7 =	sadd.s32 $0x100, s4  }
0x196: {  	[tilespmem:s19], [sflag:$0x4] =	stream.linear.gather [hbm4b:s7+s2], $0x800, $0x38;
	[tilespmem:$0x1E000] =	vst v63  }
0x197: {  	_ = 	snop  }
0x198: {  	[tilespmem:s21], [sflag:$0x1] =	stream.indirect.gather [hbm4b:s3+s20], $0x80, s14, s20, $0xb8;
	[tilespmem:$0x1E000] =	vst v63  }
0x199: {  	_ =	swait.ge [sflag:s22], $0x4000  }
0x19a: {  	[sflag:s22] =	ssyncset.done $0x0  }
0x19b: {  	s4 =	rddreg [dreg:$0x3];
	[sflag:s22] =	ssyncadd.s32 $0xFFFFC000  }
0x19c: {  	[tilespmem:s23], [sflag:$0x2] =	stream.indirect.gather [hbm4b:s3+s20], $0x80, s4, s20, $0xb8;
	[tilespmem:$0x1E000] =	vst v63  }
0x19d: {  	_ = 	snop  }
0x19e: {  	[spmem:s1] =	stream.indirect.scatter.add.f32 [tilespmem:s21], [sflag:$0x5], $0x80, s15, s20, $0xb8;
	[tilespmem:$0x1E000] =	vst v63  }
0x19f: {  	_ =	swait.ge [sflag:s13], $0x4000  }
0x1a0: {  	[sflag:s13] =	ssyncset.done $0x0  }
0x1a1: {  	[sflag:s13] =	ssyncadd.s32 $0xFFFFC000  }
0x1a2: {  	_ =	swait.ge [sflag:s24], $0x4000  }
0x1a3: {  	[sflag:s24] =	ssyncset.done $0x0  }
0x1a4: {  	s5 =	rddreg [dreg:$0x4];
	[sflag:s24] =	ssyncadd.s32 $0xFFFFC000  }
0x1a5: {  	[tilespmem:s21], [sflag:$0x1] =	stream.indirect.gather [hbm4b:s3+s20], $0x80, s5, s20, $0xb8;
	[tilespmem:$0x1E000] =	vst v63  }
0x1a6: {  	s7 =	rddreg [dreg:$0x5]  }
0x1a7: {  	[spmem:s1] =	stream.indirect.scatter.add.f32 [tilespmem:s23], [sflag:$0x5], $0x80, s7, s20, $0xb8;
	[tilespmem:$0x1E000] =	vst v63  }
0x1a8: {  	_ =	swait.ge [sflag:s13], $0x4000  }
0x1a9: {  	[sflag:s13] =	ssyncset.done $0x0  }
0x1aa: {  	[sflag:s13] =	ssyncadd.s32 $0xFFFFC000  }
0x1ab: {  	_ =	swait.ge [sflag:s22], $0x4000  }
0x1ac: {  	[sflag:s22] =	ssyncset.done $0x0  }
0x1ad: {  	s5 =	rddreg [dreg:$0x6];
	[sflag:s22] =	ssyncadd.s32 $0xFFFFC000  }
0x1ae: {  	[tilespmem:s23], [sflag:$0x2] =	stream.indirect.gather [hbm4b:s3+s20], $0x80, s5, s20, $0xb8;
	[tilespmem:$0x1E000] =	vst v63  }
0x1af: {  	s7 =	rddreg [dreg:$0x7]  }
0x1b0: {  	[spmem:s1] =	stream.indirect.scatter.add.f32 [tilespmem:s21], [sflag:$0x5], $0x80, s7, s20, $0xb8;
	[tilespmem:$0x1E000] =	vst v63  }
0x1b1: {  	_ =	swait.ge [sflag:s13], $0x4000  }
0x1b2: {  	[sflag:s13] =	ssyncset.done $0x0  }
0x1b3: {  	[sflag:s13] =	ssyncadd.s32 $0xFFFFC000  }
0x1b4: {  	_ =	swait.ge [sflag:s24], $0x4000  }
0x1b5: {  	[sflag:s24] =	ssyncset.done $0x0  }
0x1b6: {  	s5 =	rddreg [dreg:$0x8];
	[sflag:s24] =	ssyncadd.s32 $0xFFFFC000  }
0x1b7: {  	[tilespmem:s21], [sflag:$0x1] =	stream.indirect.gather [hbm4b:s3+s20], $0x80, s5, s20, $0xb8;
	[tilespmem:$0x1E000] =	vst v63  }
0x1b8: {  	s7 =	rddreg [dreg:$0x9]  }
0x1b9: {  	[spmem:s1] =	stream.indirect.scatter.add.f32 [tilespmem:s23], [sflag:$0x5], $0x80, s7, s20, $0xb8;
	[tilespmem:$0x1E000] =	vst v63  }
0x1ba: {  	_ =	swait.ge [sflag:s13], $0x4000  }
0x1bb: {  	[sflag:s13] =	ssyncset.done $0x0  }
0x1bc: {  	[sflag:s13] =	ssyncadd.s32 $0xFFFFC000  }
0x1bd: {  	_ =	swait.ge [sflag:s22], $0x4000  }
0x1be: {  	[sflag:s22] =	ssyncset.done $0x0  }
0x1bf: {  	s5 =	rddreg [dreg:$0xa];
	[sflag:s22] =	ssyncadd.s32 $0xFFFFC000  }
0x1c0: {  	[tilespmem:s23], [sflag:$0x2] =	stream.indirect.gather [hbm4b:s3+s20], $0x80, s5, s20, $0xb8;
	[tilespmem:$0x1E000] =	vst v63  }
0x1c1: {  	s7 =	rddreg [dreg:$0xb]  }
0x1c2: {  	[spmem:s1] =	stream.indirect.scatter.add.f32 [tilespmem:s21], [sflag:$0x5], $0x80, s7, s20, $0xb8;
	[tilespmem:$0x1E000] =	vst v63  }
0x1c3: {  	_ =	swait.ge [sflag:s13], $0x4000  }
0x1c4: {  	[sflag:s13] =	ssyncset.done $0x0  }
0x1c5: {  	[sflag:s13] =	ssyncadd.s32 $0xFFFFC000  }
0x1c6: {  	_ =	swait.ge [sflag:s24], $0x4000  }
0x1c7: {  	[sflag:s24] =	ssyncset.done $0x0  }
0x1c8: {  	s5 =	rddreg [dreg:$0xc];
	[sflag:s24] =	ssyncadd.s32 $0xFFFFC000  }
0x1c9: {  	[tilespmem:s21], [sflag:$0x1] =	stream.indirect.gather [hbm4b:s3+s20], $0x80, s5, s20, $0xb8;
	[tilespmem:$0x1E000] =	vst v63  }
0x1ca: {  	s7 =	rddreg [dreg:$0xd]  }
0x1cb: {  	[spmem:s1] =	stream.indirect.scatter.add.f32 [tilespmem:s23], [sflag:$0x5], $0x80, s7, s20, $0xb8;
	[tilespmem:$0x1E000] =	vst v63  }
0x1cc: {  	_ =	swait.ge [sflag:s13], $0x4000  }
0x1cd: {  	[sflag:s13] =	ssyncset.done $0x0  }
0x1ce: {  	[sflag:s13] =	ssyncadd.s32 $0xFFFFC000  }
0x1cf: {  	_ =	swait.ge [sflag:s22], $0x4000  }
0x1d0: {  	[sflag:s22] =	ssyncset.done $0x0  }
0x1d1: {  	s5 =	rddreg [dreg:$0xe];
	[sflag:s22] =	ssyncadd.s32 $0xFFFFC000  }
0x1d2: {  	[tilespmem:s23], [sflag:$0x2] =	stream.indirect.gather [hbm4b:s3+s20], $0x80, s5, s20, $0xb8;
	[tilespmem:$0x1E000] =	vst v63  }
0x1d3: {  	s7 =	rddreg [dreg:$0xf]  }
0x1d4: {  	[spmem:s1] =	stream.indirect.scatter.add.f32 [tilespmem:s21], [sflag:$0x5], $0x80, s7, s20, $0xb8;
	[tilespmem:$0x1E000] =	vst v63  }
0x1d5: {  	_ =	swait.ge [sflag:s13], $0x4000  }
0x1d6: {  	[sflag:s13] =	ssyncset.done $0x0  }
0x1d7: {  	[sflag:s13] =	ssyncadd.s32 $0xFFFFC000  }
0x1d8: {  	_ =	swait.ge [sflag:s24], $0x4000  }
0x1d9: {  	[sflag:s24] =	ssyncset.done $0x0  }
0x1da: {  	s5 =	rddreg [dreg:$0x10];
	[sflag:s24] =	ssyncadd.s32 $0xFFFFC000  }
0x1db: {  	[tilespmem:s21], [sflag:$0x1] =	stream.indirect.gather [hbm4b:s3+s20], $0x80, s5, s20, $0xb8;
	[tilespmem:$0x1E000] =	vst v63  }
0x1dc: {  	s7 =	rddreg [dreg:$0x11]  }
0x1dd: {  	[spmem:s1] =	stream.indirect.scatter.add.f32 [tilespmem:s23], [sflag:$0x5], $0x80, s7, s20, $0xb8;
	[tilespmem:$0x1E000] =	vst v63  }
0x1de: {  	_ =	swait.ge [sflag:s13], $0x4000  }
0x1df: {  	[sflag:s13] =	ssyncset.done $0x0  }
0x1e0: {  	[sflag:s13] =	ssyncadd.s32 $0xFFFFC000  }
0x1e1: {  	_ =	swait.ge [sflag:s22], $0x4000  }
0x1e2: {  	[sflag:s22] =	ssyncset.done $0x0  }
0x1e3: {  	s5 =	rddreg [dreg:$0x12];
	[sflag:s22] =	ssyncadd.s32 $0xFFFFC000  }
0x1e4: {  	[tilespmem:s23], [sflag:$0x2] =	stream.indirect.gather [hbm4b:s3+s20], $0x80, s5, s20, $0xb8;
	[tilespmem:$0x1E000] =	vst v63  }
0x1e5: {  	s7 =	rddreg [dreg:$0x13]  }
0x1e6: {  	[spmem:s1] =	stream.indirect.scatter.add.f32 [tilespmem:s21], [sflag:$0x5], $0x80, s7, s20, $0xb8;
	[tilespmem:$0x1E000] =	vst v63  }
0x1e7: {  	_ =	swait.ge [sflag:s13], $0x4000  }
0x1e8: {  	[sflag:s13] =	ssyncset.done $0x0  }
0x1e9: {  	[sflag:s13] =	ssyncadd.s32 $0xFFFFC000  }
0x1ea: {  	_ =	swait.ge [sflag:s24], $0x4000  }
0x1eb: {  	[sflag:s24] =	ssyncset.done $0x0  }
0x1ec: {  	s5 =	rddreg [dreg:$0x14];
	[sflag:s24] =	ssyncadd.s32 $0xFFFFC000  }
0x1ed: {  	[tilespmem:s21], [sflag:$0x1] =	stream.indirect.gather [hbm4b:s3+s20], $0x80, s5, s20, $0xb8;
	[tilespmem:$0x1E000] =	vst v63  }
0x1ee: {  	s7 =	rddreg [dreg:$0x15]  }
0x1ef: {  	[spmem:s1] =	stream.indirect.scatter.add.f32 [tilespmem:s23], [sflag:$0x5], $0x80, s7, s20, $0xb8;
	[tilespmem:$0x1E000] =	vst v63  }
0x1f0: {  	_ =	swait.ge [sflag:s13], $0x4000  }
0x1f1: {  	[sflag:s13] =	ssyncset.done $0x0  }
0x1f2: {  	[sflag:s13] =	ssyncadd.s32 $0xFFFFC000  }
0x1f3: {  	_ =	swait.ge [sflag:s22], $0x4000  }
0x1f4: {  	[sflag:s22] =	ssyncset.done $0x0  }
0x1f5: {  	s5 =	rddreg [dreg:$0x16];
	[sflag:s22] =	ssyncadd.s32 $0xFFFFC000  }
0x1f6: {  	[tilespmem:s23], [sflag:$0x2] =	stream.indirect.gather [hbm4b:s3+s20], $0x80, s5, s20, $0xb8;
	[tilespmem:$0x1E000] =	vst v63  }
0x1f7: {  	s7 =	rddreg [dreg:$0x17]  }
0x1f8: {  	[spmem:s1] =	stream.indirect.scatter.add.f32 [tilespmem:s21], [sflag:$0x5], $0x80, s7, s20, $0xb8;
	[tilespmem:$0x1E000] =	vst v63  }
0x1f9: {  	_ =	swait.ge [sflag:s13], $0x4000  }
0x1fa: {  	[sflag:s13] =	ssyncset.done $0x0  }
0x1fb: {  	[sflag:s13] =	ssyncadd.s32 $0xFFFFC000  }
0x1fc: {  	_ =	swait.ge [sflag:s24], $0x4000  }
0x1fd: {  	[sflag:s24] =	ssyncset.done $0x0  }
0x1fe: {  	s5 =	rddreg [dreg:$0x18];
	[sflag:s24] =	ssyncadd.s32 $0xFFFFC000  }
0x1ff: {  	[tilespmem:s21], [sflag:$0x1] =	stream.indirect.gather [hbm4b:s3+s20], $0x80, s5, s20, $0xb8;
	[tilespmem:$0x1E000] =	vst v63  }
0x200: {  	s7 =	rddreg [dreg:$0x19]  }
0x201: {  	[spmem:s1] =	stream.indirect.scatter.add.f32 [tilespmem:s23], [sflag:$0x5], $0x80, s7, s20, $0xb8;
	[tilespmem:$0x1E000] =	vst v63  }
0x202: {  	_ =	swait.ge [sflag:s13], $0x4000  }
0x203: {  	[sflag:s13] =	ssyncset.done $0x0  }
0x204: {  	[sflag:s13] =	ssyncadd.s32 $0xFFFFC000  }
0x205: {  	_ =	swait.ge [sflag:s22], $0x4000  }
0x206: {  	[sflag:s22] =	ssyncset.done $0x0  }
0x207: {  	s5 =	rddreg [dreg:$0x1a];
	[sflag:s22] =	ssyncadd.s32 $0xFFFFC000  }
0x208: {  	[tilespmem:s23], [sflag:$0x2] =	stream.indirect.gather [hbm4b:s3+s20], $0x80, s5, s20, $0xb8;
	[tilespmem:$0x1E000] =	vst v63  }
0x209: {  	s7 =	rddreg [dreg:$0x1b]  }
0x20a: {  	[spmem:s1] =	stream.indirect.scatter.add.f32 [tilespmem:s21], [sflag:$0x5], $0x80, s7, s20, $0xb8;
	[tilespmem:$0x1E000] =	vst v63  }
0x20b: {  	_ =	swait.ge [sflag:s13], $0x4000  }
0x20c: {  	[sflag:s13] =	ssyncset.done $0x0  }
0x20d: {  	[sflag:s13] =	ssyncadd.s32 $0xFFFFC000  }
0x20e: {  	_ =	swait.ge [sflag:s24], $0x4000  }
0x20f: {  	[sflag:s24] =	ssyncset.done $0x0  }
0x210: {  	s5 =	rddreg [dreg:$0x1c];
	[sflag:s24] =	ssyncadd.s32 $0xFFFFC000  }
0x211: {  	[tilespmem:s21], [sflag:$0x1] =	stream.indirect.gather [hbm4b:s3+s20], $0x80, s5, s20, $0xb8;
	[tilespmem:$0x1E000] =	vst v63  }
0x212: {  	s7 =	rddreg [dreg:$0x1d]  }
0x213: {  	[spmem:s1] =	stream.indirect.scatter.add.f32 [tilespmem:s23], [sflag:$0x5], $0x80, s7, s20, $0xb8;
	[tilespmem:$0x1E000] =	vst v63  }
0x214: {  	_ =	swait.ge [sflag:s13], $0x4000  }
0x215: {  	[sflag:s13] =	ssyncset.done $0x0  }
0x216: {  	[sflag:s13] =	ssyncadd.s32 $0xFFFFC000  }
0x217: {  	_ =	swait.ge [sflag:s22], $0x4000  }
0x218: {  	[sflag:s22] =	ssyncset.done $0x0  }
0x219: {  	s5 =	rddreg [dreg:$0x1e];
	[sflag:s22] =	ssyncadd.s32 $0xFFFFC000  }
0x21a: {  	[tilespmem:s23], [sflag:$0x2] =	stream.indirect.gather [hbm4b:s3+s20], $0x80, s5, s20, $0xb8;
	[tilespmem:$0x1E000] =	vst v63  }
0x21b: {  	s7 =	rddreg [dreg:$0x1f]  }
0x21c: {  	[spmem:s1] =	stream.indirect.scatter.add.f32 [tilespmem:s21], [sflag:$0x5], $0x80, s7, s20, $0xb8;
	[tilespmem:$0x1E000] =	vst v63  }
0x21d: {  	_ =	swait.ge [sflag:s13], $0x4000  }
0x21e: {  	[sflag:s13] =	ssyncset.done $0x0  }
0x21f: {  	[sflag:s13] =	ssyncadd.s32 $0xFFFFC000  }
0x220: {  	_ =	swait.ge [sflag:s24], $0x4000  }
0x221: {  	s4 =	sld [smem:$0x7E0]  }
0x222: {  	[sflag:s24] =	ssyncset.done $0x0  }
0x223: {  	[sflag:s24] =	ssyncadd.s32 $0xFFFFC000  }
0x224: {  	[spmem:s1] =	stream.indirect.scatter.add.f32 [tilespmem:s23], [sflag:$0x5], $0x80, s4, s20, $0xb8;
	[tilespmem:$0x1E000] =	vst v63  }
0x225: {  	_ =	swait.ge [sflag:s13], $0x4000  }
0x226: {  	[sflag:s13] =	ssyncset.done $0x0  }
0x227: {  	[sflag:s13] =	ssyncadd.s32 $0xFFFFC000  }
0x228: {  	_ =	swait.ge [sflag:s16], $0x800  }
0x229: {  	[sflag:s16] =	ssyncset.done $0x0  }
0x22a: {  	p1 =	seq.s32 s31, $0x800;
	[sflag:s16] =	ssyncadd.s32 $0xFFFFF800  }
0x22b: {  	s0 =	sadd.s32 @!p1 s31, s11;
	_ =	swait.ge [sflag:s17], $0x800  }
0x22c: {  	s31 =	sadd.s32 @!p1 s31, s8;
	s0 =	sadd.s32 @!p1 $0x200, s0;
	[sflag:s17] =	ssyncset.done $0x0  }
0x22d: {  	s5 =	simm.s32 @!p1 $0x14000;
	s4 =	simm.s32 @!p1 $0x0;
	[sflag:s17] =	ssyncadd.s32 $0xFFFFF800  }
0x22e: {  	[tilespmem:s5], [sflag:$0x3] =	stream.linear.gather @!p1 [hbm4b:s0+s4], $0x800, $0x38;
	[tilespmem:$0x1E000] =	vst v63  }
0x22f: {  	s7 =	simm.s32 @!p1 $0x15000;
	s0 =	sadd.s32 @!p1 $0x200, s31  }
0x230: {  	[tilespmem:s7], [sflag:$0x4] =	stream.linear.gather @!p1 [hbm4b:s0+s4], $0x800, $0x38;
	[tilespmem:$0x1E000] =	vst v63  }
0x231: {  	_ = 	snop  }
0x232: {  	[tilespmem:s21], [sflag:$0x1] =	stream.indirect.gather [hbm4b:s3+s20], $0x80, s18, s20, $0xb8;
	[tilespmem:$0x1E000] =	vst v63  }
0x233: {  	_ =	swait.ge [sflag:s22], $0x4000  }
0x234: {  	s5 =	sld [smem:$0x7E2]  }
0x235: {  	[sflag:s22] =	ssyncset.done $0x0  }
0x236: {  	[sflag:s22] =	ssyncadd.s32 $0xFFFFC000  }
0x237: {  	[tilespmem:s23], [sflag:$0x2] =	stream.indirect.gather [hbm4b:s3+s20], $0x80, s5, s20, $0xb8;
	[tilespmem:$0x1E000] =	vst v63  }
0x238: {  	_ = 	snop  }
0x239: {  	[spmem:s1] =	stream.indirect.scatter.add.f32 [tilespmem:s21], [sflag:$0x5], $0x80, s19, s20, $0xb8;
	[tilespmem:$0x1E000] =	vst v63  }
0x23a: {  	_ =	swait.ge [sflag:s13], $0x4000  }
0x23b: {  	[sflag:s13] =	ssyncset.done $0x0  }
0x23c: {  	[sflag:s13] =	ssyncadd.s32 $0xFFFFC000  }
0x23d: {  	_ =	swait.ge [sflag:s24], $0x4000  }
0x23e: {  	s7 =	sld [smem:$0x7E3]  }
0x23f: {  	[sflag:s24] =	ssyncset.done $0x0  }
0x240: {  	s31 =	sld [smem:$0x7E4];
	[sflag:s24] =	ssyncadd.s32 $0xFFFFC000  }
0x241: {  	[tilespmem:s21], [sflag:$0x1] =	stream.indirect.gather [hbm4b:s3+s20], $0x80, s7, s20, $0xb8;
	[tilespmem:$0x1E000] =	vst v63  }
0x242: {  	_ = 	snop  }
0x243: {  	[spmem:s1] =	stream.indirect.scatter.add.f32 [tilespmem:s23], [sflag:$0x5], $0x80, s31, s20, $0xb8;
	[tilespmem:$0x1E000] =	vst v63  }
0x244: {  	_ =	swait.ge [sflag:s13], $0x4000  }
0x245: {  	[sflag:s13] =	ssyncset.done $0x0  }
0x246: {  	[sflag:s13] =	ssyncadd.s32 $0xFFFFC000  }
0x247: {  	_ =	swait.ge [sflag:s22], $0x4000  }
0x248: {  	s4 =	sld [smem:$0x7E5]  }
0x249: {  	[sflag:s22] =	ssyncset.done $0x0  }
0x24a: {  	s5 =	sld [smem:$0x7E6];
	[sflag:s22] =	ssyncadd.s32 $0xFFFFC000  }
0x24b: {  	[tilespmem:s23], [sflag:$0x2] =	stream.indirect.gather [hbm4b:s3+s20], $0x80, s4, s20, $0xb8;
	[tilespmem:$0x1E000] =	vst v63  }
0x24c: {  	_ = 	snop  }
0x24d: {  	[spmem:s1] =	stream.indirect.scatter.add.f32 [tilespmem:s21], [sflag:$0x5], $0x80, s5, s20, $0xb8;
	[tilespmem:$0x1E000] =	vst v63  }
0x24e: {  	_ =	swait.ge [sflag:s13], $0x4000  }
0x24f: {  	[sflag:s13] =	ssyncset.done $0x0  }
0x250: {  	[sflag:s13] =	ssyncadd.s32 $0xFFFFC000  }
0x251: {  	_ =	swait.ge [sflag:s24], $0x4000  }
0x252: {  	s7 =	sld [smem:$0x7E7]  }
0x253: {  	[sflag:s24] =	ssyncset.done $0x0  }
0x254: {  	s31 =	sld [smem:$0x7E8];
	[sflag:s24] =	ssyncadd.s32 $0xFFFFC000  }
0x255: {  	[tilespmem:s21], [sflag:$0x1] =	stream.indirect.gather [hbm4b:s3+s20], $0x80, s7, s20, $0xb8;
	[tilespmem:$0x1E000] =	vst v63  }
0x256: {  	_ = 	snop  }
0x257: {  	[spmem:s1] =	stream.indirect.scatter.add.f32 [tilespmem:s23], [sflag:$0x5], $0x80, s31, s20, $0xb8;
	[tilespmem:$0x1E000] =	vst v63  }
0x258: {  	_ =	swait.ge [sflag:s13], $0x4000  }
0x259: {  	[sflag:s13] =	ssyncset.done $0x0  }
0x25a: {  	[sflag:s13] =	ssyncadd.s32 $0xFFFFC000  }
0x25b: {  	_ =	swait.ge [sflag:s22], $0x4000  }
0x25c: {  	s4 =	sld [smem:$0x7EA]  }
0x25d: {  	[sflag:s22] =	ssyncset.done $0x0  }
0x25e: {  	s5 =	sld [smem:$0x7EB];
	[sflag:s22] =	ssyncadd.s32 $0xFFFFC000  }
0x25f: {  	[tilespmem:s23], [sflag:$0x2] =	stream.indirect.gather [hbm4b:s3+s20], $0x80, s4, s20, $0xb8;
	[tilespmem:$0x1E000] =	vst v63  }
0x260: {  	_ = 	snop  }
0x261: {  	[spmem:s1] =	stream.indirect.scatter.add.f32 [tilespmem:s21], [sflag:$0x5], $0x80, s5, s20, $0xb8;
	[tilespmem:$0x1E000] =	vst v63  }
0x262: {  	_ =	swait.ge [sflag:s13], $0x4000  }
0x263: {  	[sflag:s13] =	ssyncset.done $0x0  }
0x264: {  	[sflag:s13] =	ssyncadd.s32 $0xFFFFC000  }
0x265: {  	_ =	swait.ge [sflag:s24], $0x4000  }
0x266: {  	s7 =	sld [smem:$0x7EC]  }
0x267: {  	[sflag:s24] =	ssyncset.done $0x0  }
0x268: {  	s31 =	sld [smem:$0x7ED];
	[sflag:s24] =	ssyncadd.s32 $0xFFFFC000  }
0x269: {  	[tilespmem:s21], [sflag:$0x1] =	stream.indirect.gather [hbm4b:s3+s20], $0x80, s7, s20, $0xb8;
	[tilespmem:$0x1E000] =	vst v63  }
0x26a: {  	_ = 	snop  }
0x26b: {  	[spmem:s1] =	stream.indirect.scatter.add.f32 [tilespmem:s23], [sflag:$0x5], $0x80, s31, s20, $0xb8;
	[tilespmem:$0x1E000] =	vst v63  }
0x26c: {  	_ =	swait.ge [sflag:s13], $0x4000  }
0x26d: {  	[sflag:s13] =	ssyncset.done $0x0  }
0x26e: {  	[sflag:s13] =	ssyncadd.s32 $0xFFFFC000  }
0x26f: {  	_ =	swait.ge [sflag:s22], $0x4000  }
0x270: {  	s4 =	sld [smem:$0x7EE]  }
0x271: {  	[sflag:s22] =	ssyncset.done $0x0  }
0x272: {  	s5 =	sld [smem:$0x7EF];
	[sflag:s22] =	ssyncadd.s32 $0xFFFFC000  }
0x273: {  	[tilespmem:s23], [sflag:$0x2] =	stream.indirect.gather [hbm4b:s3+s20], $0x80, s4, s20, $0xb8;
	[tilespmem:$0x1E000] =	vst v63  }
0x274: {  	_ = 	snop  }
0x275: {  	[spmem:s1] =	stream.indirect.scatter.add.f32 [tilespmem:s21], [sflag:$0x5], $0x80, s5, s20, $0xb8;
	[tilespmem:$0x1E000] =	vst v63  }
0x276: {  	_ =	swait.ge [sflag:s13], $0x4000  }
0x277: {  	[sflag:s13] =	ssyncset.done $0x0  }
0x278: {  	[sflag:s13] =	ssyncadd.s32 $0xFFFFC000  }
0x279: {  	_ =	swait.ge [sflag:s24], $0x4000  }
0x27a: {  	s7 =	sld [smem:$0x7F0]  }
0x27b: {  	[sflag:s24] =	ssyncset.done $0x0  }
0x27c: {  	s31 =	sld [smem:$0x7F1];
	[sflag:s24] =	ssyncadd.s32 $0xFFFFC000  }
0x27d: {  	[tilespmem:s21], [sflag:$0x1] =	stream.indirect.gather [hbm4b:s3+s20], $0x80, s7, s20, $0xb8;
	[tilespmem:$0x1E000] =	vst v63  }
0x27e: {  	_ = 	snop  }
0x27f: {  	[spmem:s1] =	stream.indirect.scatter.add.f32 [tilespmem:s23], [sflag:$0x5], $0x80, s31, s20, $0xb8;
	[tilespmem:$0x1E000] =	vst v63  }
0x280: {  	_ =	swait.ge [sflag:s13], $0x4000  }
0x281: {  	[sflag:s13] =	ssyncset.done $0x0  }
0x282: {  	[sflag:s13] =	ssyncadd.s32 $0xFFFFC000  }
0x283: {  	_ =	swait.ge [sflag:s22], $0x4000  }
0x284: {  	s4 =	sld [smem:$0x7F2]  }
0x285: {  	[sflag:s22] =	ssyncset.done $0x0  }
0x286: {  	s5 =	sld [smem:$0x7F3];
	[sflag:s22] =	ssyncadd.s32 $0xFFFFC000  }
0x287: {  	[tilespmem:s23], [sflag:$0x2] =	stream.indirect.gather [hbm4b:s3+s20], $0x80, s4, s20, $0xb8;
	[tilespmem:$0x1E000] =	vst v63  }
0x288: {  	_ = 	snop  }
0x289: {  	[spmem:s1] =	stream.indirect.scatter.add.f32 [tilespmem:s21], [sflag:$0x5], $0x80, s5, s20, $0xb8;
	[tilespmem:$0x1E000] =	vst v63  }
0x28a: {  	_ =	swait.ge [sflag:s13], $0x4000  }
0x28b: {  	[sflag:s13] =	ssyncset.done $0x0  }
0x28c: {  	[sflag:s13] =	ssyncadd.s32 $0xFFFFC000  }
0x28d: {  	_ =	swait.ge [sflag:s24], $0x4000  }
0x28e: {  	s7 =	sld [smem:$0x7F4]  }
0x28f: {  	[sflag:s24] =	ssyncset.done $0x0  }
0x290: {  	s31 =	sld [smem:$0x7F5];
	[sflag:s24] =	ssyncadd.s32 $0xFFFFC000  }
0x291: {  	[tilespmem:s21], [sflag:$0x1] =	stream.indirect.gather [hbm4b:s3+s20], $0x80, s7, s20, $0xb8;
	[tilespmem:$0x1E000] =	vst v63  }
0x292: {  	_ = 	snop  }
0x293: {  	[spmem:s1] =	stream.indirect.scatter.add.f32 [tilespmem:s23], [sflag:$0x5], $0x80, s31, s20, $0xb8;
	[tilespmem:$0x1E000] =	vst v63  }
0x294: {  	_ =	swait.ge [sflag:s13], $0x4000  }
0x295: {  	[sflag:s13] =	ssyncset.done $0x0  }
0x296: {  	[sflag:s13] =	ssyncadd.s32 $0xFFFFC000  }
0x297: {  	_ =	swait.ge [sflag:s22], $0x4000  }
0x298: {  	s4 =	sld [smem:$0x7F6]  }
0x299: {  	[sflag:s22] =	ssyncset.done $0x0  }
0x29a: {  	s5 =	sld [smem:$0x7F7];
	[sflag:s22] =	ssyncadd.s32 $0xFFFFC000  }
0x29b: {  	[tilespmem:s23], [sflag:$0x2] =	stream.indirect.gather [hbm4b:s3+s20], $0x80, s4, s20, $0xb8;
	[tilespmem:$0x1E000] =	vst v63  }
0x29c: {  	_ = 	snop  }
0x29d: {  	[spmem:s1] =	stream.indirect.scatter.add.f32 [tilespmem:s21], [sflag:$0x5], $0x80, s5, s20, $0xb8;
	[tilespmem:$0x1E000] =	vst v63  }
0x29e: {  	_ =	swait.ge [sflag:s13], $0x4000  }
0x29f: {  	[sflag:s13] =	ssyncset.done $0x0  }
0x2a0: {  	[sflag:s13] =	ssyncadd.s32 $0xFFFFC000  }
0x2a1: {  	_ =	swait.ge [sflag:s24], $0x4000  }
0x2a2: {  	s7 =	sld [smem:$0x7F8]  }
0x2a3: {  	[sflag:s24] =	ssyncset.done $0x0  }
0x2a4: {  	s31 =	sld [smem:$0x7F9];
	[sflag:s24] =	ssyncadd.s32 $0xFFFFC000  }
0x2a5: {  	[tilespmem:s21], [sflag:$0x1] =	stream.indirect.gather [hbm4b:s3+s20], $0x80, s7, s20, $0xb8;
	[tilespmem:$0x1E000] =	vst v63  }
0x2a6: {  	_ = 	snop  }
0x2a7: {  	[spmem:s1] =	stream.indirect.scatter.add.f32 [tilespmem:s23], [sflag:$0x5], $0x80, s31, s20, $0xb8;
	[tilespmem:$0x1E000] =	vst v63  }
0x2a8: {  	_ =	swait.ge [sflag:s13], $0x4000  }
0x2a9: {  	[sflag:s13] =	ssyncset.done $0x0  }
0x2aa: {  	[sflag:s13] =	ssyncadd.s32 $0xFFFFC000  }
0x2ab: {  	_ =	swait.ge [sflag:s22], $0x4000  }
0x2ac: {  	s4 =	sld [smem:$0x7FA]  }
0x2ad: {  	[sflag:s22] =	ssyncset.done $0x0  }
0x2ae: {  	s5 =	sld [smem:$0x7FB];
	[sflag:s22] =	ssyncadd.s32 $0xFFFFC000  }
0x2af: {  	[tilespmem:s23], [sflag:$0x2] =	stream.indirect.gather [hbm4b:s3+s20], $0x80, s4, s20, $0xb8;
	[tilespmem:$0x1E000] =	vst v63  }
0x2b0: {  	_ = 	snop  }
0x2b1: {  	[spmem:s1] =	stream.indirect.scatter.add.f32 [tilespmem:s21], [sflag:$0x5], $0x80, s5, s20, $0xb8;
	[tilespmem:$0x1E000] =	vst v63  }
0x2b2: {  	_ =	swait.ge [sflag:s13], $0x4000  }
0x2b3: {  	[sflag:s13] =	ssyncset.done $0x0  }
0x2b4: {  	[sflag:s13] =	ssyncadd.s32 $0xFFFFC000  }
0x2b5: {  	_ =	swait.ge [sflag:s24], $0x4000  }
0x2b6: {  	s7 =	sld [smem:$0x7FC]  }
0x2b7: {  	[sflag:s24] =	ssyncset.done $0x0  }
0x2b8: {  	s31 =	sld [smem:$0x7FD];
	[sflag:s24] =	ssyncadd.s32 $0xFFFFC000  }
0x2b9: {  	[tilespmem:s21], [sflag:$0x1] =	stream.indirect.gather [hbm4b:s3+s20], $0x80, s7, s20, $0xb8;
	[tilespmem:$0x1E000] =	vst v63  }
0x2ba: {  	_ = 	snop  }
0x2bb: {  	[spmem:s1] =	stream.indirect.scatter.add.f32 [tilespmem:s23], [sflag:$0x5], $0x80, s31, s20, $0xb8;
	[tilespmem:$0x1E000] =	vst v63  }
0x2bc: {  	_ =	swait.ge [sflag:s13], $0x4000  }
0x2bd: {  	[sflag:s13] =	ssyncset.done $0x0  }
0x2be: {  	[sflag:s13] =	ssyncadd.s32 $0xFFFFC000  }
0x2bf: {  	_ =	swait.ge [sflag:s22], $0x4000  }
0x2c0: {  	[sflag:s22] =	ssyncset.done $0x0  }
0x2c1: {  	[sflag:s22] =	ssyncadd.s32 $0xFFFFC000  }
0x2c2: {  	[tilespmem:s23], [sflag:$0x2] =	stream.indirect.gather [hbm4b:s3+s20], $0x80, s25, s20, $0xb8;
	[tilespmem:$0x1E000] =	vst v63  }
0x2c3: {  	_ = 	snop  }
0x2c4: {  	[spmem:s1] =	stream.indirect.scatter.add.f32 [tilespmem:s21], [sflag:$0x5], $0x80, s26, s20, $0xb8;
	[tilespmem:$0x1E000] =	vst v63  }
0x2c5: {  	_ =	swait.ge [sflag:s13], $0x4000  }
0x2c6: {  	s30 =	sadd.s32 $0x200, s30;
	[sflag:s13] =	ssyncset.done $0x0  }
0x2c7: {  	p0 =	sne.s32 s30, $0xA00;
	[sflag:s13] =	ssyncadd.s32 $0xFFFFC000  }
.Ltmp0:
0x2c8: {  	_ =	swait.ge [sflag:s24], $0x4000;
	(pc) =	sbr.rel @p0 .LBB2_2-.Ltmp0, $4  }
0x2c9: {  	[sflag:s24] =	ssyncset.done $0x0  }
0x2ca: {  	[sflag:s24] =	ssyncadd.s32 $0xFFFFC000  }
0x2cb: {  	[spmem:s1] =	stream.indirect.scatter.add.f32 [tilespmem:s23], [sflag:$0x5], $0x80, s28, s20, $0xb8;
	[tilespmem:$0x1E000] =	vst v63  }
0x2cc: {  	_ =	swait.ge [sflag:s13], $0x4000  }
0x2cd: {  	[sflag:s13] =	ssyncset.done $0x0;
	s29 =	sadd.s32 $0x1, s29  }
0x2ce: {  	[sflag:s13] =	ssyncadd.s32 $0xFFFFC000;
	p0 =	sne.s32 s29, s10  }
.Ltmp1:
0x2cf: {  	[bflag:$0x0] =	sbarrier.arrive $0xFFFF;
	(pc) =	sbr.rel @p0 .LBB2_1-.Ltmp1, $4  }
0x2d0: {  	[hbm:s9], [sflag:s6] =	dma.local [spmem:s12], $0x2800  }
0x2d1: {  	_ =	swait.ge [sflag:s13], $0x2800  }
0x2d2: {  	[sflag:s13] =	ssyncset.done $0x0  }
0x2d3: {  	[sflag:s13] =	ssyncadd.s32 $0xFFFFD800  }
0x2d4: {  	_ =	sfence.sel $0x180000  }
0x2d5: {  	[bflag:$0x0] =	sbarrier.arrive $0xFFFF  }
0x2d6: {  	_ =	strace $0x9000004D  }
0x2d7: {  	s0 =	stileid.u32;
	[bflag:$0x2] =	sbarrier.arrive $0xFFFF  }
0x2d8: {  	p0 =	sne.s32 s0, $0x0;
	s0 =	rddreg [dreg:$0x2]  }
0x2d9: {  	s0 =	sadd.s32 @!p0 $0x100000, s0  }
0x2da: {  	[sflag:s0] =	ssyncadd.tile.s32 @!p0 $0x1;
	_ =	shalt  }
.Lfunc_end2:
_tile_overlayer_lowered:
.L_overlay_start_2:
0x2db: {  	(tag) =	ssettag $0x2  }
0x2dc: {  	s0 =	rddreg [dreg:$0x0];
	s2 =	stileid.u32  }
0x2dd: {  	s1 =	rddreg [dreg:$0x1];
	p0 =	sne.s32 s2, $0x0  }
0x2de: {  	s3 =	rddreg [dreg:$0x2];
	[bflag:$0x3] =	sbarrier.arrive $0xFFFF;
	s2 =	simm.s32 @!p0 $0x1C05  }
0x2df: {  	[timem:s3], [sflag:s2] =	dma.local @!p0 [hbm:s0], s1  }
0x2e0: {  	s0 =	simm.s32 @!p0 $0x5  }
0x2e1: {  	_ =	swait.ge @!p0 [sflag:s0], s1  }
0x2e2: {  	s1 =	ssub.s32 @!p0 $0x0, s1;
	[sflag:s0] =	ssyncset.done @!p0 $0x0  }
0x2e3: {  	[sflag:s0] =	ssyncadd.s32 @!p0 s1  }
0x2e4: {  	[bflag:$0x3] =	sbarrier.arrive $0xFFFF  }
0x2e5: {  	_ =	shalt  }

// kernel: kernel.8.cloned.1.call-start
scs
__scs_entry_jumppad:
0x0: {  	(pc) =	sbr.rel $0x88, $3  }
0x1: {  	(tag) =	ssettag $0x0;
	lr =	simm.s32 $0x1  }
0x2: {  	[smem:$0x3F9B] =	sst lr;
	_ =	strace $0xD0000000  }
0x3: {  	_ = 	snop  }
0x4: {  	_ = 	snop  }
0x5: {  	_ = 	snop  }
0x6: {  	_ = 	snop  }
0x7: {  	_ = 	snop  }
__scs_overlays_trampoline_lowered:
0x8: {  	[smem:$0x3FAA] =	sst s0  }
0x9: {  	[smem:$0x3FAB] =	sst s1  }
0xa: {  	[smem:$0x3FAC] =	sst s2  }
0xb: {  	[smem:$0x3FAD] =	sst s3  }
0xc: {  	[smem:$0x3FAE] =	sst s4  }
0xd: {  	[smem:$0x3FAF] =	sst s5  }
0xe: {  	[smem:$0x3FB0] =	sst s6  }
0xf: {  	[smem:$0x3FB1] =	sst s7  }
0x10: {  	[smem:$0x3FB2] =	sst s8  }
0x11: {  	[smem:$0x3FB3] =	sst s9;
	s0 =	simm.s32 @!p0 $0x0  }
0x12: {  	s1 =	sld [smem:$0x3F99];
	s0 =	simm.s32 @p0 $0x1  }
0x13: {  	[smem:$0x3FB4] =	sst s0;
	s0 =	simm.s32 @!p1 $0x0  }
0x14: {  	s2 =	sld [smem:$0x3F98];
	s0 =	simm.s32 @p1 $0x1  }
0x15: {  	[smem:$0x3FB5] =	sst s0;
	s0 =	simm.s32 @!p2 $0x0  }
0x16: {  	s3 =	sld [smem:$0x3FDB];
	s0 =	simm.s32 @p2 $0x1  }
0x17: {  	s4 =	simm.s32 $0x1BF5;
	[smem:$0x3FB7] =	sst s0  }
0x18: {  	s0 =	sld [smem:$0x3F9A];
	_ =	swait.ge [sflag:s4], $0x0  }
0x19: {  	s7 =	sld [smem:$0x3F9B]  }
0x1a: {  	s8 =	sadd.s32 $0xFFFFE003, lr  }
0x1b: {  	s9 =	sadd.s32 $0xFFFFFEF7, lr;
	s5 =	simm.s32 $0xFFFFFFFF;
	p2 =	slt.u32 s8, $0xFFFFF086  }
0x1c: {  	p1 =	slt.u32 s9, $0xF7A;
	s5 =	simm.s32 @!p2 $0x0  }
0x1d: {  	s5 =	simm.s32 @p1 $0x1;
	p0 =	seq.s32 s7, s2  }
0x1e: {  	s7 =	smul.u32 @!p0 $0xF7A, s2;
	p2 =	seq.s32 @!p0 s5, $0x0  }
0x1f: {  	s9 =	smul.u32 $0xF7A, s1;
	s8 =	simm.s32 @!p0 $0x1BF5;
	p2 =	por !p2, p0  }
0x20: {  	[sflag:s8] =	ssyncset.s32 @!p0 $0xFFFFF086;
	s6 =	sadd.s32 @!p0 s3, s7;
	s7 =	simm.s32 @!p0 $0x108  }
0x21: {  	s3 =	sadd.s32 s3, s9;
	s6 =	sadd.s32 @!p0 $0x88, s6;
	s7 =	simm.s32 @p2 $0x1082  }
0x22: {  	[simem:s7], [sflag:s8] =	dma.local @!p0 [hbm:s6], $0xF7A  }
0x23: {  	s9 =	sor.u32 $0xD0000000, s2;
	s6 =	simm.s32 $0x108;
	_ =	swait.ge @!p0 [sflag:s8], $0x0  }
0x24: {  	s3 =	sadd.s32 $0x88, s3;
	s6 =	simm.s32 @!p1 $0x1082;
	[sflag:s4] =	ssyncset.s32 $0xFFFFF086  }
0x25: {  	[simem:s6], [sflag:s4] =	dma.local [hbm:s3], $0xF7A  }
0x26: {  	[smem:$0x3F9B] =	sst s1;
	(tag) =	ssettag s2;
	_ =	strace s9  }
0x27: {  	s1 =	sld [smem:$0x3FAB]  }
0x28: {  	s2 =	sld [smem:$0x3FAC]  }
0x29: {  	s4 =	sld [smem:$0x3FAE]  }
0x2a: {  	p0 =	seq.s32 s5, $0x0;
	s5 =	sld [smem:$0x3FAF]  }
0x2b: {  	s6 =	sld [smem:$0x3FB0]  }
0x2c: {  	s7 =	sld [smem:$0x3FB1]  }
0x2d: {  	s3 =	simm.s32 $0x108;
	s8 =	sld [smem:$0x3FB2]  }
0x2e: {  	s3 =	simm.s32 @!p0 $0x1082;
	s9 =	sld [smem:$0x3FB3]  }
0x2f: {  	lr =	sadd.s32 s0, s3;
	s0 =	sld [smem:$0x3FAA]  }
0x30: {  	s3 =	sld [smem:$0x3FAD]  }
0x31: {  	[smem:$0x3FB6] =	sst s10  }
0x32: {  	s10 =	sld [smem:$0x3FB4];
	_ =	sdelay $0x3  }
0x33: {  	p0 =	seq.s32 s10, $0x1;
	s10 =	sld [smem:$0x3FB6];
	_ =	sdelay $0x3  }
0x34: {  	[smem:$0x3FB6] =	sst s10  }
0x35: {  	s10 =	sld [smem:$0x3FB5];
	_ =	sdelay $0x3  }
0x36: {  	p1 =	seq.s32 s10, $0x1;
	s10 =	sld [smem:$0x3FB6];
	_ =	sdelay $0x3  }
0x37: {  	[smem:$0x3FB6] =	sst s10  }
0x38: {  	s10 =	sld [smem:$0x3FB7]  }
0x39: {  	_ = 	snop;
	(pc) =	sbr.ind lr, $3  }
0x3a: {  	_ = 	snop  }
0x3b: {  	_ = 	snop  }
0x3c: {  	p2 =	seq.s32 s10, $0x1;
	s10 =	sld [smem:$0x3FB6]  }
0x3d: {  	_ =	shalt  }
0x3e: {  	_ =	shalt  }
0x3f: {  	_ =	shalt  }
0x40: {  	_ =	shalt  }
0x41: {  	_ =	shalt  }
0x42: {  	_ =	shalt  }
0x43: {  	_ =	shalt  }
0x44: {  	_ =	shalt  }
0x45: {  	_ =	shalt  }
0x46: {  	_ =	shalt  }
0x47: {  	_ =	shalt  }
0x48: {  	_ =	shalt  }
0x49: {  	_ =	shalt  }
0x4a: {  	_ =	shalt  }
0x4b: {  	_ =	shalt  }
0x4c: {  	_ =	shalt  }
0x4d: {  	_ =	shalt  }
0x4e: {  	_ =	shalt  }
0x4f: {  	_ =	shalt  }
0x50: {  	_ =	shalt  }
0x51: {  	_ =	shalt  }
0x52: {  	_ =	shalt  }
0x53: {  	_ =	shalt  }
0x54: {  	_ =	shalt  }
0x55: {  	_ =	shalt  }
0x56: {  	_ =	shalt  }
0x57: {  	_ =	shalt  }
0x58: {  	_ =	shalt  }
0x59: {  	_ =	shalt  }
0x5a: {  	_ =	shalt  }
0x5b: {  	_ =	shalt  }
0x5c: {  	_ =	shalt  }
0x5d: {  	_ =	shalt  }
0x5e: {  	_ =	shalt  }
0x5f: {  	_ =	shalt  }
0x60: {  	_ =	shalt  }
0x61: {  	_ =	shalt  }
0x62: {  	_ =	shalt  }
0x63: {  	_ =	shalt  }
0x64: {  	_ =	shalt  }
0x65: {  	_ =	shalt  }
0x66: {  	_ =	shalt  }
0x67: {  	_ =	shalt  }
0x68: {  	_ =	shalt  }
0x69: {  	_ =	shalt  }
0x6a: {  	_ =	shalt  }
0x6b: {  	_ =	shalt  }
0x6c: {  	_ =	shalt  }
0x6d: {  	_ =	shalt  }
0x6e: {  	_ =	shalt  }
0x6f: {  	_ =	shalt  }
0x70: {  	_ =	shalt  }
0x71: {  	_ =	shalt  }
0x72: {  	_ =	shalt  }
0x73: {  	_ =	shalt  }
0x74: {  	_ =	shalt  }
0x75: {  	_ =	shalt  }
0x76: {  	_ =	shalt  }
0x77: {  	_ =	shalt  }
0x78: {  	_ =	shalt  }
0x79: {  	_ =	shalt  }
0x7a: {  	_ =	shalt  }
0x7b: {  	_ =	shalt  }
0x7c: {  	_ =	shalt  }
0x7d: {  	_ =	shalt  }
0x7e: {  	_ =	shalt  }
0x7f: {  	_ =	shalt  }
0x80: {  	_ =	shalt  }
0x81: {  	_ =	shalt  }
0x82: {  	_ =	shalt  }
0x83: {  	_ =	shalt  }
0x84: {  	_ =	shalt  }
0x85: {  	_ =	shalt  }
0x86: {  	_ =	shalt  }
0x87: {  	_ =	shalt  }
.Lfunc_end0:
.L_simem_size_0:
called_computation_lowered:
.L_overlay_start_0:
0x88: {  	s2 =	sld [smem:$0x3FD9]  }
0x89: {  	s3 =	sld [smem:$0x3FFE];
	_ =	sdelay $0x1  }
0x8a: {  	s1 =	srdreg.scid  }
0x8b: {  	s0 =	sand.u32 $0x1, s1  }
0x8c: {  	s17 =	sshll.u32 s0, $0xA;
	s2 =	sadd.s32 s3, s2  }
0x8d: {  	s2 =	sadd.s32 s2, s17  }
0x8e: {  	[smem:$0x3FC2] =	sst s2  }
0x8f: {  	_ = 	snop  }
0x90: {  	s2 =	sld [smem:$0x3FD0];
	(tm) =	ssettm $0x1  }
0x91: {  	s18 =	sld [smem:$0x3FFB];
	_ =	sdelay $0x3  }
0x92: {  	_ =	strace s18  }
0x93: {  	s3 =	sld [smem:$0x3FFC];
	_ =	sdelay $0x3  }
0x94: {  	_ =	strace s3  }
0x95: {  	s3 =	sld [smem:$0x3FFD];
	_ =	sdelay $0x3  }
0x96: {  	_ =	strace s3  }
0x97: {  	_ =	strace $0x8FFFFFFF  }
0x98: {  	s19 =	sld [smem:$0x3FDB];
	_ =	sdelay $0x1  }
0x99: {  	s4 =	simm.s32 $_scs_section_size  }
0x9a: {  	s5 =	simm.s32 $_size__tile_overlayer_lowered;
	s6 =	simm.s32 $_tile_overlayer_lowered  }
0x9b: {  	s22 =	simm.s32 $0x1BFF;
	s21 =	sshll.u32 s6, $0x1;
	s3 =	sadd.s32 s4, s19  }
0x9c: {  	s7 =	simm.s32 $0x0;
	s20 =	sshll.u32 s5, $0x1;
	s5 =	sadd.s32 s21, s3  }
0x9d: {  	[timem:s7], [sflag:s22] =	dma.local [hbm:s5], s20  }
0x9e: {  	_ =	swait.ge [sflag:s22], s20  }
0x9f: {  	s4 =	ssub.s32 $0x0, s20;
	[sflag:s22] =	ssyncset.done $0x0  }
0xa0: {  	[sflag:s22] =	ssyncadd.s32 s4;
	_ =	sdelay $0x1  }
0xa1: {  	s23 =	simm.s32 $0x1B8B  }
0xa2: {  	_ =	swait.ge [sflag:s23], $0x1  }
0xa3: {  	[sflag:s23] =	ssyncset.done $0x0  }
0xa4: {  	s25 =	simm.s32 $0x1B8E;
	s24 =	sld [smem:$0x3FFE];
	[sflag:s23] =	ssyncadd.s32 $0xFFFFFFFF  }
0xa5: {  	s26 =	simm.s32 $execute0_lowered;
	[smem:$0x3FD2] =	sst s25  }
0xa6: {  	s5 =	sshll.u32 s26, $0x1;
	_ =	strace $0x80000046;
	[dreg:$0x1] =	wrdreg $0xFFFFFFFF  }
0xa7: {  	s28 =	simm.s32 $_size_execute0_lowered;
	s3 =	sadd.s32 s3, s5;
	[dreg:$0x0] =	wrdreg $0x0  }
0xa8: {  	s5 =	sshll.u32 s28, $0x1;
	[dreg:$0x2] =	wrdreg s3  }
0xa9: {  	[dreg:$0x3] =	wrdreg s5  }
0xaa: {  	[dreg:$0x4] =	wrdreg $0xC0  }
0xab: {  	_ =	task [dreg:s7], $0x5FFFF  }
0xac: {  	[dreg:$0x1] =	wrdreg $0xFFFFFFFF  }
0xad: {  	[dreg:$0x0] =	wrdreg $0x60  }
0xae: {  	[dreg:$0x2] =	wrdreg s24  }
0xaf: {  	[dreg:$0x3] =	wrdreg s2  }
0xb0: {  	[dreg:$0x4] =	wrdreg $0x9  }
0xb1: {  	_ =	task.clear_ibuf [dreg:s7], $0x5FFFF;
	_ =	strace $0x90000046  }
0xb2: {  	s29 =	simm.s32 $0x9;
	_ =	strace $0x80000048  }
0xb3: {  	_ =	swait.ge [sflag:s29], $0x1  }
0xb4: {  	[sflag:s29] =	ssyncadd.s32 $0xFFFFFFFF  }
0xb5: {  	_ =	strace $0x90000048  }
0xb6: {  	_ =	sfence  }
0xb7: {  	s30 =	sld [smem:$0x0];
	_ =	sdelay $0x2  }
0xb8: {  	s31 =	sshll.u32 s1, $0xD;
	s1 =	sshrl.u32 s1, $0x2  }
0xb9: {  	s3 =	sand.u32 $0x4000, s31;
	s1 =	sadd.s32 s1, s30  }
0xba: {  	s0 =	sor.u32 s3, s0;
	s1 =	sshll.u32 s1, $0x11  }
0xbb: {  	s0 =	sor.u32 s1, s0  }
0xbc: {  	s0 =	sadd.s32 $0x8F2B, s0  }
0xbd: {  	[sflag:s0] =	ssyncadd.remote.s32 $0x1  }
0xbe: {  	_ =	sfence.sel $0xFFFF  }
0xbf: {  	[dreg:$0x0] =	wrdreg $0xFFFFFFFF;
	(pc) =	sbr.abs _section_cstart, $3  }
0xc0: {  	[dreg:$0x1] =	wrdreg $0xFFFFFFFF  }
0xc1: {  	_ =	task.clear_ibuf [dreg:s7], $0x2FFFF;
	_ =	strace $0x9FFFFFFF  }
0xc2: {  	(tm) =	ssettm $0x7FFFFFFF  }
0xc3: {  	_ =	shalt  }
tec
execute0_lowered:
.L_overlay_start_1:
0x0: {  	(tag) =	ssettag $0x1  }
0x1: {  	s0 =	srdreg.scid;
	s4 =	rddreg [dreg:$0x0]  }
0x2: {  	s5 =	rddreg [dreg:$0x1];
	s1 =	stileid.u32;
	s3 =	sand.u32 $0x1, s0  }
0x3: {  	s2 =	simm.s32 $0x0;
	s9 =	simm.s32 $0x0;
	s6 =	sshll.u32 s3, $0x4  }
0x4: {  	s0 =	rddreg [dreg:$0x2];
	s7 =	ssub.s32 $0x2, s3;
	s6 =	sor.u32 s1, s6  }
0x5: {  	[smem:$0x7FF] =	sst s2;
	s8 =	sshrl.u32 s7, $0x1;
	s6 =	smul.u32 $0x500, s6  }
0x6: {  	_ =	strace $0x80000047;
	s3 =	sadd.s32 $0xBE00, s4;
	s7 =	ssub.s32 s7, s8  }
0x7: {  	s8 =	simm.s32 $0x2800;
	s4 =	sadd.s32 s6, s4;
	s5 =	sadd.s32 s5, s6  }
0x8: {  	v0 =	vimm.f32 $1.000000000e+00;
	s6 =	smax.u32 s7, $0x1;
	s7 =	simm.s32 $0x1;
	s4 =	sadd.s32 $0x1E00, s4  }
.LBB2_1:
0x9: {  	[tilespmem:s2], [sflag:$0x1] =	stream.linear.gather [hbm4b:s3+s2], $0x2800, $0x38;
	[tilespmem:$0x5000] =	vst v63  }
0xa: {  	_ =	swait.ge [sflag:s7], $0x2800  }
0xb: {  	[sflag:s7] =	ssyncset.done $0x0  }
0xc: {  	[sflag:s7] =	ssyncadd.s32 $0xFFFFD800  }
0xd: {  	[tilespmem:s8], [sflag:$0x1] =	stream.linear.gather [hbm4b:s4+s2], $0x2800, $0x38;
	[tilespmem:$0x5000] =	vst v63  }
0xe: {  	_ =	swait.ge [sflag:s7], $0x2800  }
0xf: {  	[sflag:s7] =	ssyncset.done $0x0  }
0x10: {  	s10 =	simm.s32 $0x1C0;
	[sflag:s7] =	ssyncadd.s32 $0xFFFFD800  }
.LBB2_2:
0x11: {  	s11 =	sshra.s32 s10, $0x2  }
0x12: {  	v1 =	vld [tilespmem:s11+$0x2790];
	_ =	sdelay $0x7  }
0x13: {  	[tilespmem:v1+s2+$0x0] =	vst.idx.add.f32.msk $0xffff, v0  }
0x14: {  	v1 =	vld [tilespmem:s11+$0x27A0];
	_ =	sdelay $0x7  }
0x15: {  	[tilespmem:v1+s2+$0x0] =	vst.idx.add.f32.msk $0xffff, v0  }
0x16: {  	v1 =	vld [tilespmem:s11+$0x27B0];
	_ =	sdelay $0x7  }
0x17: {  	[tilespmem:v1+s2+$0x0] =	vst.idx.add.f32.msk $0xffff, v0  }
0x18: {  	v1 =	vld [tilespmem:s11+$0x27C0];
	_ =	sdelay $0x7  }
0x19: {  	[tilespmem:v1+s2+$0x0] =	vst.idx.add.f32.msk $0xffff, v0  }
0x1a: {  	v1 =	vld [tilespmem:s11+$0x27D0];
	_ =	sdelay $0x7  }
0x1b: {  	[tilespmem:v1+s2+$0x0] =	vst.idx.add.f32.msk $0xffff, v0  }
0x1c: {  	v1 =	vld [tilespmem:s11+$0x27E0];
	_ =	sdelay $0x7  }
0x1d: {  	[tilespmem:v1+s2+$0x0] =	vst.idx.add.f32.msk $0xffff, v0  }
0x1e: {  	v1 =	vld [tilespmem:s11+$0x27F0];
	_ =	sdelay $0x7  }
0x1f: {  	[tilespmem:v1+s2+$0x0] =	vst.idx.add.f32.msk $0xffff, v0  }
0x20: {  	v1 =	vld [tilespmem:s11+$0x2800];
	_ =	sdelay $0x2  }
0x21: {  	p0 =	sne.s32 s10, $0x9FC0  }
.Ltmp0:
0x22: {  	_ = 	snop;
	(pc) =	sbr.rel @p0 .LBB2_2-.Ltmp0, $2  }
0x23: {  	_ =	sdelay $0x2  }
0x24: {  	s10 =	sadd.s32 $0x200, s10;
	[tilespmem:v1+s2+$0x0] =	vst.idx.add.f32.msk $0xffff, v0  }
0x25: {  	s9 =	sadd.s32 $0x1, s9  }
0x26: {  	p0 =	sne.s32 s9, s6  }
.Ltmp1:
0x27: {  	_ = 	snop;
	(pc) =	sbr.rel @p0 .LBB2_1-.Ltmp1, $4  }
0x28: {  	[hbm4b:s5+s2] =	stream.linear.scatter [tilespmem:s2], [sflag:$0x1], $0x2800, $0x38;
	[tilespmem:$0x5000] =	vst v63  }
0x29: {  	_ =	swait.ge [sflag:s7], $0x2800  }
0x2a: {  	[sflag:s7] =	ssyncset.done $0x0  }
0x2b: {  	[sflag:s7] =	ssyncadd.s32 $0xFFFFD800  }
0x2c: {  	_ =	sfence.sel $0x180000  }
0x2d: {  	[bflag:$0x0] =	sbarrier.arrive $0xFFFF  }
0x2e: {  	p0 =	sne.s32 s1, $0x0;
	_ =	strace $0x90000047  }
0x2f: {  	s0 =	sadd.s32 @!p0 $0x100000, s0;
	[bflag:$0x2] =	sbarrier.arrive $0xFFFF  }
0x30: {  	[sflag:s0] =	ssyncadd.tile.s32 @!p0 $0x1;
	_ =	shalt  }
.Lfunc_end2:
_tile_overlayer_lowered:
.L_overlay_start_2:
0x31: {  	(tag) =	ssettag $0x2  }
0x32: {  	s0 =	rddreg [dreg:$0x0];
	s2 =	stileid.u32  }
0x33: {  	s1 =	rddreg [dreg:$0x1];
	p0 =	sne.s32 s2, $0x0  }
0x34: {  	s3 =	rddreg [dreg:$0x2];
	[bflag:$0x3] =	sbarrier.arrive $0xFFFF;
	s2 =	simm.s32 @!p0 $0x1C01  }
0x35: {  	[timem:s3], [sflag:s2] =	dma.local @!p0 [hbm:s0], s1  }
0x36: {  	s0 =	simm.s32 @!p0 $0x1  }
0x37: {  	_ =	swait.ge @!p0 [sflag:s0], s1  }
0x38: {  	s1 =	ssub.s32 @!p0 $0x0, s1;
	[sflag:s0] =	ssyncset.done @!p0 $0x0  }
0x39: {  	[sflag:s0] =	ssyncadd.s32 @!p0 s1  }
0x3a: {  	[bflag:$0x3] =	sbarrier.arrive $0xFFFF  }
0x3b: {  	_ =	shalt  }

</sc_bundles>
